<compile_context>
chip_gen: v7x
topology: tpu7x:2x2x1
jax: 0.10.2.dev20260603
libtpu: 0.0.44.dev20260713+nightly
codegen_flags: <defaults>
</compile_context>

<pallas_src>
import jax
import jax.numpy as jnp
from jax import lax
from jax.experimental import pallas as pl
from jax.experimental.pallas import tpu as pltpu
from jax.experimental.pallas import tpu_sc as plsc

BATCH = 4096
SEQ = 200
DIM = 64
LANES = 16

NC = 2
NS = 16
NW = NC * NS
SUB = 64
ROWS_PER_W = BATCH * SEQ // NW
NSUB = ROWS_PER_W // SUB
NBUF = 4
IDXROWS = NSUB // 2
IDXVECS = IDXROWS * (2 * SUB // LANES)


def _body(ridx_hbm, table_hbm, pos2_hbm, out_hbm, *scratch):
    idx_v = scratch[0]
    ridx_v = scratch[1]
    pos2_v = scratch[2]
    rin = scratch[3:3 + NBUF]
    rout = scratch[3 + NBUF:3 + 2 * NBUF]
    gsem = scratch[3 + 2 * NBUF:3 + 3 * NBUF]
    ssem = scratch[3 + 3 * NBUF:3 + 4 * NBUF]

    c = lax.axis_index("c")
    s = lax.axis_index("s")
    wid = s * NC + c

    pltpu.sync_copy(ridx_hbm.at[wid], ridx_v)
    pltpu.sync_copy(pos2_hbm, pos2_v)

    @plsc.parallel_loop(0, IDXVECS, unroll=8)
    def _halve(t):
        r = t // (2 * SUB // LANES)
        col = (t % (2 * SUB // LANES)) * LANES
        idx_v[r, pl.ds(col, LANES)] = ridx_v[r, pl.ds(col, LANES)] >> 1

    def idx_ref(g_half, parity):
        return idx_v.at[g_half, pl.ds(parity * SUB, SUB)]

    for b in range(NBUF):
        pltpu.make_async_copy(
            table_hbm.at[idx_ref(b // 2, b % 2)], rin[b], gsem[b]
        ).start()

    @pl.loop(0, NSUB, step=NBUF)
    def _round(g0):
        for b in range(NBUF):
            g = g0 + b
            gh = g // 2
            off = lax.rem(g, 2) * SUB
            pltpu.make_async_copy(
                table_hbm.at[idx_ref(g0, 0)], rin[b], gsem[b]
            ).wait()

            @pl.when(g0 > 0)
            def _():
                pltpu.make_async_copy(
                    rout[b], out_hbm.at[g], ssem[b]
                ).wait()

            r0d = lax.rem(g * (SUB // 2), SEQ // 2)

            @plsc.parallel_loop(0, SUB // 2, unroll=4)
            def _add(jj):
                grp = off + (jj // 8) * LANES
                pvec = (ridx_v[gh, pl.ds(grp, LANES)] & 1).astype(jnp.float32)
                lane0 = lax.rem(jj, 8) * 2
                for h in range(2):
                    lanes = jnp.full((LANES,), lane0 + h, jnp.int32)
                    ps = pvec.at[lanes].get(mode="promise_in_bounds")
                    row = 2 * jj + h
                    for k in range(DIM // LANES):
                        lo = rin[b][row, pl.ds(k * LANES, LANES)]
                        hi = rin[b][row, pl.ds(DIM + k * LANES, LANES)]
                        p = pos2_v[r0d + jj, pl.ds(h * DIM + k * LANES, LANES)]
                        rout[b][jj, pl.ds(h * DIM + k * LANES, LANES)] = (
                            lo + ps * (hi - lo) + p
                        )

            pltpu.make_async_copy(
                rout[b], out_hbm.at[wid * NSUB + g], ssem[b]
            ).start()

            nxt = g + NBUF

            @pl.when(nxt < NSUB)
            def _():
                pltpu.make_async_copy(
                    table_hbm.at[idx_ref(g0 // 2 + (b + NBUF) // 2, b % 2)],
                    rin[b],
                    gsem[b],
                ).start()

    for b in range(NBUF):
        pltpu.make_async_copy(
            rout[b], out_hbm.at[NSUB - NBUF + b], ssem[b]
        ).wait()


_scratch = (
    [
        pltpu.VMEM((IDXROWS, 2 * SUB), jnp.int32),
        pltpu.VMEM((IDXROWS, 2 * SUB), jnp.int32),
        pltpu.VMEM((SEQ, 2 * DIM), jnp.float32),
    ]
    + [pltpu.VMEM((SUB, 2 * DIM), jnp.float32) for _ in range(NBUF)]
    + [pltpu.VMEM((SUB // 2, 2 * DIM), jnp.float32) for _ in range(NBUF)]
    + [pltpu.SemaphoreType.DMA for _ in range(2 * NBUF)]
)

_kern = pl.kernel(
    _body,
    out_type=jax.ShapeDtypeStruct((NW * NSUB, SUB // 2, 2 * DIM), jnp.float32),
    mesh=plsc.VectorSubcoreMesh(core_axis_name="c", subcore_axis_name="s"),
    scratch_types=_scratch,
    compiler_params=pltpu.CompilerParams(use_tc_tiling_on_sc=True),
    name="token_pos_embed_sc",
)


@jax.jit
def kernel(inputs, token_table, pos_table):
    b, l = inputs.shape
    _, d = token_table.shape
    ridx = inputs.astype(jnp.int32).reshape(NW, IDXROWS, 2 * SUB)
    pos2 = jnp.concatenate([pos_table, pos_table], axis=0).reshape(
        SEQ, 2 * DIM
    )
    out = _kern(ridx, token_table.reshape(-1, 2 * DIM), pos2)
    return out.reshape(b, l, d)

# --- scband reference (transcript-rebuilt; emitter-appended) ---
"""Pipeline reference for scband-positional-embedding-88132728913935 (READ-ONLY COPY).

The authoritative reference and input builder live on the scoring server;
editing this copy changes nothing except your own understanding.
"""

import jax, jax.numpy as jnp
import numpy as np

VOCAB = 1000000
SEQ_LEN = 200
EMBED_DIM = 64
BATCH = 4096


def setup_inputs(seed: int = 0) -> dict:
    key = jax.random.key(seed)
    k1, k2, k3 = jax.random.split(key, 3)
    inputs = jax.random.randint(k1, (BATCH, SEQ_LEN), 0, VOCAB, dtype=jnp.int64 if jax.config.jax_enable_x64 else jnp.int32)
    token_table = jax.random.normal(k2, (VOCAB, EMBED_DIM), dtype=jnp.float32) * 0.02
    pos_table = jax.random.normal(k3, (SEQ_LEN, EMBED_DIM), dtype=jnp.float32) * 0.02
    return {"inputs": inputs, "token_table": token_table, "pos_table": pos_table}


def reference(inputs, token_table, pos_table):
    # length = tf.shape(inputs)[-1]; positions = tf.range(length)
    length = inputs.shape[-1]
    positions = jnp.arange(0, length, 1)
    # token embedding lookup: gather rows from table
    embeded_tokens = jnp.take(token_table, inputs, axis=0)  # [B, L, D]
    embeded_position = jnp.take(pos_table, positions, axis=0)  # [L, D]
    return embeded_tokens + embeded_position[None, :, :]

if __name__ == "__main__":
    import jax
    _d = setup_inputs()
    print(jax.jit(kernel)(*tuple(_d.values())))

</pallas_src>

<mosaic_0001>
#map = affine_map<(d0, d1) -> (0, 0, 0)>
#map1 = affine_map<(d0, d1) -> (0, 0)>
module attributes {stable_mosaic.version = 14 : i64} {
  func.func @token_pos_embed_sc(%arg0: i32, %arg1: i32, %arg2: memref<32x200x128xi32, #tpu.memory_space<hbm>>, %arg3: memref<500000x128xf32, #tpu.memory_space<hbm>>, %arg4: memref<200x128xf32, #tpu.memory_space<hbm>>, %arg5: memref<12800x32x128xf32, #tpu.memory_space<hbm>>, %arg6: memref<200x128xi32, #tpu.memory_space<vmem>>, %arg7: memref<200x128xi32, #tpu.memory_space<vmem>>, %arg8: memref<200x128xf32, #tpu.memory_space<vmem>>, %arg9: memref<64x128xf32, #tpu.memory_space<vmem>>, %arg10: memref<64x128xf32, #tpu.memory_space<vmem>>, %arg11: memref<64x128xf32, #tpu.memory_space<vmem>>, %arg12: memref<64x128xf32, #tpu.memory_space<vmem>>, %arg13: memref<32x128xf32, #tpu.memory_space<vmem>>, %arg14: memref<32x128xf32, #tpu.memory_space<vmem>>, %arg15: memref<32x128xf32, #tpu.memory_space<vmem>>, %arg16: memref<32x128xf32, #tpu.memory_space<vmem>>, %arg17: memref<!tpu.dma_semaphore, #tpu.memory_space<semaphore_mem>>, %arg18: memref<!tpu.dma_semaphore, #tpu.memory_space<semaphore_mem>>, %arg19: memref<!tpu.dma_semaphore, #tpu.memory_space<semaphore_mem>>, %arg20: memref<!tpu.dma_semaphore, #tpu.memory_space<semaphore_mem>>, %arg21: memref<!tpu.dma_semaphore, #tpu.memory_space<semaphore_mem>>, %arg22: memref<!tpu.dma_semaphore, #tpu.memory_space<semaphore_mem>>, %arg23: memref<!tpu.dma_semaphore, #tpu.memory_space<semaphore_mem>>, %arg24: memref<!tpu.dma_semaphore, #tpu.memory_space<semaphore_mem>>) attributes {dimension_semantics = [#tpu.dimension_semantics<core_parallel>, #tpu.dimension_semantics<subcore_parallel>], iteration_bounds = array<i64: 2, 16>, scalar_prefetch = 0 : i64, scratch_operands = 19 : i64, tpu.core_type = #tpu.core_type<sc_vector_subcore>, window_params = [{transform_indices = #map}, {transform_indices = #map1}, {transform_indices = #map1}, {transform_indices = #map}]} {
    %mul3A = arith.constant 2 : i32
    %mul3A_0 = arith.muli %arg1, %mul3A : i32
    %add3A = arith.addi %mul3A_0, %arg0 : i32
    "tpu.region"() ({
      %run_scoped3A = tpu.sem_alloc : memref<!tpu.dma_semaphore, #tpu.memory_space<semaphore_mem>>
      %dma_start3A_69 = arith.constant 0 : i32
      %dma_start3A_70 = arith.constant 0 : i32
      %dma_start3A_71 = tpu.memref_slice %arg2[%add3A, %dma_start3A_69, %dma_start3A_70] : memref<32x200x128xi32, #tpu.memory_space<hbm>> -> memref<1x200x128xi32, #tpu.memory_space<hbm>>
      %dma_start3A_72 = tpu.memref_squeeze %dma_start3A_71 : memref<1x200x128xi32, #tpu.memory_space<hbm>> -> memref<200x128xi32, #tpu.memory_space<hbm>>
      %dma_start3A_73 = arith.constant 0 : i32
      %dma_start3A_74 = arith.constant 0 : i32
      %dma_start3A_75 = tpu.memref_slice %arg2[%add3A, %dma_start3A_73, %dma_start3A_74] : memref<32x200x128xi32, #tpu.memory_space<hbm>> -> memref<1x200x128xi32, #tpu.memory_space<hbm>>
      %dma_start3A_76 = tpu.memref_squeeze %dma_start3A_75 : memref<1x200x128xi32, #tpu.memory_space<hbm>> -> memref<200x128xi32, #tpu.memory_space<hbm>>
      tpu.enqueue_dma source(%dma_start3A_76 : memref<200x128xi32, #tpu.memory_space<hbm>>) target(%arg7 : memref<200x128xi32, #tpu.memory_space<vmem>>) target_semaphore(%run_scoped3A : memref<!tpu.dma_semaphore, #tpu.memory_space<semaphore_mem>>)
      %dma_wait3A_77 = arith.constant 0 : i32
      %dma_wait3A_78 = arith.constant 0 : i32
      %dma_wait3A_79 = tpu.memref_slice %arg2[%add3A, %dma_wait3A_77, %dma_wait3A_78] : memref<32x200x128xi32, #tpu.memory_space<hbm>> -> memref<1x200x128xi32, #tpu.memory_space<hbm>>
      %dma_wait3A_80 = tpu.memref_squeeze %dma_wait3A_79 : memref<1x200x128xi32, #tpu.memory_space<hbm>> -> memref<200x128xi32, #tpu.memory_space<hbm>>
      %dma_wait3A_81 = arith.constant 0 : i32
      %dma_wait3A_82 = arith.constant 0 : i32
      %dma_wait3A_83 = tpu.memref_slice %arg2[%add3A, %dma_wait3A_81, %dma_wait3A_82] : memref<32x200x128xi32, #tpu.memory_space<hbm>> -> memref<1x200x128xi32, #tpu.memory_space<hbm>>
      %dma_wait3A_84 = tpu.memref_squeeze %dma_wait3A_83 : memref<1x200x128xi32, #tpu.memory_space<hbm>> -> memref<200x128xi32, #tpu.memory_space<hbm>>
      tpu.wait_dma2 semaphore(%run_scoped3A : memref<!tpu.dma_semaphore, #tpu.memory_space<semaphore_mem>>) src(%dma_wait3A_84 : memref<200x128xi32, #tpu.memory_space<hbm>>) dst(%arg7 : memref<200x128xi32, #tpu.memory_space<vmem>>)
      tpu.yield
    }) : () -> ()
    "tpu.region"() ({
      %run_scoped3A = tpu.sem_alloc : memref<!tpu.dma_semaphore, #tpu.memory_space<semaphore_mem>>
      tpu.enqueue_dma source(%arg4 : memref<200x128xf32, #tpu.memory_space<hbm>>) target(%arg8 : memref<200x128xf32, #tpu.memory_space<vmem>>) target_semaphore(%run_scoped3A : memref<!tpu.dma_semaphore, #tpu.memory_space<semaphore_mem>>)
      tpu.wait_dma2 semaphore(%run_scoped3A : memref<!tpu.dma_semaphore, #tpu.memory_space<semaphore_mem>>) src(%arg4 : memref<200x128xf32, #tpu.memory_space<hbm>>) dst(%arg8 : memref<200x128xf32, #tpu.memory_space<vmem>>)
      tpu.yield
    }) : () -> ()
    %parallel_loop3A = arith.constant 0 : i32
    %parallel_loop3A_1 = arith.constant 1600 : i32
    %parallel_loop3A_2 = arith.constant 1 : i32
    scf.for %parallel_loop3A_69 = %parallel_loop3A to %parallel_loop3A_1 step %parallel_loop3A_2  : i32 {
      %parallel_loop3A_70 = arith.constant 8 : i32
      %parallel_loop3A_71 = arith.divsi %parallel_loop3A_69, %parallel_loop3A_70 : i32
      %parallel_loop3A_72 = arith.constant 0 : i32
      %parallel_loop3A_73 = arith.cmpi sgt, %parallel_loop3A_69, %parallel_loop3A_72 : i32
      %parallel_loop3A_74 = arith.extui %parallel_loop3A_73 : i1 to i32
      %parallel_loop3A_75 = arith.constant 0 : i32
      %parallel_loop3A_76 = arith.cmpi slt, %parallel_loop3A_69, %parallel_loop3A_75 : i32
      %parallel_loop3A_77 = arith.extui %parallel_loop3A_76 : i1 to i32
      %parallel_loop3A_78 = arith.subi %parallel_loop3A_74, %parallel_loop3A_77 : i32
      %parallel_loop3A_79 = arith.constant 0 : i32
      %parallel_loop3A_80 = arith.cmpi sgt, %parallel_loop3A_70, %parallel_loop3A_79 : i32
      %parallel_loop3A_81 = arith.extui %parallel_loop3A_80 : i1 to i32
      %parallel_loop3A_82 = arith.constant 0 : i32
      %parallel_loop3A_83 = arith.cmpi slt, %parallel_loop3A_70, %parallel_loop3A_82 : i32
      %parallel_loop3A_84 = arith.extui %parallel_loop3A_83 : i1 to i32
      %parallel_loop3A_85 = arith.subi %parallel_loop3A_81, %parallel_loop3A_84 : i32
      %parallel_loop3A_86 = arith.cmpi ne, %parallel_loop3A_78, %parallel_loop3A_85 : i32
      %parallel_loop3A_87 = arith.remsi %parallel_loop3A_69, %parallel_loop3A_70 : i32
      %parallel_loop3A_88 = arith.constant 0 : i32
      %parallel_loop3A_89 = arith.cmpi ne, %parallel_loop3A_87, %parallel_loop3A_88 : i32
      %parallel_loop3A_90 = arith.andi %parallel_loop3A_86, %parallel_loop3A_89 : i1
      %parallel_loop3A_91 = arith.constant 1 : i32
      %parallel_loop3A_92 = arith.subi %parallel_loop3A_71, %parallel_loop3A_91 : i32
      %parallel_loop3A_93 = arith.select %parallel_loop3A_90, %parallel_loop3A_92, %parallel_loop3A_71 : i32
      %parallel_loop3A_94 = arith.constant 8 : i32
      %parallel_loop3A_95 = arith.constant 0 : i32
      %parallel_loop3A_96 = arith.cmpi eq, %parallel_loop3A_94, %parallel_loop3A_95 : i32
      %parallel_loop3A_97 = arith.constant 1 : i32
      %parallel_loop3A_98 = arith.select %parallel_loop3A_96, %parallel_loop3A_97, %parallel_loop3A_94 : i32
      %parallel_loop3A_99 = arith.remsi %parallel_loop3A_69, %parallel_loop3A_98 : i32
      %parallel_loop3A_100 = arith.constant 0 : i32
      %parallel_loop3A_101 = arith.cmpi ne, %parallel_loop3A_99, %parallel_loop3A_100 : i32
      %parallel_loop3A_102 = arith.constant 0 : i32
      %parallel_loop3A_103 = arith.cmpi slt, %parallel_loop3A_99, %parallel_loop3A_102 : i32
      %parallel_loop3A_104 = arith.constant 0 : i32
      %parallel_loop3A_105 = arith.cmpi slt, %parallel_loop3A_98, %parallel_loop3A_104 : i32
      %parallel_loop3A_106 = arith.xori %parallel_loop3A_103, %parallel_loop3A_105 : i1
      %parallel_loop3A_107 = arith.andi %parallel_loop3A_106, %parallel_loop3A_101 : i1
      %parallel_loop3A_108 = arith.addi %parallel_loop3A_99, %parallel_loop3A_98 : i32
      %parallel_loop3A_109 = arith.select %parallel_loop3A_107, %parallel_loop3A_108, %parallel_loop3A_99 : i32
      %parallel_loop3A_110 = arith.constant 16 : i32
      %parallel_loop3A_111 = arith.muli %parallel_loop3A_109, %parallel_loop3A_110 : i32
      %parallel_loop3A_112 = arith.index_cast %parallel_loop3A_93 : i32 to index
      %parallel_loop3A_113 = arith.index_cast %parallel_loop3A_111 : i32 to index
      %parallel_loop3A_114 = tpu.vector_load %arg7[%parallel_loop3A_112, %parallel_loop3A_113] {strides = array<i32>} : memref<200x128xi32, #tpu.memory_space<vmem>>, vector<1x16xi32>,
      %parallel_loop3A_115 = vector.shape_cast %parallel_loop3A_114 : vector<1x16xi32> to vector<16xi32>
      %parallel_loop3A_116 = arith.constant 1 : i32
      %parallel_loop3A_117 = vector.broadcast %parallel_loop3A_116 : i32 to vector<16xi32>
      %parallel_loop3A_118 = arith.shrsi %parallel_loop3A_115, %parallel_loop3A_117 : vector<16xi32>
      %parallel_loop3A_119 = arith.index_cast %parallel_loop3A_93 : i32 to index
      %parallel_loop3A_120 = arith.index_cast %parallel_loop3A_111 : i32 to index
      %parallel_loop3A_121 = tpu.vector_load %arg6[%parallel_loop3A_119, %parallel_loop3A_120] {strides = array<i32>} : memref<200x128xi32, #tpu.memory_space<vmem>>, vector<1x16xi32>,
      %parallel_loop3A_122 = vector.shape_cast %parallel_loop3A_121 : vector<1x16xi32> to vector<16xi32>
      %parallel_loop3A_123 = vector.shape_cast %parallel_loop3A_118 : vector<16xi32> to vector<1x16xi32>
      tpu.vector_store %arg6[%parallel_loop3A_119, %parallel_loop3A_120], %parallel_loop3A_123 {strides = array<i32>} : memref<200x128xi32, #tpu.memory_space<vmem>>, vector<1x16xi32>,
    } {sc.loop_unroll_factor = 8 : i64, sc.parallel_access}
    %dma_start3A = arith.constant 0 : i32
    %dma_start3A_3 = arith.constant 0 : i32
    %dma_start3A_4 = tpu.memref_slice %arg6[%dma_start3A, %dma_start3A_3] : memref<200x128xi32, #tpu.memory_space<vmem>> -> memref<1x64xi32, #tpu.memory_space<vmem>>
    %dma_start3A_5 = tpu.memref_squeeze %dma_start3A_4 : memref<1x64xi32, #tpu.memory_space<vmem>> -> memref<64xi32, #tpu.memory_space<vmem>>
    %dma_start3A_6 = arith.constant 0 : i32
    %dma_start3A_7 = arith.constant 0 : i32
    %dma_start3A_8 = tpu.memref_slice %arg3[%dma_start3A_6, %dma_start3A_7] : memref<500000x128xf32, #tpu.memory_space<hbm>> -> memref<500000x128xf32, #tpu.memory_space<hbm>>
    tpu.enqueue_indirect_dma source(%dma_start3A_8 : memref<500000x128xf32, #tpu.memory_space<hbm>>) target(%arg9 : memref<64x128xf32, #tpu.memory_space<vmem>>) offsets(%dma_start3A_5 : memref<64xi32, #tpu.memory_space<vmem>>) semaphore(%arg17 : memref<!tpu.dma_semaphore, #tpu.memory_space<semaphore_mem>>)
    %dma_start3A_9 = arith.constant 0 : i32
    %dma_start3A_10 = arith.constant 64 : i32
    %dma_start3A_11 = tpu.memref_slice %arg6[%dma_start3A_9, %dma_start3A_10] : memref<200x128xi32, #tpu.memory_space<vmem>> -> memref<1x64xi32, #tpu.memory_space<vmem>>
    %dma_start3A_12 = tpu.memref_squeeze %dma_start3A_11 : memref<1x64xi32, #tpu.memory_space<vmem>> -> memref<64xi32, #tpu.memory_space<vmem>>
    %dma_start3A_13 = arith.constant 0 : i32
    %dma_start3A_14 = arith.constant 0 : i32
    %dma_start3A_15 = tpu.memref_slice %arg3[%dma_start3A_13, %dma_start3A_14] : memref<500000x128xf32, #tpu.memory_space<hbm>> -> memref<500000x128xf32, #tpu.memory_space<hbm>>
    tpu.enqueue_indirect_dma source(%dma_start3A_15 : memref<500000x128xf32, #tpu.memory_space<hbm>>) target(%arg10 : memref<64x128xf32, #tpu.memory_space<vmem>>) offsets(%dma_start3A_12 : memref<64xi32, #tpu.memory_space<vmem>>) semaphore(%arg18 : memref<!tpu.dma_semaphore, #tpu.memory_space<semaphore_mem>>)
    %dma_start3A_16 = arith.constant 1 : i32
    %dma_start3A_17 = arith.constant 0 : i32
    %dma_start3A_18 = tpu.memref_slice %arg6[%dma_start3A_16, %dma_start3A_17] : memref<200x128xi32, #tpu.memory_space<vmem>> -> memref<1x64xi32, #tpu.memory_space<vmem>>
    %dma_start3A_19 = tpu.memref_squeeze %dma_start3A_18 : memref<1x64xi32, #tpu.memory_space<vmem>> -> memref<64xi32, #tpu.memory_space<vmem>>
    %dma_start3A_20 = arith.constant 0 : i32
    %dma_start3A_21 = arith.constant 0 : i32
    %dma_start3A_22 = tpu.memref_slice %arg3[%dma_start3A_20, %dma_start3A_21] : memref<500000x128xf32, #tpu.memory_space<hbm>> -> memref<500000x128xf32, #tpu.memory_space<hbm>>
    tpu.enqueue_indirect_dma source(%dma_start3A_22 : memref<500000x128xf32, #tpu.memory_space<hbm>>) target(%arg11 : memref<64x128xf32, #tpu.memory_space<vmem>>) offsets(%dma_start3A_19 : memref<64xi32, #tpu.memory_space<vmem>>) semaphore(%arg19 : memref<!tpu.dma_semaphore, #tpu.memory_space<semaphore_mem>>)
    %dma_start3A_23 = arith.constant 1 : i32
    %dma_start3A_24 = arith.constant 64 : i32
    %dma_start3A_25 = tpu.memref_slice %arg6[%dma_start3A_23, %dma_start3A_24] : memref<200x128xi32, #tpu.memory_space<vmem>> -> memref<1x64xi32, #tpu.memory_space<vmem>>
    %dma_start3A_26 = tpu.memref_squeeze %dma_start3A_25 : memref<1x64xi32, #tpu.memory_space<vmem>> -> memref<64xi32, #tpu.memory_space<vmem>>
    %dma_start3A_27 = arith.constant 0 : i32
    %dma_start3A_28 = arith.constant 0 : i32
    %dma_start3A_29 = tpu.memref_slice %arg3[%dma_start3A_27, %dma_start3A_28] : memref<500000x128xf32, #tpu.memory_space<hbm>> -> memref<500000x128xf32, #tpu.memory_space<hbm>>
    tpu.enqueue_indirect_dma source(%dma_start3A_29 : memref<500000x128xf32, #tpu.memory_space<hbm>>) target(%arg12 : memref<64x128xf32, #tpu.memory_space<vmem>>) offsets(%dma_start3A_26 : memref<64xi32, #tpu.memory_space<vmem>>) semaphore(%arg20 : memref<!tpu.dma_semaphore, #tpu.memory_space<semaphore_mem>>)
    %scan3A = arith.constant 0 : i32
    %scan3A_30 = arith.constant 100 : i32
    %scan3A_31 = arith.addi %scan3A, %scan3A_30 : i32
    %scan3A_32 = arith.constant 1 : i32
    scf.for %scan3A_69 = %scan3A to %scan3A_31 step %scan3A_32  : i32 {
      %mul3A_70 = arith.constant 4 : i32
      %mul3A_71 = arith.muli %scan3A_69, %mul3A_70 : i32
      %add3A_72 = arith.constant 0 : i32
      %add3A_73 = arith.addi %add3A_72, %mul3A_71 : i32
      %add3A_74 = arith.constant 0 : i32
      %add3A_75 = arith.addi %add3A_73, %add3A_74 : i32
      %jit3A = arith.constant 2 : i32
      %div3A = arith.divsi %add3A_75, %jit3A : i32
      %sign3A = arith.constant 0 : i32
      %sign3A_76 = arith.cmpi sgt, %add3A_75, %sign3A : i32
      %sign3A_77 = arith.extui %sign3A_76 : i1 to i32
      %sign3A_78 = arith.constant 0 : i32
      %sign3A_79 = arith.cmpi slt, %add3A_75, %sign3A_78 : i32
      %sign3A_80 = arith.extui %sign3A_79 : i1 to i32
      %sign3A_81 = arith.subi %sign3A_77, %sign3A_80 : i32
      %sign3A_82 = arith.constant 0 : i32
      %sign3A_83 = arith.cmpi sgt, %jit3A, %sign3A_82 : i32
      %sign3A_84 = arith.extui %sign3A_83 : i1 to i32
      %sign3A_85 = arith.constant 0 : i32
      %sign3A_86 = arith.cmpi slt, %jit3A, %sign3A_85 : i32
      %sign3A_87 = arith.extui %sign3A_86 : i1 to i32
      %sign3A_88 = arith.subi %sign3A_84, %sign3A_87 : i32
      %ne3A = arith.cmpi ne, %sign3A_81, %sign3A_88 : i32
      %rem3A = arith.remsi %add3A_75, %jit3A : i32
      %ne3A_89 = arith.constant 0 : i32
      %ne3A_90 = arith.cmpi ne, %rem3A, %ne3A_89 : i32
      %and3A = arith.andi %ne3A, %ne3A_90 : i1
      %sub3A = arith.constant 1 : i32
      %sub3A_91 = arith.subi %div3A, %sub3A : i32
      %select_n3A = arith.select %and3A, %sub3A_91, %div3A : i32
      %rem3A_92 = arith.constant 2 : i32
      %rem3A_93 = arith.remsi %add3A_75, %rem3A_92 : i32
      %mul3A_94 = arith.constant 64 : i32
      %mul3A_95 = arith.muli %rem3A_93, %mul3A_94 : i32
      %dma_wait3A_96 = arith.constant 0 : i32
      %dma_wait3A_97 = tpu.memref_slice %arg6[%add3A_73, %dma_wait3A_96] : memref<200x128xi32, #tpu.memory_space<vmem>> -> memref<1x64xi32, #tpu.memory_space<vmem>>
      %dma_wait3A_98 = tpu.memref_squeeze %dma_wait3A_97 : memref<1x64xi32, #tpu.memory_space<vmem>> -> memref<64xi32, #tpu.memory_space<vmem>>
      %dma_wait3A_99 = arith.constant 0 : i32
      %dma_wait3A_100 = arith.constant 0 : i32
      %dma_wait3A_101 = tpu.memref_slice %arg3[%dma_wait3A_99, %dma_wait3A_100] : memref<500000x128xf32, #tpu.memory_space<hbm>> -> memref<500000x128xf32, #tpu.memory_space<hbm>>
      tpu.wait_indirect_dma semaphore(%arg17 : memref<!tpu.dma_semaphore, #tpu.memory_space<semaphore_mem>>) src(%dma_wait3A_101 : memref<500000x128xf32, #tpu.memory_space<hbm>>) dst(%arg9 : memref<64x128xf32, #tpu.memory_space<vmem>>)
      %gt3A = arith.constant 0 : i32
      %gt3A_102 = arith.cmpi sgt, %add3A_73, %gt3A : i32
      %convert_element_type3A = arith.extui %gt3A_102 : i1 to i32
      %cond3A = arith.constant 0 : i32
      %cond3A_103 = arith.cmpi ne, %convert_element_type3A, %cond3A : i32
      scf.if %cond3A_103 {
        %dma_wait3A_326 = arith.constant 0 : i32
        %dma_wait3A_327 = arith.constant 0 : i32
        %dma_wait3A_328 = tpu.memref_slice %arg5[%add3A_75, %dma_wait3A_326, %dma_wait3A_327] : memref<12800x32x128xf32, #tpu.memory_space<hbm>> -> memref<1x32x128xf32, #tpu.memory_space<hbm>>
        %dma_wait3A_329 = tpu.memref_squeeze %dma_wait3A_328 : memref<1x32x128xf32, #tpu.memory_space<hbm>> -> memref<32x128xf32, #tpu.memory_space<hbm>>
        %dma_wait3A_330 = arith.constant 0 : i32
        %dma_wait3A_331 = arith.constant 0 : i32
        %dma_wait3A_332 = tpu.memref_slice %arg5[%add3A_75, %dma_wait3A_330, %dma_wait3A_331] : memref<12800x32x128xf32, #tpu.memory_space<hbm>> -> memref<1x32x128xf32, #tpu.memory_space<hbm>>
        %dma_wait3A_333 = tpu.memref_squeeze %dma_wait3A_332 : memref<1x32x128xf32, #tpu.memory_space<hbm>> -> memref<32x128xf32, #tpu.memory_space<hbm>>
        tpu.wait_dma2 semaphore(%arg21 : memref<!tpu.dma_semaphore, #tpu.memory_space<semaphore_mem>>) src(%arg13 : memref<32x128xf32, #tpu.memory_space<vmem>>) dst(%dma_wait3A_333 : memref<32x128xf32, #tpu.memory_space<hbm>>)
      } else {
      }
      %mul3A_104 = arith.constant 32 : i32
      %mul3A_105 = arith.muli %add3A_75, %mul3A_104 : i32
      %rem3A_106 = arith.constant 100 : i32
      %rem3A_107 = arith.remsi %mul3A_105, %rem3A_106 : i32
      %parallel_loop3A_108 = arith.constant 0 : i32
      %parallel_loop3A_109 = arith.constant 32 : i32
      %parallel_loop3A_110 = arith.constant 1 : i32
      scf.for %parallel_loop3A_326 = %parallel_loop3A_108 to %parallel_loop3A_109 step %parallel_loop3A_110  : i32 {
        %parallel_loop3A_327 = arith.constant 8 : i32
        %parallel_loop3A_328 = arith.divsi %parallel_loop3A_326, %parallel_loop3A_327 : i32
        %parallel_loop3A_329 = arith.constant 0 : i32
        %parallel_loop3A_330 = arith.cmpi sgt, %parallel_loop3A_326, %parallel_loop3A_329 : i32
        %parallel_loop3A_331 = arith.extui %parallel_loop3A_330 : i1 to i32
        %parallel_loop3A_332 = arith.constant 0 : i32
        %parallel_loop3A_333 = arith.cmpi slt, %parallel_loop3A_326, %parallel_loop3A_332 : i32
        %parallel_loop3A_334 = arith.extui %parallel_loop3A_333 : i1 to i32
        %parallel_loop3A_335 = arith.subi %parallel_loop3A_331, %parallel_loop3A_334 : i32
        %parallel_loop3A_336 = arith.constant 0 : i32
        %parallel_loop3A_337 = arith.cmpi sgt, %parallel_loop3A_327, %parallel_loop3A_336 : i32
        %parallel_loop3A_338 = arith.extui %parallel_loop3A_337 : i1 to i32
        %parallel_loop3A_339 = arith.constant 0 : i32
        %parallel_loop3A_340 = arith.cmpi slt, %parallel_loop3A_327, %parallel_loop3A_339 : i32
        %parallel_loop3A_341 = arith.extui %parallel_loop3A_340 : i1 to i32
        %parallel_loop3A_342 = arith.subi %parallel_loop3A_338, %parallel_loop3A_341 : i32
        %parallel_loop3A_343 = arith.cmpi ne, %parallel_loop3A_335, %parallel_loop3A_342 : i32
        %parallel_loop3A_344 = arith.remsi %parallel_loop3A_326, %parallel_loop3A_327 : i32
        %parallel_loop3A_345 = arith.constant 0 : i32
        %parallel_loop3A_346 = arith.cmpi ne, %parallel_loop3A_344, %parallel_loop3A_345 : i32
        %parallel_loop3A_347 = arith.andi %parallel_loop3A_343, %parallel_loop3A_346 : i1
        %parallel_loop3A_348 = arith.constant 1 : i32
        %parallel_loop3A_349 = arith.subi %parallel_loop3A_328, %parallel_loop3A_348 : i32
        %parallel_loop3A_350 = arith.select %parallel_loop3A_347, %parallel_loop3A_349, %parallel_loop3A_328 : i32
        %parallel_loop3A_351 = arith.constant 16 : i32
        %parallel_loop3A_352 = arith.muli %parallel_loop3A_350, %parallel_loop3A_351 : i32
        %parallel_loop3A_353 = arith.addi %mul3A_95, %parallel_loop3A_352 : i32
        %parallel_loop3A_354 = arith.index_cast %select_n3A : i32 to index
        %parallel_loop3A_355 = arith.index_cast %parallel_loop3A_353 : i32 to index
        %parallel_loop3A_356 = tpu.vector_load %arg7[%parallel_loop3A_354, %parallel_loop3A_355] {strides = array<i32>} : memref<200x128xi32, #tpu.memory_space<vmem>>, vector<1x16xi32>,
        %parallel_loop3A_357 = vector.shape_cast %parallel_loop3A_356 : vector<1x16xi32> to vector<16xi32>
        %parallel_loop3A_358 = arith.constant 1 : i32
        %parallel_loop3A_359 = vector.broadcast %parallel_loop3A_358 : i32 to vector<16xi32>
        %parallel_loop3A_360 = arith.andi %parallel_loop3A_357, %parallel_loop3A_359 : vector<16xi32>
        %parallel_loop3A_361 = arith.sitofp %parallel_loop3A_360 : vector<16xi32> to vector<16xf32>
        %parallel_loop3A_362 = arith.constant 8 : i32
        %parallel_loop3A_363 = arith.remsi %parallel_loop3A_326, %parallel_loop3A_362 : i32
        %parallel_loop3A_364 = arith.constant 2 : i32
        %parallel_loop3A_365 = arith.muli %parallel_loop3A_363, %parallel_loop3A_364 : i32
        %parallel_loop3A_366 = arith.constant 0 : i32
        %parallel_loop3A_367 = arith.addi %parallel_loop3A_365, %parallel_loop3A_366 : i32
        %parallel_loop3A_368 = vector.broadcast %parallel_loop3A_367 : i32 to vector<16xi32>
        %parallel_loop3A_369 = arith.constant 0 : i32
        %parallel_loop3A_370 = vector.broadcast %parallel_loop3A_369 : i32 to vector<16xi32>
        %parallel_loop3A_371 = arith.cmpi slt, %parallel_loop3A_368, %parallel_loop3A_370 : vector<16xi32>
        %parallel_loop3A_372 = arith.constant 16 : i32
        %parallel_loop3A_373 = vector.broadcast %parallel_loop3A_372 : i32 to vector<16xi32>
        %parallel_loop3A_374 = arith.addi %parallel_loop3A_368, %parallel_loop3A_373 : vector<16xi32>
        %parallel_loop3A_375 = arith.select %parallel_loop3A_371, %parallel_loop3A_374, %parallel_loop3A_368 : vector<16xi1>, vector<16xi32>
        %parallel_loop3A_376 = vector.shape_cast %parallel_loop3A_375 : vector<16xi32> to vector<16x1xi32>
        %parallel_loop3A_377 = vector.shape_cast %parallel_loop3A_376 : vector<16x1xi32> to vector<16xi32>
        %parallel_loop3A_378 = tpu.dynamic_gather %parallel_loop3A_361[%parallel_loop3A_377] in [0] : vector<16xf32>, vector<16xi32> -> vector<16xf32>
        %parallel_loop3A_379 = arith.constant 2 : i32
        %parallel_loop3A_380 = arith.muli %parallel_loop3A_379, %parallel_loop3A_326 : i32
        %parallel_loop3A_381 = arith.constant 0 : i32
        %parallel_loop3A_382 = arith.addi %parallel_loop3A_380, %parallel_loop3A_381 : i32
        %parallel_loop3A_383 = arith.index_cast %parallel_loop3A_382 : i32 to index
        %parallel_loop3A_384 = arith.constant 0 : index
        %parallel_loop3A_385 = tpu.vector_load %arg9[%parallel_loop3A_383, %parallel_loop3A_384] {strides = array<i32>} : memref<64x128xf32, #tpu.memory_space<vmem>>, vector<1x16xf32>,
        %parallel_loop3A_386 = vector.shape_cast %parallel_loop3A_385 : vector<1x16xf32> to vector<16xf32>
        %parallel_loop3A_387 = arith.index_cast %parallel_loop3A_382 : i32 to index
        %parallel_loop3A_388 = arith.constant 64 : index
        %parallel_loop3A_389 = tpu.vector_load %arg9[%parallel_loop3A_387, %parallel_loop3A_388] {strides = array<i32>} : memref<64x128xf32, #tpu.memory_space<vmem>>, vector<1x16xf32>,
        %parallel_loop3A_390 = vector.shape_cast %parallel_loop3A_389 : vector<1x16xf32> to vector<16xf32>
        %parallel_loop3A_391 = arith.addi %rem3A_107, %parallel_loop3A_326 : i32
        %parallel_loop3A_392 = arith.index_cast %parallel_loop3A_391 : i32 to index
        %parallel_loop3A_393 = arith.constant 0 : index
        %parallel_loop3A_394 = tpu.vector_load %arg8[%parallel_loop3A_392, %parallel_loop3A_393] {strides = array<i32>} : memref<200x128xf32, #tpu.memory_space<vmem>>, vector<1x16xf32>,
        %parallel_loop3A_395 = vector.shape_cast %parallel_loop3A_394 : vector<1x16xf32> to vector<16xf32>
        %parallel_loop3A_396 = arith.subf %parallel_loop3A_390, %parallel_loop3A_386 : vector<16xf32>
        %parallel_loop3A_397 = arith.mulf %parallel_loop3A_378, %parallel_loop3A_396 : vector<16xf32>
        %parallel_loop3A_398 = arith.addf %parallel_loop3A_386, %parallel_loop3A_397 : vector<16xf32>
        %parallel_loop3A_399 = arith.addf %parallel_loop3A_398, %parallel_loop3A_395 : vector<16xf32>
        %parallel_loop3A_400 = arith.index_cast %parallel_loop3A_326 : i32 to index
        %parallel_loop3A_401 = arith.constant 0 : index
        %parallel_loop3A_402 = tpu.vector_load %arg13[%parallel_loop3A_400, %parallel_loop3A_401] {strides = array<i32>} : memref<32x128xf32, #tpu.memory_space<vmem>>, vector<1x16xf32>,
        %parallel_loop3A_403 = vector.shape_cast %parallel_loop3A_402 : vector<1x16xf32> to vector<16xf32>
        %parallel_loop3A_404 = vector.shape_cast %parallel_loop3A_399 : vector<16xf32> to vector<1x16xf32>
        tpu.vector_store %arg13[%parallel_loop3A_400, %parallel_loop3A_401], %parallel_loop3A_404 {strides = array<i32>} : memref<32x128xf32, #tpu.memory_space<vmem>>, vector<1x16xf32>,
        %parallel_loop3A_405 = arith.index_cast %parallel_loop3A_382 : i32 to index
        %parallel_loop3A_406 = arith.constant 16 : index
        %parallel_loop3A_407 = tpu.vector_load %arg9[%parallel_loop3A_405, %parallel_loop3A_406] {strides = array<i32>} : memref<64x128xf32, #tpu.memory_space<vmem>>, vector<1x16xf32>,
        %parallel_loop3A_408 = vector.shape_cast %parallel_loop3A_407 : vector<1x16xf32> to vector<16xf32>
        %parallel_loop3A_409 = arith.index_cast %parallel_loop3A_382 : i32 to index
        %parallel_loop3A_410 = arith.constant 80 : index
        %parallel_loop3A_411 = tpu.vector_load %arg9[%parallel_loop3A_409, %parallel_loop3A_410] {strides = array<i32>} : memref<64x128xf32, #tpu.memory_space<vmem>>, vector<1x16xf32>,
        %parallel_loop3A_412 = vector.shape_cast %parallel_loop3A_411 : vector<1x16xf32> to vector<16xf32>
        %parallel_loop3A_413 = arith.addi %rem3A_107, %parallel_loop3A_326 : i32
        %parallel_loop3A_414 = arith.index_cast %parallel_loop3A_413 : i32 to index
        %parallel_loop3A_415 = arith.constant 16 : index
        %parallel_loop3A_416 = tpu.vector_load %arg8[%parallel_loop3A_414, %parallel_loop3A_415] {strides = array<i32>} : memref<200x128xf32, #tpu.memory_space<vmem>>, vector<1x16xf32>,
        %parallel_loop3A_417 = vector.shape_cast %parallel_loop3A_416 : vector<1x16xf32> to vector<16xf32>
        %parallel_loop3A_418 = arith.subf %parallel_loop3A_412, %parallel_loop3A_408 : vector<16xf32>
        %parallel_loop3A_419 = arith.mulf %parallel_loop3A_378, %parallel_loop3A_418 : vector<16xf32>
        %parallel_loop3A_420 = arith.addf %parallel_loop3A_408, %parallel_loop3A_419 : vector<16xf32>
        %parallel_loop3A_421 = arith.addf %parallel_loop3A_420, %parallel_loop3A_417 : vector<16xf32>
        %parallel_loop3A_422 = arith.index_cast %parallel_loop3A_326 : i32 to index
        %parallel_loop3A_423 = arith.constant 16 : index
        %parallel_loop3A_424 = tpu.vector_load %arg13[%parallel_loop3A_422, %parallel_loop3A_423] {strides = array<i32>} : memref<32x128xf32, #tpu.memory_space<vmem>>, vector<1x16xf32>,
        %parallel_loop3A_425 = vector.shape_cast %parallel_loop3A_424 : vector<1x16xf32> to vector<16xf32>
        %parallel_loop3A_426 = vector.shape_cast %parallel_loop3A_421 : vector<16xf32> to vector<1x16xf32>
        tpu.vector_store %arg13[%parallel_loop3A_422, %parallel_loop3A_423], %parallel_loop3A_426 {strides = array<i32>} : memref<32x128xf32, #tpu.memory_space<vmem>>, vector<1x16xf32>,
        %parallel_loop3A_427 = arith.index_cast %parallel_loop3A_382 : i32 to index
        %parallel_loop3A_428 = arith.constant 32 : index
        %parallel_loop3A_429 = tpu.vector_load %arg9[%parallel_loop3A_427, %parallel_loop3A_428] {strides = array<i32>} : memref<64x128xf32, #tpu.memory_space<vmem>>, vector<1x16xf32>,
        %parallel_loop3A_430 = vector.shape_cast %parallel_loop3A_429 : vector<1x16xf32> to vector<16xf32>
        %parallel_loop3A_431 = arith.index_cast %parallel_loop3A_382 : i32 to index
        %parallel_loop3A_432 = arith.constant 96 : index
        %parallel_loop3A_433 = tpu.vector_load %arg9[%parallel_loop3A_431, %parallel_loop3A_432] {strides = array<i32>} : memref<64x128xf32, #tpu.memory_space<vmem>>, vector<1x16xf32>,
        %parallel_loop3A_434 = vector.shape_cast %parallel_loop3A_433 : vector<1x16xf32> to vector<16xf32>
        %parallel_loop3A_435 = arith.addi %rem3A_107, %parallel_loop3A_326 : i32
        %parallel_loop3A_436 = arith.index_cast %parallel_loop3A_435 : i32 to index
        %parallel_loop3A_437 = arith.constant 32 : index
        %parallel_loop3A_438 = tpu.vector_load %arg8[%parallel_loop3A_436, %parallel_loop3A_437] {strides = array<i32>} : memref<200x128xf32, #tpu.memory_space<vmem>>, vector<1x16xf32>,
        %parallel_loop3A_439 = vector.shape_cast %parallel_loop3A_438 : vector<1x16xf32> to vector<16xf32>
        %parallel_loop3A_440 = arith.subf %parallel_loop3A_434, %parallel_loop3A_430 : vector<16xf32>
        %parallel_loop3A_441 = arith.mulf %parallel_loop3A_378, %parallel_loop3A_440 : vector<16xf32>
        %parallel_loop3A_442 = arith.addf %parallel_loop3A_430, %parallel_loop3A_441 : vector<16xf32>
        %parallel_loop3A_443 = arith.addf %parallel_loop3A_442, %parallel_loop3A_439 : vector<16xf32>
        %parallel_loop3A_444 = arith.index_cast %parallel_loop3A_326 : i32 to index
        %parallel_loop3A_445 = arith.constant 32 : index
        %parallel_loop3A_446 = tpu.vector_load %arg13[%parallel_loop3A_444, %parallel_loop3A_445] {strides = array<i32>} : memref<32x128xf32, #tpu.memory_space<vmem>>, vector<1x16xf32>,
        %parallel_loop3A_447 = vector.shape_cast %parallel_loop3A_446 : vector<1x16xf32> to vector<16xf32>
        %parallel_loop3A_448 = vector.shape_cast %parallel_loop3A_443 : vector<16xf32> to vector<1x16xf32>
        tpu.vector_store %arg13[%parallel_loop3A_444, %parallel_loop3A_445], %parallel_loop3A_448 {strides = array<i32>} : memref<32x128xf32, #tpu.memory_space<vmem>>, vector<1x16xf32>,
        %parallel_loop3A_449 = arith.index_cast %parallel_loop3A_382 : i32 to index
        %parallel_loop3A_450 = arith.constant 48 : index
        %parallel_loop3A_451 = tpu.vector_load %arg9[%parallel_loop3A_449, %parallel_loop3A_450] {strides = array<i32>} : memref<64x128xf32, #tpu.memory_space<vmem>>, vector<1x16xf32>,
        %parallel_loop3A_452 = vector.shape_cast %parallel_loop3A_451 : vector<1x16xf32> to vector<16xf32>
        %parallel_loop3A_453 = arith.index_cast %parallel_loop3A_382 : i32 to index
        %parallel_loop3A_454 = arith.constant 112 : index
        %parallel_loop3A_455 = tpu.vector_load %arg9[%parallel_loop3A_453, %parallel_loop3A_454] {strides = array<i32>} : memref<64x128xf32, #tpu.memory_space<vmem>>, vector<1x16xf32>,
        %parallel_loop3A_456 = vector.shape_cast %parallel_loop3A_455 : vector<1x16xf32> to vector<16xf32>
        %parallel_loop3A_457 = arith.addi %rem3A_107, %parallel_loop3A_326 : i32
        %parallel_loop3A_458 = arith.index_cast %parallel_loop3A_457 : i32 to index
        %parallel_loop3A_459 = arith.constant 48 : index
        %parallel_loop3A_460 = tpu.vector_load %arg8[%parallel_loop3A_458, %parallel_loop3A_459] {strides = array<i32>} : memref<200x128xf32, #tpu.memory_space<vmem>>, vector<1x16xf32>,
        %parallel_loop3A_461 = vector.shape_cast %parallel_loop3A_460 : vector<1x16xf32> to vector<16xf32>
        %parallel_loop3A_462 = arith.subf %parallel_loop3A_456, %parallel_loop3A_452 : vector<16xf32>
        %parallel_loop3A_463 = arith.mulf %parallel_loop3A_378, %parallel_loop3A_462 : vector<16xf32>
        %parallel_loop3A_464 = arith.addf %parallel_loop3A_452, %parallel_loop3A_463 : vector<16xf32>
        %parallel_loop3A_465 = arith.addf %parallel_loop3A_464, %parallel_loop3A_461 : vector<16xf32>
        %parallel_loop3A_466 = arith.index_cast %parallel_loop3A_326 : i32 to index
        %parallel_loop3A_467 = arith.constant 48 : index
        %parallel_loop3A_468 = tpu.vector_load %arg13[%parallel_loop3A_466, %parallel_loop3A_467] {strides = array<i32>} : memref<32x128xf32, #tpu.memory_space<vmem>>, vector<1x16xf32>,
        %parallel_loop3A_469 = vector.shape_cast %parallel_loop3A_468 : vector<1x16xf32> to vector<16xf32>
        %parallel_loop3A_470 = vector.shape_cast %parallel_loop3A_465 : vector<16xf32> to vector<1x16xf32>
        tpu.vector_store %arg13[%parallel_loop3A_466, %parallel_loop3A_467], %parallel_loop3A_470 {strides = array<i32>} : memref<32x128xf32, #tpu.memory_space<vmem>>, vector<1x16xf32>,
        %parallel_loop3A_471 = arith.constant 1 : i32
        %parallel_loop3A_472 = arith.addi %parallel_loop3A_365, %parallel_loop3A_471 : i32
        %parallel_loop3A_473 = vector.broadcast %parallel_loop3A_472 : i32 to vector<16xi32>
        %parallel_loop3A_474 = arith.constant 0 : i32
        %parallel_loop3A_475 = vector.broadcast %parallel_loop3A_474 : i32 to vector<16xi32>
        %parallel_loop3A_476 = arith.cmpi slt, %parallel_loop3A_473, %parallel_loop3A_475 : vector<16xi32>
        %parallel_loop3A_477 = arith.constant 16 : i32
        %parallel_loop3A_478 = vector.broadcast %parallel_loop3A_477 : i32 to vector<16xi32>
        %parallel_loop3A_479 = arith.addi %parallel_loop3A_473, %parallel_loop3A_478 : vector<16xi32>
        %parallel_loop3A_480 = arith.select %parallel_loop3A_476, %parallel_loop3A_479, %parallel_loop3A_473 : vector<16xi1>, vector<16xi32>
        %parallel_loop3A_481 = vector.shape_cast %parallel_loop3A_480 : vector<16xi32> to vector<16x1xi32>
        %parallel_loop3A_482 = vector.shape_cast %parallel_loop3A_481 : vector<16x1xi32> to vector<16xi32>
        %parallel_loop3A_483 = tpu.dynamic_gather %parallel_loop3A_361[%parallel_loop3A_482] in [0] : vector<16xf32>, vector<16xi32> -> vector<16xf32>
        %parallel_loop3A_484 = arith.constant 2 : i32
        %parallel_loop3A_485 = arith.muli %parallel_loop3A_484, %parallel_loop3A_326 : i32
        %parallel_loop3A_486 = arith.constant 1 : i32
        %parallel_loop3A_487 = arith.addi %parallel_loop3A_485, %parallel_loop3A_486 : i32
        %parallel_loop3A_488 = arith.index_cast %parallel_loop3A_487 : i32 to index
        %parallel_loop3A_489 = arith.constant 0 : index
        %parallel_loop3A_490 = tpu.vector_load %arg9[%parallel_loop3A_488, %parallel_loop3A_489] {strides = array<i32>} : memref<64x128xf32, #tpu.memory_space<vmem>>, vector<1x16xf32>,
        %parallel_loop3A_491 = vector.shape_cast %parallel_loop3A_490 : vector<1x16xf32> to vector<16xf32>
        %parallel_loop3A_492 = arith.index_cast %parallel_loop3A_487 : i32 to index
        %parallel_loop3A_493 = arith.constant 64 : index
        %parallel_loop3A_494 = tpu.vector_load %arg9[%parallel_loop3A_492, %parallel_loop3A_493] {strides = array<i32>} : memref<64x128xf32, #tpu.memory_space<vmem>>, vector<1x16xf32>,
        %parallel_loop3A_495 = vector.shape_cast %parallel_loop3A_494 : vector<1x16xf32> to vector<16xf32>
        %parallel_loop3A_496 = arith.addi %rem3A_107, %parallel_loop3A_326 : i32
        %parallel_loop3A_497 = arith.index_cast %parallel_loop3A_496 : i32 to index
        %parallel_loop3A_498 = arith.constant 64 : index
        %parallel_loop3A_499 = tpu.vector_load %arg8[%parallel_loop3A_497, %parallel_loop3A_498] {strides = array<i32>} : memref<200x128xf32, #tpu.memory_space<vmem>>, vector<1x16xf32>,
        %parallel_loop3A_500 = vector.shape_cast %parallel_loop3A_499 : vector<1x16xf32> to vector<16xf32>
        %parallel_loop3A_501 = arith.subf %parallel_loop3A_495, %parallel_loop3A_491 : vector<16xf32>
        %parallel_loop3A_502 = arith.mulf %parallel_loop3A_483, %parallel_loop3A_501 : vector<16xf32>
        %parallel_loop3A_503 = arith.addf %parallel_loop3A_491, %parallel_loop3A_502 : vector<16xf32>
        %parallel_loop3A_504 = arith.addf %parallel_loop3A_503, %parallel_loop3A_500 : vector<16xf32>
        %parallel_loop3A_505 = arith.index_cast %parallel_loop3A_326 : i32 to index
        %parallel_loop3A_506 = arith.constant 64 : index
        %parallel_loop3A_507 = tpu.vector_load %arg13[%parallel_loop3A_505, %parallel_loop3A_506] {strides = array<i32>} : memref<32x128xf32, #tpu.memory_space<vmem>>, vector<1x16xf32>,
        %parallel_loop3A_508 = vector.shape_cast %parallel_loop3A_507 : vector<1x16xf32> to vector<16xf32>
        %parallel_loop3A_509 = vector.shape_cast %parallel_loop3A_504 : vector<16xf32> to vector<1x16xf32>
        tpu.vector_store %arg13[%parallel_loop3A_505, %parallel_loop3A_506], %parallel_loop3A_509 {strides = array<i32>} : memref<32x128xf32, #tpu.memory_space<vmem>>, vector<1x16xf32>,
        %parallel_loop3A_510 = arith.index_cast %parallel_loop3A_487 : i32 to index
        %parallel_loop3A_511 = arith.constant 16 : index
        %parallel_loop3A_512 = tpu.vector_load %arg9[%parallel_loop3A_510, %parallel_loop3A_511] {strides = array<i32>} : memref<64x128xf32, #tpu.memory_space<vmem>>, vector<1x16xf32>,
        %parallel_loop3A_513 = vector.shape_cast %parallel_loop3A_512 : vector<1x16xf32> to vector<16xf32>
        %parallel_loop3A_514 = arith.index_cast %parallel_loop3A_487 : i32 to index
        %parallel_loop3A_515 = arith.constant 80 : index
        %parallel_loop3A_516 = tpu.vector_load %arg9[%parallel_loop3A_514, %parallel_loop3A_515] {strides = array<i32>} : memref<64x128xf32, #tpu.memory_space<vmem>>, vector<1x16xf32>,
        %parallel_loop3A_517 = vector.shape_cast %parallel_loop3A_516 : vector<1x16xf32> to vector<16xf32>
        %parallel_loop3A_518 = arith.addi %rem3A_107, %parallel_loop3A_326 : i32
        %parallel_loop3A_519 = arith.index_cast %parallel_loop3A_518 : i32 to index
        %parallel_loop3A_520 = arith.constant 80 : index
        %parallel_loop3A_521 = tpu.vector_load %arg8[%parallel_loop3A_519, %parallel_loop3A_520] {strides = array<i32>} : memref<200x128xf32, #tpu.memory_space<vmem>>, vector<1x16xf32>,
        %parallel_loop3A_522 = vector.shape_cast %parallel_loop3A_521 : vector<1x16xf32> to vector<16xf32>
        %parallel_loop3A_523 = arith.subf %parallel_loop3A_517, %parallel_loop3A_513 : vector<16xf32>
        %parallel_loop3A_524 = arith.mulf %parallel_loop3A_483, %parallel_loop3A_523 : vector<16xf32>
        %parallel_loop3A_525 = arith.addf %parallel_loop3A_513, %parallel_loop3A_524 : vector<16xf32>
        %parallel_loop3A_526 = arith.addf %parallel_loop3A_525, %parallel_loop3A_522 : vector<16xf32>
        %parallel_loop3A_527 = arith.index_cast %parallel_loop3A_326 : i32 to index
        %parallel_loop3A_528 = arith.constant 80 : index
        %parallel_loop3A_529 = tpu.vector_load %arg13[%parallel_loop3A_527, %parallel_loop3A_528] {strides = array<i32>} : memref<32x128xf32, #tpu.memory_space<vmem>>, vector<1x16xf32>,
        %parallel_loop3A_530 = vector.shape_cast %parallel_loop3A_529 : vector<1x16xf32> to vector<16xf32>
        %parallel_loop3A_531 = vector.shape_cast %parallel_loop3A_526 : vector<16xf32> to vector<1x16xf32>
        tpu.vector_store %arg13[%parallel_loop3A_527, %parallel_loop3A_528], %parallel_loop3A_531 {strides = array<i32>} : memref<32x128xf32, #tpu.memory_space<vmem>>, vector<1x16xf32>,
        %parallel_loop3A_532 = arith.index_cast %parallel_loop3A_487 : i32 to index
        %parallel_loop3A_533 = arith.constant 32 : index
        %parallel_loop3A_534 = tpu.vector_load %arg9[%parallel_loop3A_532, %parallel_loop3A_533] {strides = array<i32>} : memref<64x128xf32, #tpu.memory_space<vmem>>, vector<1x16xf32>,
        %parallel_loop3A_535 = vector.shape_cast %parallel_loop3A_534 : vector<1x16xf32> to vector<16xf32>
        %parallel_loop3A_536 = arith.index_cast %parallel_loop3A_487 : i32 to index
        %parallel_loop3A_537 = arith.constant 96 : index
        %parallel_loop3A_538 = tpu.vector_load %arg9[%parallel_loop3A_536, %parallel_loop3A_537] {strides = array<i32>} : memref<64x128xf32, #tpu.memory_space<vmem>>, vector<1x16xf32>,
        %parallel_loop3A_539 = vector.shape_cast %parallel_loop3A_538 : vector<1x16xf32> to vector<16xf32>
        %parallel_loop3A_540 = arith.addi %rem3A_107, %parallel_loop3A_326 : i32
        %parallel_loop3A_541 = arith.index_cast %parallel_loop3A_540 : i32 to index
        %parallel_loop3A_542 = arith.constant 96 : index
        %parallel_loop3A_543 = tpu.vector_load %arg8[%parallel_loop3A_541, %parallel_loop3A_542] {strides = array<i32>} : memref<200x128xf32, #tpu.memory_space<vmem>>, vector<1x16xf32>,
        %parallel_loop3A_544 = vector.shape_cast %parallel_loop3A_543 : vector<1x16xf32> to vector<16xf32>
        %parallel_loop3A_545 = arith.subf %parallel_loop3A_539, %parallel_loop3A_535 : vector<16xf32>
        %parallel_loop3A_546 = arith.mulf %parallel_loop3A_483, %parallel_loop3A_545 : vector<16xf32>
        %parallel_loop3A_547 = arith.addf %parallel_loop3A_535, %parallel_loop3A_546 : vector<16xf32>
        %parallel_loop3A_548 = arith.addf %parallel_loop3A_547, %parallel_loop3A_544 : vector<16xf32>
        %parallel_loop3A_549 = arith.index_cast %parallel_loop3A_326 : i32 to index
        %parallel_loop3A_550 = arith.constant 96 : index
        %parallel_loop3A_551 = tpu.vector_load %arg13[%parallel_loop3A_549, %parallel_loop3A_550] {strides = array<i32>} : memref<32x128xf32, #tpu.memory_space<vmem>>, vector<1x16xf32>,
        %parallel_loop3A_552 = vector.shape_cast %parallel_loop3A_551 : vector<1x16xf32> to vector<16xf32>
        %parallel_loop3A_553 = vector.shape_cast %parallel_loop3A_548 : vector<16xf32> to vector<1x16xf32>
        tpu.vector_store %arg13[%parallel_loop3A_549, %parallel_loop3A_550], %parallel_loop3A_553 {strides = array<i32>} : memref<32x128xf32, #tpu.memory_space<vmem>>, vector<1x16xf32>,
        %parallel_loop3A_554 = arith.index_cast %parallel_loop3A_487 : i32 to index
        %parallel_loop3A_555 = arith.constant 48 : index
        %parallel_loop3A_556 = tpu.vector_load %arg9[%parallel_loop3A_554, %parallel_loop3A_555] {strides = array<i32>} : memref<64x128xf32, #tpu.memory_space<vmem>>, vector<1x16xf32>,
        %parallel_loop3A_557 = vector.shape_cast %parallel_loop3A_556 : vector<1x16xf32> to vector<16xf32>
        %parallel_loop3A_558 = arith.index_cast %parallel_loop3A_487 : i32 to index
        %parallel_loop3A_559 = arith.constant 112 : index
        %parallel_loop3A_560 = tpu.vector_load %arg9[%parallel_loop3A_558, %parallel_loop3A_559] {strides = array<i32>} : memref<64x128xf32, #tpu.memory_space<vmem>>, vector<1x16xf32>,
        %parallel_loop3A_561 = vector.shape_cast %parallel_loop3A_560 : vector<1x16xf32> to vector<16xf32>
        %parallel_loop3A_562 = arith.addi %rem3A_107, %parallel_loop3A_326 : i32
        %parallel_loop3A_563 = arith.index_cast %parallel_loop3A_562 : i32 to index
        %parallel_loop3A_564 = arith.constant 112 : index
        %parallel_loop3A_565 = tpu.vector_load %arg8[%parallel_loop3A_563, %parallel_loop3A_564] {strides = array<i32>} : memref<200x128xf32, #tpu.memory_space<vmem>>, vector<1x16xf32>,
        %parallel_loop3A_566 = vector.shape_cast %parallel_loop3A_565 : vector<1x16xf32> to vector<16xf32>
        %parallel_loop3A_567 = arith.subf %parallel_loop3A_561, %parallel_loop3A_557 : vector<16xf32>
        %parallel_loop3A_568 = arith.mulf %parallel_loop3A_483, %parallel_loop3A_567 : vector<16xf32>
        %parallel_loop3A_569 = arith.addf %parallel_loop3A_557, %parallel_loop3A_568 : vector<16xf32>
        %parallel_loop3A_570 = arith.addf %parallel_loop3A_569, %parallel_loop3A_566 : vector<16xf32>
        %parallel_loop3A_571 = arith.index_cast %parallel_loop3A_326 : i32 to index
        %parallel_loop3A_572 = arith.constant 112 : index
        %parallel_loop3A_573 = tpu.vector_load %arg13[%parallel_loop3A_571, %parallel_loop3A_572] {strides = array<i32>} : memref<32x128xf32, #tpu.memory_space<vmem>>, vector<1x16xf32>,
        %parallel_loop3A_574 = vector.shape_cast %parallel_loop3A_573 : vector<1x16xf32> to vector<16xf32>
        %parallel_loop3A_575 = vector.shape_cast %parallel_loop3A_570 : vector<16xf32> to vector<1x16xf32>
        tpu.vector_store %arg13[%parallel_loop3A_571, %parallel_loop3A_572], %parallel_loop3A_575 {strides = array<i32>} : memref<32x128xf32, #tpu.memory_space<vmem>>, vector<1x16xf32>,
      } {sc.loop_unroll_factor = 4 : i64, sc.parallel_access}
      %mul3A_111 = arith.constant 400 : i32
      %mul3A_112 = arith.muli %add3A, %mul3A_111 : i32
      %add3A_113 = arith.addi %mul3A_112, %add3A_75 : i32
      %dma_start3A_114 = arith.constant 0 : i32
      %dma_start3A_115 = arith.constant 0 : i32
      %dma_start3A_116 = tpu.memref_slice %arg5[%add3A_113, %dma_start3A_114, %dma_start3A_115] : memref<12800x32x128xf32, #tpu.memory_space<hbm>> -> memref<1x32x128xf32, #tpu.memory_space<hbm>>
      %dma_start3A_117 = tpu.memref_squeeze %dma_start3A_116 : memref<1x32x128xf32, #tpu.memory_space<hbm>> -> memref<32x128xf32, #tpu.memory_space<hbm>>
      %dma_start3A_118 = arith.constant 0 : i32
      %dma_start3A_119 = arith.constant 0 : i32
      %dma_start3A_120 = tpu.memref_slice %arg5[%add3A_113, %dma_start3A_118, %dma_start3A_119] : memref<12800x32x128xf32, #tpu.memory_space<hbm>> -> memref<1x32x128xf32, #tpu.memory_space<hbm>>
      %dma_start3A_121 = tpu.memref_squeeze %dma_start3A_120 : memref<1x32x128xf32, #tpu.memory_space<hbm>> -> memref<32x128xf32, #tpu.memory_space<hbm>>
      tpu.enqueue_dma source(%arg13 : memref<32x128xf32, #tpu.memory_space<vmem>>) target(%dma_start3A_121 : memref<32x128xf32, #tpu.memory_space<hbm>>) target_semaphore(%arg21 : memref<!tpu.dma_semaphore, #tpu.memory_space<semaphore_mem>>)
      %add3A_122 = arith.constant 4 : i32
      %add3A_123 = arith.addi %add3A_75, %add3A_122 : i32
      %lt3A = arith.constant 400 : i32
      %lt3A_124 = arith.cmpi slt, %add3A_123, %lt3A : i32
      %convert_element_type3A_125 = arith.extui %lt3A_124 : i1 to i32
      %cond3A_126 = arith.constant 0 : i32
      %cond3A_127 = arith.cmpi ne, %convert_element_type3A_125, %cond3A_126 : i32
      scf.if %cond3A_127 {
        %jit3A_326 = arith.constant 2 : i32
        %div3A_327 = arith.divsi %add3A_73, %jit3A_326 : i32
        %sign3A_328 = arith.constant 0 : i32
        %sign3A_329 = arith.cmpi sgt, %add3A_73, %sign3A_328 : i32
        %sign3A_330 = arith.extui %sign3A_329 : i1 to i32
        %sign3A_331 = arith.constant 0 : i32
        %sign3A_332 = arith.cmpi slt, %add3A_73, %sign3A_331 : i32
        %sign3A_333 = arith.extui %sign3A_332 : i1 to i32
        %sign3A_334 = arith.subi %sign3A_330, %sign3A_333 : i32
        %sign3A_335 = arith.constant 0 : i32
        %sign3A_336 = arith.cmpi sgt, %jit3A_326, %sign3A_335 : i32
        %sign3A_337 = arith.extui %sign3A_336 : i1 to i32
        %sign3A_338 = arith.constant 0 : i32
        %sign3A_339 = arith.cmpi slt, %jit3A_326, %sign3A_338 : i32
        %sign3A_340 = arith.extui %sign3A_339 : i1 to i32
        %sign3A_341 = arith.subi %sign3A_337, %sign3A_340 : i32
        %ne3A_342 = arith.cmpi ne, %sign3A_334, %sign3A_341 : i32
        %rem3A_343 = arith.remsi %add3A_73, %jit3A_326 : i32
        %ne3A_344 = arith.constant 0 : i32
        %ne3A_345 = arith.cmpi ne, %rem3A_343, %ne3A_344 : i32
        %and3A_346 = arith.andi %ne3A_342, %ne3A_345 : i1
        %sub3A_347 = arith.constant 1 : i32
        %sub3A_348 = arith.subi %div3A_327, %sub3A_347 : i32
        %select_n3A_349 = arith.select %and3A_346, %sub3A_348, %div3A_327 : i32
        %add3A_350 = arith.constant 2 : i32
        %add3A_351 = arith.addi %select_n3A_349, %add3A_350 : i32
        %dma_start3A_352 = arith.constant 0 : i32
        %dma_start3A_353 = tpu.memref_slice %arg6[%add3A_351, %dma_start3A_352] : memref<200x128xi32, #tpu.memory_space<vmem>> -> memref<1x64xi32, #tpu.memory_space<vmem>>
        %dma_start3A_354 = tpu.memref_squeeze %dma_start3A_353 : memref<1x64xi32, #tpu.memory_space<vmem>> -> memref<64xi32, #tpu.memory_space<vmem>>
        %dma_start3A_355 = arith.constant 0 : i32
        %dma_start3A_356 = arith.constant 0 : i32
        %dma_start3A_357 = tpu.memref_slice %arg3[%dma_start3A_355, %dma_start3A_356] : memref<500000x128xf32, #tpu.memory_space<hbm>> -> memref<500000x128xf32, #tpu.memory_space<hbm>>
        tpu.enqueue_indirect_dma source(%dma_start3A_357 : memref<500000x128xf32, #tpu.memory_space<hbm>>) target(%arg9 : memref<64x128xf32, #tpu.memory_space<vmem>>) offsets(%dma_start3A_354 : memref<64xi32, #tpu.memory_space<vmem>>) semaphore(%arg17 : memref<!tpu.dma_semaphore, #tpu.memory_space<semaphore_mem>>)
      } else {
      }
      %add3A_128 = arith.constant 1 : i32
      %add3A_129 = arith.addi %add3A_73, %add3A_128 : i32
      %jit3A_130 = arith.constant 2 : i32
      %div3A_131 = arith.divsi %add3A_129, %jit3A_130 : i32
      %sign3A_132 = arith.constant 0 : i32
      %sign3A_133 = arith.cmpi sgt, %add3A_129, %sign3A_132 : i32
      %sign3A_134 = arith.extui %sign3A_133 : i1 to i32
      %sign3A_135 = arith.constant 0 : i32
      %sign3A_136 = arith.cmpi slt, %add3A_129, %sign3A_135 : i32
      %sign3A_137 = arith.extui %sign3A_136 : i1 to i32
      %sign3A_138 = arith.subi %sign3A_134, %sign3A_137 : i32
      %sign3A_139 = arith.constant 0 : i32
      %sign3A_140 = arith.cmpi sgt, %jit3A_130, %sign3A_139 : i32
      %sign3A_141 = arith.extui %sign3A_140 : i1 to i32
      %sign3A_142 = arith.constant 0 : i32
      %sign3A_143 = arith.cmpi slt, %jit3A_130, %sign3A_142 : i32
      %sign3A_144 = arith.extui %sign3A_143 : i1 to i32
      %sign3A_145 = arith.subi %sign3A_141, %sign3A_144 : i32
      %ne3A_146 = arith.cmpi ne, %sign3A_138, %sign3A_145 : i32
      %rem3A_147 = arith.remsi %add3A_129, %jit3A_130 : i32
      %ne3A_148 = arith.constant 0 : i32
      %ne3A_149 = arith.cmpi ne, %rem3A_147, %ne3A_148 : i32
      %and3A_150 = arith.andi %ne3A_146, %ne3A_149 : i1
      %sub3A_151 = arith.constant 1 : i32
      %sub3A_152 = arith.subi %div3A_131, %sub3A_151 : i32
      %select_n3A_153 = arith.select %and3A_150, %sub3A_152, %div3A_131 : i32
      %rem3A_154 = arith.constant 2 : i32
      %rem3A_155 = arith.remsi %add3A_129, %rem3A_154 : i32
      %mul3A_156 = arith.constant 64 : i32
      %mul3A_157 = arith.muli %rem3A_155, %mul3A_156 : i32
      %dma_wait3A_158 = arith.constant 0 : i32
      %dma_wait3A_159 = tpu.memref_slice %arg6[%add3A_73, %dma_wait3A_158] : memref<200x128xi32, #tpu.memory_space<vmem>> -> memref<1x64xi32, #tpu.memory_space<vmem>>
      %dma_wait3A_160 = tpu.memref_squeeze %dma_wait3A_159 : memref<1x64xi32, #tpu.memory_space<vmem>> -> memref<64xi32, #tpu.memory_space<vmem>>
      %dma_wait3A_161 = arith.constant 0 : i32
      %dma_wait3A_162 = arith.constant 0 : i32
      %dma_wait3A_163 = tpu.memref_slice %arg3[%dma_wait3A_161, %dma_wait3A_162] : memref<500000x128xf32, #tpu.memory_space<hbm>> -> memref<500000x128xf32, #tpu.memory_space<hbm>>
      tpu.wait_indirect_dma semaphore(%arg18 : memref<!tpu.dma_semaphore, #tpu.memory_space<semaphore_mem>>) src(%dma_wait3A_163 : memref<500000x128xf32, #tpu.memory_space<hbm>>) dst(%arg10 : memref<64x128xf32, #tpu.memory_space<vmem>>)
      %gt3A_164 = arith.constant 0 : i32
      %gt3A_165 = arith.cmpi sgt, %add3A_73, %gt3A_164 : i32
      %convert_element_type3A_166 = arith.extui %gt3A_165 : i1 to i32
      %cond3A_167 = arith.constant 0 : i32
      %cond3A_168 = arith.cmpi ne, %convert_element_type3A_166, %cond3A_167 : i32
      scf.if %cond3A_168 {
        %dma_wait3A_326 = arith.constant 0 : i32
        %dma_wait3A_327 = arith.constant 0 : i32
        %dma_wait3A_328 = tpu.memref_slice %arg5[%add3A_129, %dma_wait3A_326, %dma_wait3A_327] : memref<12800x32x128xf32, #tpu.memory_space<hbm>> -> memref<1x32x128xf32, #tpu.memory_space<hbm>>
        %dma_wait3A_329 = tpu.memref_squeeze %dma_wait3A_328 : memref<1x32x128xf32, #tpu.memory_space<hbm>> -> memref<32x128xf32, #tpu.memory_space<hbm>>
        %dma_wait3A_330 = arith.constant 0 : i32
        %dma_wait3A_331 = arith.constant 0 : i32
        %dma_wait3A_332 = tpu.memref_slice %arg5[%add3A_129, %dma_wait3A_330, %dma_wait3A_331] : memref<12800x32x128xf32, #tpu.memory_space<hbm>> -> memref<1x32x128xf32, #tpu.memory_space<hbm>>
        %dma_wait3A_333 = tpu.memref_squeeze %dma_wait3A_332 : memref<1x32x128xf32, #tpu.memory_space<hbm>> -> memref<32x128xf32, #tpu.memory_space<hbm>>
        tpu.wait_dma2 semaphore(%arg22 : memref<!tpu.dma_semaphore, #tpu.memory_space<semaphore_mem>>) src(%arg14 : memref<32x128xf32, #tpu.memory_space<vmem>>) dst(%dma_wait3A_333 : memref<32x128xf32, #tpu.memory_space<hbm>>)
      } else {
      }
      %mul3A_169 = arith.constant 32 : i32
      %mul3A_170 = arith.muli %add3A_129, %mul3A_169 : i32
      %rem3A_171 = arith.constant 100 : i32
      %rem3A_172 = arith.remsi %mul3A_170, %rem3A_171 : i32
      %parallel_loop3A_173 = arith.constant 0 : i32
      %parallel_loop3A_174 = arith.constant 32 : i32
      %parallel_loop3A_175 = arith.constant 1 : i32
      scf.for %parallel_loop3A_326 = %parallel_loop3A_173 to %parallel_loop3A_174 step %parallel_loop3A_175  : i32 {
        %parallel_loop3A_327 = arith.constant 8 : i32
        %parallel_loop3A_328 = arith.divsi %parallel_loop3A_326, %parallel_loop3A_327 : i32
        %parallel_loop3A_329 = arith.constant 0 : i32
        %parallel_loop3A_330 = arith.cmpi sgt, %parallel_loop3A_326, %parallel_loop3A_329 : i32
        %parallel_loop3A_331 = arith.extui %parallel_loop3A_330 : i1 to i32
        %parallel_loop3A_332 = arith.constant 0 : i32
        %parallel_loop3A_333 = arith.cmpi slt, %parallel_loop3A_326, %parallel_loop3A_332 : i32
        %parallel_loop3A_334 = arith.extui %parallel_loop3A_333 : i1 to i32
        %parallel_loop3A_335 = arith.subi %parallel_loop3A_331, %parallel_loop3A_334 : i32
        %parallel_loop3A_336 = arith.constant 0 : i32
        %parallel_loop3A_337 = arith.cmpi sgt, %parallel_loop3A_327, %parallel_loop3A_336 : i32
        %parallel_loop3A_338 = arith.extui %parallel_loop3A_337 : i1 to i32
        %parallel_loop3A_339 = arith.constant 0 : i32
        %parallel_loop3A_340 = arith.cmpi slt, %parallel_loop3A_327, %parallel_loop3A_339 : i32
        %parallel_loop3A_341 = arith.extui %parallel_loop3A_340 : i1 to i32
        %parallel_loop3A_342 = arith.subi %parallel_loop3A_338, %parallel_loop3A_341 : i32
        %parallel_loop3A_343 = arith.cmpi ne, %parallel_loop3A_335, %parallel_loop3A_342 : i32
        %parallel_loop3A_344 = arith.remsi %parallel_loop3A_326, %parallel_loop3A_327 : i32
        %parallel_loop3A_345 = arith.constant 0 : i32
        %parallel_loop3A_346 = arith.cmpi ne, %parallel_loop3A_344, %parallel_loop3A_345 : i32
        %parallel_loop3A_347 = arith.andi %parallel_loop3A_343, %parallel_loop3A_346 : i1
        %parallel_loop3A_348 = arith.constant 1 : i32
        %parallel_loop3A_349 = arith.subi %parallel_loop3A_328, %parallel_loop3A_348 : i32
        %parallel_loop3A_350 = arith.select %parallel_loop3A_347, %parallel_loop3A_349, %parallel_loop3A_328 : i32
        %parallel_loop3A_351 = arith.constant 16 : i32
        %parallel_loop3A_352 = arith.muli %parallel_loop3A_350, %parallel_loop3A_351 : i32
        %parallel_loop3A_353 = arith.addi %mul3A_157, %parallel_loop3A_352 : i32
        %parallel_loop3A_354 = arith.index_cast %select_n3A_153 : i32 to index
        %parallel_loop3A_355 = arith.index_cast %parallel_loop3A_353 : i32 to index
        %parallel_loop3A_356 = tpu.vector_load %arg7[%parallel_loop3A_354, %parallel_loop3A_355] {strides = array<i32>} : memref<200x128xi32, #tpu.memory_space<vmem>>, vector<1x16xi32>,
        %parallel_loop3A_357 = vector.shape_cast %parallel_loop3A_356 : vector<1x16xi32> to vector<16xi32>
        %parallel_loop3A_358 = arith.constant 1 : i32
        %parallel_loop3A_359 = vector.broadcast %parallel_loop3A_358 : i32 to vector<16xi32>
        %parallel_loop3A_360 = arith.andi %parallel_loop3A_357, %parallel_loop3A_359 : vector<16xi32>
        %parallel_loop3A_361 = arith.sitofp %parallel_loop3A_360 : vector<16xi32> to vector<16xf32>
        %parallel_loop3A_362 = arith.constant 8 : i32
        %parallel_loop3A_363 = arith.remsi %parallel_loop3A_326, %parallel_loop3A_362 : i32
        %parallel_loop3A_364 = arith.constant 2 : i32
        %parallel_loop3A_365 = arith.muli %parallel_loop3A_363, %parallel_loop3A_364 : i32
        %parallel_loop3A_366 = arith.constant 0 : i32
        %parallel_loop3A_367 = arith.addi %parallel_loop3A_365, %parallel_loop3A_366 : i32
        %parallel_loop3A_368 = vector.broadcast %parallel_loop3A_367 : i32 to vector<16xi32>
        %parallel_loop3A_369 = arith.constant 0 : i32
        %parallel_loop3A_370 = vector.broadcast %parallel_loop3A_369 : i32 to vector<16xi32>
        %parallel_loop3A_371 = arith.cmpi slt, %parallel_loop3A_368, %parallel_loop3A_370 : vector<16xi32>
        %parallel_loop3A_372 = arith.constant 16 : i32
        %parallel_loop3A_373 = vector.broadcast %parallel_loop3A_372 : i32 to vector<16xi32>
        %parallel_loop3A_374 = arith.addi %parallel_loop3A_368, %parallel_loop3A_373 : vector<16xi32>
        %parallel_loop3A_375 = arith.select %parallel_loop3A_371, %parallel_loop3A_374, %parallel_loop3A_368 : vector<16xi1>, vector<16xi32>
        %parallel_loop3A_376 = vector.shape_cast %parallel_loop3A_375 : vector<16xi32> to vector<16x1xi32>
        %parallel_loop3A_377 = vector.shape_cast %parallel_loop3A_376 : vector<16x1xi32> to vector<16xi32>
        %parallel_loop3A_378 = tpu.dynamic_gather %parallel_loop3A_361[%parallel_loop3A_377] in [0] : vector<16xf32>, vector<16xi32> -> vector<16xf32>
        %parallel_loop3A_379 = arith.constant 2 : i32
        %parallel_loop3A_380 = arith.muli %parallel_loop3A_379, %parallel_loop3A_326 : i32
        %parallel_loop3A_381 = arith.constant 0 : i32
        %parallel_loop3A_382 = arith.addi %parallel_loop3A_380, %parallel_loop3A_381 : i32
        %parallel_loop3A_383 = arith.index_cast %parallel_loop3A_382 : i32 to index
        %parallel_loop3A_384 = arith.constant 0 : index
        %parallel_loop3A_385 = tpu.vector_load %arg10[%parallel_loop3A_383, %parallel_loop3A_384] {strides = array<i32>} : memref<64x128xf32, #tpu.memory_space<vmem>>, vector<1x16xf32>,
        %parallel_loop3A_386 = vector.shape_cast %parallel_loop3A_385 : vector<1x16xf32> to vector<16xf32>
        %parallel_loop3A_387 = arith.index_cast %parallel_loop3A_382 : i32 to index
        %parallel_loop3A_388 = arith.constant 64 : index
        %parallel_loop3A_389 = tpu.vector_load %arg10[%parallel_loop3A_387, %parallel_loop3A_388] {strides = array<i32>} : memref<64x128xf32, #tpu.memory_space<vmem>>, vector<1x16xf32>,
        %parallel_loop3A_390 = vector.shape_cast %parallel_loop3A_389 : vector<1x16xf32> to vector<16xf32>
        %parallel_loop3A_391 = arith.addi %rem3A_172, %parallel_loop3A_326 : i32
        %parallel_loop3A_392 = arith.index_cast %parallel_loop3A_391 : i32 to index
        %parallel_loop3A_393 = arith.constant 0 : index
        %parallel_loop3A_394 = tpu.vector_load %arg8[%parallel_loop3A_392, %parallel_loop3A_393] {strides = array<i32>} : memref<200x128xf32, #tpu.memory_space<vmem>>, vector<1x16xf32>,
        %parallel_loop3A_395 = vector.shape_cast %parallel_loop3A_394 : vector<1x16xf32> to vector<16xf32>
        %parallel_loop3A_396 = arith.subf %parallel_loop3A_390, %parallel_loop3A_386 : vector<16xf32>
        %parallel_loop3A_397 = arith.mulf %parallel_loop3A_378, %parallel_loop3A_396 : vector<16xf32>
        %parallel_loop3A_398 = arith.addf %parallel_loop3A_386, %parallel_loop3A_397 : vector<16xf32>
        %parallel_loop3A_399 = arith.addf %parallel_loop3A_398, %parallel_loop3A_395 : vector<16xf32>
        %parallel_loop3A_400 = arith.index_cast %parallel_loop3A_326 : i32 to index
        %parallel_loop3A_401 = arith.constant 0 : index
        %parallel_loop3A_402 = tpu.vector_load %arg14[%parallel_loop3A_400, %parallel_loop3A_401] {strides = array<i32>} : memref<32x128xf32, #tpu.memory_space<vmem>>, vector<1x16xf32>,
        %parallel_loop3A_403 = vector.shape_cast %parallel_loop3A_402 : vector<1x16xf32> to vector<16xf32>
        %parallel_loop3A_404 = vector.shape_cast %parallel_loop3A_399 : vector<16xf32> to vector<1x16xf32>
        tpu.vector_store %arg14[%parallel_loop3A_400, %parallel_loop3A_401], %parallel_loop3A_404 {strides = array<i32>} : memref<32x128xf32, #tpu.memory_space<vmem>>, vector<1x16xf32>,
        %parallel_loop3A_405 = arith.index_cast %parallel_loop3A_382 : i32 to index
        %parallel_loop3A_406 = arith.constant 16 : index
        %parallel_loop3A_407 = tpu.vector_load %arg10[%parallel_loop3A_405, %parallel_loop3A_406] {strides = array<i32>} : memref<64x128xf32, #tpu.memory_space<vmem>>, vector<1x16xf32>,
        %parallel_loop3A_408 = vector.shape_cast %parallel_loop3A_407 : vector<1x16xf32> to vector<16xf32>
        %parallel_loop3A_409 = arith.index_cast %parallel_loop3A_382 : i32 to index
        %parallel_loop3A_410 = arith.constant 80 : index
        %parallel_loop3A_411 = tpu.vector_load %arg10[%parallel_loop3A_409, %parallel_loop3A_410] {strides = array<i32>} : memref<64x128xf32, #tpu.memory_space<vmem>>, vector<1x16xf32>,
        %parallel_loop3A_412 = vector.shape_cast %parallel_loop3A_411 : vector<1x16xf32> to vector<16xf32>
        %parallel_loop3A_413 = arith.addi %rem3A_172, %parallel_loop3A_326 : i32
        %parallel_loop3A_414 = arith.index_cast %parallel_loop3A_413 : i32 to index
        %parallel_loop3A_415 = arith.constant 16 : index
        %parallel_loop3A_416 = tpu.vector_load %arg8[%parallel_loop3A_414, %parallel_loop3A_415] {strides = array<i32>} : memref<200x128xf32, #tpu.memory_space<vmem>>, vector<1x16xf32>,
        %parallel_loop3A_417 = vector.shape_cast %parallel_loop3A_416 : vector<1x16xf32> to vector<16xf32>
        %parallel_loop3A_418 = arith.subf %parallel_loop3A_412, %parallel_loop3A_408 : vector<16xf32>
        %parallel_loop3A_419 = arith.mulf %parallel_loop3A_378, %parallel_loop3A_418 : vector<16xf32>
        %parallel_loop3A_420 = arith.addf %parallel_loop3A_408, %parallel_loop3A_419 : vector<16xf32>
        %parallel_loop3A_421 = arith.addf %parallel_loop3A_420, %parallel_loop3A_417 : vector<16xf32>
        %parallel_loop3A_422 = arith.index_cast %parallel_loop3A_326 : i32 to index
        %parallel_loop3A_423 = arith.constant 16 : index
        %parallel_loop3A_424 = tpu.vector_load %arg14[%parallel_loop3A_422, %parallel_loop3A_423] {strides = array<i32>} : memref<32x128xf32, #tpu.memory_space<vmem>>, vector<1x16xf32>,
        %parallel_loop3A_425 = vector.shape_cast %parallel_loop3A_424 : vector<1x16xf32> to vector<16xf32>
        %parallel_loop3A_426 = vector.shape_cast %parallel_loop3A_421 : vector<16xf32> to vector<1x16xf32>
        tpu.vector_store %arg14[%parallel_loop3A_422, %parallel_loop3A_423], %parallel_loop3A_426 {strides = array<i32>} : memref<32x128xf32, #tpu.memory_space<vmem>>, vector<1x16xf32>,
        %parallel_loop3A_427 = arith.index_cast %parallel_loop3A_382 : i32 to index
        %parallel_loop3A_428 = arith.constant 32 : index
        %parallel_loop3A_429 = tpu.vector_load %arg10[%parallel_loop3A_427, %parallel_loop3A_428] {strides = array<i32>} : memref<64x128xf32, #tpu.memory_space<vmem>>, vector<1x16xf32>,
        %parallel_loop3A_430 = vector.shape_cast %parallel_loop3A_429 : vector<1x16xf32> to vector<16xf32>
        %parallel_loop3A_431 = arith.index_cast %parallel_loop3A_382 : i32 to index
        %parallel_loop3A_432 = arith.constant 96 : index
        %parallel_loop3A_433 = tpu.vector_load %arg10[%parallel_loop3A_431, %parallel_loop3A_432] {strides = array<i32>} : memref<64x128xf32, #tpu.memory_space<vmem>>, vector<1x16xf32>,
        %parallel_loop3A_434 = vector.shape_cast %parallel_loop3A_433 : vector<1x16xf32> to vector<16xf32>
        %parallel_loop3A_435 = arith.addi %rem3A_172, %parallel_loop3A_326 : i32
        %parallel_loop3A_436 = arith.index_cast %parallel_loop3A_435 : i32 to index
        %parallel_loop3A_437 = arith.constant 32 : index
        %parallel_loop3A_438 = tpu.vector_load %arg8[%parallel_loop3A_436, %parallel_loop3A_437] {strides = array<i32>} : memref<200x128xf32, #tpu.memory_space<vmem>>, vector<1x16xf32>,
        %parallel_loop3A_439 = vector.shape_cast %parallel_loop3A_438 : vector<1x16xf32> to vector<16xf32>
        %parallel_loop3A_440 = arith.subf %parallel_loop3A_434, %parallel_loop3A_430 : vector<16xf32>
        %parallel_loop3A_441 = arith.mulf %parallel_loop3A_378, %parallel_loop3A_440 : vector<16xf32>
        %parallel_loop3A_442 = arith.addf %parallel_loop3A_430, %parallel_loop3A_441 : vector<16xf32>
        %parallel_loop3A_443 = arith.addf %parallel_loop3A_442, %parallel_loop3A_439 : vector<16xf32>
        %parallel_loop3A_444 = arith.index_cast %parallel_loop3A_326 : i32 to index
        %parallel_loop3A_445 = arith.constant 32 : index
        %parallel_loop3A_446 = tpu.vector_load %arg14[%parallel_loop3A_444, %parallel_loop3A_445] {strides = array<i32>} : memref<32x128xf32, #tpu.memory_space<vmem>>, vector<1x16xf32>,
        %parallel_loop3A_447 = vector.shape_cast %parallel_loop3A_446 : vector<1x16xf32> to vector<16xf32>
        %parallel_loop3A_448 = vector.shape_cast %parallel_loop3A_443 : vector<16xf32> to vector<1x16xf32>
        tpu.vector_store %arg14[%parallel_loop3A_444, %parallel_loop3A_445], %parallel_loop3A_448 {strides = array<i32>} : memref<32x128xf32, #tpu.memory_space<vmem>>, vector<1x16xf32>,
        %parallel_loop3A_449 = arith.index_cast %parallel_loop3A_382 : i32 to index
        %parallel_loop3A_450 = arith.constant 48 : index
        %parallel_loop3A_451 = tpu.vector_load %arg10[%parallel_loop3A_449, %parallel_loop3A_450] {strides = array<i32>} : memref<64x128xf32, #tpu.memory_space<vmem>>, vector<1x16xf32>,
        %parallel_loop3A_452 = vector.shape_cast %parallel_loop3A_451 : vector<1x16xf32> to vector<16xf32>
        %parallel_loop3A_453 = arith.index_cast %parallel_loop3A_382 : i32 to index
        %parallel_loop3A_454 = arith.constant 112 : index
        %parallel_loop3A_455 = tpu.vector_load %arg10[%parallel_loop3A_453, %parallel_loop3A_454] {strides = array<i32>} : memref<64x128xf32, #tpu.memory_space<vmem>>, vector<1x16xf32>,
        %parallel_loop3A_456 = vector.shape_cast %parallel_loop3A_455 : vector<1x16xf32> to vector<16xf32>
        %parallel_loop3A_457 = arith.addi %rem3A_172, %parallel_loop3A_326 : i32
        %parallel_loop3A_458 = arith.index_cast %parallel_loop3A_457 : i32 to index
        %parallel_loop3A_459 = arith.constant 48 : index
        %parallel_loop3A_460 = tpu.vector_load %arg8[%parallel_loop3A_458, %parallel_loop3A_459] {strides = array<i32>} : memref<200x128xf32, #tpu.memory_space<vmem>>, vector<1x16xf32>,
        %parallel_loop3A_461 = vector.shape_cast %parallel_loop3A_460 : vector<1x16xf32> to vector<16xf32>
        %parallel_loop3A_462 = arith.subf %parallel_loop3A_456, %parallel_loop3A_452 : vector<16xf32>
        %parallel_loop3A_463 = arith.mulf %parallel_loop3A_378, %parallel_loop3A_462 : vector<16xf32>
        %parallel_loop3A_464 = arith.addf %parallel_loop3A_452, %parallel_loop3A_463 : vector<16xf32>
        %parallel_loop3A_465 = arith.addf %parallel_loop3A_464, %parallel_loop3A_461 : vector<16xf32>
        %parallel_loop3A_466 = arith.index_cast %parallel_loop3A_326 : i32 to index
        %parallel_loop3A_467 = arith.constant 48 : index
        %parallel_loop3A_468 = tpu.vector_load %arg14[%parallel_loop3A_466, %parallel_loop3A_467] {strides = array<i32>} : memref<32x128xf32, #tpu.memory_space<vmem>>, vector<1x16xf32>,
        %parallel_loop3A_469 = vector.shape_cast %parallel_loop3A_468 : vector<1x16xf32> to vector<16xf32>
        %parallel_loop3A_470 = vector.shape_cast %parallel_loop3A_465 : vector<16xf32> to vector<1x16xf32>
        tpu.vector_store %arg14[%parallel_loop3A_466, %parallel_loop3A_467], %parallel_loop3A_470 {strides = array<i32>} : memref<32x128xf32, #tpu.memory_space<vmem>>, vector<1x16xf32>,
        %parallel_loop3A_471 = arith.constant 1 : i32
        %parallel_loop3A_472 = arith.addi %parallel_loop3A_365, %parallel_loop3A_471 : i32
        %parallel_loop3A_473 = vector.broadcast %parallel_loop3A_472 : i32 to vector<16xi32>
        %parallel_loop3A_474 = arith.constant 0 : i32
        %parallel_loop3A_475 = vector.broadcast %parallel_loop3A_474 : i32 to vector<16xi32>
        %parallel_loop3A_476 = arith.cmpi slt, %parallel_loop3A_473, %parallel_loop3A_475 : vector<16xi32>
        %parallel_loop3A_477 = arith.constant 16 : i32
        %parallel_loop3A_478 = vector.broadcast %parallel_loop3A_477 : i32 to vector<16xi32>
        %parallel_loop3A_479 = arith.addi %parallel_loop3A_473, %parallel_loop3A_478 : vector<16xi32>
        %parallel_loop3A_480 = arith.select %parallel_loop3A_476, %parallel_loop3A_479, %parallel_loop3A_473 : vector<16xi1>, vector<16xi32>
        %parallel_loop3A_481 = vector.shape_cast %parallel_loop3A_480 : vector<16xi32> to vector<16x1xi32>
        %parallel_loop3A_482 = vector.shape_cast %parallel_loop3A_481 : vector<16x1xi32> to vector<16xi32>
        %parallel_loop3A_483 = tpu.dynamic_gather %parallel_loop3A_361[%parallel_loop3A_482] in [0] : vector<16xf32>, vector<16xi32> -> vector<16xf32>
        %parallel_loop3A_484 = arith.constant 2 : i32
        %parallel_loop3A_485 = arith.muli %parallel_loop3A_484, %parallel_loop3A_326 : i32
        %parallel_loop3A_486 = arith.constant 1 : i32
        %parallel_loop3A_487 = arith.addi %parallel_loop3A_485, %parallel_loop3A_486 : i32
        %parallel_loop3A_488 = arith.index_cast %parallel_loop3A_487 : i32 to index
        %parallel_loop3A_489 = arith.constant 0 : index
        %parallel_loop3A_490 = tpu.vector_load %arg10[%parallel_loop3A_488, %parallel_loop3A_489] {strides = array<i32>} : memref<64x128xf32, #tpu.memory_space<vmem>>, vector<1x16xf32>,
        %parallel_loop3A_491 = vector.shape_cast %parallel_loop3A_490 : vector<1x16xf32> to vector<16xf32>
        %parallel_loop3A_492 = arith.index_cast %parallel_loop3A_487 : i32 to index
        %parallel_loop3A_493 = arith.constant 64 : index
        %parallel_loop3A_494 = tpu.vector_load %arg10[%parallel_loop3A_492, %parallel_loop3A_493] {strides = array<i32>} : memref<64x128xf32, #tpu.memory_space<vmem>>, vector<1x16xf32>,
        %parallel_loop3A_495 = vector.shape_cast %parallel_loop3A_494 : vector<1x16xf32> to vector<16xf32>
        %parallel_loop3A_496 = arith.addi %rem3A_172, %parallel_loop3A_326 : i32
        %parallel_loop3A_497 = arith.index_cast %parallel_loop3A_496 : i32 to index
        %parallel_loop3A_498 = arith.constant 64 : index
        %parallel_loop3A_499 = tpu.vector_load %arg8[%parallel_loop3A_497, %parallel_loop3A_498] {strides = array<i32>} : memref<200x128xf32, #tpu.memory_space<vmem>>, vector<1x16xf32>,
        %parallel_loop3A_500 = vector.shape_cast %parallel_loop3A_499 : vector<1x16xf32> to vector<16xf32>
        %parallel_loop3A_501 = arith.subf %parallel_loop3A_495, %parallel_loop3A_491 : vector<16xf32>
        %parallel_loop3A_502 = arith.mulf %parallel_loop3A_483, %parallel_loop3A_501 : vector<16xf32>
        %parallel_loop3A_503 = arith.addf %parallel_loop3A_491, %parallel_loop3A_502 : vector<16xf32>
        %parallel_loop3A_504 = arith.addf %parallel_loop3A_503, %parallel_loop3A_500 : vector<16xf32>
        %parallel_loop3A_505 = arith.index_cast %parallel_loop3A_326 : i32 to index
        %parallel_loop3A_506 = arith.constant 64 : index
        %parallel_loop3A_507 = tpu.vector_load %arg14[%parallel_loop3A_505, %parallel_loop3A_506] {strides = array<i32>} : memref<32x128xf32, #tpu.memory_space<vmem>>, vector<1x16xf32>,
        %parallel_loop3A_508 = vector.shape_cast %parallel_loop3A_507 : vector<1x16xf32> to vector<16xf32>
        %parallel_loop3A_509 = vector.shape_cast %parallel_loop3A_504 : vector<16xf32> to vector<1x16xf32>
        tpu.vector_store %arg14[%parallel_loop3A_505, %parallel_loop3A_506], %parallel_loop3A_509 {strides = array<i32>} : memref<32x128xf32, #tpu.memory_space<vmem>>, vector<1x16xf32>,
        %parallel_loop3A_510 = arith.index_cast %parallel_loop3A_487 : i32 to index
        %parallel_loop3A_511 = arith.constant 16 : index
        %parallel_loop3A_512 = tpu.vector_load %arg10[%parallel_loop3A_510, %parallel_loop3A_511] {strides = array<i32>} : memref<64x128xf32, #tpu.memory_space<vmem>>, vector<1x16xf32>,
        %parallel_loop3A_513 = vector.shape_cast %parallel_loop3A_512 : vector<1x16xf32> to vector<16xf32>
        %parallel_loop3A_514 = arith.index_cast %parallel_loop3A_487 : i32 to index
        %parallel_loop3A_515 = arith.constant 80 : index
        %parallel_loop3A_516 = tpu.vector_load %arg10[%parallel_loop3A_514, %parallel_loop3A_515] {strides = array<i32>} : memref<64x128xf32, #tpu.memory_space<vmem>>, vector<1x16xf32>,
        %parallel_loop3A_517 = vector.shape_cast %parallel_loop3A_516 : vector<1x16xf32> to vector<16xf32>
        %parallel_loop3A_518 = arith.addi %rem3A_172, %parallel_loop3A_326 : i32
        %parallel_loop3A_519 = arith.index_cast %parallel_loop3A_518 : i32 to index
        %parallel_loop3A_520 = arith.constant 80 : index
        %parallel_loop3A_521 = tpu.vector_load %arg8[%parallel_loop3A_519, %parallel_loop3A_520] {strides = array<i32>} : memref<200x128xf32, #tpu.memory_space<vmem>>, vector<1x16xf32>,
        %parallel_loop3A_522 = vector.shape_cast %parallel_loop3A_521 : vector<1x16xf32> to vector<16xf32>
        %parallel_loop3A_523 = arith.subf %parallel_loop3A_517, %parallel_loop3A_513 : vector<16xf32>
        %parallel_loop3A_524 = arith.mulf %parallel_loop3A_483, %parallel_loop3A_523 : vector<16xf32>
        %parallel_loop3A_525 = arith.addf %parallel_loop3A_513, %parallel_loop3A_524 : vector<16xf32>
        %parallel_loop3A_526 = arith.addf %parallel_loop3A_525, %parallel_loop3A_522 : vector<16xf32>
        %parallel_loop3A_527 = arith.index_cast %parallel_loop3A_326 : i32 to index
        %parallel_loop3A_528 = arith.constant 80 : index
        %parallel_loop3A_529 = tpu.vector_load %arg14[%parallel_loop3A_527, %parallel_loop3A_528] {strides = array<i32>} : memref<32x128xf32, #tpu.memory_space<vmem>>, vector<1x16xf32>,
        %parallel_loop3A_530 = vector.shape_cast %parallel_loop3A_529 : vector<1x16xf32> to vector<16xf32>
        %parallel_loop3A_531 = vector.shape_cast %parallel_loop3A_526 : vector<16xf32> to vector<1x16xf32>
        tpu.vector_store %arg14[%parallel_loop3A_527, %parallel_loop3A_528], %parallel_loop3A_531 {strides = array<i32>} : memref<32x128xf32, #tpu.memory_space<vmem>>, vector<1x16xf32>,
        %parallel_loop3A_532 = arith.index_cast %parallel_loop3A_487 : i32 to index
        %parallel_loop3A_533 = arith.constant 32 : index
        %parallel_loop3A_534 = tpu.vector_load %arg10[%parallel_loop3A_532, %parallel_loop3A_533] {strides = array<i32>} : memref<64x128xf32, #tpu.memory_space<vmem>>, vector<1x16xf32>,
        %parallel_loop3A_535 = vector.shape_cast %parallel_loop3A_534 : vector<1x16xf32> to vector<16xf32>
        %parallel_loop3A_536 = arith.index_cast %parallel_loop3A_487 : i32 to index
        %parallel_loop3A_537 = arith.constant 96 : index
        %parallel_loop3A_538 = tpu.vector_load %arg10[%parallel_loop3A_536, %parallel_loop3A_537] {strides = array<i32>} : memref<64x128xf32, #tpu.memory_space<vmem>>, vector<1x16xf32>,
        %parallel_loop3A_539 = vector.shape_cast %parallel_loop3A_538 : vector<1x16xf32> to vector<16xf32>
        %parallel_loop3A_540 = arith.addi %rem3A_172, %parallel_loop3A_326 : i32
        %parallel_loop3A_541 = arith.index_cast %parallel_loop3A_540 : i32 to index
        %parallel_loop3A_542 = arith.constant 96 : index
        %parallel_loop3A_543 = tpu.vector_load %arg8[%parallel_loop3A_541, %parallel_loop3A_542] {strides = array<i32>} : memref<200x128xf32, #tpu.memory_space<vmem>>, vector<1x16xf32>,
        %parallel_loop3A_544 = vector.shape_cast %parallel_loop3A_543 : vector<1x16xf32> to vector<16xf32>
        %parallel_loop3A_545 = arith.subf %parallel_loop3A_539, %parallel_loop3A_535 : vector<16xf32>
        %parallel_loop3A_546 = arith.mulf %parallel_loop3A_483, %parallel_loop3A_545 : vector<16xf32>
        %parallel_loop3A_547 = arith.addf %parallel_loop3A_535, %parallel_loop3A_546 : vector<16xf32>
        %parallel_loop3A_548 = arith.addf %parallel_loop3A_547, %parallel_loop3A_544 : vector<16xf32>
        %parallel_loop3A_549 = arith.index_cast %parallel_loop3A_326 : i32 to index
        %parallel_loop3A_550 = arith.constant 96 : index
        %parallel_loop3A_551 = tpu.vector_load %arg14[%parallel_loop3A_549, %parallel_loop3A_550] {strides = array<i32>} : memref<32x128xf32, #tpu.memory_space<vmem>>, vector<1x16xf32>,
        %parallel_loop3A_552 = vector.shape_cast %parallel_loop3A_551 : vector<1x16xf32> to vector<16xf32>
        %parallel_loop3A_553 = vector.shape_cast %parallel_loop3A_548 : vector<16xf32> to vector<1x16xf32>
        tpu.vector_store %arg14[%parallel_loop3A_549, %parallel_loop3A_550], %parallel_loop3A_553 {strides = array<i32>} : memref<32x128xf32, #tpu.memory_space<vmem>>, vector<1x16xf32>,
        %parallel_loop3A_554 = arith.index_cast %parallel_loop3A_487 : i32 to index
        %parallel_loop3A_555 = arith.constant 48 : index
        %parallel_loop3A_556 = tpu.vector_load %arg10[%parallel_loop3A_554, %parallel_loop3A_555] {strides = array<i32>} : memref<64x128xf32, #tpu.memory_space<vmem>>, vector<1x16xf32>,
        %parallel_loop3A_557 = vector.shape_cast %parallel_loop3A_556 : vector<1x16xf32> to vector<16xf32>
        %parallel_loop3A_558 = arith.index_cast %parallel_loop3A_487 : i32 to index
        %parallel_loop3A_559 = arith.constant 112 : index
        %parallel_loop3A_560 = tpu.vector_load %arg10[%parallel_loop3A_558, %parallel_loop3A_559] {strides = array<i32>} : memref<64x128xf32, #tpu.memory_space<vmem>>, vector<1x16xf32>,
        %parallel_loop3A_561 = vector.shape_cast %parallel_loop3A_560 : vector<1x16xf32> to vector<16xf32>
        %parallel_loop3A_562 = arith.addi %rem3A_172, %parallel_loop3A_326 : i32
        %parallel_loop3A_563 = arith.index_cast %parallel_loop3A_562 : i32 to index
        %parallel_loop3A_564 = arith.constant 112 : index
        %parallel_loop3A_565 = tpu.vector_load %arg8[%parallel_loop3A_563, %parallel_loop3A_564] {strides = array<i32>} : memref<200x128xf32, #tpu.memory_space<vmem>>, vector<1x16xf32>,
        %parallel_loop3A_566 = vector.shape_cast %parallel_loop3A_565 : vector<1x16xf32> to vector<16xf32>
        %parallel_loop3A_567 = arith.subf %parallel_loop3A_561, %parallel_loop3A_557 : vector<16xf32>
        %parallel_loop3A_568 = arith.mulf %parallel_loop3A_483, %parallel_loop3A_567 : vector<16xf32>
        %parallel_loop3A_569 = arith.addf %parallel_loop3A_557, %parallel_loop3A_568 : vector<16xf32>
        %parallel_loop3A_570 = arith.addf %parallel_loop3A_569, %parallel_loop3A_566 : vector<16xf32>
        %parallel_loop3A_571 = arith.index_cast %parallel_loop3A_326 : i32 to index
        %parallel_loop3A_572 = arith.constant 112 : index
        %parallel_loop3A_573 = tpu.vector_load %arg14[%parallel_loop3A_571, %parallel_loop3A_572] {strides = array<i32>} : memref<32x128xf32, #tpu.memory_space<vmem>>, vector<1x16xf32>,
        %parallel_loop3A_574 = vector.shape_cast %parallel_loop3A_573 : vector<1x16xf32> to vector<16xf32>
        %parallel_loop3A_575 = vector.shape_cast %parallel_loop3A_570 : vector<16xf32> to vector<1x16xf32>
        tpu.vector_store %arg14[%parallel_loop3A_571, %parallel_loop3A_572], %parallel_loop3A_575 {strides = array<i32>} : memref<32x128xf32, #tpu.memory_space<vmem>>, vector<1x16xf32>,
      } {sc.loop_unroll_factor = 4 : i64, sc.parallel_access}
      %mul3A_176 = arith.constant 400 : i32
      %mul3A_177 = arith.muli %add3A, %mul3A_176 : i32
      %add3A_178 = arith.addi %mul3A_177, %add3A_129 : i32
      %dma_start3A_179 = arith.constant 0 : i32
      %dma_start3A_180 = arith.constant 0 : i32
      %dma_start3A_181 = tpu.memref_slice %arg5[%add3A_178, %dma_start3A_179, %dma_start3A_180] : memref<12800x32x128xf32, #tpu.memory_space<hbm>> -> memref<1x32x128xf32, #tpu.memory_space<hbm>>
      %dma_start3A_182 = tpu.memref_squeeze %dma_start3A_181 : memref<1x32x128xf32, #tpu.memory_space<hbm>> -> memref<32x128xf32, #tpu.memory_space<hbm>>
      %dma_start3A_183 = arith.constant 0 : i32
      %dma_start3A_184 = arith.constant 0 : i32
      %dma_start3A_185 = tpu.memref_slice %arg5[%add3A_178, %dma_start3A_183, %dma_start3A_184] : memref<12800x32x128xf32, #tpu.memory_space<hbm>> -> memref<1x32x128xf32, #tpu.memory_space<hbm>>
      %dma_start3A_186 = tpu.memref_squeeze %dma_start3A_185 : memref<1x32x128xf32, #tpu.memory_space<hbm>> -> memref<32x128xf32, #tpu.memory_space<hbm>>
      tpu.enqueue_dma source(%arg14 : memref<32x128xf32, #tpu.memory_space<vmem>>) target(%dma_start3A_186 : memref<32x128xf32, #tpu.memory_space<hbm>>) target_semaphore(%arg22 : memref<!tpu.dma_semaphore, #tpu.memory_space<semaphore_mem>>)
      %add3A_187 = arith.constant 4 : i32
      %add3A_188 = arith.addi %add3A_129, %add3A_187 : i32
      %lt3A_189 = arith.constant 400 : i32
      %lt3A_190 = arith.cmpi slt, %add3A_188, %lt3A_189 : i32
      %convert_element_type3A_191 = arith.extui %lt3A_190 : i1 to i32
      %cond3A_192 = arith.constant 0 : i32
      %cond3A_193 = arith.cmpi ne, %convert_element_type3A_191, %cond3A_192 : i32
      scf.if %cond3A_193 {
        %jit3A_326 = arith.constant 2 : i32
        %div3A_327 = arith.divsi %add3A_73, %jit3A_326 : i32
        %sign3A_328 = arith.constant 0 : i32
        %sign3A_329 = arith.cmpi sgt, %add3A_73, %sign3A_328 : i32
        %sign3A_330 = arith.extui %sign3A_329 : i1 to i32
        %sign3A_331 = arith.constant 0 : i32
        %sign3A_332 = arith.cmpi slt, %add3A_73, %sign3A_331 : i32
        %sign3A_333 = arith.extui %sign3A_332 : i1 to i32
        %sign3A_334 = arith.subi %sign3A_330, %sign3A_333 : i32
        %sign3A_335 = arith.constant 0 : i32
        %sign3A_336 = arith.cmpi sgt, %jit3A_326, %sign3A_335 : i32
        %sign3A_337 = arith.extui %sign3A_336 : i1 to i32
        %sign3A_338 = arith.constant 0 : i32
        %sign3A_339 = arith.cmpi slt, %jit3A_326, %sign3A_338 : i32
        %sign3A_340 = arith.extui %sign3A_339 : i1 to i32
        %sign3A_341 = arith.subi %sign3A_337, %sign3A_340 : i32
        %ne3A_342 = arith.cmpi ne, %sign3A_334, %sign3A_341 : i32
        %rem3A_343 = arith.remsi %add3A_73, %jit3A_326 : i32
        %ne3A_344 = arith.constant 0 : i32
        %ne3A_345 = arith.cmpi ne, %rem3A_343, %ne3A_344 : i32
        %and3A_346 = arith.andi %ne3A_342, %ne3A_345 : i1
        %sub3A_347 = arith.constant 1 : i32
        %sub3A_348 = arith.subi %div3A_327, %sub3A_347 : i32
        %select_n3A_349 = arith.select %and3A_346, %sub3A_348, %div3A_327 : i32
        %add3A_350 = arith.constant 2 : i32
        %add3A_351 = arith.addi %select_n3A_349, %add3A_350 : i32
        %dma_start3A_352 = arith.constant 64 : i32
        %dma_start3A_353 = tpu.memref_slice %arg6[%add3A_351, %dma_start3A_352] : memref<200x128xi32, #tpu.memory_space<vmem>> -> memref<1x64xi32, #tpu.memory_space<vmem>>
        %dma_start3A_354 = tpu.memref_squeeze %dma_start3A_353 : memref<1x64xi32, #tpu.memory_space<vmem>> -> memref<64xi32, #tpu.memory_space<vmem>>
        %dma_start3A_355 = arith.constant 0 : i32
        %dma_start3A_356 = arith.constant 0 : i32
        %dma_start3A_357 = tpu.memref_slice %arg3[%dma_start3A_355, %dma_start3A_356] : memref<500000x128xf32, #tpu.memory_space<hbm>> -> memref<500000x128xf32, #tpu.memory_space<hbm>>
        tpu.enqueue_indirect_dma source(%dma_start3A_357 : memref<500000x128xf32, #tpu.memory_space<hbm>>) target(%arg10 : memref<64x128xf32, #tpu.memory_space<vmem>>) offsets(%dma_start3A_354 : memref<64xi32, #tpu.memory_space<vmem>>) semaphore(%arg18 : memref<!tpu.dma_semaphore, #tpu.memory_space<semaphore_mem>>)
      } else {
      }
      %add3A_194 = arith.constant 2 : i32
      %add3A_195 = arith.addi %add3A_73, %add3A_194 : i32
      %jit3A_196 = arith.constant 2 : i32
      %div3A_197 = arith.divsi %add3A_195, %jit3A_196 : i32
      %sign3A_198 = arith.constant 0 : i32
      %sign3A_199 = arith.cmpi sgt, %add3A_195, %sign3A_198 : i32
      %sign3A_200 = arith.extui %sign3A_199 : i1 to i32
      %sign3A_201 = arith.constant 0 : i32
      %sign3A_202 = arith.cmpi slt, %add3A_195, %sign3A_201 : i32
      %sign3A_203 = arith.extui %sign3A_202 : i1 to i32
      %sign3A_204 = arith.subi %sign3A_200, %sign3A_203 : i32
      %sign3A_205 = arith.constant 0 : i32
      %sign3A_206 = arith.cmpi sgt, %jit3A_196, %sign3A_205 : i32
      %sign3A_207 = arith.extui %sign3A_206 : i1 to i32
      %sign3A_208 = arith.constant 0 : i32
      %sign3A_209 = arith.cmpi slt, %jit3A_196, %sign3A_208 : i32
      %sign3A_210 = arith.extui %sign3A_209 : i1 to i32
      %sign3A_211 = arith.subi %sign3A_207, %sign3A_210 : i32
      %ne3A_212 = arith.cmpi ne, %sign3A_204, %sign3A_211 : i32
      %rem3A_213 = arith.remsi %add3A_195, %jit3A_196 : i32
      %ne3A_214 = arith.constant 0 : i32
      %ne3A_215 = arith.cmpi ne, %rem3A_213, %ne3A_214 : i32
      %and3A_216 = arith.andi %ne3A_212, %ne3A_215 : i1
      %sub3A_217 = arith.constant 1 : i32
      %sub3A_218 = arith.subi %div3A_197, %sub3A_217 : i32
      %select_n3A_219 = arith.select %and3A_216, %sub3A_218, %div3A_197 : i32
      %rem3A_220 = arith.constant 2 : i32
      %rem3A_221 = arith.remsi %add3A_195, %rem3A_220 : i32
      %mul3A_222 = arith.constant 64 : i32
      %mul3A_223 = arith.muli %rem3A_221, %mul3A_222 : i32
      %dma_wait3A_224 = arith.constant 0 : i32
      %dma_wait3A_225 = tpu.memref_slice %arg6[%add3A_73, %dma_wait3A_224] : memref<200x128xi32, #tpu.memory_space<vmem>> -> memref<1x64xi32, #tpu.memory_space<vmem>>
      %dma_wait3A_226 = tpu.memref_squeeze %dma_wait3A_225 : memref<1x64xi32, #tpu.memory_space<vmem>> -> memref<64xi32, #tpu.memory_space<vmem>>
      %dma_wait3A_227 = arith.constant 0 : i32
      %dma_wait3A_228 = arith.constant 0 : i32
      %dma_wait3A_229 = tpu.memref_slice %arg3[%dma_wait3A_227, %dma_wait3A_228] : memref<500000x128xf32, #tpu.memory_space<hbm>> -> memref<500000x128xf32, #tpu.memory_space<hbm>>
      tpu.wait_indirect_dma semaphore(%arg19 : memref<!tpu.dma_semaphore, #tpu.memory_space<semaphore_mem>>) src(%dma_wait3A_229 : memref<500000x128xf32, #tpu.memory_space<hbm>>) dst(%arg11 : memref<64x128xf32, #tpu.memory_space<vmem>>)
      %gt3A_230 = arith.constant 0 : i32
      %gt3A_231 = arith.cmpi sgt, %add3A_73, %gt3A_230 : i32
      %convert_element_type3A_232 = arith.extui %gt3A_231 : i1 to i32
      %cond3A_233 = arith.constant 0 : i32
      %cond3A_234 = arith.cmpi ne, %convert_element_type3A_232, %cond3A_233 : i32
      scf.if %cond3A_234 {
        %dma_wait3A_326 = arith.constant 0 : i32
        %dma_wait3A_327 = arith.constant 0 : i32
        %dma_wait3A_328 = tpu.memref_slice %arg5[%add3A_195, %dma_wait3A_326, %dma_wait3A_327] : memref<12800x32x128xf32, #tpu.memory_space<hbm>> -> memref<1x32x128xf32, #tpu.memory_space<hbm>>
        %dma_wait3A_329 = tpu.memref_squeeze %dma_wait3A_328 : memref<1x32x128xf32, #tpu.memory_space<hbm>> -> memref<32x128xf32, #tpu.memory_space<hbm>>
        %dma_wait3A_330 = arith.constant 0 : i32
        %dma_wait3A_331 = arith.constant 0 : i32
        %dma_wait3A_332 = tpu.memref_slice %arg5[%add3A_195, %dma_wait3A_330, %dma_wait3A_331] : memref<12800x32x128xf32, #tpu.memory_space<hbm>> -> memref<1x32x128xf32, #tpu.memory_space<hbm>>
        %dma_wait3A_333 = tpu.memref_squeeze %dma_wait3A_332 : memref<1x32x128xf32, #tpu.memory_space<hbm>> -> memref<32x128xf32, #tpu.memory_space<hbm>>
        tpu.wait_dma2 semaphore(%arg23 : memref<!tpu.dma_semaphore, #tpu.memory_space<semaphore_mem>>) src(%arg15 : memref<32x128xf32, #tpu.memory_space<vmem>>) dst(%dma_wait3A_333 : memref<32x128xf32, #tpu.memory_space<hbm>>)
      } else {
      }
      %mul3A_235 = arith.constant 32 : i32
      %mul3A_236 = arith.muli %add3A_195, %mul3A_235 : i32
      %rem3A_237 = arith.constant 100 : i32
      %rem3A_238 = arith.remsi %mul3A_236, %rem3A_237 : i32
      %parallel_loop3A_239 = arith.constant 0 : i32
      %parallel_loop3A_240 = arith.constant 32 : i32
      %parallel_loop3A_241 = arith.constant 1 : i32
      scf.for %parallel_loop3A_326 = %parallel_loop3A_239 to %parallel_loop3A_240 step %parallel_loop3A_241  : i32 {
        %parallel_loop3A_327 = arith.constant 8 : i32
        %parallel_loop3A_328 = arith.divsi %parallel_loop3A_326, %parallel_loop3A_327 : i32
        %parallel_loop3A_329 = arith.constant 0 : i32
        %parallel_loop3A_330 = arith.cmpi sgt, %parallel_loop3A_326, %parallel_loop3A_329 : i32
        %parallel_loop3A_331 = arith.extui %parallel_loop3A_330 : i1 to i32
        %parallel_loop3A_332 = arith.constant 0 : i32
        %parallel_loop3A_333 = arith.cmpi slt, %parallel_loop3A_326, %parallel_loop3A_332 : i32
        %parallel_loop3A_334 = arith.extui %parallel_loop3A_333 : i1 to i32
        %parallel_loop3A_335 = arith.subi %parallel_loop3A_331, %parallel_loop3A_334 : i32
        %parallel_loop3A_336 = arith.constant 0 : i32
        %parallel_loop3A_337 = arith.cmpi sgt, %parallel_loop3A_327, %parallel_loop3A_336 : i32
        %parallel_loop3A_338 = arith.extui %parallel_loop3A_337 : i1 to i32
        %parallel_loop3A_339 = arith.constant 0 : i32
        %parallel_loop3A_340 = arith.cmpi slt, %parallel_loop3A_327, %parallel_loop3A_339 : i32
        %parallel_loop3A_341 = arith.extui %parallel_loop3A_340 : i1 to i32
        %parallel_loop3A_342 = arith.subi %parallel_loop3A_338, %parallel_loop3A_341 : i32
        %parallel_loop3A_343 = arith.cmpi ne, %parallel_loop3A_335, %parallel_loop3A_342 : i32
        %parallel_loop3A_344 = arith.remsi %parallel_loop3A_326, %parallel_loop3A_327 : i32
        %parallel_loop3A_345 = arith.constant 0 : i32
        %parallel_loop3A_346 = arith.cmpi ne, %parallel_loop3A_344, %parallel_loop3A_345 : i32
        %parallel_loop3A_347 = arith.andi %parallel_loop3A_343, %parallel_loop3A_346 : i1
        %parallel_loop3A_348 = arith.constant 1 : i32
        %parallel_loop3A_349 = arith.subi %parallel_loop3A_328, %parallel_loop3A_348 : i32
        %parallel_loop3A_350 = arith.select %parallel_loop3A_347, %parallel_loop3A_349, %parallel_loop3A_328 : i32
        %parallel_loop3A_351 = arith.constant 16 : i32
        %parallel_loop3A_352 = arith.muli %parallel_loop3A_350, %parallel_loop3A_351 : i32
        %parallel_loop3A_353 = arith.addi %mul3A_223, %parallel_loop3A_352 : i32
        %parallel_loop3A_354 = arith.index_cast %select_n3A_219 : i32 to index
        %parallel_loop3A_355 = arith.index_cast %parallel_loop3A_353 : i32 to index
        %parallel_loop3A_356 = tpu.vector_load %arg7[%parallel_loop3A_354, %parallel_loop3A_355] {strides = array<i32>} : memref<200x128xi32, #tpu.memory_space<vmem>>, vector<1x16xi32>,
        %parallel_loop3A_357 = vector.shape_cast %parallel_loop3A_356 : vector<1x16xi32> to vector<16xi32>
        %parallel_loop3A_358 = arith.constant 1 : i32
        %parallel_loop3A_359 = vector.broadcast %parallel_loop3A_358 : i32 to vector<16xi32>
        %parallel_loop3A_360 = arith.andi %parallel_loop3A_357, %parallel_loop3A_359 : vector<16xi32>
        %parallel_loop3A_361 = arith.sitofp %parallel_loop3A_360 : vector<16xi32> to vector<16xf32>
        %parallel_loop3A_362 = arith.constant 8 : i32
        %parallel_loop3A_363 = arith.remsi %parallel_loop3A_326, %parallel_loop3A_362 : i32
        %parallel_loop3A_364 = arith.constant 2 : i32
        %parallel_loop3A_365 = arith.muli %parallel_loop3A_363, %parallel_loop3A_364 : i32
        %parallel_loop3A_366 = arith.constant 0 : i32
        %parallel_loop3A_367 = arith.addi %parallel_loop3A_365, %parallel_loop3A_366 : i32
        %parallel_loop3A_368 = vector.broadcast %parallel_loop3A_367 : i32 to vector<16xi32>
        %parallel_loop3A_369 = arith.constant 0 : i32
        %parallel_loop3A_370 = vector.broadcast %parallel_loop3A_369 : i32 to vector<16xi32>
        %parallel_loop3A_371 = arith.cmpi slt, %parallel_loop3A_368, %parallel_loop3A_370 : vector<16xi32>
        %parallel_loop3A_372 = arith.constant 16 : i32
        %parallel_loop3A_373 = vector.broadcast %parallel_loop3A_372 : i32 to vector<16xi32>
        %parallel_loop3A_374 = arith.addi %parallel_loop3A_368, %parallel_loop3A_373 : vector<16xi32>
        %parallel_loop3A_375 = arith.select %parallel_loop3A_371, %parallel_loop3A_374, %parallel_loop3A_368 : vector<16xi1>, vector<16xi32>
        %parallel_loop3A_376 = vector.shape_cast %parallel_loop3A_375 : vector<16xi32> to vector<16x1xi32>
        %parallel_loop3A_377 = vector.shape_cast %parallel_loop3A_376 : vector<16x1xi32> to vector<16xi32>
        %parallel_loop3A_378 = tpu.dynamic_gather %parallel_loop3A_361[%parallel_loop3A_377] in [0] : vector<16xf32>, vector<16xi32> -> vector<16xf32>
        %parallel_loop3A_379 = arith.constant 2 : i32
        %parallel_loop3A_380 = arith.muli %parallel_loop3A_379, %parallel_loop3A_326 : i32
        %parallel_loop3A_381 = arith.constant 0 : i32
        %parallel_loop3A_382 = arith.addi %parallel_loop3A_380, %parallel_loop3A_381 : i32
        %parallel_loop3A_383 = arith.index_cast %parallel_loop3A_382 : i32 to index
        %parallel_loop3A_384 = arith.constant 0 : index
        %parallel_loop3A_385 = tpu.vector_load %arg11[%parallel_loop3A_383, %parallel_loop3A_384] {strides = array<i32>} : memref<64x128xf32, #tpu.memory_space<vmem>>, vector<1x16xf32>,
        %parallel_loop3A_386 = vector.shape_cast %parallel_loop3A_385 : vector<1x16xf32> to vector<16xf32>
        %parallel_loop3A_387 = arith.index_cast %parallel_loop3A_382 : i32 to index
        %parallel_loop3A_388 = arith.constant 64 : index
        %parallel_loop3A_389 = tpu.vector_load %arg11[%parallel_loop3A_387, %parallel_loop3A_388] {strides = array<i32>} : memref<64x128xf32, #tpu.memory_space<vmem>>, vector<1x16xf32>,
        %parallel_loop3A_390 = vector.shape_cast %parallel_loop3A_389 : vector<1x16xf32> to vector<16xf32>
        %parallel_loop3A_391 = arith.addi %rem3A_238, %parallel_loop3A_326 : i32
        %parallel_loop3A_392 = arith.index_cast %parallel_loop3A_391 : i32 to index
        %parallel_loop3A_393 = arith.constant 0 : index
        %parallel_loop3A_394 = tpu.vector_load %arg8[%parallel_loop3A_392, %parallel_loop3A_393] {strides = array<i32>} : memref<200x128xf32, #tpu.memory_space<vmem>>, vector<1x16xf32>,
        %parallel_loop3A_395 = vector.shape_cast %parallel_loop3A_394 : vector<1x16xf32> to vector<16xf32>
        %parallel_loop3A_396 = arith.subf %parallel_loop3A_390, %parallel_loop3A_386 : vector<16xf32>
        %parallel_loop3A_397 = arith.mulf %parallel_loop3A_378, %parallel_loop3A_396 : vector<16xf32>
        %parallel_loop3A_398 = arith.addf %parallel_loop3A_386, %parallel_loop3A_397 : vector<16xf32>
        %parallel_loop3A_399 = arith.addf %parallel_loop3A_398, %parallel_loop3A_395 : vector<16xf32>
        %parallel_loop3A_400 = arith.index_cast %parallel_loop3A_326 : i32 to index
        %parallel_loop3A_401 = arith.constant 0 : index
        %parallel_loop3A_402 = tpu.vector_load %arg15[%parallel_loop3A_400, %parallel_loop3A_401] {strides = array<i32>} : memref<32x128xf32, #tpu.memory_space<vmem>>, vector<1x16xf32>,
        %parallel_loop3A_403 = vector.shape_cast %parallel_loop3A_402 : vector<1x16xf32> to vector<16xf32>
        %parallel_loop3A_404 = vector.shape_cast %parallel_loop3A_399 : vector<16xf32> to vector<1x16xf32>
        tpu.vector_store %arg15[%parallel_loop3A_400, %parallel_loop3A_401], %parallel_loop3A_404 {strides = array<i32>} : memref<32x128xf32, #tpu.memory_space<vmem>>, vector<1x16xf32>,
        %parallel_loop3A_405 = arith.index_cast %parallel_loop3A_382 : i32 to index
        %parallel_loop3A_406 = arith.constant 16 : index
        %parallel_loop3A_407 = tpu.vector_load %arg11[%parallel_loop3A_405, %parallel_loop3A_406] {strides = array<i32>} : memref<64x128xf32, #tpu.memory_space<vmem>>, vector<1x16xf32>,
        %parallel_loop3A_408 = vector.shape_cast %parallel_loop3A_407 : vector<1x16xf32> to vector<16xf32>
        %parallel_loop3A_409 = arith.index_cast %parallel_loop3A_382 : i32 to index
        %parallel_loop3A_410 = arith.constant 80 : index
        %parallel_loop3A_411 = tpu.vector_load %arg11[%parallel_loop3A_409, %parallel_loop3A_410] {strides = array<i32>} : memref<64x128xf32, #tpu.memory_space<vmem>>, vector<1x16xf32>,
        %parallel_loop3A_412 = vector.shape_cast %parallel_loop3A_411 : vector<1x16xf32> to vector<16xf32>
        %parallel_loop3A_413 = arith.addi %rem3A_238, %parallel_loop3A_326 : i32
        %parallel_loop3A_414 = arith.index_cast %parallel_loop3A_413 : i32 to index
        %parallel_loop3A_415 = arith.constant 16 : index
        %parallel_loop3A_416 = tpu.vector_load %arg8[%parallel_loop3A_414, %parallel_loop3A_415] {strides = array<i32>} : memref<200x128xf32, #tpu.memory_space<vmem>>, vector<1x16xf32>,
        %parallel_loop3A_417 = vector.shape_cast %parallel_loop3A_416 : vector<1x16xf32> to vector<16xf32>
        %parallel_loop3A_418 = arith.subf %parallel_loop3A_412, %parallel_loop3A_408 : vector<16xf32>
        %parallel_loop3A_419 = arith.mulf %parallel_loop3A_378, %parallel_loop3A_418 : vector<16xf32>
        %parallel_loop3A_420 = arith.addf %parallel_loop3A_408, %parallel_loop3A_419 : vector<16xf32>
        %parallel_loop3A_421 = arith.addf %parallel_loop3A_420, %parallel_loop3A_417 : vector<16xf32>
        %parallel_loop3A_422 = arith.index_cast %parallel_loop3A_326 : i32 to index
        %parallel_loop3A_423 = arith.constant 16 : index
        %parallel_loop3A_424 = tpu.vector_load %arg15[%parallel_loop3A_422, %parallel_loop3A_423] {strides = array<i32>} : memref<32x128xf32, #tpu.memory_space<vmem>>, vector<1x16xf32>,
        %parallel_loop3A_425 = vector.shape_cast %parallel_loop3A_424 : vector<1x16xf32> to vector<16xf32>
        %parallel_loop3A_426 = vector.shape_cast %parallel_loop3A_421 : vector<16xf32> to vector<1x16xf32>
        tpu.vector_store %arg15[%parallel_loop3A_422, %parallel_loop3A_423], %parallel_loop3A_426 {strides = array<i32>} : memref<32x128xf32, #tpu.memory_space<vmem>>, vector<1x16xf32>,
        %parallel_loop3A_427 = arith.index_cast %parallel_loop3A_382 : i32 to index
        %parallel_loop3A_428 = arith.constant 32 : index
        %parallel_loop3A_429 = tpu.vector_load %arg11[%parallel_loop3A_427, %parallel_loop3A_428] {strides = array<i32>} : memref<64x128xf32, #tpu.memory_space<vmem>>, vector<1x16xf32>,
        %parallel_loop3A_430 = vector.shape_cast %parallel_loop3A_429 : vector<1x16xf32> to vector<16xf32>
        %parallel_loop3A_431 = arith.index_cast %parallel_loop3A_382 : i32 to index
        %parallel_loop3A_432 = arith.constant 96 : index
        %parallel_loop3A_433 = tpu.vector_load %arg11[%parallel_loop3A_431, %parallel_loop3A_432] {strides = array<i32>} : memref<64x128xf32, #tpu.memory_space<vmem>>, vector<1x16xf32>,
        %parallel_loop3A_434 = vector.shape_cast %parallel_loop3A_433 : vector<1x16xf32> to vector<16xf32>
        %parallel_loop3A_435 = arith.addi %rem3A_238, %parallel_loop3A_326 : i32
        %parallel_loop3A_436 = arith.index_cast %parallel_loop3A_435 : i32 to index
        %parallel_loop3A_437 = arith.constant 32 : index
        %parallel_loop3A_438 = tpu.vector_load %arg8[%parallel_loop3A_436, %parallel_loop3A_437] {strides = array<i32>} : memref<200x128xf32, #tpu.memory_space<vmem>>, vector<1x16xf32>,
        %parallel_loop3A_439 = vector.shape_cast %parallel_loop3A_438 : vector<1x16xf32> to vector<16xf32>
        %parallel_loop3A_440 = arith.subf %parallel_loop3A_434, %parallel_loop3A_430 : vector<16xf32>
        %parallel_loop3A_441 = arith.mulf %parallel_loop3A_378, %parallel_loop3A_440 : vector<16xf32>
        %parallel_loop3A_442 = arith.addf %parallel_loop3A_430, %parallel_loop3A_441 : vector<16xf32>
        %parallel_loop3A_443 = arith.addf %parallel_loop3A_442, %parallel_loop3A_439 : vector<16xf32>
        %parallel_loop3A_444 = arith.index_cast %parallel_loop3A_326 : i32 to index
        %parallel_loop3A_445 = arith.constant 32 : index
        %parallel_loop3A_446 = tpu.vector_load %arg15[%parallel_loop3A_444, %parallel_loop3A_445] {strides = array<i32>} : memref<32x128xf32, #tpu.memory_space<vmem>>, vector<1x16xf32>,
        %parallel_loop3A_447 = vector.shape_cast %parallel_loop3A_446 : vector<1x16xf32> to vector<16xf32>
        %parallel_loop3A_448 = vector.shape_cast %parallel_loop3A_443 : vector<16xf32> to vector<1x16xf32>
        tpu.vector_store %arg15[%parallel_loop3A_444, %parallel_loop3A_445], %parallel_loop3A_448 {strides = array<i32>} : memref<32x128xf32, #tpu.memory_space<vmem>>, vector<1x16xf32>,
        %parallel_loop3A_449 = arith.index_cast %parallel_loop3A_382 : i32 to index
        %parallel_loop3A_450 = arith.constant 48 : index
        %parallel_loop3A_451 = tpu.vector_load %arg11[%parallel_loop3A_449, %parallel_loop3A_450] {strides = array<i32>} : memref<64x128xf32, #tpu.memory_space<vmem>>, vector<1x16xf32>,
        %parallel_loop3A_452 = vector.shape_cast %parallel_loop3A_451 : vector<1x16xf32> to vector<16xf32>
        %parallel_loop3A_453 = arith.index_cast %parallel_loop3A_382 : i32 to index
        %parallel_loop3A_454 = arith.constant 112 : index
        %parallel_loop3A_455 = tpu.vector_load %arg11[%parallel_loop3A_453, %parallel_loop3A_454] {strides = array<i32>} : memref<64x128xf32, #tpu.memory_space<vmem>>, vector<1x16xf32>,
        %parallel_loop3A_456 = vector.shape_cast %parallel_loop3A_455 : vector<1x16xf32> to vector<16xf32>
        %parallel_loop3A_457 = arith.addi %rem3A_238, %parallel_loop3A_326 : i32
        %parallel_loop3A_458 = arith.index_cast %parallel_loop3A_457 : i32 to index
        %parallel_loop3A_459 = arith.constant 48 : index
        %parallel_loop3A_460 = tpu.vector_load %arg8[%parallel_loop3A_458, %parallel_loop3A_459] {strides = array<i32>} : memref<200x128xf32, #tpu.memory_space<vmem>>, vector<1x16xf32>,
        %parallel_loop3A_461 = vector.shape_cast %parallel_loop3A_460 : vector<1x16xf32> to vector<16xf32>
        %parallel_loop3A_462 = arith.subf %parallel_loop3A_456, %parallel_loop3A_452 : vector<16xf32>
        %parallel_loop3A_463 = arith.mulf %parallel_loop3A_378, %parallel_loop3A_462 : vector<16xf32>
        %parallel_loop3A_464 = arith.addf %parallel_loop3A_452, %parallel_loop3A_463 : vector<16xf32>
        %parallel_loop3A_465 = arith.addf %parallel_loop3A_464, %parallel_loop3A_461 : vector<16xf32>
        %parallel_loop3A_466 = arith.index_cast %parallel_loop3A_326 : i32 to index
        %parallel_loop3A_467 = arith.constant 48 : index
        %parallel_loop3A_468 = tpu.vector_load %arg15[%parallel_loop3A_466, %parallel_loop3A_467] {strides = array<i32>} : memref<32x128xf32, #tpu.memory_space<vmem>>, vector<1x16xf32>,
        %parallel_loop3A_469 = vector.shape_cast %parallel_loop3A_468 : vector<1x16xf32> to vector<16xf32>
        %parallel_loop3A_470 = vector.shape_cast %parallel_loop3A_465 : vector<16xf32> to vector<1x16xf32>
        tpu.vector_store %arg15[%parallel_loop3A_466, %parallel_loop3A_467], %parallel_loop3A_470 {strides = array<i32>} : memref<32x128xf32, #tpu.memory_space<vmem>>, vector<1x16xf32>,
        %parallel_loop3A_471 = arith.constant 1 : i32
        %parallel_loop3A_472 = arith.addi %parallel_loop3A_365, %parallel_loop3A_471 : i32
        %parallel_loop3A_473 = vector.broadcast %parallel_loop3A_472 : i32 to vector<16xi32>
        %parallel_loop3A_474 = arith.constant 0 : i32
        %parallel_loop3A_475 = vector.broadcast %parallel_loop3A_474 : i32 to vector<16xi32>
        %parallel_loop3A_476 = arith.cmpi slt, %parallel_loop3A_473, %parallel_loop3A_475 : vector<16xi32>
        %parallel_loop3A_477 = arith.constant 16 : i32
        %parallel_loop3A_478 = vector.broadcast %parallel_loop3A_477 : i32 to vector<16xi32>
        %parallel_loop3A_479 = arith.addi %parallel_loop3A_473, %parallel_loop3A_478 : vector<16xi32>
        %parallel_loop3A_480 = arith.select %parallel_loop3A_476, %parallel_loop3A_479, %parallel_loop3A_473 : vector<16xi1>, vector<16xi32>
        %parallel_loop3A_481 = vector.shape_cast %parallel_loop3A_480 : vector<16xi32> to vector<16x1xi32>
        %parallel_loop3A_482 = vector.shape_cast %parallel_loop3A_481 : vector<16x1xi32> to vector<16xi32>
        %parallel_loop3A_483 = tpu.dynamic_gather %parallel_loop3A_361[%parallel_loop3A_482] in [0] : vector<16xf32>, vector<16xi32> -> vector<16xf32>
        %parallel_loop3A_484 = arith.constant 2 : i32
        %parallel_loop3A_485 = arith.muli %parallel_loop3A_484, %parallel_loop3A_326 : i32
        %parallel_loop3A_486 = arith.constant 1 : i32
        %parallel_loop3A_487 = arith.addi %parallel_loop3A_485, %parallel_loop3A_486 : i32
        %parallel_loop3A_488 = arith.index_cast %parallel_loop3A_487 : i32 to index
        %parallel_loop3A_489 = arith.constant 0 : index
        %parallel_loop3A_490 = tpu.vector_load %arg11[%parallel_loop3A_488, %parallel_loop3A_489] {strides = array<i32>} : memref<64x128xf32, #tpu.memory_space<vmem>>, vector<1x16xf32>,
        %parallel_loop3A_491 = vector.shape_cast %parallel_loop3A_490 : vector<1x16xf32> to vector<16xf32>
        %parallel_loop3A_492 = arith.index_cast %parallel_loop3A_487 : i32 to index
        %parallel_loop3A_493 = arith.constant 64 : index
        %parallel_loop3A_494 = tpu.vector_load %arg11[%parallel_loop3A_492, %parallel_loop3A_493] {strides = array<i32>} : memref<64x128xf32, #tpu.memory_space<vmem>>, vector<1x16xf32>,
        %parallel_loop3A_495 = vector.shape_cast %parallel_loop3A_494 : vector<1x16xf32> to vector<16xf32>
        %parallel_loop3A_496 = arith.addi %rem3A_238, %parallel_loop3A_326 : i32
        %parallel_loop3A_497 = arith.index_cast %parallel_loop3A_496 : i32 to index
        %parallel_loop3A_498 = arith.constant 64 : index
        %parallel_loop3A_499 = tpu.vector_load %arg8[%parallel_loop3A_497, %parallel_loop3A_498] {strides = array<i32>} : memref<200x128xf32, #tpu.memory_space<vmem>>, vector<1x16xf32>,
        %parallel_loop3A_500 = vector.shape_cast %parallel_loop3A_499 : vector<1x16xf32> to vector<16xf32>
        %parallel_loop3A_501 = arith.subf %parallel_loop3A_495, %parallel_loop3A_491 : vector<16xf32>
        %parallel_loop3A_502 = arith.mulf %parallel_loop3A_483, %parallel_loop3A_501 : vector<16xf32>
        %parallel_loop3A_503 = arith.addf %parallel_loop3A_491, %parallel_loop3A_502 : vector<16xf32>
        %parallel_loop3A_504 = arith.addf %parallel_loop3A_503, %parallel_loop3A_500 : vector<16xf32>
        %parallel_loop3A_505 = arith.index_cast %parallel_loop3A_326 : i32 to index
        %parallel_loop3A_506 = arith.constant 64 : index
        %parallel_loop3A_507 = tpu.vector_load %arg15[%parallel_loop3A_505, %parallel_loop3A_506] {strides = array<i32>} : memref<32x128xf32, #tpu.memory_space<vmem>>, vector<1x16xf32>,
        %parallel_loop3A_508 = vector.shape_cast %parallel_loop3A_507 : vector<1x16xf32> to vector<16xf32>
        %parallel_loop3A_509 = vector.shape_cast %parallel_loop3A_504 : vector<16xf32> to vector<1x16xf32>
        tpu.vector_store %arg15[%parallel_loop3A_505, %parallel_loop3A_506], %parallel_loop3A_509 {strides = array<i32>} : memref<32x128xf32, #tpu.memory_space<vmem>>, vector<1x16xf32>,
        %parallel_loop3A_510 = arith.index_cast %parallel_loop3A_487 : i32 to index
        %parallel_loop3A_511 = arith.constant 16 : index
        %parallel_loop3A_512 = tpu.vector_load %arg11[%parallel_loop3A_510, %parallel_loop3A_511] {strides = array<i32>} : memref<64x128xf32, #tpu.memory_space<vmem>>, vector<1x16xf32>,
        %parallel_loop3A_513 = vector.shape_cast %parallel_loop3A_512 : vector<1x16xf32> to vector<16xf32>
        %parallel_loop3A_514 = arith.index_cast %parallel_loop3A_487 : i32 to index
        %parallel_loop3A_515 = arith.constant 80 : index
        %parallel_loop3A_516 = tpu.vector_load %arg11[%parallel_loop3A_514, %parallel_loop3A_515] {strides = array<i32>} : memref<64x128xf32, #tpu.memory_space<vmem>>, vector<1x16xf32>,
        %parallel_loop3A_517 = vector.shape_cast %parallel_loop3A_516 : vector<1x16xf32> to vector<16xf32>
        %parallel_loop3A_518 = arith.addi %rem3A_238, %parallel_loop3A_326 : i32
        %parallel_loop3A_519 = arith.index_cast %parallel_loop3A_518 : i32 to index
        %parallel_loop3A_520 = arith.constant 80 : index
        %parallel_loop3A_521 = tpu.vector_load %arg8[%parallel_loop3A_519, %parallel_loop3A_520] {strides = array<i32>} : memref<200x128xf32, #tpu.memory_space<vmem>>, vector<1x16xf32>,
        %parallel_loop3A_522 = vector.shape_cast %parallel_loop3A_521 : vector<1x16xf32> to vector<16xf32>
        %parallel_loop3A_523 = arith.subf %parallel_loop3A_517, %parallel_loop3A_513 : vector<16xf32>
        %parallel_loop3A_524 = arith.mulf %parallel_loop3A_483, %parallel_loop3A_523 : vector<16xf32>
        %parallel_loop3A_525 = arith.addf %parallel_loop3A_513, %parallel_loop3A_524 : vector<16xf32>
        %parallel_loop3A_526 = arith.addf %parallel_loop3A_525, %parallel_loop3A_522 : vector<16xf32>
        %parallel_loop3A_527 = arith.index_cast %parallel_loop3A_326 : i32 to index
        %parallel_loop3A_528 = arith.constant 80 : index
        %parallel_loop3A_529 = tpu.vector_load %arg15[%parallel_loop3A_527, %parallel_loop3A_528] {strides = array<i32>} : memref<32x128xf32, #tpu.memory_space<vmem>>, vector<1x16xf32>,
        %parallel_loop3A_530 = vector.shape_cast %parallel_loop3A_529 : vector<1x16xf32> to vector<16xf32>
        %parallel_loop3A_531 = vector.shape_cast %parallel_loop3A_526 : vector<16xf32> to vector<1x16xf32>
        tpu.vector_store %arg15[%parallel_loop3A_527, %parallel_loop3A_528], %parallel_loop3A_531 {strides = array<i32>} : memref<32x128xf32, #tpu.memory_space<vmem>>, vector<1x16xf32>,
        %parallel_loop3A_532 = arith.index_cast %parallel_loop3A_487 : i32 to index
        %parallel_loop3A_533 = arith.constant 32 : index
        %parallel_loop3A_534 = tpu.vector_load %arg11[%parallel_loop3A_532, %parallel_loop3A_533] {strides = array<i32>} : memref<64x128xf32, #tpu.memory_space<vmem>>, vector<1x16xf32>,
        %parallel_loop3A_535 = vector.shape_cast %parallel_loop3A_534 : vector<1x16xf32> to vector<16xf32>
        %parallel_loop3A_536 = arith.index_cast %parallel_loop3A_487 : i32 to index
        %parallel_loop3A_537 = arith.constant 96 : index
        %parallel_loop3A_538 = tpu.vector_load %arg11[%parallel_loop3A_536, %parallel_loop3A_537] {strides = array<i32>} : memref<64x128xf32, #tpu.memory_space<vmem>>, vector<1x16xf32>,
        %parallel_loop3A_539 = vector.shape_cast %parallel_loop3A_538 : vector<1x16xf32> to vector<16xf32>
        %parallel_loop3A_540 = arith.addi %rem3A_238, %parallel_loop3A_326 : i32
        %parallel_loop3A_541 = arith.index_cast %parallel_loop3A_540 : i32 to index
        %parallel_loop3A_542 = arith.constant 96 : index
        %parallel_loop3A_543 = tpu.vector_load %arg8[%parallel_loop3A_541, %parallel_loop3A_542] {strides = array<i32>} : memref<200x128xf32, #tpu.memory_space<vmem>>, vector<1x16xf32>,
        %parallel_loop3A_544 = vector.shape_cast %parallel_loop3A_543 : vector<1x16xf32> to vector<16xf32>
        %parallel_loop3A_545 = arith.subf %parallel_loop3A_539, %parallel_loop3A_535 : vector<16xf32>
        %parallel_loop3A_546 = arith.mulf %parallel_loop3A_483, %parallel_loop3A_545 : vector<16xf32>
        %parallel_loop3A_547 = arith.addf %parallel_loop3A_535, %parallel_loop3A_546 : vector<16xf32>
        %parallel_loop3A_548 = arith.addf %parallel_loop3A_547, %parallel_loop3A_544 : vector<16xf32>
        %parallel_loop3A_549 = arith.index_cast %parallel_loop3A_326 : i32 to index
        %parallel_loop3A_550 = arith.constant 96 : index
        %parallel_loop3A_551 = tpu.vector_load %arg15[%parallel_loop3A_549, %parallel_loop3A_550] {strides = array<i32>} : memref<32x128xf32, #tpu.memory_space<vmem>>, vector<1x16xf32>,
        %parallel_loop3A_552 = vector.shape_cast %parallel_loop3A_551 : vector<1x16xf32> to vector<16xf32>
        %parallel_loop3A_553 = vector.shape_cast %parallel_loop3A_548 : vector<16xf32> to vector<1x16xf32>
        tpu.vector_store %arg15[%parallel_loop3A_549, %parallel_loop3A_550], %parallel_loop3A_553 {strides = array<i32>} : memref<32x128xf32, #tpu.memory_space<vmem>>, vector<1x16xf32>,
        %parallel_loop3A_554 = arith.index_cast %parallel_loop3A_487 : i32 to index
        %parallel_loop3A_555 = arith.constant 48 : index
        %parallel_loop3A_556 = tpu.vector_load %arg11[%parallel_loop3A_554, %parallel_loop3A_555] {strides = array<i32>} : memref<64x128xf32, #tpu.memory_space<vmem>>, vector<1x16xf32>,
        %parallel_loop3A_557 = vector.shape_cast %parallel_loop3A_556 : vector<1x16xf32> to vector<16xf32>
        %parallel_loop3A_558 = arith.index_cast %parallel_loop3A_487 : i32 to index
        %parallel_loop3A_559 = arith.constant 112 : index
        %parallel_loop3A_560 = tpu.vector_load %arg11[%parallel_loop3A_558, %parallel_loop3A_559] {strides = array<i32>} : memref<64x128xf32, #tpu.memory_space<vmem>>, vector<1x16xf32>,
        %parallel_loop3A_561 = vector.shape_cast %parallel_loop3A_560 : vector<1x16xf32> to vector<16xf32>
        %parallel_loop3A_562 = arith.addi %rem3A_238, %parallel_loop3A_326 : i32
        %parallel_loop3A_563 = arith.index_cast %parallel_loop3A_562 : i32 to index
        %parallel_loop3A_564 = arith.constant 112 : index
        %parallel_loop3A_565 = tpu.vector_load %arg8[%parallel_loop3A_563, %parallel_loop3A_564] {strides = array<i32>} : memref<200x128xf32, #tpu.memory_space<vmem>>, vector<1x16xf32>,
        %parallel_loop3A_566 = vector.shape_cast %parallel_loop3A_565 : vector<1x16xf32> to vector<16xf32>
        %parallel_loop3A_567 = arith.subf %parallel_loop3A_561, %parallel_loop3A_557 : vector<16xf32>
        %parallel_loop3A_568 = arith.mulf %parallel_loop3A_483, %parallel_loop3A_567 : vector<16xf32>
        %parallel_loop3A_569 = arith.addf %parallel_loop3A_557, %parallel_loop3A_568 : vector<16xf32>
        %parallel_loop3A_570 = arith.addf %parallel_loop3A_569, %parallel_loop3A_566 : vector<16xf32>
        %parallel_loop3A_571 = arith.index_cast %parallel_loop3A_326 : i32 to index
        %parallel_loop3A_572 = arith.constant 112 : index
        %parallel_loop3A_573 = tpu.vector_load %arg15[%parallel_loop3A_571, %parallel_loop3A_572] {strides = array<i32>} : memref<32x128xf32, #tpu.memory_space<vmem>>, vector<1x16xf32>,
        %parallel_loop3A_574 = vector.shape_cast %parallel_loop3A_573 : vector<1x16xf32> to vector<16xf32>
        %parallel_loop3A_575 = vector.shape_cast %parallel_loop3A_570 : vector<16xf32> to vector<1x16xf32>
        tpu.vector_store %arg15[%parallel_loop3A_571, %parallel_loop3A_572], %parallel_loop3A_575 {strides = array<i32>} : memref<32x128xf32, #tpu.memory_space<vmem>>, vector<1x16xf32>,
      } {sc.loop_unroll_factor = 4 : i64, sc.parallel_access}
      %mul3A_242 = arith.constant 400 : i32
      %mul3A_243 = arith.muli %add3A, %mul3A_242 : i32
      %add3A_244 = arith.addi %mul3A_243, %add3A_195 : i32
      %dma_start3A_245 = arith.constant 0 : i32
      %dma_start3A_246 = arith.constant 0 : i32
      %dma_start3A_247 = tpu.memref_slice %arg5[%add3A_244, %dma_start3A_245, %dma_start3A_246] : memref<12800x32x128xf32, #tpu.memory_space<hbm>> -> memref<1x32x128xf32, #tpu.memory_space<hbm>>
      %dma_start3A_248 = tpu.memref_squeeze %dma_start3A_247 : memref<1x32x128xf32, #tpu.memory_space<hbm>> -> memref<32x128xf32, #tpu.memory_space<hbm>>
      %dma_start3A_249 = arith.constant 0 : i32
      %dma_start3A_250 = arith.constant 0 : i32
      %dma_start3A_251 = tpu.memref_slice %arg5[%add3A_244, %dma_start3A_249, %dma_start3A_250] : memref<12800x32x128xf32, #tpu.memory_space<hbm>> -> memref<1x32x128xf32, #tpu.memory_space<hbm>>
      %dma_start3A_252 = tpu.memref_squeeze %dma_start3A_251 : memref<1x32x128xf32, #tpu.memory_space<hbm>> -> memref<32x128xf32, #tpu.memory_space<hbm>>
      tpu.enqueue_dma source(%arg15 : memref<32x128xf32, #tpu.memory_space<vmem>>) target(%dma_start3A_252 : memref<32x128xf32, #tpu.memory_space<hbm>>) target_semaphore(%arg23 : memref<!tpu.dma_semaphore, #tpu.memory_space<semaphore_mem>>)
      %add3A_253 = arith.constant 4 : i32
      %add3A_254 = arith.addi %add3A_195, %add3A_253 : i32
      %lt3A_255 = arith.constant 400 : i32
      %lt3A_256 = arith.cmpi slt, %add3A_254, %lt3A_255 : i32
      %convert_element_type3A_257 = arith.extui %lt3A_256 : i1 to i32
      %cond3A_258 = arith.constant 0 : i32
      %cond3A_259 = arith.cmpi ne, %convert_element_type3A_257, %cond3A_258 : i32
      scf.if %cond3A_259 {
        %jit3A_326 = arith.constant 2 : i32
        %div3A_327 = arith.divsi %add3A_73, %jit3A_326 : i32
        %sign3A_328 = arith.constant 0 : i32
        %sign3A_329 = arith.cmpi sgt, %add3A_73, %sign3A_328 : i32
        %sign3A_330 = arith.extui %sign3A_329 : i1 to i32
        %sign3A_331 = arith.constant 0 : i32
        %sign3A_332 = arith.cmpi slt, %add3A_73, %sign3A_331 : i32
        %sign3A_333 = arith.extui %sign3A_332 : i1 to i32
        %sign3A_334 = arith.subi %sign3A_330, %sign3A_333 : i32
        %sign3A_335 = arith.constant 0 : i32
        %sign3A_336 = arith.cmpi sgt, %jit3A_326, %sign3A_335 : i32
        %sign3A_337 = arith.extui %sign3A_336 : i1 to i32
        %sign3A_338 = arith.constant 0 : i32
        %sign3A_339 = arith.cmpi slt, %jit3A_326, %sign3A_338 : i32
        %sign3A_340 = arith.extui %sign3A_339 : i1 to i32
        %sign3A_341 = arith.subi %sign3A_337, %sign3A_340 : i32
        %ne3A_342 = arith.cmpi ne, %sign3A_334, %sign3A_341 : i32
        %rem3A_343 = arith.remsi %add3A_73, %jit3A_326 : i32
        %ne3A_344 = arith.constant 0 : i32
        %ne3A_345 = arith.cmpi ne, %rem3A_343, %ne3A_344 : i32
        %and3A_346 = arith.andi %ne3A_342, %ne3A_345 : i1
        %sub3A_347 = arith.constant 1 : i32
        %sub3A_348 = arith.subi %div3A_327, %sub3A_347 : i32
        %select_n3A_349 = arith.select %and3A_346, %sub3A_348, %div3A_327 : i32
        %add3A_350 = arith.constant 3 : i32
        %add3A_351 = arith.addi %select_n3A_349, %add3A_350 : i32
        %dma_start3A_352 = arith.constant 0 : i32
        %dma_start3A_353 = tpu.memref_slice %arg6[%add3A_351, %dma_start3A_352] : memref<200x128xi32, #tpu.memory_space<vmem>> -> memref<1x64xi32, #tpu.memory_space<vmem>>
        %dma_start3A_354 = tpu.memref_squeeze %dma_start3A_353 : memref<1x64xi32, #tpu.memory_space<vmem>> -> memref<64xi32, #tpu.memory_space<vmem>>
        %dma_start3A_355 = arith.constant 0 : i32
        %dma_start3A_356 = arith.constant 0 : i32
        %dma_start3A_357 = tpu.memref_slice %arg3[%dma_start3A_355, %dma_start3A_356] : memref<500000x128xf32, #tpu.memory_space<hbm>> -> memref<500000x128xf32, #tpu.memory_space<hbm>>
        tpu.enqueue_indirect_dma source(%dma_start3A_357 : memref<500000x128xf32, #tpu.memory_space<hbm>>) target(%arg11 : memref<64x128xf32, #tpu.memory_space<vmem>>) offsets(%dma_start3A_354 : memref<64xi32, #tpu.memory_space<vmem>>) semaphore(%arg19 : memref<!tpu.dma_semaphore, #tpu.memory_space<semaphore_mem>>)
      } else {
      }
      %add3A_260 = arith.constant 3 : i32
      %add3A_261 = arith.addi %add3A_73, %add3A_260 : i32
      %jit3A_262 = arith.constant 2 : i32
      %div3A_263 = arith.divsi %add3A_261, %jit3A_262 : i32
      %sign3A_264 = arith.constant 0 : i32
      %sign3A_265 = arith.cmpi sgt, %add3A_261, %sign3A_264 : i32
      %sign3A_266 = arith.extui %sign3A_265 : i1 to i32
      %sign3A_267 = arith.constant 0 : i32
      %sign3A_268 = arith.cmpi slt, %add3A_261, %sign3A_267 : i32
      %sign3A_269 = arith.extui %sign3A_268 : i1 to i32
      %sign3A_270 = arith.subi %sign3A_266, %sign3A_269 : i32
      %sign3A_271 = arith.constant 0 : i32
      %sign3A_272 = arith.cmpi sgt, %jit3A_262, %sign3A_271 : i32
      %sign3A_273 = arith.extui %sign3A_272 : i1 to i32
      %sign3A_274 = arith.constant 0 : i32
      %sign3A_275 = arith.cmpi slt, %jit3A_262, %sign3A_274 : i32
      %sign3A_276 = arith.extui %sign3A_275 : i1 to i32
      %sign3A_277 = arith.subi %sign3A_273, %sign3A_276 : i32
      %ne3A_278 = arith.cmpi ne, %sign3A_270, %sign3A_277 : i32
      %rem3A_279 = arith.remsi %add3A_261, %jit3A_262 : i32
      %ne3A_280 = arith.constant 0 : i32
      %ne3A_281 = arith.cmpi ne, %rem3A_279, %ne3A_280 : i32
      %and3A_282 = arith.andi %ne3A_278, %ne3A_281 : i1
      %sub3A_283 = arith.constant 1 : i32
      %sub3A_284 = arith.subi %div3A_263, %sub3A_283 : i32
      %select_n3A_285 = arith.select %and3A_282, %sub3A_284, %div3A_263 : i32
      %rem3A_286 = arith.constant 2 : i32
      %rem3A_287 = arith.remsi %add3A_261, %rem3A_286 : i32
      %mul3A_288 = arith.constant 64 : i32
      %mul3A_289 = arith.muli %rem3A_287, %mul3A_288 : i32
      %dma_wait3A_290 = arith.constant 0 : i32
      %dma_wait3A_291 = tpu.memref_slice %arg6[%add3A_73, %dma_wait3A_290] : memref<200x128xi32, #tpu.memory_space<vmem>> -> memref<1x64xi32, #tpu.memory_space<vmem>>
      %dma_wait3A_292 = tpu.memref_squeeze %dma_wait3A_291 : memref<1x64xi32, #tpu.memory_space<vmem>> -> memref<64xi32, #tpu.memory_space<vmem>>
      %dma_wait3A_293 = arith.constant 0 : i32
      %dma_wait3A_294 = arith.constant 0 : i32
      %dma_wait3A_295 = tpu.memref_slice %arg3[%dma_wait3A_293, %dma_wait3A_294] : memref<500000x128xf32, #tpu.memory_space<hbm>> -> memref<500000x128xf32, #tpu.memory_space<hbm>>
      tpu.wait_indirect_dma semaphore(%arg20 : memref<!tpu.dma_semaphore, #tpu.memory_space<semaphore_mem>>) src(%dma_wait3A_295 : memref<500000x128xf32, #tpu.memory_space<hbm>>) dst(%arg12 : memref<64x128xf32, #tpu.memory_space<vmem>>)
      %gt3A_296 = arith.constant 0 : i32
      %gt3A_297 = arith.cmpi sgt, %add3A_73, %gt3A_296 : i32
      %convert_element_type3A_298 = arith.extui %gt3A_297 : i1 to i32
      %cond3A_299 = arith.constant 0 : i32
      %cond3A_300 = arith.cmpi ne, %convert_element_type3A_298, %cond3A_299 : i32
      scf.if %cond3A_300 {
        %dma_wait3A_326 = arith.constant 0 : i32
        %dma_wait3A_327 = arith.constant 0 : i32
        %dma_wait3A_328 = tpu.memref_slice %arg5[%add3A_261, %dma_wait3A_326, %dma_wait3A_327] : memref<12800x32x128xf32, #tpu.memory_space<hbm>> -> memref<1x32x128xf32, #tpu.memory_space<hbm>>
        %dma_wait3A_329 = tpu.memref_squeeze %dma_wait3A_328 : memref<1x32x128xf32, #tpu.memory_space<hbm>> -> memref<32x128xf32, #tpu.memory_space<hbm>>
        %dma_wait3A_330 = arith.constant 0 : i32
        %dma_wait3A_331 = arith.constant 0 : i32
        %dma_wait3A_332 = tpu.memref_slice %arg5[%add3A_261, %dma_wait3A_330, %dma_wait3A_331] : memref<12800x32x128xf32, #tpu.memory_space<hbm>> -> memref<1x32x128xf32, #tpu.memory_space<hbm>>
        %dma_wait3A_333 = tpu.memref_squeeze %dma_wait3A_332 : memref<1x32x128xf32, #tpu.memory_space<hbm>> -> memref<32x128xf32, #tpu.memory_space<hbm>>
        tpu.wait_dma2 semaphore(%arg24 : memref<!tpu.dma_semaphore, #tpu.memory_space<semaphore_mem>>) src(%arg16 : memref<32x128xf32, #tpu.memory_space<vmem>>) dst(%dma_wait3A_333 : memref<32x128xf32, #tpu.memory_space<hbm>>)
      } else {
      }
      %mul3A_301 = arith.constant 32 : i32
      %mul3A_302 = arith.muli %add3A_261, %mul3A_301 : i32
      %rem3A_303 = arith.constant 100 : i32
      %rem3A_304 = arith.remsi %mul3A_302, %rem3A_303 : i32
      %parallel_loop3A_305 = arith.constant 0 : i32
      %parallel_loop3A_306 = arith.constant 32 : i32
      %parallel_loop3A_307 = arith.constant 1 : i32
      scf.for %parallel_loop3A_326 = %parallel_loop3A_305 to %parallel_loop3A_306 step %parallel_loop3A_307  : i32 {
        %parallel_loop3A_327 = arith.constant 8 : i32
        %parallel_loop3A_328 = arith.divsi %parallel_loop3A_326, %parallel_loop3A_327 : i32
        %parallel_loop3A_329 = arith.constant 0 : i32
        %parallel_loop3A_330 = arith.cmpi sgt, %parallel_loop3A_326, %parallel_loop3A_329 : i32
        %parallel_loop3A_331 = arith.extui %parallel_loop3A_330 : i1 to i32
        %parallel_loop3A_332 = arith.constant 0 : i32
        %parallel_loop3A_333 = arith.cmpi slt, %parallel_loop3A_326, %parallel_loop3A_332 : i32
        %parallel_loop3A_334 = arith.extui %parallel_loop3A_333 : i1 to i32
        %parallel_loop3A_335 = arith.subi %parallel_loop3A_331, %parallel_loop3A_334 : i32
        %parallel_loop3A_336 = arith.constant 0 : i32
        %parallel_loop3A_337 = arith.cmpi sgt, %parallel_loop3A_327, %parallel_loop3A_336 : i32
        %parallel_loop3A_338 = arith.extui %parallel_loop3A_337 : i1 to i32
        %parallel_loop3A_339 = arith.constant 0 : i32
        %parallel_loop3A_340 = arith.cmpi slt, %parallel_loop3A_327, %parallel_loop3A_339 : i32
        %parallel_loop3A_341 = arith.extui %parallel_loop3A_340 : i1 to i32
        %parallel_loop3A_342 = arith.subi %parallel_loop3A_338, %parallel_loop3A_341 : i32
        %parallel_loop3A_343 = arith.cmpi ne, %parallel_loop3A_335, %parallel_loop3A_342 : i32
        %parallel_loop3A_344 = arith.remsi %parallel_loop3A_326, %parallel_loop3A_327 : i32
        %parallel_loop3A_345 = arith.constant 0 : i32
        %parallel_loop3A_346 = arith.cmpi ne, %parallel_loop3A_344, %parallel_loop3A_345 : i32
        %parallel_loop3A_347 = arith.andi %parallel_loop3A_343, %parallel_loop3A_346 : i1
        %parallel_loop3A_348 = arith.constant 1 : i32
        %parallel_loop3A_349 = arith.subi %parallel_loop3A_328, %parallel_loop3A_348 : i32
        %parallel_loop3A_350 = arith.select %parallel_loop3A_347, %parallel_loop3A_349, %parallel_loop3A_328 : i32
        %parallel_loop3A_351 = arith.constant 16 : i32
        %parallel_loop3A_352 = arith.muli %parallel_loop3A_350, %parallel_loop3A_351 : i32
        %parallel_loop3A_353 = arith.addi %mul3A_289, %parallel_loop3A_352 : i32
        %parallel_loop3A_354 = arith.index_cast %select_n3A_285 : i32 to index
        %parallel_loop3A_355 = arith.index_cast %parallel_loop3A_353 : i32 to index
        %parallel_loop3A_356 = tpu.vector_load %arg7[%parallel_loop3A_354, %parallel_loop3A_355] {strides = array<i32>} : memref<200x128xi32, #tpu.memory_space<vmem>>, vector<1x16xi32>,
        %parallel_loop3A_357 = vector.shape_cast %parallel_loop3A_356 : vector<1x16xi32> to vector<16xi32>
        %parallel_loop3A_358 = arith.constant 1 : i32
        %parallel_loop3A_359 = vector.broadcast %parallel_loop3A_358 : i32 to vector<16xi32>
        %parallel_loop3A_360 = arith.andi %parallel_loop3A_357, %parallel_loop3A_359 : vector<16xi32>
        %parallel_loop3A_361 = arith.sitofp %parallel_loop3A_360 : vector<16xi32> to vector<16xf32>
        %parallel_loop3A_362 = arith.constant 8 : i32
        %parallel_loop3A_363 = arith.remsi %parallel_loop3A_326, %parallel_loop3A_362 : i32
        %parallel_loop3A_364 = arith.constant 2 : i32
        %parallel_loop3A_365 = arith.muli %parallel_loop3A_363, %parallel_loop3A_364 : i32
        %parallel_loop3A_366 = arith.constant 0 : i32
        %parallel_loop3A_367 = arith.addi %parallel_loop3A_365, %parallel_loop3A_366 : i32
        %parallel_loop3A_368 = vector.broadcast %parallel_loop3A_367 : i32 to vector<16xi32>
        %parallel_loop3A_369 = arith.constant 0 : i32
        %parallel_loop3A_370 = vector.broadcast %parallel_loop3A_369 : i32 to vector<16xi32>
        %parallel_loop3A_371 = arith.cmpi slt, %parallel_loop3A_368, %parallel_loop3A_370 : vector<16xi32>
        %parallel_loop3A_372 = arith.constant 16 : i32
        %parallel_loop3A_373 = vector.broadcast %parallel_loop3A_372 : i32 to vector<16xi32>
        %parallel_loop3A_374 = arith.addi %parallel_loop3A_368, %parallel_loop3A_373 : vector<16xi32>
        %parallel_loop3A_375 = arith.select %parallel_loop3A_371, %parallel_loop3A_374, %parallel_loop3A_368 : vector<16xi1>, vector<16xi32>
        %parallel_loop3A_376 = vector.shape_cast %parallel_loop3A_375 : vector<16xi32> to vector<16x1xi32>
        %parallel_loop3A_377 = vector.shape_cast %parallel_loop3A_376 : vector<16x1xi32> to vector<16xi32>
        %parallel_loop3A_378 = tpu.dynamic_gather %parallel_loop3A_361[%parallel_loop3A_377] in [0] : vector<16xf32>, vector<16xi32> -> vector<16xf32>
        %parallel_loop3A_379 = arith.constant 2 : i32
        %parallel_loop3A_380 = arith.muli %parallel_loop3A_379, %parallel_loop3A_326 : i32
        %parallel_loop3A_381 = arith.constant 0 : i32
        %parallel_loop3A_382 = arith.addi %parallel_loop3A_380, %parallel_loop3A_381 : i32
        %parallel_loop3A_383 = arith.index_cast %parallel_loop3A_382 : i32 to index
        %parallel_loop3A_384 = arith.constant 0 : index
        %parallel_loop3A_385 = tpu.vector_load %arg12[%parallel_loop3A_383, %parallel_loop3A_384] {strides = array<i32>} : memref<64x128xf32, #tpu.memory_space<vmem>>, vector<1x16xf32>,
        %parallel_loop3A_386 = vector.shape_cast %parallel_loop3A_385 : vector<1x16xf32> to vector<16xf32>
        %parallel_loop3A_387 = arith.index_cast %parallel_loop3A_382 : i32 to index
        %parallel_loop3A_388 = arith.constant 64 : index
        %parallel_loop3A_389 = tpu.vector_load %arg12[%parallel_loop3A_387, %parallel_loop3A_388] {strides = array<i32>} : memref<64x128xf32, #tpu.memory_space<vmem>>, vector<1x16xf32>,
        %parallel_loop3A_390 = vector.shape_cast %parallel_loop3A_389 : vector<1x16xf32> to vector<16xf32>
        %parallel_loop3A_391 = arith.addi %rem3A_304, %parallel_loop3A_326 : i32
        %parallel_loop3A_392 = arith.index_cast %parallel_loop3A_391 : i32 to index
        %parallel_loop3A_393 = arith.constant 0 : index
        %parallel_loop3A_394 = tpu.vector_load %arg8[%parallel_loop3A_392, %parallel_loop3A_393] {strides = array<i32>} : memref<200x128xf32, #tpu.memory_space<vmem>>, vector<1x16xf32>,
        %parallel_loop3A_395 = vector.shape_cast %parallel_loop3A_394 : vector<1x16xf32> to vector<16xf32>
        %parallel_loop3A_396 = arith.subf %parallel_loop3A_390, %parallel_loop3A_386 : vector<16xf32>
        %parallel_loop3A_397 = arith.mulf %parallel_loop3A_378, %parallel_loop3A_396 : vector<16xf32>
        %parallel_loop3A_398 = arith.addf %parallel_loop3A_386, %parallel_loop3A_397 : vector<16xf32>
        %parallel_loop3A_399 = arith.addf %parallel_loop3A_398, %parallel_loop3A_395 : vector<16xf32>
        %parallel_loop3A_400 = arith.index_cast %parallel_loop3A_326 : i32 to index
        %parallel_loop3A_401 = arith.constant 0 : index
        %parallel_loop3A_402 = tpu.vector_load %arg16[%parallel_loop3A_400, %parallel_loop3A_401] {strides = array<i32>} : memref<32x128xf32, #tpu.memory_space<vmem>>, vector<1x16xf32>,
        %parallel_loop3A_403 = vector.shape_cast %parallel_loop3A_402 : vector<1x16xf32> to vector<16xf32>
        %parallel_loop3A_404 = vector.shape_cast %parallel_loop3A_399 : vector<16xf32> to vector<1x16xf32>
        tpu.vector_store %arg16[%parallel_loop3A_400, %parallel_loop3A_401], %parallel_loop3A_404 {strides = array<i32>} : memref<32x128xf32, #tpu.memory_space<vmem>>, vector<1x16xf32>,
        %parallel_loop3A_405 = arith.index_cast %parallel_loop3A_382 : i32 to index
        %parallel_loop3A_406 = arith.constant 16 : index
        %parallel_loop3A_407 = tpu.vector_load %arg12[%parallel_loop3A_405, %parallel_loop3A_406] {strides = array<i32>} : memref<64x128xf32, #tpu.memory_space<vmem>>, vector<1x16xf32>,
        %parallel_loop3A_408 = vector.shape_cast %parallel_loop3A_407 : vector<1x16xf32> to vector<16xf32>
        %parallel_loop3A_409 = arith.index_cast %parallel_loop3A_382 : i32 to index
        %parallel_loop3A_410 = arith.constant 80 : index
        %parallel_loop3A_411 = tpu.vector_load %arg12[%parallel_loop3A_409, %parallel_loop3A_410] {strides = array<i32>} : memref<64x128xf32, #tpu.memory_space<vmem>>, vector<1x16xf32>,
        %parallel_loop3A_412 = vector.shape_cast %parallel_loop3A_411 : vector<1x16xf32> to vector<16xf32>
        %parallel_loop3A_413 = arith.addi %rem3A_304, %parallel_loop3A_326 : i32
        %parallel_loop3A_414 = arith.index_cast %parallel_loop3A_413 : i32 to index
        %parallel_loop3A_415 = arith.constant 16 : index
        %parallel_loop3A_416 = tpu.vector_load %arg8[%parallel_loop3A_414, %parallel_loop3A_415] {strides = array<i32>} : memref<200x128xf32, #tpu.memory_space<vmem>>, vector<1x16xf32>,
        %parallel_loop3A_417 = vector.shape_cast %parallel_loop3A_416 : vector<1x16xf32> to vector<16xf32>
        %parallel_loop3A_418 = arith.subf %parallel_loop3A_412, %parallel_loop3A_408 : vector<16xf32>
        %parallel_loop3A_419 = arith.mulf %parallel_loop3A_378, %parallel_loop3A_418 : vector<16xf32>
        %parallel_loop3A_420 = arith.addf %parallel_loop3A_408, %parallel_loop3A_419 : vector<16xf32>
        %parallel_loop3A_421 = arith.addf %parallel_loop3A_420, %parallel_loop3A_417 : vector<16xf32>
        %parallel_loop3A_422 = arith.index_cast %parallel_loop3A_326 : i32 to index
        %parallel_loop3A_423 = arith.constant 16 : index
        %parallel_loop3A_424 = tpu.vector_load %arg16[%parallel_loop3A_422, %parallel_loop3A_423] {strides = array<i32>} : memref<32x128xf32, #tpu.memory_space<vmem>>, vector<1x16xf32>,
        %parallel_loop3A_425 = vector.shape_cast %parallel_loop3A_424 : vector<1x16xf32> to vector<16xf32>
        %parallel_loop3A_426 = vector.shape_cast %parallel_loop3A_421 : vector<16xf32> to vector<1x16xf32>
        tpu.vector_store %arg16[%parallel_loop3A_422, %parallel_loop3A_423], %parallel_loop3A_426 {strides = array<i32>} : memref<32x128xf32, #tpu.memory_space<vmem>>, vector<1x16xf32>,
        %parallel_loop3A_427 = arith.index_cast %parallel_loop3A_382 : i32 to index
        %parallel_loop3A_428 = arith.constant 32 : index
        %parallel_loop3A_429 = tpu.vector_load %arg12[%parallel_loop3A_427, %parallel_loop3A_428] {strides = array<i32>} : memref<64x128xf32, #tpu.memory_space<vmem>>, vector<1x16xf32>,
        %parallel_loop3A_430 = vector.shape_cast %parallel_loop3A_429 : vector<1x16xf32> to vector<16xf32>
        %parallel_loop3A_431 = arith.index_cast %parallel_loop3A_382 : i32 to index
        %parallel_loop3A_432 = arith.constant 96 : index
        %parallel_loop3A_433 = tpu.vector_load %arg12[%parallel_loop3A_431, %parallel_loop3A_432] {strides = array<i32>} : memref<64x128xf32, #tpu.memory_space<vmem>>, vector<1x16xf32>,
        %parallel_loop3A_434 = vector.shape_cast %parallel_loop3A_433 : vector<1x16xf32> to vector<16xf32>
        %parallel_loop3A_435 = arith.addi %rem3A_304, %parallel_loop3A_326 : i32
        %parallel_loop3A_436 = arith.index_cast %parallel_loop3A_435 : i32 to index
        %parallel_loop3A_437 = arith.constant 32 : index
        %parallel_loop3A_438 = tpu.vector_load %arg8[%parallel_loop3A_436, %parallel_loop3A_437] {strides = array<i32>} : memref<200x128xf32, #tpu.memory_space<vmem>>, vector<1x16xf32>,
        %parallel_loop3A_439 = vector.shape_cast %parallel_loop3A_438 : vector<1x16xf32> to vector<16xf32>
        %parallel_loop3A_440 = arith.subf %parallel_loop3A_434, %parallel_loop3A_430 : vector<16xf32>
        %parallel_loop3A_441 = arith.mulf %parallel_loop3A_378, %parallel_loop3A_440 : vector<16xf32>
        %parallel_loop3A_442 = arith.addf %parallel_loop3A_430, %parallel_loop3A_441 : vector<16xf32>
        %parallel_loop3A_443 = arith.addf %parallel_loop3A_442, %parallel_loop3A_439 : vector<16xf32>
        %parallel_loop3A_444 = arith.index_cast %parallel_loop3A_326 : i32 to index
        %parallel_loop3A_445 = arith.constant 32 : index
        %parallel_loop3A_446 = tpu.vector_load %arg16[%parallel_loop3A_444, %parallel_loop3A_445] {strides = array<i32>} : memref<32x128xf32, #tpu.memory_space<vmem>>, vector<1x16xf32>,
        %parallel_loop3A_447 = vector.shape_cast %parallel_loop3A_446 : vector<1x16xf32> to vector<16xf32>
        %parallel_loop3A_448 = vector.shape_cast %parallel_loop3A_443 : vector<16xf32> to vector<1x16xf32>
        tpu.vector_store %arg16[%parallel_loop3A_444, %parallel_loop3A_445], %parallel_loop3A_448 {strides = array<i32>} : memref<32x128xf32, #tpu.memory_space<vmem>>, vector<1x16xf32>,
        %parallel_loop3A_449 = arith.index_cast %parallel_loop3A_382 : i32 to index
        %parallel_loop3A_450 = arith.constant 48 : index
        %parallel_loop3A_451 = tpu.vector_load %arg12[%parallel_loop3A_449, %parallel_loop3A_450] {strides = array<i32>} : memref<64x128xf32, #tpu.memory_space<vmem>>, vector<1x16xf32>,
        %parallel_loop3A_452 = vector.shape_cast %parallel_loop3A_451 : vector<1x16xf32> to vector<16xf32>
        %parallel_loop3A_453 = arith.index_cast %parallel_loop3A_382 : i32 to index
        %parallel_loop3A_454 = arith.constant 112 : index
        %parallel_loop3A_455 = tpu.vector_load %arg12[%parallel_loop3A_453, %parallel_loop3A_454] {strides = array<i32>} : memref<64x128xf32, #tpu.memory_space<vmem>>, vector<1x16xf32>,
        %parallel_loop3A_456 = vector.shape_cast %parallel_loop3A_455 : vector<1x16xf32> to vector<16xf32>
        %parallel_loop3A_457 = arith.addi %rem3A_304, %parallel_loop3A_326 : i32
        %parallel_loop3A_458 = arith.index_cast %parallel_loop3A_457 : i32 to index
        %parallel_loop3A_459 = arith.constant 48 : index
        %parallel_loop3A_460 = tpu.vector_load %arg8[%parallel_loop3A_458, %parallel_loop3A_459] {strides = array<i32>} : memref<200x128xf32, #tpu.memory_space<vmem>>, vector<1x16xf32>,
        %parallel_loop3A_461 = vector.shape_cast %parallel_loop3A_460 : vector<1x16xf32> to vector<16xf32>
        %parallel_loop3A_462 = arith.subf %parallel_loop3A_456, %parallel_loop3A_452 : vector<16xf32>
        %parallel_loop3A_463 = arith.mulf %parallel_loop3A_378, %parallel_loop3A_462 : vector<16xf32>
        %parallel_loop3A_464 = arith.addf %parallel_loop3A_452, %parallel_loop3A_463 : vector<16xf32>
        %parallel_loop3A_465 = arith.addf %parallel_loop3A_464, %parallel_loop3A_461 : vector<16xf32>
        %parallel_loop3A_466 = arith.index_cast %parallel_loop3A_326 : i32 to index
        %parallel_loop3A_467 = arith.constant 48 : index
        %parallel_loop3A_468 = tpu.vector_load %arg16[%parallel_loop3A_466, %parallel_loop3A_467] {strides = array<i32>} : memref<32x128xf32, #tpu.memory_space<vmem>>, vector<1x16xf32>,
        %parallel_loop3A_469 = vector.shape_cast %parallel_loop3A_468 : vector<1x16xf32> to vector<16xf32>
        %parallel_loop3A_470 = vector.shape_cast %parallel_loop3A_465 : vector<16xf32> to vector<1x16xf32>
        tpu.vector_store %arg16[%parallel_loop3A_466, %parallel_loop3A_467], %parallel_loop3A_470 {strides = array<i32>} : memref<32x128xf32, #tpu.memory_space<vmem>>, vector<1x16xf32>,
        %parallel_loop3A_471 = arith.constant 1 : i32
        %parallel_loop3A_472 = arith.addi %parallel_loop3A_365, %parallel_loop3A_471 : i32
        %parallel_loop3A_473 = vector.broadcast %parallel_loop3A_472 : i32 to vector<16xi32>
        %parallel_loop3A_474 = arith.constant 0 : i32
        %parallel_loop3A_475 = vector.broadcast %parallel_loop3A_474 : i32 to vector<16xi32>
        %parallel_loop3A_476 = arith.cmpi slt, %parallel_loop3A_473, %parallel_loop3A_475 : vector<16xi32>
        %parallel_loop3A_477 = arith.constant 16 : i32
        %parallel_loop3A_478 = vector.broadcast %parallel_loop3A_477 : i32 to vector<16xi32>
        %parallel_loop3A_479 = arith.addi %parallel_loop3A_473, %parallel_loop3A_478 : vector<16xi32>
        %parallel_loop3A_480 = arith.select %parallel_loop3A_476, %parallel_loop3A_479, %parallel_loop3A_473 : vector<16xi1>, vector<16xi32>
        %parallel_loop3A_481 = vector.shape_cast %parallel_loop3A_480 : vector<16xi32> to vector<16x1xi32>
        %parallel_loop3A_482 = vector.shape_cast %parallel_loop3A_481 : vector<16x1xi32> to vector<16xi32>
        %parallel_loop3A_483 = tpu.dynamic_gather %parallel_loop3A_361[%parallel_loop3A_482] in [0] : vector<16xf32>, vector<16xi32> -> vector<16xf32>
        %parallel_loop3A_484 = arith.constant 2 : i32
        %parallel_loop3A_485 = arith.muli %parallel_loop3A_484, %parallel_loop3A_326 : i32
        %parallel_loop3A_486 = arith.constant 1 : i32
        %parallel_loop3A_487 = arith.addi %parallel_loop3A_485, %parallel_loop3A_486 : i32
        %parallel_loop3A_488 = arith.index_cast %parallel_loop3A_487 : i32 to index
        %parallel_loop3A_489 = arith.constant 0 : index
        %parallel_loop3A_490 = tpu.vector_load %arg12[%parallel_loop3A_488, %parallel_loop3A_489] {strides = array<i32>} : memref<64x128xf32, #tpu.memory_space<vmem>>, vector<1x16xf32>,
        %parallel_loop3A_491 = vector.shape_cast %parallel_loop3A_490 : vector<1x16xf32> to vector<16xf32>
        %parallel_loop3A_492 = arith.index_cast %parallel_loop3A_487 : i32 to index
        %parallel_loop3A_493 = arith.constant 64 : index
        %parallel_loop3A_494 = tpu.vector_load %arg12[%parallel_loop3A_492, %parallel_loop3A_493] {strides = array<i32>} : memref<64x128xf32, #tpu.memory_space<vmem>>, vector<1x16xf32>,
        %parallel_loop3A_495 = vector.shape_cast %parallel_loop3A_494 : vector<1x16xf32> to vector<16xf32>
        %parallel_loop3A_496 = arith.addi %rem3A_304, %parallel_loop3A_326 : i32
        %parallel_loop3A_497 = arith.index_cast %parallel_loop3A_496 : i32 to index
        %parallel_loop3A_498 = arith.constant 64 : index
        %parallel_loop3A_499 = tpu.vector_load %arg8[%parallel_loop3A_497, %parallel_loop3A_498] {strides = array<i32>} : memref<200x128xf32, #tpu.memory_space<vmem>>, vector<1x16xf32>,
        %parallel_loop3A_500 = vector.shape_cast %parallel_loop3A_499 : vector<1x16xf32> to vector<16xf32>
        %parallel_loop3A_501 = arith.subf %parallel_loop3A_495, %parallel_loop3A_491 : vector<16xf32>
        %parallel_loop3A_502 = arith.mulf %parallel_loop3A_483, %parallel_loop3A_501 : vector<16xf32>
        %parallel_loop3A_503 = arith.addf %parallel_loop3A_491, %parallel_loop3A_502 : vector<16xf32>
        %parallel_loop3A_504 = arith.addf %parallel_loop3A_503, %parallel_loop3A_500 : vector<16xf32>
        %parallel_loop3A_505 = arith.index_cast %parallel_loop3A_326 : i32 to index
        %parallel_loop3A_506 = arith.constant 64 : index
        %parallel_loop3A_507 = tpu.vector_load %arg16[%parallel_loop3A_505, %parallel_loop3A_506] {strides = array<i32>} : memref<32x128xf32, #tpu.memory_space<vmem>>, vector<1x16xf32>,
        %parallel_loop3A_508 = vector.shape_cast %parallel_loop3A_507 : vector<1x16xf32> to vector<16xf32>
        %parallel_loop3A_509 = vector.shape_cast %parallel_loop3A_504 : vector<16xf32> to vector<1x16xf32>
        tpu.vector_store %arg16[%parallel_loop3A_505, %parallel_loop3A_506], %parallel_loop3A_509 {strides = array<i32>} : memref<32x128xf32, #tpu.memory_space<vmem>>, vector<1x16xf32>,
        %parallel_loop3A_510 = arith.index_cast %parallel_loop3A_487 : i32 to index
        %parallel_loop3A_511 = arith.constant 16 : index
        %parallel_loop3A_512 = tpu.vector_load %arg12[%parallel_loop3A_510, %parallel_loop3A_511] {strides = array<i32>} : memref<64x128xf32, #tpu.memory_space<vmem>>, vector<1x16xf32>,
        %parallel_loop3A_513 = vector.shape_cast %parallel_loop3A_512 : vector<1x16xf32> to vector<16xf32>
        %parallel_loop3A_514 = arith.index_cast %parallel_loop3A_487 : i32 to index
        %parallel_loop3A_515 = arith.constant 80 : index
        %parallel_loop3A_516 = tpu.vector_load %arg12[%parallel_loop3A_514, %parallel_loop3A_515] {strides = array<i32>} : memref<64x128xf32, #tpu.memory_space<vmem>>, vector<1x16xf32>,
        %parallel_loop3A_517 = vector.shape_cast %parallel_loop3A_516 : vector<1x16xf32> to vector<16xf32>
        %parallel_loop3A_518 = arith.addi %rem3A_304, %parallel_loop3A_326 : i32
        %parallel_loop3A_519 = arith.index_cast %parallel_loop3A_518 : i32 to index
        %parallel_loop3A_520 = arith.constant 80 : index
        %parallel_loop3A_521 = tpu.vector_load %arg8[%parallel_loop3A_519, %parallel_loop3A_520] {strides = array<i32>} : memref<200x128xf32, #tpu.memory_space<vmem>>, vector<1x16xf32>,
        %parallel_loop3A_522 = vector.shape_cast %parallel_loop3A_521 : vector<1x16xf32> to vector<16xf32>
        %parallel_loop3A_523 = arith.subf %parallel_loop3A_517, %parallel_loop3A_513 : vector<16xf32>
        %parallel_loop3A_524 = arith.mulf %parallel_loop3A_483, %parallel_loop3A_523 : vector<16xf32>
        %parallel_loop3A_525 = arith.addf %parallel_loop3A_513, %parallel_loop3A_524 : vector<16xf32>
        %parallel_loop3A_526 = arith.addf %parallel_loop3A_525, %parallel_loop3A_522 : vector<16xf32>
        %parallel_loop3A_527 = arith.index_cast %parallel_loop3A_326 : i32 to index
        %parallel_loop3A_528 = arith.constant 80 : index
        %parallel_loop3A_529 = tpu.vector_load %arg16[%parallel_loop3A_527, %parallel_loop3A_528] {strides = array<i32>} : memref<32x128xf32, #tpu.memory_space<vmem>>, vector<1x16xf32>,
        %parallel_loop3A_530 = vector.shape_cast %parallel_loop3A_529 : vector<1x16xf32> to vector<16xf32>
        %parallel_loop3A_531 = vector.shape_cast %parallel_loop3A_526 : vector<16xf32> to vector<1x16xf32>
        tpu.vector_store %arg16[%parallel_loop3A_527, %parallel_loop3A_528], %parallel_loop3A_531 {strides = array<i32>} : memref<32x128xf32, #tpu.memory_space<vmem>>, vector<1x16xf32>,
        %parallel_loop3A_532 = arith.index_cast %parallel_loop3A_487 : i32 to index
        %parallel_loop3A_533 = arith.constant 32 : index
        %parallel_loop3A_534 = tpu.vector_load %arg12[%parallel_loop3A_532, %parallel_loop3A_533] {strides = array<i32>} : memref<64x128xf32, #tpu.memory_space<vmem>>, vector<1x16xf32>,
        %parallel_loop3A_535 = vector.shape_cast %parallel_loop3A_534 : vector<1x16xf32> to vector<16xf32>
        %parallel_loop3A_536 = arith.index_cast %parallel_loop3A_487 : i32 to index
        %parallel_loop3A_537 = arith.constant 96 : index
        %parallel_loop3A_538 = tpu.vector_load %arg12[%parallel_loop3A_536, %parallel_loop3A_537] {strides = array<i32>} : memref<64x128xf32, #tpu.memory_space<vmem>>, vector<1x16xf32>,
        %parallel_loop3A_539 = vector.shape_cast %parallel_loop3A_538 : vector<1x16xf32> to vector<16xf32>
        %parallel_loop3A_540 = arith.addi %rem3A_304, %parallel_loop3A_326 : i32
        %parallel_loop3A_541 = arith.index_cast %parallel_loop3A_540 : i32 to index
        %parallel_loop3A_542 = arith.constant 96 : index
        %parallel_loop3A_543 = tpu.vector_load %arg8[%parallel_loop3A_541, %parallel_loop3A_542] {strides = array<i32>} : memref<200x128xf32, #tpu.memory_space<vmem>>, vector<1x16xf32>,
        %parallel_loop3A_544 = vector.shape_cast %parallel_loop3A_543 : vector<1x16xf32> to vector<16xf32>
        %parallel_loop3A_545 = arith.subf %parallel_loop3A_539, %parallel_loop3A_535 : vector<16xf32>
        %parallel_loop3A_546 = arith.mulf %parallel_loop3A_483, %parallel_loop3A_545 : vector<16xf32>
        %parallel_loop3A_547 = arith.addf %parallel_loop3A_535, %parallel_loop3A_546 : vector<16xf32>
        %parallel_loop3A_548 = arith.addf %parallel_loop3A_547, %parallel_loop3A_544 : vector<16xf32>
        %parallel_loop3A_549 = arith.index_cast %parallel_loop3A_326 : i32 to index
        %parallel_loop3A_550 = arith.constant 96 : index
        %parallel_loop3A_551 = tpu.vector_load %arg16[%parallel_loop3A_549, %parallel_loop3A_550] {strides = array<i32>} : memref<32x128xf32, #tpu.memory_space<vmem>>, vector<1x16xf32>,
        %parallel_loop3A_552 = vector.shape_cast %parallel_loop3A_551 : vector<1x16xf32> to vector<16xf32>
        %parallel_loop3A_553 = vector.shape_cast %parallel_loop3A_548 : vector<16xf32> to vector<1x16xf32>
        tpu.vector_store %arg16[%parallel_loop3A_549, %parallel_loop3A_550], %parallel_loop3A_553 {strides = array<i32>} : memref<32x128xf32, #tpu.memory_space<vmem>>, vector<1x16xf32>,
        %parallel_loop3A_554 = arith.index_cast %parallel_loop3A_487 : i32 to index
        %parallel_loop3A_555 = arith.constant 48 : index
        %parallel_loop3A_556 = tpu.vector_load %arg12[%parallel_loop3A_554, %parallel_loop3A_555] {strides = array<i32>} : memref<64x128xf32, #tpu.memory_space<vmem>>, vector<1x16xf32>,
        %parallel_loop3A_557 = vector.shape_cast %parallel_loop3A_556 : vector<1x16xf32> to vector<16xf32>
        %parallel_loop3A_558 = arith.index_cast %parallel_loop3A_487 : i32 to index
        %parallel_loop3A_559 = arith.constant 112 : index
        %parallel_loop3A_560 = tpu.vector_load %arg12[%parallel_loop3A_558, %parallel_loop3A_559] {strides = array<i32>} : memref<64x128xf32, #tpu.memory_space<vmem>>, vector<1x16xf32>,
        %parallel_loop3A_561 = vector.shape_cast %parallel_loop3A_560 : vector<1x16xf32> to vector<16xf32>
        %parallel_loop3A_562 = arith.addi %rem3A_304, %parallel_loop3A_326 : i32
        %parallel_loop3A_563 = arith.index_cast %parallel_loop3A_562 : i32 to index
        %parallel_loop3A_564 = arith.constant 112 : index
        %parallel_loop3A_565 = tpu.vector_load %arg8[%parallel_loop3A_563, %parallel_loop3A_564] {strides = array<i32>} : memref<200x128xf32, #tpu.memory_space<vmem>>, vector<1x16xf32>,
        %parallel_loop3A_566 = vector.shape_cast %parallel_loop3A_565 : vector<1x16xf32> to vector<16xf32>
        %parallel_loop3A_567 = arith.subf %parallel_loop3A_561, %parallel_loop3A_557 : vector<16xf32>
        %parallel_loop3A_568 = arith.mulf %parallel_loop3A_483, %parallel_loop3A_567 : vector<16xf32>
        %parallel_loop3A_569 = arith.addf %parallel_loop3A_557, %parallel_loop3A_568 : vector<16xf32>
        %parallel_loop3A_570 = arith.addf %parallel_loop3A_569, %parallel_loop3A_566 : vector<16xf32>
        %parallel_loop3A_571 = arith.index_cast %parallel_loop3A_326 : i32 to index
        %parallel_loop3A_572 = arith.constant 112 : index
        %parallel_loop3A_573 = tpu.vector_load %arg16[%parallel_loop3A_571, %parallel_loop3A_572] {strides = array<i32>} : memref<32x128xf32, #tpu.memory_space<vmem>>, vector<1x16xf32>,
        %parallel_loop3A_574 = vector.shape_cast %parallel_loop3A_573 : vector<1x16xf32> to vector<16xf32>
        %parallel_loop3A_575 = vector.shape_cast %parallel_loop3A_570 : vector<16xf32> to vector<1x16xf32>
        tpu.vector_store %arg16[%parallel_loop3A_571, %parallel_loop3A_572], %parallel_loop3A_575 {strides = array<i32>} : memref<32x128xf32, #tpu.memory_space<vmem>>, vector<1x16xf32>,
      } {sc.loop_unroll_factor = 4 : i64, sc.parallel_access}
      %mul3A_308 = arith.constant 400 : i32
      %mul3A_309 = arith.muli %add3A, %mul3A_308 : i32
      %add3A_310 = arith.addi %mul3A_309, %add3A_261 : i32
      %dma_start3A_311 = arith.constant 0 : i32
      %dma_start3A_312 = arith.constant 0 : i32
      %dma_start3A_313 = tpu.memref_slice %arg5[%add3A_310, %dma_start3A_311, %dma_start3A_312] : memref<12800x32x128xf32, #tpu.memory_space<hbm>> -> memref<1x32x128xf32, #tpu.memory_space<hbm>>
      %dma_start3A_314 = tpu.memref_squeeze %dma_start3A_313 : memref<1x32x128xf32, #tpu.memory_space<hbm>> -> memref<32x128xf32, #tpu.memory_space<hbm>>
      %dma_start3A_315 = arith.constant 0 : i32
      %dma_start3A_316 = arith.constant 0 : i32
      %dma_start3A_317 = tpu.memref_slice %arg5[%add3A_310, %dma_start3A_315, %dma_start3A_316] : memref<12800x32x128xf32, #tpu.memory_space<hbm>> -> memref<1x32x128xf32, #tpu.memory_space<hbm>>
      %dma_start3A_318 = tpu.memref_squeeze %dma_start3A_317 : memref<1x32x128xf32, #tpu.memory_space<hbm>> -> memref<32x128xf32, #tpu.memory_space<hbm>>
      tpu.enqueue_dma source(%arg16 : memref<32x128xf32, #tpu.memory_space<vmem>>) target(%dma_start3A_318 : memref<32x128xf32, #tpu.memory_space<hbm>>) target_semaphore(%arg24 : memref<!tpu.dma_semaphore, #tpu.memory_space<semaphore_mem>>)
      %add3A_319 = arith.constant 4 : i32
      %add3A_320 = arith.addi %add3A_261, %add3A_319 : i32
      %lt3A_321 = arith.constant 400 : i32
      %lt3A_322 = arith.cmpi slt, %add3A_320, %lt3A_321 : i32
      %convert_element_type3A_323 = arith.extui %lt3A_322 : i1 to i32
      %cond3A_324 = arith.constant 0 : i32
      %cond3A_325 = arith.cmpi ne, %convert_element_type3A_323, %cond3A_324 : i32
      scf.if %cond3A_325 {
        %jit3A_326 = arith.constant 2 : i32
        %div3A_327 = arith.divsi %add3A_73, %jit3A_326 : i32
        %sign3A_328 = arith.constant 0 : i32
        %sign3A_329 = arith.cmpi sgt, %add3A_73, %sign3A_328 : i32
        %sign3A_330 = arith.extui %sign3A_329 : i1 to i32
        %sign3A_331 = arith.constant 0 : i32
        %sign3A_332 = arith.cmpi slt, %add3A_73, %sign3A_331 : i32
        %sign3A_333 = arith.extui %sign3A_332 : i1 to i32
        %sign3A_334 = arith.subi %sign3A_330, %sign3A_333 : i32
        %sign3A_335 = arith.constant 0 : i32
        %sign3A_336 = arith.cmpi sgt, %jit3A_326, %sign3A_335 : i32
        %sign3A_337 = arith.extui %sign3A_336 : i1 to i32
        %sign3A_338 = arith.constant 0 : i32
        %sign3A_339 = arith.cmpi slt, %jit3A_326, %sign3A_338 : i32
        %sign3A_340 = arith.extui %sign3A_339 : i1 to i32
        %sign3A_341 = arith.subi %sign3A_337, %sign3A_340 : i32
        %ne3A_342 = arith.cmpi ne, %sign3A_334, %sign3A_341 : i32
        %rem3A_343 = arith.remsi %add3A_73, %jit3A_326 : i32
        %ne3A_344 = arith.constant 0 : i32
        %ne3A_345 = arith.cmpi ne, %rem3A_343, %ne3A_344 : i32
        %and3A_346 = arith.andi %ne3A_342, %ne3A_345 : i1
        %sub3A_347 = arith.constant 1 : i32
        %sub3A_348 = arith.subi %div3A_327, %sub3A_347 : i32
        %select_n3A_349 = arith.select %and3A_346, %sub3A_348, %div3A_327 : i32
        %add3A_350 = arith.constant 3 : i32
        %add3A_351 = arith.addi %select_n3A_349, %add3A_350 : i32
        %dma_start3A_352 = arith.constant 64 : i32
        %dma_start3A_353 = tpu.memref_slice %arg6[%add3A_351, %dma_start3A_352] : memref<200x128xi32, #tpu.memory_space<vmem>> -> memref<1x64xi32, #tpu.memory_space<vmem>>
        %dma_start3A_354 = tpu.memref_squeeze %dma_start3A_353 : memref<1x64xi32, #tpu.memory_space<vmem>> -> memref<64xi32, #tpu.memory_space<vmem>>
        %dma_start3A_355 = arith.constant 0 : i32
        %dma_start3A_356 = arith.constant 0 : i32
        %dma_start3A_357 = tpu.memref_slice %arg3[%dma_start3A_355, %dma_start3A_356] : memref<500000x128xf32, #tpu.memory_space<hbm>> -> memref<500000x128xf32, #tpu.memory_space<hbm>>
        tpu.enqueue_indirect_dma source(%dma_start3A_357 : memref<500000x128xf32, #tpu.memory_space<hbm>>) target(%arg12 : memref<64x128xf32, #tpu.memory_space<vmem>>) offsets(%dma_start3A_354 : memref<64xi32, #tpu.memory_space<vmem>>) semaphore(%arg20 : memref<!tpu.dma_semaphore, #tpu.memory_space<semaphore_mem>>)
      } else {
      }
    }
    %scan3A_33 = arith.constant 100 : i32
    %dma_wait3A = arith.constant 396 : i32
    %dma_wait3A_34 = arith.constant 0 : i32
    %dma_wait3A_35 = arith.constant 0 : i32
    %dma_wait3A_36 = tpu.memref_slice %arg5[%dma_wait3A, %dma_wait3A_34, %dma_wait3A_35] : memref<12800x32x128xf32, #tpu.memory_space<hbm>> -> memref<1x32x128xf32, #tpu.memory_space<hbm>>
    %dma_wait3A_37 = tpu.memref_squeeze %dma_wait3A_36 : memref<1x32x128xf32, #tpu.memory_space<hbm>> -> memref<32x128xf32, #tpu.memory_space<hbm>>
    %dma_wait3A_38 = arith.constant 0 : i32
    %dma_wait3A_39 = arith.constant 0 : i32
    %dma_wait3A_40 = tpu.memref_slice %arg5[%dma_wait3A, %dma_wait3A_38, %dma_wait3A_39] : memref<12800x32x128xf32, #tpu.memory_space<hbm>> -> memref<1x32x128xf32, #tpu.memory_space<hbm>>
    %dma_wait3A_41 = tpu.memref_squeeze %dma_wait3A_40 : memref<1x32x128xf32, #tpu.memory_space<hbm>> -> memref<32x128xf32, #tpu.memory_space<hbm>>
    tpu.wait_dma2 semaphore(%arg21 : memref<!tpu.dma_semaphore, #tpu.memory_space<semaphore_mem>>) src(%arg13 : memref<32x128xf32, #tpu.memory_space<vmem>>) dst(%dma_wait3A_41 : memref<32x128xf32, #tpu.memory_space<hbm>>)
    %dma_wait3A_42 = arith.constant 397 : i32
    %dma_wait3A_43 = arith.constant 0 : i32
    %dma_wait3A_44 = arith.constant 0 : i32
    %dma_wait3A_45 = tpu.memref_slice %arg5[%dma_wait3A_42, %dma_wait3A_43, %dma_wait3A_44] : memref<12800x32x128xf32, #tpu.memory_space<hbm>> -> memref<1x32x128xf32, #tpu.memory_space<hbm>>
    %dma_wait3A_46 = tpu.memref_squeeze %dma_wait3A_45 : memref<1x32x128xf32, #tpu.memory_space<hbm>> -> memref<32x128xf32, #tpu.memory_space<hbm>>
    %dma_wait3A_47 = arith.constant 0 : i32
    %dma_wait3A_48 = arith.constant 0 : i32
    %dma_wait3A_49 = tpu.memref_slice %arg5[%dma_wait3A_42, %dma_wait3A_47, %dma_wait3A_48] : memref<12800x32x128xf32, #tpu.memory_space<hbm>> -> memref<1x32x128xf32, #tpu.memory_space<hbm>>
    %dma_wait3A_50 = tpu.memref_squeeze %dma_wait3A_49 : memref<1x32x128xf32, #tpu.memory_space<hbm>> -> memref<32x128xf32, #tpu.memory_space<hbm>>
    tpu.wait_dma2 semaphore(%arg22 : memref<!tpu.dma_semaphore, #tpu.memory_space<semaphore_mem>>) src(%arg14 : memref<32x128xf32, #tpu.memory_space<vmem>>) dst(%dma_wait3A_50 : memref<32x128xf32, #tpu.memory_space<hbm>>)
    %dma_wait3A_51 = arith.constant 398 : i32
    %dma_wait3A_52 = arith.constant 0 : i32
    %dma_wait3A_53 = arith.constant 0 : i32
    %dma_wait3A_54 = tpu.memref_slice %arg5[%dma_wait3A_51, %dma_wait3A_52, %dma_wait3A_53] : memref<12800x32x128xf32, #tpu.memory_space<hbm>> -> memref<1x32x128xf32, #tpu.memory_space<hbm>>
    %dma_wait3A_55 = tpu.memref_squeeze %dma_wait3A_54 : memref<1x32x128xf32, #tpu.memory_space<hbm>> -> memref<32x128xf32, #tpu.memory_space<hbm>>
    %dma_wait3A_56 = arith.constant 0 : i32
    %dma_wait3A_57 = arith.constant 0 : i32
    %dma_wait3A_58 = tpu.memref_slice %arg5[%dma_wait3A_51, %dma_wait3A_56, %dma_wait3A_57] : memref<12800x32x128xf32, #tpu.memory_space<hbm>> -> memref<1x32x128xf32, #tpu.memory_space<hbm>>
    %dma_wait3A_59 = tpu.memref_squeeze %dma_wait3A_58 : memref<1x32x128xf32, #tpu.memory_space<hbm>> -> memref<32x128xf32, #tpu.memory_space<hbm>>
    tpu.wait_dma2 semaphore(%arg23 : memref<!tpu.dma_semaphore, #tpu.memory_space<semaphore_mem>>) src(%arg15 : memref<32x128xf32, #tpu.memory_space<vmem>>) dst(%dma_wait3A_59 : memref<32x128xf32, #tpu.memory_space<hbm>>)
    %dma_wait3A_60 = arith.constant 399 : i32
    %dma_wait3A_61 = arith.constant 0 : i32
    %dma_wait3A_62 = arith.constant 0 : i32
    %dma_wait3A_63 = tpu.memref_slice %arg5[%dma_wait3A_60, %dma_wait3A_61, %dma_wait3A_62] : memref<12800x32x128xf32, #tpu.memory_space<hbm>> -> memref<1x32x128xf32, #tpu.memory_space<hbm>>
    %dma_wait3A_64 = tpu.memref_squeeze %dma_wait3A_63 : memref<1x32x128xf32, #tpu.memory_space<hbm>> -> memref<32x128xf32, #tpu.memory_space<hbm>>
    %dma_wait3A_65 = arith.constant 0 : i32
    %dma_wait3A_66 = arith.constant 0 : i32
    %dma_wait3A_67 = tpu.memref_slice %arg5[%dma_wait3A_60, %dma_wait3A_65, %dma_wait3A_66] : memref<12800x32x128xf32, #tpu.memory_space<hbm>> -> memref<1x32x128xf32, #tpu.memory_space<hbm>>
    %dma_wait3A_68 = tpu.memref_squeeze %dma_wait3A_67 : memref<1x32x128xf32, #tpu.memory_space<hbm>> -> memref<32x128xf32, #tpu.memory_space<hbm>>
    tpu.wait_dma2 semaphore(%arg24 : memref<!tpu.dma_semaphore, #tpu.memory_space<semaphore_mem>>) src(%arg16 : memref<32x128xf32, #tpu.memory_space<vmem>>) dst(%dma_wait3A_68 : memref<32x128xf32, #tpu.memory_space<hbm>>)
    return
  }
}

</mosaic_0001>

<sc_bundles>
// kernel: sparse-core-data-format-call.cloned.1.call-start
scs
called_computation_lowered:
.L_overlay_start_0:
0x0: {  	s2 =	sld [smem:$0x3FD9]  }
0x1: {  	s3 =	sld [smem:$0x3FFE];
	_ =	sdelay $0x1  }
0x2: {  	s1 =	srdreg.scid  }
0x3: {  	s0 =	sand.u32 $0x1, s1  }
0x4: {  	s18 =	sshll.u32 s0, $0xA;
	s2 =	sadd.s32 s3, s2  }
0x5: {  	s2 =	sadd.s32 s2, s18  }
0x6: {  	[smem:$0x3FC5] =	sst s2  }
0x7: {  	_ = 	snop  }
0x8: {  	s2 =	sld [smem:$0x3FD0];
	(tm) =	ssettm $0x1  }
0x9: {  	s19 =	sld [smem:$0x3FFB];
	_ =	sdelay $0x3  }
0xa: {  	_ =	strace s19  }
0xb: {  	s3 =	sld [smem:$0x3FFC];
	_ =	sdelay $0x3  }
0xc: {  	_ =	strace s3  }
0xd: {  	s3 =	sld [smem:$0x3FFD];
	_ =	sdelay $0x3  }
0xe: {  	_ =	strace s3  }
0xf: {  	_ =	strace $0x8FFFFFFF  }
0x10: {  	s20 =	sld [smem:$0x3FDB];
	_ =	sdelay $0x1  }
0x11: {  	s4 =	simm.s32 $_scs_section_size  }
0x12: {  	s5 =	simm.s32 $_size__tile_overlayer_lowered;
	s6 =	simm.s32 $_tile_overlayer_lowered  }
0x13: {  	s23 =	simm.s32 $0x1BFF;
	s22 =	sshll.u32 s6, $0x1;
	s3 =	sadd.s32 s4, s20  }
0x14: {  	s7 =	simm.s32 $0x0;
	s21 =	sshll.u32 s5, $0x1;
	s5 =	sadd.s32 s22, s3  }
0x15: {  	[timem:s7], [sflag:s23] =	dma.local [hbm:s5], s21  }
0x16: {  	_ =	swait.ge [sflag:s23], s21  }
0x17: {  	s4 =	ssub.s32 $0x0, s21;
	[sflag:s23] =	ssyncset.done $0x0  }
0x18: {  	[sflag:s23] =	ssyncadd.s32 s4;
	_ =	sdelay $0x1  }
0x19: {  	s24 =	simm.s32 $0x1B8B  }
0x1a: {  	_ =	swait.ge [sflag:s24], $0x1  }
0x1b: {  	[sflag:s24] =	ssyncset.done $0x0  }
0x1c: {  	s26 =	simm.s32 $0x1B8E;
	s25 =	sld [smem:$0x3FFE];
	[sflag:s24] =	ssyncadd.s32 $0xFFFFFFFF  }
0x1d: {  	s27 =	simm.s32 $execute0_lowered;
	[smem:$0x3FD2] =	sst s26  }
0x1e: {  	s5 =	sshll.u32 s27, $0x1;
	_ =	strace $0x80000049;
	[dreg:$0x1] =	wrdreg $0xFFFFFFFF  }
0x1f: {  	s28 =	simm.s32 $_size_execute0_lowered;
	s3 =	sadd.s32 s3, s5;
	[dreg:$0x0] =	wrdreg $0x0  }
0x20: {  	s5 =	sshll.u32 s28, $0x1;
	[dreg:$0x2] =	wrdreg s3  }
0x21: {  	[dreg:$0x3] =	wrdreg s5  }
0x22: {  	[dreg:$0x4] =	wrdreg $0xC0  }
0x23: {  	_ =	task [dreg:s7], $0x5FFFF  }
0x24: {  	[dreg:$0x1] =	wrdreg $0xFFFFFFFF  }
0x25: {  	[dreg:$0x0] =	wrdreg $0x60  }
0x26: {  	[dreg:$0x2] =	wrdreg s25  }
0x27: {  	[dreg:$0x3] =	wrdreg s2  }
0x28: {  	[dreg:$0x4] =	wrdreg $0x9  }
0x29: {  	_ =	task.clear_ibuf [dreg:s7], $0x5FFFF;
	_ =	strace $0x90000049  }
0x2a: {  	s29 =	simm.s32 $0x9;
	_ =	strace $0x8000004B  }
0x2b: {  	_ =	swait.ge [sflag:s29], $0x1  }
0x2c: {  	[sflag:s29] =	ssyncadd.s32 $0xFFFFFFFF  }
0x2d: {  	_ =	strace $0x9000004B  }
0x2e: {  	_ =	sfence  }
0x2f: {  	s30 =	sld [smem:$0x0];
	_ =	sdelay $0x2  }
0x30: {  	s31 =	sshll.u32 s1, $0xD;
	s1 =	sshrl.u32 s1, $0x2  }
0x31: {  	s3 =	sand.u32 $0x4000, s31;
	s1 =	sadd.s32 s1, s30  }
0x32: {  	s0 =	sor.u32 s3, s0;
	s1 =	sshll.u32 s1, $0x11  }
0x33: {  	s0 =	sor.u32 s1, s0  }
0x34: {  	s0 =	sadd.s32 $0x8F2B, s0  }
0x35: {  	[sflag:s0] =	ssyncadd.remote.s32 $0x1  }
0x36: {  	_ =	sfence.sel $0xFFFF  }
0x37: {  	[dreg:$0x0] =	wrdreg $0xFFFFFFFF;
	(pc) =	sbr.abs _section_cstart, $3  }
0x38: {  	[dreg:$0x1] =	wrdreg $0xFFFFFFFF  }
0x39: {  	_ =	task.clear_ibuf [dreg:s7], $0x2FFFF;
	_ =	strace $0x9FFFFFFF  }
0x3a: {  	(tm) =	ssettm $0x7FFFFFFF  }
0x3b: {  	_ =	shalt  }
tec
execute0_lowered:
.L_overlay_start_1:
0x0: {  	(tag) =	ssettag $0x1  }
0x1: {  	s0 =	srdreg.scid  }
0x2: {  	s1 =	sshll.u32 s0, $0x4  }
0x3: {  	s0 =	stileid.u32;
	s1 =	sand.u32 $0x10, s1  }
0x4: {  	s1 =	sor.u32 s0, s1  }
0x5: {  	s6 =	rddreg [dreg:$0x0];
	s4 =	simm.s32 $0x1;
	s2 =	sshll.u32 s1, $0x7  }
0x6: {  	s7 =	simm.s32 $0x2;
	s12 =	simm.s32 $0x0;
	s1 =	ssub.s32 $0x1000, s2  }
0x7: {  	s8 =	simm.s32 $0x8000;
	s13 =	simm.s32 $0x0;
	s3 =	sand.u32 $0xF80, s1  }
0x8: {  	s9 =	simm.s32 $0x0;
	s5 =	sshrl.u32 s1, $0xC;
	p0 =	sne.s32 s3, $0x0  }
.Ltmp0:
0x9: {  	s1 =	rddreg [dreg:$0x2];
	s4 =	simm.s32 @!p0 $0x0;
	(pc) =	sbr.rel .LBB1_1-.Ltmp0, $4  }
0xa: {  	s11 =	simm.s32 $0x0;
	s3 =	rddreg [dreg:$0x1];
	s5 =	sadd.s32 s4, s5  }
0xb: {  	_ =	strace $0x8000004A;
	s4 =	simm.s32 $0x1;
	s5 =	smul.u32 $0xC8, s5  }
0xc: {  	s6 =	sadd.s32 $0xC00, s6;
	s10 =	smov.u32 s2;
	[sflag:s4] =	ssyncpa.u1 $0x0  }
0xd: {  	p0 =	por $0x0, $0x0;
	[sflag:s7] =	ssyncpa.u1 $0x0;
	s7 =	sor.u32 $0x1, s5  }
.LBB1_4:
0xe: {  	s16 =	sshll.u32 s13, $0x3;
	s17 =	sand.u32 $0x78, s13  }
0xf: {  	s30 =	sand.u32 $0x7E00, s13;
	s12 =	sshll.u32 s12, $0xF;
	s16 =	sand.u32 $0xC00, s16  }
0x10: {  	[tilespmem:s15+$0x810 ss:$0x81] =	vst.msk $0xffff, v2;
	s31 =	sand.u32 $0x7, s13;
	s16 =	sor.u32 s17, s16;
	s17 =	sadd.s32 s3, s30  }
0x11: {  	[tilespmem:s15+$0x1020 ss:$0x81] =	vst.msk $0xffff, v0;
	s13 =	sshll.u32 s31, $0x12;
	s12 =	sadd.s32 s12, s17;
	s16 =	sshrl.u32 s16, $0x3  }
0x12: {  	[tilespmem:s15+$0x0 ss:$0x81] =	vst.msk $0xffff, v1;
	s13 =	sor.u32 $0x400, s13;
	s12 =	sadd.s32 s16, s12  }
0x13: {  	[hbm4b:s12+s13] =	stream.strided.scatter [tilespmem:s14], [sflag:$0x2], $0x2000, s8, s13, $0x20;
	[tilespmem:$0x8080] =	vst v63  }
.LBB1_5:
0x14: {  	s14 =	sadd.s32 $0x1, s9  }
0x15: {  	s12 =	sadd.s32 $0x1000, s10;
	s16 =	smov.u32 s10;
	p2 =	sgt.s32 s14, $0xC7  }
0x16: {  	s16 =	smov.u32 @p2 s12  }
0x17: {  	s14 =	simm.s32 @p2 $0x0;
	p2 =	sgt.s32 s16, $0xFFF  }
0x18: {  	s16 =	smov.u32 @p2 s2;
	p2 =	sne.s32 s11, s7  }
.Ltmp1:
0x19: {  	p1 =	slt.u32 s11, $0x2;
	(pc) =	sbr.rel @!p2 .LBB1_6-.Ltmp1, $4  }
0x1a: {  	s15 =	simm.s32 @!p1 $0x2  }
0x1b: {  	s13 =	smov.u32 s10;
	p0 =	por !p0, !p0;
	_ =	swait.ge @!p1 [sflag:s15], $0x2000  }
0x1c: {  	s12 =	smov.u32 s9;
	[sflag:s15] =	ssyncset.done @!p1 $0x0;
	s9 =	smov.u32 s14  }
0x1d: {  	s11 =	sadd.s32 $0x1, s11;
	[sflag:s15] =	ssyncadd.s32 @!p1 $0xFFFFE000;
	s10 =	smov.u32 s16  }
.LBB1_1:
0x1e: {  	p1 =	sge.u32 s11, s5  }
0x1f: {  	s14 =	sand.u32 @!p1 $0x1FFFFFF, s9  }
0x20: {  	s15 =	smulhi.u32 @!p1 $0x147AE15, s14;
	_ =	sdelay $0x1  }
0x21: {  	s15 =	smul.u32 @!p1 $0xC8, s15  }
0x22: {  	s16 =	sxor.u32 @!p1 $0xFFFFFFFF, s11;
	s17 =	smul.u32 @!p1 $0xC80, s10  }
0x23: {  	s31 =	sadd.s32 $0xFFFFFFFF, s11;
	s16 =	sshll.u32 @!p1 s16, $0xD;
	s14 =	ssub.s32 @!p1 s14, s15  }
0x24: {  	s15 =	sand.u32 @!p1 $0x2000, s16;
	s16 =	sadd.s32 @!p1 s6, s17;
	s14 =	sshll.u32 @!p1 s14, $0x4  }
0x25: {  	s17 =	simm.s32 @!p1 $0x6400;
	s14 =	sadd.s32 @!p1 s14, s16;
	s16 =	simm.s32 @!p1 $0x40  }
0x26: {  	[tilespmem:s15], [sflag:$0x1] =	stream.strided.gather @!p1 [hbm4b:s14+s16], $0x2000, s17, s16, $0x38;
	[tilespmem:$0x8080] =	vst v63  }
0x27: {  	p1 =	sge.u32 s31, s5  }
.Ltmp2:
0x28: {  	_ = 	snop;
	(pc) =	sbr.rel @p1 .LBB1_5-.Ltmp2, $1  }
0x29: {  	_ =	sdelay $0x3  }
0x2a: {  	s14 =	simm.s32 $0x1  }
0x2b: {  	_ =	swait.ge [sflag:s4], $0x2000;
	s14 =	simm.s32 @!p0 $0x0  }
0x2c: {  	[sflag:s4] =	ssyncset.done $0x0;
	s15 =	sshll.u32 s14, $0xD  }
0x2d: {  	[sflag:s4] =	ssyncadd.s32 $0xFFFFE000;
	s18 =	sor.u32 $0x20, s15  }
0x2e: {  	s14 =	smul.u32 $0x8100, s14;
	v3 =	vld [tilespmem:s18+$0x10]  }
0x2f: {  	s30 =	sand.u32 $0x1, s11;
	v2 =	vld [tilespmem:s18+$0xFFFFFFF0]  }
0x30: {  	s15 =	smul.u32 $0x8100, s30;
	s14 =	sshrl.u32 s14, $0x2;
	v0 =	vld [tilespmem:s18+$0x0]  }
0x31: {  	v1 =	vld [tilespmem:s18+$0xFFFFFFE0];
	s16 =	sor.u32 $0x4000, s14  }
0x32: {  	s31 =	sshrl.u32 s15, $0x2;
	s15 =	sadd.s32 $0x0, s16  }
0x33: {  	s17 =	simm.s32 $0x4;
	s18 =	sadd.s32 $0x40, s18;
	s14 =	sor.u32 $0x4000, s31;
	[tilespmem:s15+$0x1830 ss:$0x81] =	vst.msk $0xffff, v3  }
.LBB1_3:
0x34: {  	v3 =	vld [tilespmem:s18+$0x10];
	p1 =	sne.s32 s17, $0x1FC;
	[tilespmem:s15+$0x810 ss:$0x81] =	vst.msk $0xffff, v2;
	s19 =	smov.u32 s17;
	s17 =	sadd.s32 $0x4, s17  }
.Ltmp3:
0x35: {  	v2 =	vld [tilespmem:s18+$0xFFFFFFF0];
	[tilespmem:s15+$0x1020 ss:$0x81] =	vst.msk $0xffff, v0;
	(pc) =	sbr.rel @p1 .LBB1_3-.Ltmp3, $4  }
0x36: {  	v0 =	vld [tilespmem:s18+$0x0];
	[tilespmem:s15+$0x0 ss:$0x81] =	vst.msk $0xffff, v1  }
0x37: {  	s15 =	sshra.s32 s19, $0x2;
	v1 =	vld [tilespmem:s18+$0xFFFFFFE0]  }
0x38: {  	s15 =	sadd.s32 s15, s16  }
0x39: {  	s18 =	sadd.s32 $0x40, s18;
	[tilespmem:s15+$0x1830 ss:$0x81] =	vst.msk $0xffff, v3  }
.Ltmp4:
0x3a: {  	_ = 	snop;
	(pc) =	sbr.rel .LBB1_4-.Ltmp4, $1  }
0x3b: {  	_ =	sdelay $0x3  }
.LBB1_6:
0x3c: {  	_ =	sfence.sel $0x180000  }
0x3d: {  	s2 =	simm.s32 $0x1;
	[bflag:$0x0] =	sbarrier.arrive $0xFFFF  }
0x3e: {  	s31 =	simm.s32 $0x2;
	[sflag:s2] =	ssyncpa.u1 $0x1  }
0x3f: {  	[sflag:s31] =	ssyncpa.u1 $0x1  }
0x40: {  	p0 =	sne.s32 s0, $0x0;
	_ =	strace $0x9000004A  }
0x41: {  	s0 =	sadd.s32 @!p0 $0x100000, s1;
	[bflag:$0x2] =	sbarrier.arrive $0xFFFF  }
0x42: {  	[sflag:s0] =	ssyncadd.tile.s32 @!p0 $0x1;
	_ =	shalt  }
.Lfunc_end1:
_tile_overlayer_lowered:
.L_overlay_start_2:
0x43: {  	(tag) =	ssettag $0x2  }
0x44: {  	s0 =	rddreg [dreg:$0x0];
	s2 =	stileid.u32  }
0x45: {  	s1 =	rddreg [dreg:$0x1];
	p0 =	sne.s32 s2, $0x0  }
0x46: {  	s3 =	rddreg [dreg:$0x2];
	[bflag:$0x3] =	sbarrier.arrive $0xFFFF;
	s2 =	simm.s32 @!p0 $0x1C01  }
0x47: {  	[timem:s3], [sflag:s2] =	dma.local @!p0 [hbm:s0], s1  }
0x48: {  	s0 =	simm.s32 @!p0 $0x1  }
0x49: {  	_ =	swait.ge @!p0 [sflag:s0], s1  }
0x4a: {  	s1 =	ssub.s32 @!p0 $0x0, s1;
	[sflag:s0] =	ssyncset.done @!p0 $0x0  }
0x4b: {  	[sflag:s0] =	ssyncadd.s32 @!p0 s1  }
0x4c: {  	[bflag:$0x3] =	sbarrier.arrive $0xFFFF  }
0x4d: {  	_ =	shalt  }

// kernel: token_pos_embed_sc.3.cloned.1.call-start
scs
__scs_entry_jumppad:
0x0: {  	(pc) =	sbr.rel $0x88, $3  }
0x1: {  	(tag) =	ssettag $0x0;
	lr =	simm.s32 $0x1  }
0x2: {  	[smem:$0x3F9E] =	sst lr;
	_ =	strace $0xD0000000  }
0x3: {  	_ = 	snop  }
0x4: {  	_ = 	snop  }
0x5: {  	_ = 	snop  }
0x6: {  	_ = 	snop  }
0x7: {  	_ = 	snop  }
__scs_overlays_trampoline_lowered:
0x8: {  	[smem:$0x3FAD] =	sst s0  }
0x9: {  	[smem:$0x3FAE] =	sst s1  }
0xa: {  	[smem:$0x3FAF] =	sst s2  }
0xb: {  	[smem:$0x3FB0] =	sst s3  }
0xc: {  	[smem:$0x3FB1] =	sst s4  }
0xd: {  	[smem:$0x3FB2] =	sst s5  }
0xe: {  	[smem:$0x3FB3] =	sst s6  }
0xf: {  	[smem:$0x3FB4] =	sst s7  }
0x10: {  	[smem:$0x3FB5] =	sst s8  }
0x11: {  	[smem:$0x3FB6] =	sst s9;
	s0 =	simm.s32 @!p0 $0x0  }
0x12: {  	s1 =	sld [smem:$0x3F9C];
	s0 =	simm.s32 @p0 $0x1  }
0x13: {  	[smem:$0x3FB7] =	sst s0;
	s0 =	simm.s32 @!p1 $0x0  }
0x14: {  	s2 =	sld [smem:$0x3F9B];
	s0 =	simm.s32 @p1 $0x1  }
0x15: {  	[smem:$0x3FB8] =	sst s0;
	s0 =	simm.s32 @!p2 $0x0  }
0x16: {  	s3 =	sld [smem:$0x3FDB];
	s0 =	simm.s32 @p2 $0x1  }
0x17: {  	s4 =	simm.s32 $0x1BF5;
	[smem:$0x3FBA] =	sst s0  }
0x18: {  	s0 =	sld [smem:$0x3F9D];
	_ =	swait.ge [sflag:s4], $0x0  }
0x19: {  	s7 =	sld [smem:$0x3F9E]  }
0x1a: {  	s8 =	sadd.s32 $0xFFFFE003, lr  }
0x1b: {  	s9 =	sadd.s32 $0xFFFFFEF7, lr;
	s5 =	simm.s32 $0xFFFFFFFF;
	p2 =	slt.u32 s8, $0xFFFFF086  }
0x1c: {  	p1 =	slt.u32 s9, $0xF7A;
	s5 =	simm.s32 @!p2 $0x0  }
0x1d: {  	s5 =	simm.s32 @p1 $0x1;
	p0 =	seq.s32 s7, s2  }
0x1e: {  	s7 =	smul.u32 @!p0 $0xF7A, s2;
	p2 =	seq.s32 @!p0 s5, $0x0  }
0x1f: {  	s9 =	smul.u32 $0xF7A, s1;
	s8 =	simm.s32 @!p0 $0x1BF5;
	p2 =	por !p2, p0  }
0x20: {  	[sflag:s8] =	ssyncset.s32 @!p0 $0xFFFFF086;
	s6 =	sadd.s32 @!p0 s3, s7;
	s7 =	simm.s32 @!p0 $0x108  }
0x21: {  	s3 =	sadd.s32 s3, s9;
	s6 =	sadd.s32 @!p0 $0x88, s6;
	s7 =	simm.s32 @p2 $0x1082  }
0x22: {  	[simem:s7], [sflag:s8] =	dma.local @!p0 [hbm:s6], $0xF7A  }
0x23: {  	s9 =	sor.u32 $0xD0000000, s2;
	s6 =	simm.s32 $0x108;
	_ =	swait.ge @!p0 [sflag:s8], $0x0  }
0x24: {  	s3 =	sadd.s32 $0x88, s3;
	s6 =	simm.s32 @!p1 $0x1082;
	[sflag:s4] =	ssyncset.s32 $0xFFFFF086  }
0x25: {  	[simem:s6], [sflag:s4] =	dma.local [hbm:s3], $0xF7A  }
0x26: {  	[smem:$0x3F9E] =	sst s1;
	(tag) =	ssettag s2;
	_ =	strace s9  }
0x27: {  	s1 =	sld [smem:$0x3FAE]  }
0x28: {  	s2 =	sld [smem:$0x3FAF]  }
0x29: {  	s4 =	sld [smem:$0x3FB1]  }
0x2a: {  	p0 =	seq.s32 s5, $0x0;
	s5 =	sld [smem:$0x3FB2]  }
0x2b: {  	s6 =	sld [smem:$0x3FB3]  }
0x2c: {  	s7 =	sld [smem:$0x3FB4]  }
0x2d: {  	s3 =	simm.s32 $0x108;
	s8 =	sld [smem:$0x3FB5]  }
0x2e: {  	s3 =	simm.s32 @!p0 $0x1082;
	s9 =	sld [smem:$0x3FB6]  }
0x2f: {  	lr =	sadd.s32 s0, s3;
	s0 =	sld [smem:$0x3FAD]  }
0x30: {  	s3 =	sld [smem:$0x3FB0]  }
0x31: {  	[smem:$0x3FB9] =	sst s10  }
0x32: {  	s10 =	sld [smem:$0x3FB7];
	_ =	sdelay $0x3  }
0x33: {  	p0 =	seq.s32 s10, $0x1;
	s10 =	sld [smem:$0x3FB9];
	_ =	sdelay $0x3  }
0x34: {  	[smem:$0x3FB9] =	sst s10  }
0x35: {  	s10 =	sld [smem:$0x3FB8];
	_ =	sdelay $0x3  }
0x36: {  	p1 =	seq.s32 s10, $0x1;
	s10 =	sld [smem:$0x3FB9];
	_ =	sdelay $0x3  }
0x37: {  	[smem:$0x3FB9] =	sst s10  }
0x38: {  	s10 =	sld [smem:$0x3FBA]  }
0x39: {  	_ = 	snop;
	(pc) =	sbr.ind lr, $3  }
0x3a: {  	_ = 	snop  }
0x3b: {  	_ = 	snop  }
0x3c: {  	p2 =	seq.s32 s10, $0x1;
	s10 =	sld [smem:$0x3FB9]  }
0x3d: {  	_ =	shalt  }
0x3e: {  	_ =	shalt  }
0x3f: {  	_ =	shalt  }
0x40: {  	_ =	shalt  }
0x41: {  	_ =	shalt  }
0x42: {  	_ =	shalt  }
0x43: {  	_ =	shalt  }
0x44: {  	_ =	shalt  }
0x45: {  	_ =	shalt  }
0x46: {  	_ =	shalt  }
0x47: {  	_ =	shalt  }
0x48: {  	_ =	shalt  }
0x49: {  	_ =	shalt  }
0x4a: {  	_ =	shalt  }
0x4b: {  	_ =	shalt  }
0x4c: {  	_ =	shalt  }
0x4d: {  	_ =	shalt  }
0x4e: {  	_ =	shalt  }
0x4f: {  	_ =	shalt  }
0x50: {  	_ =	shalt  }
0x51: {  	_ =	shalt  }
0x52: {  	_ =	shalt  }
0x53: {  	_ =	shalt  }
0x54: {  	_ =	shalt  }
0x55: {  	_ =	shalt  }
0x56: {  	_ =	shalt  }
0x57: {  	_ =	shalt  }
0x58: {  	_ =	shalt  }
0x59: {  	_ =	shalt  }
0x5a: {  	_ =	shalt  }
0x5b: {  	_ =	shalt  }
0x5c: {  	_ =	shalt  }
0x5d: {  	_ =	shalt  }
0x5e: {  	_ =	shalt  }
0x5f: {  	_ =	shalt  }
0x60: {  	_ =	shalt  }
0x61: {  	_ =	shalt  }
0x62: {  	_ =	shalt  }
0x63: {  	_ =	shalt  }
0x64: {  	_ =	shalt  }
0x65: {  	_ =	shalt  }
0x66: {  	_ =	shalt  }
0x67: {  	_ =	shalt  }
0x68: {  	_ =	shalt  }
0x69: {  	_ =	shalt  }
0x6a: {  	_ =	shalt  }
0x6b: {  	_ =	shalt  }
0x6c: {  	_ =	shalt  }
0x6d: {  	_ =	shalt  }
0x6e: {  	_ =	shalt  }
0x6f: {  	_ =	shalt  }
0x70: {  	_ =	shalt  }
0x71: {  	_ =	shalt  }
0x72: {  	_ =	shalt  }
0x73: {  	_ =	shalt  }
0x74: {  	_ =	shalt  }
0x75: {  	_ =	shalt  }
0x76: {  	_ =	shalt  }
0x77: {  	_ =	shalt  }
0x78: {  	_ =	shalt  }
0x79: {  	_ =	shalt  }
0x7a: {  	_ =	shalt  }
0x7b: {  	_ =	shalt  }
0x7c: {  	_ =	shalt  }
0x7d: {  	_ =	shalt  }
0x7e: {  	_ =	shalt  }
0x7f: {  	_ =	shalt  }
0x80: {  	_ =	shalt  }
0x81: {  	_ =	shalt  }
0x82: {  	_ =	shalt  }
0x83: {  	_ =	shalt  }
0x84: {  	_ =	shalt  }
0x85: {  	_ =	shalt  }
0x86: {  	_ =	shalt  }
0x87: {  	_ =	shalt  }
.Lfunc_end0:
.L_simem_size_0:
called_computation.1_lowered:
.L_overlay_start_0:
0x88: {  	s2 =	sld [smem:$0x3FD9]  }
0x89: {  	s3 =	sld [smem:$0x3FFE];
	_ =	sdelay $0x1  }
0x8a: {  	s1 =	srdreg.scid  }
0x8b: {  	s0 =	sand.u32 $0x1, s1  }
0x8c: {  	s17 =	sshll.u32 s0, $0xA;
	s2 =	sadd.s32 s3, s2  }
0x8d: {  	s2 =	sadd.s32 s2, s17  }
0x8e: {  	[smem:$0x3FC5] =	sst s2  }
0x8f: {  	_ = 	snop  }
0x90: {  	s2 =	sld [smem:$0x3FD0];
	(tm) =	ssettm $0x1  }
0x91: {  	s18 =	sld [smem:$0x3FFB];
	_ =	sdelay $0x3  }
0x92: {  	_ =	strace s18  }
0x93: {  	s3 =	sld [smem:$0x3FFC];
	_ =	sdelay $0x3  }
0x94: {  	_ =	strace s3  }
0x95: {  	s3 =	sld [smem:$0x3FFD];
	_ =	sdelay $0x3  }
0x96: {  	_ =	strace s3  }
0x97: {  	_ =	strace $0x8FFFFFFF  }
0x98: {  	s19 =	sld [smem:$0x3FDB];
	_ =	sdelay $0x1  }
0x99: {  	s4 =	simm.s32 $_scs_section_size  }
0x9a: {  	s5 =	simm.s32 $_size__tile_overlayer_lowered;
	s6 =	simm.s32 $_tile_overlayer_lowered  }
0x9b: {  	s22 =	simm.s32 $0x1BFF;
	s21 =	sshll.u32 s6, $0x1;
	s3 =	sadd.s32 s4, s19  }
0x9c: {  	s7 =	simm.s32 $0x0;
	s20 =	sshll.u32 s5, $0x1;
	s5 =	sadd.s32 s21, s3  }
0x9d: {  	[timem:s7], [sflag:s22] =	dma.local [hbm:s5], s20  }
0x9e: {  	_ =	swait.ge [sflag:s22], s20  }
0x9f: {  	s4 =	ssub.s32 $0x0, s20;
	[sflag:s22] =	ssyncset.done $0x0  }
0xa0: {  	[sflag:s22] =	ssyncadd.s32 s4;
	_ =	sdelay $0x1  }
0xa1: {  	s23 =	simm.s32 $0x1B8B  }
0xa2: {  	_ =	swait.ge [sflag:s23], $0x1  }
0xa3: {  	[sflag:s23] =	ssyncset.done $0x0  }
0xa4: {  	s25 =	simm.s32 $0x1B8E;
	s24 =	sld [smem:$0x3FFE];
	[sflag:s23] =	ssyncadd.s32 $0xFFFFFFFF  }
0xa5: {  	s26 =	simm.s32 $execute0_lowered;
	[smem:$0x3FD2] =	sst s25  }
0xa6: {  	s5 =	sshll.u32 s26, $0x1;
	_ =	strace $0x80000046;
	[dreg:$0x1] =	wrdreg $0xFFFFFFFF  }
0xa7: {  	s28 =	simm.s32 $_size_execute0_lowered;
	s3 =	sadd.s32 s3, s5;
	[dreg:$0x0] =	wrdreg $0x0  }
0xa8: {  	s5 =	sshll.u32 s28, $0x1;
	[dreg:$0x2] =	wrdreg s3  }
0xa9: {  	[dreg:$0x3] =	wrdreg s5  }
0xaa: {  	[dreg:$0x4] =	wrdreg $0xC0  }
0xab: {  	_ =	task [dreg:s7], $0x5FFFF  }
0xac: {  	[dreg:$0x1] =	wrdreg $0xFFFFFFFF  }
0xad: {  	[dreg:$0x0] =	wrdreg $0x60  }
0xae: {  	[dreg:$0x2] =	wrdreg s24  }
0xaf: {  	[dreg:$0x3] =	wrdreg s2  }
0xb0: {  	[dreg:$0x4] =	wrdreg $0x9  }
0xb1: {  	_ =	task.clear_ibuf [dreg:s7], $0x5FFFF;
	_ =	strace $0x90000046  }
0xb2: {  	s29 =	simm.s32 $0x9;
	_ =	strace $0x80000048  }
0xb3: {  	_ =	swait.ge [sflag:s29], $0x1  }
0xb4: {  	[sflag:s29] =	ssyncadd.s32 $0xFFFFFFFF  }
0xb5: {  	_ =	strace $0x90000048  }
0xb6: {  	_ =	sfence  }
0xb7: {  	s30 =	sld [smem:$0x0];
	_ =	sdelay $0x2  }
0xb8: {  	s31 =	sshll.u32 s1, $0xD;
	s1 =	sshrl.u32 s1, $0x2  }
0xb9: {  	s3 =	sand.u32 $0x4000, s31;
	s1 =	sadd.s32 s1, s30  }
0xba: {  	s0 =	sor.u32 s3, s0;
	s1 =	sshll.u32 s1, $0x11  }
0xbb: {  	s0 =	sor.u32 s1, s0  }
0xbc: {  	s0 =	sadd.s32 $0x8F2B, s0  }
0xbd: {  	[sflag:s0] =	ssyncadd.remote.s32 $0x1  }
0xbe: {  	_ =	sfence.sel $0xFFFF  }
0xbf: {  	[dreg:$0x0] =	wrdreg $0xFFFFFFFF;
	(pc) =	sbr.abs _section_cstart, $3  }
0xc0: {  	[dreg:$0x1] =	wrdreg $0xFFFFFFFF  }
0xc1: {  	_ =	task.clear_ibuf [dreg:s7], $0x2FFFF;
	_ =	strace $0x9FFFFFFF  }
0xc2: {  	(tm) =	ssettm $0x7FFFFFFF  }
0xc3: {  	_ =	shalt  }
tec
execute0_lowered:
.L_overlay_start_1:
0x0: {  	(tag) =	ssettag $0x1  }
0x1: {  	s0 =	srdreg.scid;
	s2 =	stileid.u32  }
0x2: {  	s1 =	rddreg [dreg:$0x0];
	s0 =	sand.u32 $0x1, s0;
	s3 =	sshll.u32 s2, $0x1  }
0x3: {  	s2 =	rddreg [dreg:$0x1];
	s5 =	sor.u32 s0, s3;
	s0 =	ssub.s32 $0x2, s0  }
0x4: {  	s3 =	simm.s32 $0x0;
	s4 =	smul.u32 $0xC80, s5;
	s30 =	sshrl.u32 s0, $0x1  }
.Ltmp0:
0x5: {  	[smem:$0x7FF] =	sst s3;
	s0 =	ssub.s32 s0, s30;
	(pc) =	sbr.rel .LBB2_1-.Ltmp0, $4  }
0x6: {  	s6 =	sadd.s32 s4, s1;
	s4 =	sadd.s32 $0xF43000, s1;
	s1 =	sadd.s32 $0x19C00, s1  }
0x7: {  	_ =	strace $0x80000047;
	s0 =	smax.u32 s0, $0x1;
	[dreg:$0x3] =	wrdreg s1  }
0x8: {  	s31 =	sadd.s32 $0xC00, s6;
	[dreg:$0x5] =	wrdreg s0  }
0x9: {  	s7 =	smul.u32 $0x190, s5;
	s5 =	simm.s32 $0x0;
	[dreg:$0x4] =	wrdreg s31  }
.LBB2_14:
0xa: {  	s0 =	simm.s32 $0x5  }
0xb: {  	_ =	swait.ge [sflag:s0], $0x1000  }
0xc: {  	[sflag:s0] =	ssyncset.done $0x0  }
0xd: {  	s29 =	simm.s32 $0x6;
	[sflag:s0] =	ssyncadd.s32 $0xFFFFF000  }
0xe: {  	_ =	swait.ge [sflag:s29], $0x1000  }
0xf: {  	[sflag:s29] =	ssyncset.done $0x0  }
0x10: {  	s30 =	simm.s32 $0x7;
	[sflag:s29] =	ssyncadd.s32 $0xFFFFF000  }
0x11: {  	_ =	swait.ge [sflag:s30], $0x1000  }
0x12: {  	[sflag:s30] =	ssyncset.done $0x0  }
0x13: {  	s1 =	simm.s32 $0x8;
	[sflag:s30] =	ssyncadd.s32 $0xFFFFF000  }
0x14: {  	_ =	swait.ge [sflag:s1], $0x1000  }
0x15: {  	s5 =	rddreg [dreg:$0x6]  }
0x16: {  	s31 =	rddreg [dreg:$0x5];
	s5 =	sadd.s32 $0x1, s5  }
0x17: {  	p0 =	sne.s32 s5, s31  }
.Ltmp1:
0x18: {  	_ = 	snop;
	(pc) =	sbr.rel @!p0 .LBB2_15-.Ltmp1, $3  }
0x19: {  	_ =	sdelay $0x1  }
0x1a: {  	[sflag:s1] =	ssyncset.done $0x0  }
0x1b: {  	[sflag:s1] =	ssyncadd.s32 $0xFFFFF000  }
.LBB2_1:
0x1c: {  	[dreg:$0x6] =	wrdreg s5  }
0x1d: {  	s0 =	rddreg [dreg:$0x4];
	s1 =	simm.s32 $0x6400;
	s26 =	simm.s32 $0x9  }
0x1e: {  	[tilespmem:s1], [sflag:$0x9] =	stream.linear.gather [hbm4b:s0+s3], $0x6400, $0x38;
	[tilespmem:$0x1EC00] =	vst v63  }
0x1f: {  	_ =	swait.ge [sflag:s26], $0x6400  }
0x20: {  	[sflag:s26] =	ssyncset.done $0x0  }
0x21: {  	s29 =	simm.s32 $0xC800;
	s28 =	rddreg [dreg:$0x3];
	[sflag:s26] =	ssyncadd.s32 $0xFFFF9C00  }
0x22: {  	[tilespmem:s29], [sflag:$0x9] =	stream.linear.gather [hbm4b:s28+s3], $0x6400, $0x38;
	[tilespmem:$0x1EC00] =	vst v63  }
0x23: {  	_ =	swait.ge [sflag:s26], $0x6400  }
0x24: {  	[sflag:s26] =	ssyncset.done $0x0  }
0x25: {  	s30 =	simm.s32 $0x6440;
	[sflag:s26] =	ssyncadd.s32 $0xFFFF9C00  }
0x26: {  	v3 =	vld [tilespmem:s30+$0x30]  }
0x27: {  	v4 =	vld [tilespmem:s30+$0xFFFFFFD0]  }
0x28: {  	v5 =	vld [tilespmem:s30+$0xFFFFFFE0]  }
0x29: {  	v2 =	vld [tilespmem:s30+$0xFFFFFFF0]  }
0x2a: {  	v1 =	vld [tilespmem:s30+$0x0]  }
0x2b: {  	s31 =	simm.s32 $0x40;
	v0 =	vld [tilespmem:s30+$0x10];
	v6 =	vshra.s32 v3, $0x1  }
0x2c: {  	v7 =	vshra.s32 v4, $0x1;
	v3 =	vld [tilespmem:s30+$0x20];
	[tilespmem:s31+$0x30] =	vst v6  }
0x2d: {  	s5 =	simm.s32 $0x64C0;
	s1 =	simm.s32 $0x0;
	s0 =	simm.s32 $0x40;
	v4 =	vld [tilespmem:s30+$0xFFFFFFC0];
	v5 =	vshra.s32 v5, $0x1;
	[tilespmem:s31+$0xFFFFFFD0] =	vst v7  }
.LBB2_2:
0x2e: {  	v6 =	vld [tilespmem:s5+$0x30];
	s1 =	sadd.s32 $0x8, s1;
	[tilespmem:s0+$0xFFFFFFE0] =	vst v5;
	v2 =	vshra.s32 v2, $0x1  }
0x2f: {  	v5 =	vld [tilespmem:s5+$0xFFFFFFD0];
	p0 =	slt.u32 s1, $0x638;
	[tilespmem:s0+$0xFFFFFFF0] =	vst v2;
	v1 =	vshra.s32 v1, $0x1  }
0x30: {  	v7 =	vld [tilespmem:s5+$0xFFFFFFE0];
	[tilespmem:s0+$0x0] =	vst v1;
	v0 =	vshra.s32 v0, $0x1  }
.Ltmp2:
0x31: {  	v2 =	vld [tilespmem:s5+$0xFFFFFFF0];
	[tilespmem:s0+$0x10] =	vst v0;
	v0 =	vshra.s32 v3, $0x1;
	(pc) =	sbr.rel @p0 .LBB2_2-.Ltmp2, $4  }
0x32: {  	v1 =	vld [tilespmem:s5+$0x0];
	v3 =	vshra.s32 v4, $0x1;
	[tilespmem:s0+$0x20] =	vst v0  }
0x33: {  	v0 =	vld [tilespmem:s5+$0x10];
	v4 =	vshra.s32 v6, $0x1;
	[tilespmem:s0+$0xFFFFFFC0] =	vst v3;
	s0 =	sadd.s32 $0x80, s0  }
0x34: {  	v5 =	vshra.s32 v5, $0x1;
	v3 =	vld [tilespmem:s5+$0x20];
	[tilespmem:s0+$0x30] =	vst v4  }
0x35: {  	v4 =	vld [tilespmem:s5+$0xFFFFFFC0];
	[tilespmem:s0+$0xFFFFFFD0] =	vst v5;
	v5 =	vshra.s32 v7, $0x1;
	s5 =	sadd.s32 $0x80, s5  }
0x36: {  	[tilespmem:s0+$0xFFFFFFE0] =	vst v5;
	v2 =	vshra.s32 v2, $0x1  }
0x37: {  	[tilespmem:s0+$0xFFFFFFF0] =	vst v2;
	v1 =	vshra.s32 v1, $0x1  }
0x38: {  	[tilespmem:s0+$0x0] =	vst v1;
	v0 =	vshra.s32 v0, $0x1  }
0x39: {  	s5 =	simm.s32 $0x0;
	[tilespmem:s0+$0x10] =	vst v0;
	v62 =	vshra.s32 v3, $0x1  }
0x3a: {  	s1 =	simm.s32 $0x12C00;
	s26 =	simm.s32 $0x14C00;
	s28 =	simm.s32 $0x80;
	v63 =	vshra.s32 v4, $0x1;
	[tilespmem:s0+$0x20] =	vst v62  }
0x3b: {  	s29 =	simm.s32 $0x16C00;
	s30 =	simm.s32 $0xC0;
	[tilespmem:s0+$0xFFFFFFC0] =	vst v63;
	s0 =	simm.s32 $0x40  }
0x3c: {  	[tilespmem:s1], [sflag:$0x1] =	stream.indirect.gather [hbm4b:s4+s0], $0x80, s5, s0, $0xb8;
	[tilespmem:$0x1EC00] =	vst v63  }
0x3d: {  	s31 =	simm.s32 $0x18C00;
	s11 =	simm.s32 $0xC9F0;
	s12 =	simm.s32 $0xD9F0  }
0x3e: {  	[tilespmem:s26], [sflag:$0x2] =	stream.indirect.gather [hbm4b:s4+s0], $0x80, s0, s0, $0xb8;
	[tilespmem:$0x1EC00] =	vst v63  }
0x3f: {  	s13 =	simm.s32 $0x20;
	s14 =	simm.s32 $0xE9F0;
	s15 =	simm.s32 $0xF9F0  }
0x40: {  	[tilespmem:s29], [sflag:$0x3] =	stream.indirect.gather [hbm4b:s4+s0], $0x80, s28, s0, $0xb8;
	[tilespmem:$0x1EC00] =	vst v63  }
0x41: {  	s16 =	simm.s32 $0x60;
	s6 =	simm.s32 $0x0;
	s5 =	simm.s32 $0x0  }
0x42: {  	[tilespmem:s31], [sflag:$0x4] =	stream.indirect.gather [hbm4b:s4+s0], $0x80, s30, s0, $0xb8;
	[tilespmem:$0x1EC00] =	vst v63  }
.LBB2_4:
0x43: {  	s30 =	sshll.u32 s6, $0xA  }
0x44: {  	s9 =	simm.s32 $0x1;
	s8 =	sshrl.u32 s30, $0x2  }
0x45: {  	_ =	swait.ge [sflag:s9], $0x2000;
	s1 =	sadd.s32 $0x6400, s8  }
0x46: {  	p0 =	seq.s32 s6, $0x0;
	[sflag:s9] =	ssyncset.done $0x0;
	v0 =	vmov s1  }
0x47: {  	[sflag:s9] =	ssyncadd.s32 $0xFFFFE000;
	s1 =	simm.s32 @!p0 $0x5  }
0x48: {  	_ =	swait.ge @!p0 [sflag:s1], $0x1000  }
0x49: {  	s17 =	simm.s32 $0x0;
	[sflag:s1] =	ssyncset.done @!p0 $0x0  }
0x4a: {  	s18 =	sand.u32 $0x30, s17;
	[sflag:s1] =	ssyncadd.s32 @!p0 $0xFFFFF000  }
0x4b: {  	v1 =	vld.idx.msk [tilespmem:v0+s18+$0x0 ss:$0x1], $0xffff  }
0x4c: {  	s10 =	simm.s32 $0x12E00  }
0x4d: {  	s19 =	smulhi.u32 $0x51EB851F, s5;
	v2 =	vld [tilespmem:s10+$0x100]  }
0x4e: {  	v3 =	vld [tilespmem:s10+$0x140]  }
0x4f: {  	s1 =	sshrl.u32 s19, $0x5  }
0x50: {  	s20 =	simm.s32 $0x6;
	s1 =	smul.u32 $0xFFFF3800, s1;
	v1 =	vand.u32 $0x1, v1  }
0x51: {  	v4 =	vld [tilespmem:s10+$0xFFFFFE00];
	s18 =	sand.u32 $0xE, s20;
	v1 =	vcvt.s32.f32 v1  }
0x52: {  	v5 =	vld [tilespmem:s10+$0xFFFFFE40];
	s1 =	sshra.s32 s1, $0x2;
	v6 =	vmov s18  }
0x53: {  	s23 =	sadd.s32 s1, s11;
	v3 =	vsub.f32 v3, v2;
	v6 =	vperm.xlane v1, v6  }
0x54: {  	v7 =	vld [tilespmem:s23+$0xFFFFFF90]  }
0x55: {  	s17 =	sand.u32 $0x8, s17;
	v3 =	vmul.f32 v3, v6  }
0x56: {  	v8 =	vmov s17;
	v9 =	vld [tilespmem:s10+$0xFFFFFF00]  }
0x57: {  	v10 =	vld [tilespmem:s10+$0xFFFFFF40];
	v5 =	vsub.f32 v5, v4;
	v8 =	vperm.xlane v1, v8;
	v2 =	vadd.f32 v3, v2  }
0x58: {  	v3 =	vld [tilespmem:s23+$0xFFFFFE10]  }
0x59: {  	s21 =	simm.s32 $0x2;
	v11 =	vld [tilespmem:s10+$0x0];
	v5 =	vmul.f32 v5, v8;
	v2 =	vadd.f32 v2, v7  }
0x5a: {  	s9 =	sand.u32 $0xA, s21;
	s1 =	simm.s32 $0x1AD00;
	v7 =	vld [tilespmem:s10+$0x40]  }
0x5b: {  	v12 =	vmov s9;
	v4 =	vadd.f32 v5, v4;
	v5 =	vld [tilespmem:s23+$0xFFFFFE90];
	[tilespmem:s1+$0x80] =	vst v2  }
0x5c: {  	s19 =	simm.s32 $0x4;
	v10 =	vsub.f32 v10, v9;
	v2 =	vperm.xlane v1, v12;
	v12 =	vld [tilespmem:s10+$0x110]  }
0x5d: {  	s19 =	sand.u32 $0xC, s19;
	v3 =	vadd.f32 v4, v3;
	v4 =	vld [tilespmem:s10+$0x150]  }
0x5e: {  	v13 =	vmov s19;
	v10 =	vmul.f32 v10, v2  }
0x5f: {  	v14 =	vld [tilespmem:s23+$0xFFFFFF10];
	v13 =	vperm.xlane v1, v13;
	v7 =	vsub.f32 v7, v11;
	[tilespmem:s1+$0xFFFFFF00] =	vst v3  }
0x60: {  	v3 =	vadd.f32 v10, v9;
	v9 =	vld [tilespmem:s10+$0xFFFFFE10]  }
0x61: {  	v10 =	vld [tilespmem:s10+$0xFFFFFE50];
	v7 =	vmul.f32 v7, v13  }
0x62: {  	v3 =	vadd.f32 v3, v5;
	v4 =	vsub.f32 v4, v12  }
0x63: {  	v5 =	vadd.f32 v7, v11;
	v7 =	vld [tilespmem:s23+$0xFFFFFFA0]  }
0x64: {  	[tilespmem:s1+$0xFFFFFF80] =	vst v3;
	v3 =	vmul.f32 v4, v6  }
0x65: {  	v4 =	vld [tilespmem:s10+$0xFFFFFF10];
	v5 =	vadd.f32 v5, v14  }
0x66: {  	v11 =	vld [tilespmem:s10+$0xFFFFFF50];
	v10 =	vsub.f32 v10, v9;
	v3 =	vadd.f32 v3, v12  }
0x67: {  	[tilespmem:s1+$0x0] =	vst v5;
	v5 =	vld [tilespmem:s23+$0xFFFFFE20]  }
0x68: {  	v10 =	vmul.f32 v10, v8;
	v12 =	vld [tilespmem:s10+$0x10];
	v3 =	vadd.f32 v3, v7  }
0x69: {  	v7 =	vld [tilespmem:s10+$0x50]  }
0x6a: {  	v9 =	vadd.f32 v10, v9;
	[tilespmem:s1+$0x90] =	vst v3  }
0x6b: {  	v3 =	vld [tilespmem:s10+$0x120]  }
0x6c: {  	v10 =	vsub.f32 v11, v4;
	v5 =	vadd.f32 v9, v5;
	v9 =	vld [tilespmem:s10+$0x160]  }
0x6d: {  	v11 =	vld [tilespmem:s23+$0xFFFFFEA0]  }
0x6e: {  	v14 =	vld [tilespmem:s23+$0xFFFFFF20];
	v10 =	vmul.f32 v10, v2;
	v7 =	vsub.f32 v7, v12;
	[tilespmem:s1+$0xFFFFFF10] =	vst v5  }
0x6f: {  	v5 =	vld [tilespmem:s10+$0xFFFFFE20]  }
0x70: {  	v4 =	vadd.f32 v10, v4;
	v7 =	vmul.f32 v7, v13;
	v10 =	vld [tilespmem:s10+$0xFFFFFE60]  }
0x71: {  	v9 =	vsub.f32 v9, v3  }
0x72: {  	v4 =	vadd.f32 v4, v11;
	v11 =	vld [tilespmem:s23+$0xFFFFFFB0];
	v7 =	vadd.f32 v7, v12  }
0x73: {  	v9 =	vmul.f32 v9, v6  }
0x74: {  	v12 =	vld [tilespmem:s23+$0xFFFFFE30];
	[tilespmem:s1+$0xFFFFFF90] =	vst v4;
	v4 =	vadd.f32 v7, v14  }
0x75: {  	v7 =	vld [tilespmem:s10+$0xFFFFFF20];
	v10 =	vsub.f32 v10, v5;
	v3 =	vadd.f32 v9, v3  }
0x76: {  	[tilespmem:s1+$0x10] =	vst v4;
	v4 =	vld [tilespmem:s10+$0xFFFFFF60]  }
0x77: {  	v9 =	vld [tilespmem:s10+$0x20];
	v10 =	vmul.f32 v10, v8;
	v3 =	vadd.f32 v3, v11  }
0x78: {  	v11 =	vld [tilespmem:s10+$0x60]  }
0x79: {  	v5 =	vadd.f32 v10, v5;
	[tilespmem:s1+$0xA0] =	vst v3  }
0x7a: {  	v3 =	vld [tilespmem:s10+$0x130]  }
0x7b: {  	v4 =	vsub.f32 v4, v7;
	v5 =	vadd.f32 v5, v12;
	v10 =	vld [tilespmem:s10+$0x170]  }
0x7c: {  	v12 =	vld [tilespmem:s23+$0xFFFFFEB0]  }
0x7d: {  	v14 =	vld [tilespmem:s23+$0xFFFFFF30];
	v4 =	vmul.f32 v4, v2;
	v11 =	vsub.f32 v11, v9;
	[tilespmem:s1+$0xFFFFFF20] =	vst v5  }
0x7e: {  	v5 =	vld [tilespmem:s10+$0xFFFFFE30]  }
0x7f: {  	v4 =	vadd.f32 v4, v7;
	v7 =	vmul.f32 v11, v13;
	v11 =	vld [tilespmem:s10+$0xFFFFFE70]  }
0x80: {  	v10 =	vsub.f32 v10, v3  }
0x81: {  	v4 =	vadd.f32 v4, v12;
	v7 =	vadd.f32 v7, v9;
	v9 =	vld [tilespmem:s23+$0xFFFFFFC0]  }
0x82: {  	v6 =	vmul.f32 v10, v6  }
0x83: {  	v10 =	vld [tilespmem:s23+$0xFFFFFE40];
	[tilespmem:s1+$0xFFFFFFA0] =	vst v4;
	v4 =	vadd.f32 v7, v14  }
0x84: {  	v7 =	vld [tilespmem:s10+$0xFFFFFF30];
	v11 =	vsub.f32 v11, v5;
	v3 =	vadd.f32 v6, v3  }
0x85: {  	v6 =	vld [tilespmem:s10+$0xFFFFFF70];
	[tilespmem:s1+$0x20] =	vst v4  }
0x86: {  	v4 =	vld [tilespmem:s10+$0x30];
	v8 =	vmul.f32 v11, v8;
	v3 =	vadd.f32 v3, v9  }
0x87: {  	v9 =	vld [tilespmem:s10+$0x70]  }
0x88: {  	v5 =	vadd.f32 v8, v5;
	[tilespmem:s1+$0xB0] =	vst v3  }
0x89: {  	v3 =	vld [tilespmem:s10+$0x180]  }
0x8a: {  	v6 =	vsub.f32 v6, v7;
	v5 =	vadd.f32 v5, v10;
	v10 =	vld [tilespmem:s10+$0x1C0]  }
0x8b: {  	v11 =	vld [tilespmem:s23+$0xFFFFFEC0]  }
0x8c: {  	v12 =	vld [tilespmem:s23+$0xFFFFFF40];
	v2 =	vmul.f32 v6, v2;
	v6 =	vsub.f32 v9, v4;
	[tilespmem:s1+$0xFFFFFF30] =	vst v5  }
0x8d: {  	s18 =	sor.u32 $0x1, s18;
	v5 =	vld [tilespmem:s10+$0xFFFFFE80]  }
0x8e: {  	v2 =	vadd.f32 v2, v7;
	v6 =	vmul.f32 v6, v13;
	v9 =	vld [tilespmem:s10+$0xFFFFFEC0];
	v7 =	vmov s18  }
0x8f: {  	v8 =	vperm.xlane v1, v7;
	v7 =	vsub.f32 v10, v3  }
0x90: {  	v2 =	vadd.f32 v2, v11;
	v4 =	vadd.f32 v6, v4;
	v6 =	vld [tilespmem:s23+$0xFFFFFFD0]  }
0x91: {  	s17 =	sor.u32 $0x1, s17;
	v10 =	vmul.f32 v7, v8  }
0x92: {  	v11 =	vld [tilespmem:s23+$0xFFFFFE50];
	v7 =	vmov s17;
	[tilespmem:s1+$0xFFFFFFB0] =	vst v2;
	v2 =	vadd.f32 v4, v12  }
0x93: {  	v7 =	vperm.xlane v1, v7;
	v4 =	vld [tilespmem:s10+$0xFFFFFF80];
	v9 =	vsub.f32 v9, v5;
	v3 =	vadd.f32 v10, v3  }
0x94: {  	v10 =	vld [tilespmem:s10+$0xFFFFFFC0];
	[tilespmem:s1+$0x30] =	vst v2  }
0x95: {  	v2 =	vld [tilespmem:s10+$0x80];
	v9 =	vmul.f32 v9, v7;
	v3 =	vadd.f32 v3, v6  }
0x96: {  	v12 =	vld [tilespmem:s10+$0xC0]  }
0x97: {  	v5 =	vadd.f32 v9, v5;
	[tilespmem:s1+$0xC0] =	vst v3  }
0x98: {  	s9 =	sor.u32 $0x1, s9;
	v3 =	vld [tilespmem:s10+$0x190]  }
0x99: {  	s22 =	sor.u32 $0x1, s19;
	v6 =	vmov s9;
	v9 =	vadd.f32 v5, v11;
	v11 =	vld [tilespmem:s10+$0x1D0]  }
0x9a: {  	v13 =	vmov s22;
	v14 =	vld [tilespmem:s23+$0xFFFFFED0];
	v5 =	vperm.xlane v1, v6;
	v10 =	vsub.f32 v10, v4  }
0x9b: {  	v6 =	vperm.xlane v1, v13;
	v1 =	vld [tilespmem:s23+$0xFFFFFF50];
	v12 =	vsub.f32 v12, v2;
	[tilespmem:s1+$0xFFFFFF40] =	vst v9  }
0x9c: {  	v9 =	vmul.f32 v10, v5;
	v10 =	vld [tilespmem:s10+$0xFFFFFE90]  }
0x9d: {  	v12 =	vmul.f32 v12, v6;
	v13 =	vld [tilespmem:s10+$0xFFFFFED0]  }
0x9e: {  	v4 =	vadd.f32 v9, v4;
	v9 =	vsub.f32 v11, v3  }
0x9f: {  	v2 =	vadd.f32 v12, v2;
	v11 =	vld [tilespmem:s23+$0xFFFFFFE0]  }
0xa0: {  	s19 =	simm.s32 $0x13200;
	v4 =	vadd.f32 v4, v14;
	v9 =	vmul.f32 v9, v8  }
0xa1: {  	v18 =	vld [tilespmem:s19+$0x100];
	v1 =	vadd.f32 v2, v1  }
0xa2: {  	v19 =	vld [tilespmem:s19+$0xFFFFFE00];
	[tilespmem:s1+$0xFFFFFFC0] =	vst v4;
	v4 =	vsub.f32 v13, v10;
	v3 =	vadd.f32 v9, v3  }
0xa3: {  	v2 =	vld [tilespmem:s23+$0xFFFFFE60]  }
0xa4: {  	v20 =	vld [tilespmem:s19+$0xFFFFFE40];
	[tilespmem:s1+$0x40] =	vst v1;
	v1 =	vmul.f32 v4, v7;
	v3 =	vadd.f32 v3, v11  }
0xa5: {  	v21 =	vld [tilespmem:s19+$0xFFFFFF00]  }
0xa6: {  	v22 =	vld [tilespmem:s19+$0xFFFFFF40];
	v1 =	vadd.f32 v1, v10;
	[tilespmem:s1+$0xD0] =	vst v3  }
0xa7: {  	v3 =	vld [tilespmem:s10+$0x1A0]  }
0xa8: {  	v1 =	vadd.f32 v1, v2;
	v2 =	vld [tilespmem:s10+$0x1E0]  }
0xa9: {  	v26 =	vld [tilespmem:s19+$0x0]  }
0xaa: {  	s24 =	simm.s32 $0x8;
	v14 =	vld [tilespmem:s10+$0x90]  }
0xab: {  	s25 =	sand.u32 $0x30, s24;
	v15 =	vld [tilespmem:s10+$0xD0]  }
0xac: {  	[tilespmem:s1+$0xFFFFFF50] =	vst v1;
	v1 =	vld.idx.msk [tilespmem:v0+s25+$0x0 ss:$0x1], $0xffff  }
0xad: {  	v27 =	vld [tilespmem:s19+$0x40];
	v2 =	vsub.f32 v2, v3  }
0xae: {  	v4 =	vld [tilespmem:s23+$0xFFFFFFF0]  }
0xaf: {  	v10 =	vld [tilespmem:s19+$0x140];
	v2 =	vmul.f32 v2, v8  }
0xb0: {  	v13 =	vld [tilespmem:s10+$0xFFFFFF90]  }
0xb1: {  	s26 =	simm.s32 $0xE;
	v9 =	vld [tilespmem:s10+$0xFFFFFFD0];
	v15 =	vsub.f32 v15, v14;
	v1 =	vand.u32 $0x1, v1;
	v2 =	vadd.f32 v2, v3  }
0xb2: {  	s21 =	sadd.s32 $0x200, s23;
	v16 =	vld [tilespmem:s23+$0xFFFFFF60];
	s25 =	sand.u32 $0xE, s26;
	v3 =	vcvt.s32.f32 v1  }
0xb3: {  	v23 =	vld [tilespmem:s21+$0xFFFFFF90];
	v15 =	vmul.f32 v15, v6;
	v1 =	vadd.f32 v2, v4;
	v2 =	vmov s25  }
0xb4: {  	v39 =	vld [tilespmem:s21+$0xFFFFFE10];
	v4 =	vsub.f32 v10, v18;
	v2 =	vperm.xlane v3, v2  }
0xb5: {  	v40 =	vld [tilespmem:s21+$0xFFFFFE90];
	v14 =	vadd.f32 v15, v14  }
0xb6: {  	s20 =	sand.u32 $0x8, s24;
	v28 =	vld [tilespmem:s21+$0xFFFFFF10];
	v24 =	vmul.f32 v4, v2  }
0xb7: {  	v11 =	vld [tilespmem:s23+$0xFFFFFEE0];
	v14 =	vadd.f32 v14, v16;
	[tilespmem:s1+$0xE0] =	vst v1;
	v1 =	vsub.f32 v9, v13;
	v4 =	vmov s20  }
0xb8: {  	v20 =	vsub.f32 v20, v19;
	v12 =	vld [tilespmem:s10+$0xFFFFFEA0];
	v4 =	vperm.xlane v3, v4;
	v18 =	vadd.f32 v24, v18  }
0xb9: {  	s18 =	simm.s32 $0xA;
	v17 =	vld [tilespmem:s10+$0xFFFFFEE0];
	[tilespmem:s1+$0x50] =	vst v14;
	v1 =	vmul.f32 v1, v5  }
0xba: {  	s22 =	sand.u32 $0xA, s18;
	v56 =	vld [tilespmem:s10+$0xA0];
	v20 =	vmul.f32 v20, v4;
	v18 =	vadd.f32 v18, v23  }
0xbb: {  	s24 =	simm.s32 $0xC;
	v25 =	vmov s22;
	s17 =	simm.s32 $0x1AF00;
	v59 =	vld [tilespmem:s10+$0xE0];
	v13 =	vadd.f32 v1, v13  }
0xbc: {  	v22 =	vsub.f32 v22, v21;
	s26 =	sand.u32 $0xC, s24;
	v9 =	vld [tilespmem:s10+$0x1B0];
	v1 =	vperm.xlane v3, v25;
	v19 =	vadd.f32 v20, v19;
	[tilespmem:s17+$0x80] =	vst v18  }
0xbd: {  	v43 =	vsub.f32 v27, v26;
	v41 =	vadd.f32 v13, v11;
	v13 =	vmov s26;
	v44 =	vld [tilespmem:s19+$0x110]  }
0xbe: {  	v42 =	vmul.f32 v22, v1;
	v13 =	vperm.xlane v3, v13;
	v19 =	vadd.f32 v19, v39;
	v45 =	vld [tilespmem:s19+$0x150]  }
0xbf: {  	v10 =	vld [tilespmem:s10+$0x1F0]  }
0xc0: {  	v11 =	vld [tilespmem:s23+$0x0];
	v20 =	vadd.f32 v42, v21;
	v18 =	vmul.f32 v43, v13;
	[tilespmem:s17+$0xFFFFFF00] =	vst v19  }
0xc1: {  	v47 =	vld [tilespmem:s19+$0xFFFFFE10]  }
0xc2: {  	v20 =	vadd.f32 v20, v40;
	v18 =	vadd.f32 v18, v26;
	v48 =	vld [tilespmem:s19+$0xFFFFFE50]  }
0xc3: {  	v50 =	vld [tilespmem:s21+$0xFFFFFFA0];
	v21 =	vsub.f32 v45, v44  }
0xc4: {  	v16 =	vld [tilespmem:s21+$0xFFFFFE20];
	[tilespmem:s17+$0xFFFFFF80] =	vst v20;
	v18 =	vadd.f32 v18, v28  }
0xc5: {  	v49 =	vld [tilespmem:s19+$0xFFFFFF10];
	v52 =	vmul.f32 v21, v2  }
0xc6: {  	v51 =	vld [tilespmem:s19+$0xFFFFFF50];
	[tilespmem:s17+$0x0] =	vst v18  }
0xc7: {  	v15 =	vld [tilespmem:s19+$0x10];
	v20 =	vsub.f32 v48, v47;
	v18 =	vadd.f32 v52, v44  }
0xc8: {  	[tilespmem:s1+$0xFFFFFFD0] =	vst v41;
	v53 =	vld [tilespmem:s19+$0x50]  }
0xc9: {  	v23 =	vld [tilespmem:s10+$0xFFFFFFA0];
	v20 =	vmul.f32 v20, v4;
	v18 =	vadd.f32 v18, v50  }
0xca: {  	v46 =	vld [tilespmem:s10+$0xFFFFFFE0]  }
0xcb: {  	v54 =	vld [tilespmem:s21+$0xFFFFFEA0];
	v55 =	vsub.f32 v51, v49;
	v20 =	vadd.f32 v20, v47;
	[tilespmem:s17+$0x90] =	vst v18  }
0xcc: {  	v57 =	vld [tilespmem:s19+$0x120]  }
0xcd: {  	v26 =	vmul.f32 v55, v1;
	v21 =	vsub.f32 v53, v15;
	v16 =	vadd.f32 v20, v16;
	v58 =	vld [tilespmem:s19+$0x160]  }
0xce: {  	v14 =	vld [tilespmem:s21+$0xFFFFFF20]  }
0xcf: {  	v25 =	vadd.f32 v26, v49;
	v21 =	vmul.f32 v21, v13;
	[tilespmem:s17+$0xFFFFFF10] =	vst v16;
	v16 =	vld [tilespmem:s23+$0xFFFFFE70]  }
0xd0: {  	v17 =	vsub.f32 v17, v12;
	v60 =	vld [tilespmem:s19+$0xFFFFFE20]  }
0xd1: {  	v22 =	vadd.f32 v25, v54;
	v15 =	vadd.f32 v21, v15;
	v61 =	vld [tilespmem:s19+$0xFFFFFE60]  }
0xd2: {  	v62 =	vld [tilespmem:s21+$0xFFFFFE30];
	v20 =	vsub.f32 v58, v57  }
0xd3: {  	v17 =	vmul.f32 v17, v7;
	[tilespmem:s17+$0xFFFFFF90] =	vst v22;
	v14 =	vadd.f32 v15, v14;
	v15 =	vld [tilespmem:s21+$0xFFFFFFB0]  }
0xd4: {  	v22 =	vld [tilespmem:s19+$0xFFFFFF20];
	v20 =	vmul.f32 v20, v2  }
0xd5: {  	v12 =	vadd.f32 v17, v12;
	[tilespmem:s17+$0x10] =	vst v14;
	v14 =	vld [tilespmem:s19+$0xFFFFFF60]  }
0xd6: {  	v21 =	vsub.f32 v61, v60;
	v63 =	vld [tilespmem:s19+$0x20];
	v20 =	vadd.f32 v20, v57  }
0xd7: {  	v12 =	vadd.f32 v12, v16;
	v31 =	vld [tilespmem:s19+$0x60]  }
0xd8: {  	v32 =	vld [tilespmem:s21+$0xFFFFFEB0];
	v21 =	vmul.f32 v21, v4;
	v15 =	vadd.f32 v20, v15  }
0xd9: {  	v17 =	vld [tilespmem:s21+$0xFFFFFF30];
	[tilespmem:s1+$0xFFFFFF60] =	vst v12  }
0xda: {  	v12 =	vld [tilespmem:s23+$0xFFFFFF70];
	v21 =	vadd.f32 v21, v60;
	v14 =	vsub.f32 v14, v22;
	[tilespmem:s17+$0xA0] =	vst v15  }
0xdb: {  	v16 =	vld [tilespmem:s19+$0x130]  }
0xdc: {  	v24 =	vsub.f32 v31, v63;
	v21 =	vadd.f32 v21, v62;
	v14 =	vmul.f32 v14, v1;
	v33 =	vld [tilespmem:s19+$0x170]  }
0xdd: {  	v35 =	vld [tilespmem:s10+$0xFFFFFEB0]  }
0xde: {  	v15 =	vld [tilespmem:s23+$0xFFFFFEF0];
	v34 =	vmul.f32 v24, v13;
	[tilespmem:s17+$0xFFFFFF20] =	vst v21;
	v14 =	vadd.f32 v14, v22  }
0xdf: {  	v36 =	vld [tilespmem:s19+$0xFFFFFE30]  }
0xe0: {  	v37 =	vld [tilespmem:s19+$0xFFFFFE70];
	v21 =	vadd.f32 v34, v63;
	v14 =	vadd.f32 v14, v32  }
0xe1: {  	v39 =	vld [tilespmem:s21+$0xFFFFFFC0];
	v25 =	vsub.f32 v33, v16  }
0xe2: {  	v38 =	vld [tilespmem:s21+$0xFFFFFE40];
	v17 =	vadd.f32 v21, v17;
	[tilespmem:s17+$0xFFFFFFA0] =	vst v14;
	v14 =	vsub.f32 v46, v23  }
0xe3: {  	v2 =	vmul.f32 v25, v2;
	v40 =	vld [tilespmem:s19+$0xFFFFFF30]  }
0xe4: {  	[tilespmem:s17+$0x20] =	vst v17;
	v17 =	vld [tilespmem:s19+$0xFFFFFF70];
	v14 =	vmul.f32 v14, v5  }
0xe5: {  	v20 =	vsub.f32 v37, v36;
	v41 =	vld [tilespmem:s19+$0x70];
	v2 =	vadd.f32 v2, v16  }
0xe6: {  	v16 =	vld [tilespmem:s19+$0x30];
	v14 =	vadd.f32 v14, v23  }
0xe7: {  	v43 =	vld [tilespmem:s10+$0xFFFFFEF0];
	v4 =	vmul.f32 v20, v4;
	v2 =	vadd.f32 v2, v39  }
0xe8: {  	v42 =	vld [tilespmem:s21+$0xFFFFFEC0];
	v14 =	vadd.f32 v14, v15  }
0xe9: {  	v15 =	vld [tilespmem:s21+$0xFFFFFF40];
	v4 =	vadd.f32 v4, v36;
	v17 =	vsub.f32 v17, v40;
	[tilespmem:s17+$0xB0] =	vst v2  }
0xea: {  	v2 =	vld [tilespmem:s19+$0x180]  }
0xeb: {  	[tilespmem:s1+$0xFFFFFFE0] =	vst v14;
	v4 =	vadd.f32 v4, v38;
	v1 =	vmul.f32 v17, v1;
	v14 =	vsub.f32 v41, v16;
	v17 =	vld [tilespmem:s19+$0x1C0]  }
0xec: {  	v44 =	vld [tilespmem:s10+$0xFFFFFFB0]  }
0xed: {  	[tilespmem:s17+$0xFFFFFF30] =	vst v4;
	v1 =	vadd.f32 v1, v40;
	v4 =	vmul.f32 v14, v13;
	v13 =	vld [tilespmem:s10+$0xFFFFFFF0]  }
0xee: {  	s25 =	sor.u32 $0x1, s25;
	v14 =	vsub.f32 v59, v56;
	v45 =	vld [tilespmem:s19+$0xFFFFFE80]  }
0xef: {  	v46 =	vld [tilespmem:s19+$0xFFFFFEC0];
	v1 =	vadd.f32 v1, v42;
	v16 =	vadd.f32 v4, v16;
	v4 =	vmov s25  }
0xf0: {  	v47 =	vld [tilespmem:s21+$0xFFFFFE50];
	v4 =	vperm.xlane v3, v4;
	v17 =	vsub.f32 v17, v2  }
0xf1: {  	v14 =	vmul.f32 v14, v6;
	[tilespmem:s17+$0xFFFFFFB0] =	vst v1;
	v1 =	vadd.f32 v16, v15;
	v15 =	vld [tilespmem:s21+$0xFFFFFFD0]  }
0xf2: {  	s18 =	sor.u32 $0x1, s20;
	v16 =	vld [tilespmem:s19+$0xFFFFFF80];
	v17 =	vmul.f32 v17, v4  }
0xf3: {  	v48 =	vmov s18;
	v14 =	vadd.f32 v14, v56;
	v49 =	vld [tilespmem:s19+$0xFFFFFFC0];
	[tilespmem:s17+$0x30] =	vst v1  }
0xf4: {  	v1 =	vperm.xlane v3, v48;
	v24 =	vsub.f32 v46, v45;
	v50 =	vld [tilespmem:s19+$0x80];
	v2 =	vadd.f32 v17, v2  }
0xf5: {  	v12 =	vadd.f32 v14, v12;
	v14 =	vld [tilespmem:s19+$0xC0]  }
0xf6: {  	s9 =	sor.u32 $0x1, s22;
	s26 =	sor.u32 $0x1, s26;
	v51 =	vld [tilespmem:s21+$0xFFFFFED0];
	v17 =	vmul.f32 v24, v1;
	v15 =	vadd.f32 v2, v15  }
0xf7: {  	v52 =	vmov s26;
	[tilespmem:s1+$0x60] =	vst v12;
	v12 =	vld [tilespmem:s21+$0xFFFFFF50];
	v2 =	vmov s9  }
0xf8: {  	v55 =	vld [tilespmem:s10+$0xF0];
	v2 =	vperm.xlane v3, v2;
	v17 =	vadd.f32 v17, v45;
	v18 =	vsub.f32 v49, v16;
	[tilespmem:s17+$0xC0] =	vst v15  }
0xf9: {  	v3 =	vperm.xlane v3, v52;
	v53 =	vld [tilespmem:s19+$0x190]  }
0xfa: {  	v17 =	vadd.f32 v17, v47;
	v18 =	vmul.f32 v18, v2;
	v14 =	vsub.f32 v14, v50;
	v54 =	vld [tilespmem:s19+$0x1D0]  }
0xfb: {  	v15 =	vld [tilespmem:s10+$0xB0]  }
0xfc: {  	v10 =	vsub.f32 v10, v9;
	[tilespmem:s17+$0xFFFFFF40] =	vst v17;
	v16 =	vadd.f32 v18, v16;
	v14 =	vmul.f32 v14, v3;
	v17 =	vld [tilespmem:s23+$0xFFFFFE80]  }
0xfd: {  	v56 =	vld [tilespmem:s19+$0xFFFFFE90]  }
0xfe: {  	v8 =	vmul.f32 v10, v8;
	v57 =	vld [tilespmem:s19+$0xFFFFFED0];
	v16 =	vadd.f32 v16, v51;
	v14 =	vadd.f32 v14, v50  }
0xff: {  	v58 =	vld [tilespmem:s21+$0xFFFFFE60];
	v10 =	vsub.f32 v54, v53  }
0x100: {  	v8 =	vadd.f32 v8, v9;
	[tilespmem:s17+$0xFFFFFFC0] =	vst v16;
	v12 =	vadd.f32 v14, v12;
	v14 =	vld [tilespmem:s21+$0xFFFFFFE0]  }
0x101: {  	v59 =	vld [tilespmem:s19+$0xFFFFFF90];
	v10 =	vmul.f32 v10, v4  }
0x102: {  	v11 =	vadd.f32 v8, v11;
	v16 =	vsub.f32 v43, v35;
	v60 =	vld [tilespmem:s19+$0xFFFFFFD0];
	[tilespmem:s17+$0x40] =	vst v12  }
0x103: {  	s18 =	smulhi.u32 $0x51EB851F, s16;
	v12 =	vsub.f32 v57, v56;
	v9 =	vld [tilespmem:s19+$0x90];
	v8 =	vadd.f32 v10, v53  }
0x104: {  	s22 =	smulhi.u32 $0x51EB851F, s13;
	v7 =	vmul.f32 v16, v7;
	v16 =	vld [tilespmem:s19+$0xD0]  }
0x105: {  	s20 =	smulhi.u32 $0x51EB851F, s0;
	v13 =	vsub.f32 v13, v44;
	s9 =	sshrl.u32 s18, $0x5;
	v61 =	vmul.f32 v12, v1;
	v8 =	vadd.f32 v8, v14  }
0x106: {  	s18 =	sshrl.u32 s22, $0x5;
	s9 =	smul.u32 $0xFFFF3800, s9;
	v62 =	vsub.f32 v55, v15;
	v7 =	vadd.f32 v7, v35;
	v12 =	vld [tilespmem:s21+$0xFFFFFEE0]  }
0x107: {  	s18 =	smul.u32 $0xFFFF3800, s18;
	s10 =	sshrl.u32 s20, $0x5;
	v14 =	vadd.f32 v61, v56;
	v63 =	vsub.f32 v60, v59;
	[tilespmem:s17+$0xD0] =	vst v8;
	v8 =	vld [tilespmem:s23+$0xFFFFFF00]  }
0x108: {  	s28 =	sshll.u32 s6, $0x2;
	[tilespmem:s1+$0xF0] =	vst v11;
	v5 =	vmul.f32 v13, v5;
	s10 =	smul.u32 $0xFFFF3800, s10;
	s9 =	sshra.s32 s9, $0x2;
	v7 =	vadd.f32 v7, v17;
	v17 =	vmul.f32 v62, v6;
	v11 =	vld [tilespmem:s19+$0x1A0]  }
0x109: {  	s31 =	simm.s32 $0x4;
	s25 =	sshra.s32 s18, $0x2;
	s26 =	sadd.s32 s9, s15;
	v14 =	vadd.f32 v14, v58;
	v18 =	vmul.f32 v63, v2;
	v16 =	vsub.f32 v16, v9;
	v13 =	vld [tilespmem:s19+$0x1E0]  }
0x10a: {  	s9 =	simm.s32 $0x10;
	s24 =	sshra.s32 s10, $0x2;
	s10 =	sadd.s32 s25, s12;
	v10 =	vld [tilespmem:s21+$0xFFFFFF60];
	v6 =	vadd.f32 v5, v44;
	[tilespmem:s1+$0xFFFFFF70] =	vst v7  }
0x10b: {  	s25 =	simm.s32 $0x13200;
	s29 =	sadd.s32 s24, s14;
	v5 =	vadd.f32 v17, v15;
	v7 =	vld [tilespmem:s23+$0xFFFFFF80];
	s23 =	smov.u32 s21;
	[tilespmem:s17+$0xFFFFFF50] =	vst v14;
	v14 =	vadd.f32 v18, v59;
	v15 =	vmul.f32 v16, v3  }
.LBB2_5:
0x10c: {  	s18 =	sand.u32 $0x30, s9;
	s20 =	sadd.s32 $0x2, s9;
	s22 =	sadd.s32 $0x4, s9;
	v16 =	vld [tilespmem:s19+$0xFFFFFEA0];
	v6 =	vadd.f32 v6, v8  }
0x10d: {  	v8 =	vld.idx.msk [tilespmem:v0+s18+$0x0 ss:$0x1], $0xffff;
	s18 =	sand.u32 $0x8, s9;
	s20 =	sand.u32 $0xA, s20;
	s22 =	sand.u32 $0xC, s22;
	v12 =	vadd.f32 v14, v12;
	v9 =	vadd.f32 v15, v9  }
0x10e: {  	s24 =	sor.u32 $0x1, s18;
	v14 =	vmov s20;
	s20 =	sor.u32 $0x1, s20;
	v15 =	vmov s22;
	s22 =	sor.u32 $0x1, s22;
	v17 =	vld [tilespmem:s19+$0xFFFFFEE0];
	v13 =	vsub.f32 v13, v11;
	[tilespmem:s1+$0xFFFFFFF0] =	vst v6  }
0x10f: {  	v18 =	vmov s18;
	s19 =	sadd.s32 $0x400, s19;
	v19 =	vmov s20;
	v20 =	vmov s22;
	v21 =	vld [tilespmem:s21+$0xFFFFFFF0]  }
0x110: {  	v22 =	vmov s24;
	v6 =	vadd.f32 v9, v10;
	v23 =	vld [tilespmem:s19+$0x100];
	[tilespmem:s17+$0xFFFFFFD0] =	vst v12;
	v9 =	vmul.f32 v13, v4  }
0x111: {  	v5 =	vadd.f32 v5, v7;
	v10 =	vld [tilespmem:s19+$0x140]  }
0x112: {  	v13 =	vld [tilespmem:s19+$0xFFFFFE00];
	[tilespmem:s17+$0x50] =	vst v6;
	v7 =	vadd.f32 v9, v11  }
0x113: {  	s31 =	sadd.s32 $0x4, s31;
	s18 =	sadd.s32 $0x6, s9;
	v6 =	vand.u32 $0x1, v8;
	v8 =	vld [tilespmem:s19+$0xFFFFFE40];
	v9 =	vsub.f32 v17, v16;
	[tilespmem:s1+$0x70] =	vst v5;
	s1 =	smov.u32 s17  }
0x114: {  	p1 =	slt.u32 s31, $0x1C;
	s18 =	sand.u32 $0xE, s18;
	v6 =	vcvt.s32.f32 v6;
	v17 =	vld [tilespmem:s19+$0xFFFFFF00];
	v5 =	vadd.f32 v7, v21  }
0x115: {  	s21 =	sadd.s32 $0x200, s21;
	v7 =	vmov s18;
	v21 =	vld [tilespmem:s19+$0xFFFFFF40];
	v24 =	vmul.f32 v9, v1  }
0x116: {  	v11 =	vperm.xlane v6, v18;
	v12 =	vperm.xlane v6, v7;
	v18 =	vld [tilespmem:s21+$0xFFFFFF90];
	v7 =	vsub.f32 v10, v23;
	[tilespmem:s17+$0xE0] =	vst v5  }
0x117: {  	v9 =	vperm.xlane v6, v15;
	v10 =	vperm.xlane v6, v14;
	v14 =	vadd.f32 v24, v16;
	v15 =	vld [tilespmem:s25+$0x1B0]  }
0x118: {  	v16 =	vsub.f32 v8, v13;
	v8 =	vperm.xlane v6, v22;
	v22 =	vmul.f32 v7, v12;
	v24 =	vld [tilespmem:s25+$0x1F0]  }
0x119: {  	v5 =	vperm.xlane v6, v20;
	v7 =	vperm.xlane v6, v19;
	v19 =	vld [tilespmem:s19+$0x0]  }
0x11a: {  	v16 =	vmul.f32 v16, v11;
	v20 =	vsub.f32 v21, v17;
	v21 =	vld [tilespmem:s19+$0x40];
	v22 =	vadd.f32 v22, v23  }
0x11b: {  	v23 =	vld [tilespmem:s21+$0xFFFFFE10]  }
0x11c: {  	v13 =	vadd.f32 v16, v13;
	v16 =	vld [tilespmem:s21+$0xFFFFFE90];
	v20 =	vmul.f32 v20, v10;
	v18 =	vadd.f32 v22, v18  }
0x11d: {  	s17 =	sadd.s32 $0x200, s17;
	v22 =	vld [tilespmem:s21+$0xFFFFFF10];
	v24 =	vsub.f32 v24, v15  }
0x11e: {  	v17 =	vadd.f32 v20, v17;
	[tilespmem:s17+$0x80] =	vst v18;
	v18 =	vld [tilespmem:s23+$0x0]  }
0x11f: {  	v20 =	vsub.f32 v21, v19;
	v21 =	vld [tilespmem:s19+$0x110];
	v4 =	vmul.f32 v24, v4  }
0x120: {  	v13 =	vadd.f32 v13, v23;
	v23 =	vld [tilespmem:s19+$0x150]  }
0x121: {  	v16 =	vadd.f32 v17, v16;
	v17 =	vmul.f32 v20, v9;
	v20 =	vld [tilespmem:s25+$0xFFFFFFA0];
	v4 =	vadd.f32 v4, v15  }
0x122: {  	[tilespmem:s17+$0xFFFFFF00] =	vst v13;
	v13 =	vld [tilespmem:s25+$0xFFFFFFE0]  }
0x123: {  	v15 =	vld [tilespmem:s19+$0xFFFFFE10];
	[tilespmem:s17+$0xFFFFFF80] =	vst v16;
	v16 =	vadd.f32 v17, v19;
	v4 =	vadd.f32 v4, v18  }
0x124: {  	v17 =	vld [tilespmem:s19+$0xFFFFFE50]  }
0x125: {  	v18 =	vld [tilespmem:s19+$0xFFFFFF10];
	v16 =	vadd.f32 v16, v22;
	v19 =	vsub.f32 v23, v21;
	[tilespmem:s1+$0xF0] =	vst v4  }
0x126: {  	v4 =	vld [tilespmem:s21+$0xFFFFFFA0]  }
0x127: {  	v22 =	vld [tilespmem:s19+$0xFFFFFF50];
	[tilespmem:s17+$0x0] =	vst v16;
	v16 =	vmul.f32 v19, v12;
	v13 =	vsub.f32 v13, v20  }
0x128: {  	v19 =	vld [tilespmem:s19+$0x10]  }
0x129: {  	v17 =	vsub.f32 v17, v15;
	v23 =	vld [tilespmem:s19+$0x50];
	v16 =	vadd.f32 v16, v21;
	v13 =	vmul.f32 v13, v2  }
0x12a: {  	v21 =	vld [tilespmem:s21+$0xFFFFFE20]  }
0x12b: {  	v17 =	vmul.f32 v17, v11;
	v24 =	vld [tilespmem:s21+$0xFFFFFEA0];
	v4 =	vadd.f32 v16, v4;
	v13 =	vadd.f32 v13, v20  }
0x12c: {  	v16 =	vsub.f32 v22, v18;
	v20 =	vld [tilespmem:s21+$0xFFFFFF20]  }
0x12d: {  	v15 =	vadd.f32 v17, v15;
	[tilespmem:s17+$0x90] =	vst v4;
	v4 =	vld [tilespmem:s25+$0xA0]  }
0x12e: {  	v16 =	vmul.f32 v16, v10;
	v17 =	vsub.f32 v23, v19;
	v22 =	vld [tilespmem:s19+$0x120]  }
0x12f: {  	v15 =	vadd.f32 v15, v21;
	v21 =	vld [tilespmem:s19+$0x160]  }
0x130: {  	v16 =	vadd.f32 v16, v18;
	v17 =	vmul.f32 v17, v9;
	v18 =	vld [tilespmem:s25+$0xE0]  }
0x131: {  	[tilespmem:s17+$0xFFFFFF10] =	vst v15;
	v15 =	vld [tilespmem:s23+$0xFFFFFE70]  }
0x132: {  	v23 =	vld [tilespmem:s19+$0xFFFFFE20];
	v16 =	vadd.f32 v16, v24;
	v17 =	vadd.f32 v17, v19  }
0x133: {  	v19 =	vld [tilespmem:s19+$0xFFFFFE60]  }
0x134: {  	v24 =	vld [tilespmem:s21+$0xFFFFFE30];
	[tilespmem:s17+$0xFFFFFF90] =	vst v16;
	v16 =	vadd.f32 v17, v20;
	v17 =	vsub.f32 v21, v22  }
0x135: {  	v20 =	vld [tilespmem:s21+$0xFFFFFFB0];
	v18 =	vsub.f32 v18, v4  }
0x136: {  	v21 =	vld [tilespmem:s19+$0xFFFFFF20];
	[tilespmem:s17+$0x10] =	vst v16;
	v16 =	vmul.f32 v17, v12;
	v14 =	vadd.f32 v14, v15  }
0x137: {  	v15 =	vld [tilespmem:s19+$0xFFFFFF60];
	v17 =	vmul.f32 v18, v3  }
0x138: {  	v18 =	vsub.f32 v19, v23;
	v19 =	vld [tilespmem:s19+$0x20];
	v16 =	vadd.f32 v16, v22;
	[tilespmem:s1+$0xFFFFFF60] =	vst v14  }
0x139: {  	v14 =	vld [tilespmem:s19+$0x60];
	v4 =	vadd.f32 v17, v4  }
0x13a: {  	v17 =	vmul.f32 v18, v11;
	v18 =	vld [tilespmem:s21+$0xFFFFFEB0];
	v16 =	vadd.f32 v16, v20  }
0x13b: {  	v20 =	vld [tilespmem:s21+$0xFFFFFF30]  }
0x13c: {  	v17 =	vadd.f32 v17, v23;
	v15 =	vsub.f32 v15, v21;
	[tilespmem:s17+$0xA0] =	vst v16;
	v16 =	vld [tilespmem:s23+$0xFFFFFEF0]  }
0x13d: {  	v22 =	vld [tilespmem:s19+$0x130]  }
0x13e: {  	v17 =	vadd.f32 v17, v24;
	v15 =	vmul.f32 v15, v10;
	v14 =	vsub.f32 v14, v19;
	v23 =	vld [tilespmem:s19+$0x170]  }
0x13f: {  	v24 =	vld [tilespmem:s23+$0xFFFFFF70]  }
0x140: {  	[tilespmem:s17+$0xFFFFFF20] =	vst v17;
	v15 =	vadd.f32 v15, v21;
	v14 =	vmul.f32 v14, v9;
	v17 =	vld [tilespmem:s25+$0xFFFFFEB0]  }
0x141: {  	v21 =	vld [tilespmem:s19+$0xFFFFFE30];
	v13 =	vadd.f32 v13, v16  }
0x142: {  	v16 =	vld [tilespmem:s19+$0xFFFFFE70];
	v15 =	vadd.f32 v15, v18;
	v14 =	vadd.f32 v14, v19  }
0x143: {  	v18 =	vld [tilespmem:s21+$0xFFFFFE40];
	v19 =	vsub.f32 v23, v22;
	[tilespmem:s1+$0xFFFFFFE0] =	vst v13  }
0x144: {  	[tilespmem:s17+$0xFFFFFFA0] =	vst v15;
	v13 =	vadd.f32 v14, v20;
	v14 =	vld [tilespmem:s21+$0xFFFFFFC0];
	v4 =	vadd.f32 v4, v24  }
0x145: {  	v15 =	vld [tilespmem:s19+$0xFFFFFF30];
	v12 =	vmul.f32 v19, v12  }
0x146: {  	v19 =	vld [tilespmem:s19+$0xFFFFFF70];
	[tilespmem:s17+$0x20] =	vst v13  }
0x147: {  	v13 =	vsub.f32 v16, v21;
	v16 =	vld [tilespmem:s19+$0x30];
	v12 =	vadd.f32 v12, v22;
	[tilespmem:s1+$0x60] =	vst v4  }
0x148: {  	v4 =	vld [tilespmem:s19+$0x70]  }
0x149: {  	v11 =	vmul.f32 v13, v11;
	v13 =	vld [tilespmem:s21+$0xFFFFFEC0];
	v12 =	vadd.f32 v12, v14  }
0x14a: {  	v14 =	vld [tilespmem:s21+$0xFFFFFF40]  }
0x14b: {  	v11 =	vadd.f32 v11, v21;
	v19 =	vsub.f32 v19, v15;
	[tilespmem:s17+$0xB0] =	vst v12;
	v12 =	vld [tilespmem:s25+$0xFFFFFEF0]  }
0x14c: {  	v20 =	vld [tilespmem:s19+$0x180]  }
0x14d: {  	v11 =	vadd.f32 v11, v18;
	v10 =	vmul.f32 v19, v10;
	v4 =	vsub.f32 v4, v16;
	v18 =	vld [tilespmem:s19+$0x1C0]  }
0x14e: {  	v19 =	vld [tilespmem:s25+$0xFFFFFFB0]  }
0x14f: {  	[tilespmem:s17+$0xFFFFFF30] =	vst v11;
	v10 =	vadd.f32 v10, v15;
	v4 =	vmul.f32 v4, v9;
	v9 =	vld [tilespmem:s25+$0xFFFFFFF0]  }
0x150: {  	s18 =	sor.u32 $0x1, s18;
	v11 =	vld [tilespmem:s19+$0xFFFFFE80];
	v12 =	vsub.f32 v12, v17  }
0x151: {  	v15 =	vld [tilespmem:s19+$0xFFFFFEC0];
	v10 =	vadd.f32 v10, v13;
	v13 =	vadd.f32 v4, v16;
	v4 =	vmov s18  }
0x152: {  	v16 =	vld [tilespmem:s21+$0xFFFFFE50];
	v4 =	vperm.xlane v6, v4;
	v6 =	vsub.f32 v18, v20;
	v12 =	vmul.f32 v12, v1;
	v1 =	vmovc v8  }
0x153: {  	[tilespmem:s17+$0xFFFFFFB0] =	vst v10;
	v8 =	vadd.f32 v13, v14;
	v10 =	vld [tilespmem:s21+$0xFFFFFFD0]  }
0x154: {  	v13 =	vld [tilespmem:s19+$0xFFFFFF80];
	v6 =	vmul.f32 v6, v4;
	v12 =	vadd.f32 v12, v17;
	v9 =	vsub.f32 v9, v19  }
0x155: {  	v14 =	vld [tilespmem:s19+$0xFFFFFFC0];
	[tilespmem:s17+$0x30] =	vst v8  }
0x156: {  	v8 =	vsub.f32 v15, v11;
	v15 =	vld [tilespmem:s19+$0x80];
	v6 =	vadd.f32 v6, v20;
	v9 =	vmul.f32 v9, v2;
	v2 =	vmovc v7  }
0x157: {  	v7 =	vld [tilespmem:s19+$0xC0]  }
0x158: {  	v8 =	vmul.f32 v8, v1;
	v17 =	vld [tilespmem:s21+$0xFFFFFED0];
	v10 =	vadd.f32 v6, v10;
	v6 =	vadd.f32 v9, v19  }
0x159: {  	v9 =	vld [tilespmem:s21+$0xFFFFFF50]  }
0x15a: {  	v8 =	vadd.f32 v8, v11;
	v11 =	vsub.f32 v14, v13;
	[tilespmem:s17+$0xC0] =	vst v10;
	v10 =	vld [tilespmem:s25+$0xB0]  }
0x15b: {  	v14 =	vld [tilespmem:s19+$0x190]  }
0x15c: {  	v8 =	vadd.f32 v8, v16;
	v11 =	vmul.f32 v11, v2;
	v7 =	vsub.f32 v7, v15;
	v16 =	vld [tilespmem:s19+$0x1D0]  }
0x15d: {  	v18 =	vld [tilespmem:s25+$0xF0];
	s25 =	smov.u32 s19  }
0x15e: {  	[tilespmem:s17+$0xFFFFFF40] =	vst v8;
	v8 =	vadd.f32 v11, v13;
	v7 =	vmul.f32 v7, v5;
	v11 =	vld [tilespmem:s23+$0xFFFFFE80]  }
0x15f: {  	v13 =	vld [tilespmem:s19+$0xFFFFFE90]  }
0x160: {  	v19 =	vld [tilespmem:s19+$0xFFFFFED0];
	v8 =	vadd.f32 v8, v17;
	v7 =	vadd.f32 v7, v15  }
0x161: {  	v15 =	vld [tilespmem:s21+$0xFFFFFE60];
	v16 =	vsub.f32 v16, v14  }
0x162: {  	[tilespmem:s17+$0xFFFFFFC0] =	vst v8;
	v7 =	vadd.f32 v7, v9;
	v8 =	vld [tilespmem:s21+$0xFFFFFFE0];
	v9 =	vsub.f32 v18, v10  }
0x163: {  	v17 =	vld [tilespmem:s19+$0xFFFFFF90];
	v16 =	vmul.f32 v16, v4;
	v11 =	vadd.f32 v12, v11  }
0x164: {  	v18 =	vld [tilespmem:s19+$0xFFFFFFD0];
	[tilespmem:s17+$0x40] =	vst v7;
	v7 =	vmul.f32 v9, v3;
	v3 =	vmov v5  }
0x165: {  	v12 =	vsub.f32 v19, v13;
	v9 =	vld [tilespmem:s19+$0x90];
	v14 =	vadd.f32 v16, v14;
	[tilespmem:s1+$0xFFFFFF70] =	vst v11  }
0x166: {  	v16 =	vld [tilespmem:s19+$0xD0];
	v5 =	vadd.f32 v7, v10  }
0x167: {  	v7 =	vmul.f32 v12, v1;
	v12 =	vld [tilespmem:s21+$0xFFFFFEE0];
	v8 =	vadd.f32 v14, v8  }
0x168: {  	v10 =	vld [tilespmem:s21+$0xFFFFFF60]  }
.Ltmp3:
0x169: {  	v7 =	vadd.f32 v7, v13;
	v13 =	vsub.f32 v18, v17;
	[tilespmem:s17+$0xD0] =	vst v8;
	v8 =	vld [tilespmem:s23+$0xFFFFFF00];
	(pc) =	sbr.rel @p1 .LBB2_5-.Ltmp3, $4  }
0x16a: {  	v11 =	vld [tilespmem:s19+$0x1A0]  }
0x16b: {  	v14 =	vadd.f32 v7, v15;
	v15 =	vmul.f32 v13, v2;
	v16 =	vsub.f32 v16, v9;
	v13 =	vld [tilespmem:s19+$0x1E0]  }
0x16c: {  	v7 =	vld [tilespmem:s23+$0xFFFFFF80];
	s23 =	smov.u32 s21  }
0x16d: {  	s9 =	sadd.s32 $0x8, s9;
	[tilespmem:s17+$0xFFFFFF50] =	vst v14;
	v14 =	vadd.f32 v15, v17;
	v15 =	vmul.f32 v16, v3  }
0x16e: {  	_ = 	snop  }
0x16f: {  	v16 =	vld [tilespmem:s19+$0xFFFFFEA0];
	v12 =	vadd.f32 v14, v12;
	v9 =	vadd.f32 v15, v9  }
0x170: {  	v14 =	vld [tilespmem:s19+$0xFFFFFEE0]  }
0x171: {  	v15 =	vld [tilespmem:s21+$0xFFFFFFF0];
	[tilespmem:s17+$0xFFFFFFD0] =	vst v12;
	v9 =	vadd.f32 v9, v10  }
0x172: {  	v10 =	vld [tilespmem:s25+$0xFFFFFFA0]  }
0x173: {  	v12 =	vsub.f32 v13, v11;
	[tilespmem:s17+$0x50] =	vst v9;
	v9 =	vld [tilespmem:s25+$0xFFFFFFE0]  }
0x174: {  	v13 =	vld [tilespmem:s25+$0xA0]  }
0x175: {  	v12 =	vmul.f32 v12, v4;
	v17 =	vld [tilespmem:s25+$0xE0]  }
0x176: {  	v14 =	vsub.f32 v14, v16  }
0x177: {  	v11 =	vadd.f32 v12, v11;
	v12 =	vld [tilespmem:s23+$0xFFFFFE70]  }
0x178: {  	v14 =	vmul.f32 v14, v1;
	v9 =	vsub.f32 v9, v10  }
0x179: {  	v11 =	vadd.f32 v11, v15;
	v15 =	vld [tilespmem:s23+$0xFFFFFEF0]  }
0x17a: {  	v14 =	vadd.f32 v14, v16;
	v16 =	vsub.f32 v17, v13;
	v9 =	vmul.f32 v9, v2  }
0x17b: {  	v17 =	vld [tilespmem:s23+$0xFFFFFF70]  }
0x17c: {  	[tilespmem:s17+$0xE0] =	vst v11;
	v11 =	vmul.f32 v16, v3;
	v9 =	vadd.f32 v9, v10;
	v10 =	vadd.f32 v14, v12  }
0x17d: {  	v12 =	vld [tilespmem:s25+$0x1B0]  }
0x17e: {  	v14 =	vld [tilespmem:s25+$0x1F0];
	[tilespmem:s17+$0xFFFFFF60] =	vst v10;
	v10 =	vadd.f32 v11, v13;
	v9 =	vadd.f32 v9, v15  }
0x17f: {  	v11 =	vld [tilespmem:s25+$0xFFFFFEB0]  }
0x180: {  	[tilespmem:s17+$0xFFFFFFE0] =	vst v9;
	v9 =	vadd.f32 v10, v17;
	v10 =	vld [tilespmem:s25+$0xFFFFFEF0]  }
0x181: {  	v13 =	vld [tilespmem:s25+$0xFFFFFFB0]  }
0x182: {  	[tilespmem:s17+$0x60] =	vst v9;
	v9 =	vld [tilespmem:s25+$0xFFFFFFF0]  }
0x183: {  	v15 =	vld [tilespmem:s25+$0xB0]  }
0x184: {  	v16 =	vld [tilespmem:s25+$0xF0];
	_ =	sdelay $0x1  }
0x185: {  	v14 =	vsub.f32 v14, v12  }
0x186: {  	v17 =	vld [tilespmem:s23+$0x0];
	v10 =	vsub.f32 v10, v11  }
0x187: {  	v4 =	vmul.f32 v14, v4;
	v14 =	vld [tilespmem:s23+$0xFFFFFE80];
	v9 =	vsub.f32 v9, v13  }
0x188: {  	v1 =	vmul.f32 v10, v1;
	v10 =	vsub.f32 v16, v15;
	v16 =	vld [tilespmem:s23+$0xFFFFFF00]  }
0x189: {  	v6 =	vadd.f32 v6, v8;
	v8 =	vld [tilespmem:s23+$0xFFFFFF80];
	v4 =	vadd.f32 v4, v12;
	v2 =	vmul.f32 v9, v2  }
0x18a: {  	v5 =	vadd.f32 v5, v7;
	v1 =	vadd.f32 v1, v11;
	v3 =	vmul.f32 v10, v3  }
0x18b: {  	[tilespmem:s1+$0xFFFFFFF0] =	vst v6;
	v4 =	vadd.f32 v4, v17;
	v2 =	vadd.f32 v2, v13  }
0x18c: {  	[tilespmem:s1+$0x70] =	vst v5;
	v1 =	vadd.f32 v1, v14;
	v3 =	vadd.f32 v3, v15  }
0x18d: {  	[tilespmem:s17+$0xF0] =	vst v4;
	v2 =	vadd.f32 v2, v16  }
0x18e: {  	s18 =	sadd.s32 s7, s28;
	[tilespmem:s17+$0xFFFFFF70] =	vst v1;
	v1 =	vadd.f32 v3, v8  }
0x18f: {  	s9 =	simm.s32 $0x1AC00;
	p1 =	seq.s32 s6, $0x63;
	s1 =	sshll.u32 s18, $0x9;
	[tilespmem:s17+$0xFFFFFFF0] =	vst v2  }
0x190: {  	s30 =	sshrl.u32 @!p1 s30, $0x2;
	s19 =	simm.s32 $0x2;
	s1 =	sadd.s32 s2, s1;
	[tilespmem:s17+$0x70] =	vst v1  }
0x191: {  	[hbm4b:s1+s3] =	stream.linear.scatter [tilespmem:s9], [sflag:$0x5], $0x1000, $0x38;
	[tilespmem:$0x1EC00] =	vst v63  }
0x192: {  	s17 =	simm.s32 @!p1 $0x12C00;
	s1 =	sadd.s32 @!p1 $0x100, s30;
	s9 =	simm.s32 @!p1 $0x40  }
0x193: {  	[tilespmem:s17], [sflag:$0x1] =	stream.indirect.gather @!p1 [hbm4b:s4+s9], $0x80, s1, s9, $0xb8;
	[tilespmem:$0x1EC00] =	vst v63  }
0x194: {  	_ =	swait.ge [sflag:s19], $0x2000  }
0x195: {  	[sflag:s19] =	ssyncset.done $0x0  }
0x196: {  	s1 =	simm.s32 @!p0 $0x6;
	[sflag:s19] =	ssyncadd.s32 $0xFFFFE000  }
0x197: {  	_ =	swait.ge @!p0 [sflag:s1], $0x1000  }
0x198: {  	s20 =	simm.s32 $0x0;
	[sflag:s1] =	ssyncset.done @!p0 $0x0  }
0x199: {  	s21 =	sand.u32 $0x30, s20;
	[sflag:s1] =	ssyncadd.s32 @!p0 $0xFFFFF000  }
0x19a: {  	v1 =	vld.idx.msk [tilespmem:v0+s21+$0x40 ss:$0x1], $0xffff  }
0x19b: {  	s23 =	simm.s32 $0x14E00  }
0x19c: {  	v2 =	vld [tilespmem:s23+$0x100]  }
0x19d: {  	v3 =	vld [tilespmem:s23+$0x140];
	_ =	sdelay $0x1  }
0x19e: {  	s22 =	simm.s32 $0x6;
	v1 =	vand.u32 $0x1, v1  }
0x19f: {  	s24 =	sand.u32 $0xE, s22;
	v4 =	vld [tilespmem:s23+$0xFFFFFE00];
	v1 =	vcvt.s32.f32 v1  }
0x1a0: {  	v6 =	vmov s24;
	v5 =	vld [tilespmem:s23+$0xFFFFFE40]  }
0x1a1: {  	v3 =	vsub.f32 v3, v2;
	v6 =	vperm.xlane v1, v6  }
0x1a2: {  	v7 =	vld [tilespmem:s10+$0xFFFFFF90]  }
0x1a3: {  	s25 =	sand.u32 $0x8, s20;
	v3 =	vmul.f32 v3, v6  }
0x1a4: {  	v8 =	vmov s25;
	v9 =	vld [tilespmem:s23+$0xFFFFFF00]  }
0x1a5: {  	v10 =	vld [tilespmem:s23+$0xFFFFFF40];
	v5 =	vsub.f32 v5, v4;
	v8 =	vperm.xlane v1, v8;
	v2 =	vadd.f32 v3, v2  }
0x1a6: {  	v3 =	vld [tilespmem:s10+$0xFFFFFE10]  }
0x1a7: {  	s20 =	simm.s32 $0x2;
	v11 =	vld [tilespmem:s23+$0x0];
	v5 =	vmul.f32 v5, v8;
	v2 =	vadd.f32 v2, v7  }
0x1a8: {  	s9 =	sand.u32 $0xA, s20;
	s1 =	simm.s32 $0x1BD00;
	v7 =	vld [tilespmem:s23+$0x40]  }
0x1a9: {  	v12 =	vmov s9;
	v4 =	vadd.f32 v5, v4;
	v5 =	vld [tilespmem:s10+$0xFFFFFE90];
	[tilespmem:s1+$0x80] =	vst v2  }
0x1aa: {  	s18 =	simm.s32 $0x4;
	v10 =	vsub.f32 v10, v9;
	v2 =	vperm.xlane v1, v12;
	v12 =	vld [tilespmem:s23+$0x110]  }
0x1ab: {  	s18 =	sand.u32 $0xC, s18;
	v3 =	vadd.f32 v4, v3;
	v4 =	vld [tilespmem:s23+$0x150]  }
0x1ac: {  	v13 =	vmov s18;
	v10 =	vmul.f32 v10, v2  }
0x1ad: {  	v14 =	vld [tilespmem:s10+$0xFFFFFF10];
	v13 =	vperm.xlane v1, v13;
	v7 =	vsub.f32 v7, v11;
	[tilespmem:s1+$0xFFFFFF00] =	vst v3  }
0x1ae: {  	v3 =	vadd.f32 v10, v9;
	v9 =	vld [tilespmem:s23+$0xFFFFFE10]  }
0x1af: {  	v10 =	vld [tilespmem:s23+$0xFFFFFE50];
	v7 =	vmul.f32 v7, v13  }
0x1b0: {  	v3 =	vadd.f32 v3, v5;
	v4 =	vsub.f32 v4, v12  }
0x1b1: {  	v5 =	vadd.f32 v7, v11;
	v7 =	vld [tilespmem:s10+$0xFFFFFFA0]  }
0x1b2: {  	[tilespmem:s1+$0xFFFFFF80] =	vst v3;
	v3 =	vmul.f32 v4, v6  }
0x1b3: {  	v4 =	vld [tilespmem:s23+$0xFFFFFF10];
	v5 =	vadd.f32 v5, v14  }
0x1b4: {  	v11 =	vld [tilespmem:s23+$0xFFFFFF50];
	v10 =	vsub.f32 v10, v9;
	v3 =	vadd.f32 v3, v12  }
0x1b5: {  	[tilespmem:s1+$0x0] =	vst v5;
	v5 =	vld [tilespmem:s10+$0xFFFFFE20]  }
0x1b6: {  	v10 =	vmul.f32 v10, v8;
	v12 =	vld [tilespmem:s23+$0x10];
	v3 =	vadd.f32 v3, v7  }
0x1b7: {  	v7 =	vld [tilespmem:s23+$0x50]  }
0x1b8: {  	v9 =	vadd.f32 v10, v9;
	[tilespmem:s1+$0x90] =	vst v3  }
0x1b9: {  	v3 =	vld [tilespmem:s23+$0x120]  }
0x1ba: {  	v10 =	vsub.f32 v11, v4;
	v5 =	vadd.f32 v9, v5;
	v9 =	vld [tilespmem:s23+$0x160]  }
0x1bb: {  	v11 =	vld [tilespmem:s10+$0xFFFFFEA0]  }
0x1bc: {  	v14 =	vld [tilespmem:s10+$0xFFFFFF20];
	v10 =	vmul.f32 v10, v2;
	v7 =	vsub.f32 v7, v12;
	[tilespmem:s1+$0xFFFFFF10] =	vst v5  }
0x1bd: {  	v5 =	vld [tilespmem:s23+$0xFFFFFE20]  }
0x1be: {  	v4 =	vadd.f32 v10, v4;
	v7 =	vmul.f32 v7, v13;
	v10 =	vld [tilespmem:s23+$0xFFFFFE60]  }
0x1bf: {  	v9 =	vsub.f32 v9, v3  }
0x1c0: {  	v4 =	vadd.f32 v4, v11;
	v11 =	vld [tilespmem:s10+$0xFFFFFFB0];
	v7 =	vadd.f32 v7, v12  }
0x1c1: {  	v9 =	vmul.f32 v9, v6  }
0x1c2: {  	v12 =	vld [tilespmem:s10+$0xFFFFFE30];
	[tilespmem:s1+$0xFFFFFF90] =	vst v4;
	v4 =	vadd.f32 v7, v14  }
0x1c3: {  	v7 =	vld [tilespmem:s23+$0xFFFFFF20];
	v10 =	vsub.f32 v10, v5;
	v3 =	vadd.f32 v9, v3  }
0x1c4: {  	[tilespmem:s1+$0x10] =	vst v4;
	v4 =	vld [tilespmem:s23+$0xFFFFFF60]  }
0x1c5: {  	v9 =	vld [tilespmem:s23+$0x20];
	v10 =	vmul.f32 v10, v8;
	v3 =	vadd.f32 v3, v11  }
0x1c6: {  	v11 =	vld [tilespmem:s23+$0x60]  }
0x1c7: {  	v5 =	vadd.f32 v10, v5;
	[tilespmem:s1+$0xA0] =	vst v3  }
0x1c8: {  	v3 =	vld [tilespmem:s23+$0x130]  }
0x1c9: {  	v4 =	vsub.f32 v4, v7;
	v5 =	vadd.f32 v5, v12;
	v10 =	vld [tilespmem:s23+$0x170]  }
0x1ca: {  	v12 =	vld [tilespmem:s10+$0xFFFFFEB0]  }
0x1cb: {  	v14 =	vld [tilespmem:s10+$0xFFFFFF30];
	v4 =	vmul.f32 v4, v2;
	v11 =	vsub.f32 v11, v9;
	[tilespmem:s1+$0xFFFFFF20] =	vst v5  }
0x1cc: {  	v5 =	vld [tilespmem:s23+$0xFFFFFE30]  }
0x1cd: {  	v4 =	vadd.f32 v4, v7;
	v7 =	vmul.f32 v11, v13;
	v11 =	vld [tilespmem:s23+$0xFFFFFE70]  }
0x1ce: {  	v10 =	vsub.f32 v10, v3  }
0x1cf: {  	v4 =	vadd.f32 v4, v12;
	v7 =	vadd.f32 v7, v9;
	v9 =	vld [tilespmem:s10+$0xFFFFFFC0]  }
0x1d0: {  	v6 =	vmul.f32 v10, v6  }
0x1d1: {  	v10 =	vld [tilespmem:s10+$0xFFFFFE40];
	[tilespmem:s1+$0xFFFFFFA0] =	vst v4;
	v4 =	vadd.f32 v7, v14  }
0x1d2: {  	v7 =	vld [tilespmem:s23+$0xFFFFFF30];
	v11 =	vsub.f32 v11, v5;
	v3 =	vadd.f32 v6, v3  }
0x1d3: {  	v6 =	vld [tilespmem:s23+$0xFFFFFF70];
	[tilespmem:s1+$0x20] =	vst v4  }
0x1d4: {  	v4 =	vld [tilespmem:s23+$0x30];
	v8 =	vmul.f32 v11, v8;
	v3 =	vadd.f32 v3, v9  }
0x1d5: {  	v9 =	vld [tilespmem:s23+$0x70]  }
0x1d6: {  	v5 =	vadd.f32 v8, v5;
	[tilespmem:s1+$0xB0] =	vst v3  }
0x1d7: {  	v3 =	vld [tilespmem:s23+$0x180]  }
0x1d8: {  	v6 =	vsub.f32 v6, v7;
	v8 =	vld [tilespmem:s23+$0x1C0];
	v5 =	vadd.f32 v5, v10  }
0x1d9: {  	v10 =	vld [tilespmem:s10+$0xFFFFFEC0]  }
0x1da: {  	v11 =	vld [tilespmem:s10+$0xFFFFFF40];
	v2 =	vmul.f32 v6, v2;
	v6 =	vsub.f32 v9, v4;
	[tilespmem:s1+$0xFFFFFF30] =	vst v5  }
0x1db: {  	s19 =	sor.u32 $0x1, s24;
	v9 =	vld [tilespmem:s23+$0xFFFFFE80]  }
0x1dc: {  	v2 =	vadd.f32 v2, v7;
	v5 =	vmul.f32 v6, v13;
	v7 =	vld [tilespmem:s23+$0xFFFFFEC0];
	v6 =	vmov s19  }
0x1dd: {  	v6 =	vperm.xlane v1, v6;
	v8 =	vsub.f32 v8, v3  }
0x1de: {  	v2 =	vadd.f32 v2, v10;
	v4 =	vadd.f32 v5, v4;
	v10 =	vld [tilespmem:s10+$0xFFFFFFD0]  }
0x1df: {  	s17 =	sor.u32 $0x1, s25;
	v8 =	vmul.f32 v8, v6  }
0x1e0: {  	v12 =	vld [tilespmem:s10+$0xFFFFFE50];
	v5 =	vmov s17;
	[tilespmem:s1+$0xFFFFFFB0] =	vst v2;
	v2 =	vadd.f32 v4, v11  }
0x1e1: {  	v5 =	vperm.xlane v1, v5;
	v4 =	vld [tilespmem:s23+$0xFFFFFF80];
	v7 =	vsub.f32 v7, v9;
	v3 =	vadd.f32 v8, v3  }
0x1e2: {  	v8 =	vld [tilespmem:s23+$0xFFFFFFC0];
	[tilespmem:s1+$0x30] =	vst v2  }
0x1e3: {  	v2 =	vld [tilespmem:s23+$0x80];
	v7 =	vmul.f32 v7, v5;
	v3 =	vadd.f32 v3, v10  }
0x1e4: {  	v10 =	vld [tilespmem:s23+$0xC0]  }
0x1e5: {  	v7 =	vadd.f32 v7, v9;
	[tilespmem:s1+$0xC0] =	vst v3  }
0x1e6: {  	s9 =	sor.u32 $0x1, s9;
	v3 =	vld [tilespmem:s23+$0x190]  }
0x1e7: {  	s21 =	sor.u32 $0x1, s18;
	v9 =	vmov s9;
	v11 =	vadd.f32 v7, v12;
	v12 =	vld [tilespmem:s23+$0x1D0]  }
0x1e8: {  	v13 =	vmov s21;
	v14 =	vsub.f32 v8, v4;
	v7 =	vperm.xlane v1, v9;
	v9 =	vld [tilespmem:s10+$0xFFFFFED0]  }
0x1e9: {  	v8 =	vperm.xlane v1, v13;
	v1 =	vld [tilespmem:s10+$0xFFFFFF50];
	v10 =	vsub.f32 v10, v2;
	[tilespmem:s1+$0xFFFFFF40] =	vst v11  }
0x1ea: {  	v11 =	vmul.f32 v14, v7;
	v13 =	vld [tilespmem:s23+$0xFFFFFE90]  }
0x1eb: {  	v10 =	vmul.f32 v10, v8;
	v14 =	vld [tilespmem:s23+$0xFFFFFED0]  }
0x1ec: {  	v4 =	vadd.f32 v11, v4;
	v11 =	vsub.f32 v12, v3  }
0x1ed: {  	v2 =	vadd.f32 v10, v2;
	v10 =	vld [tilespmem:s10+$0xFFFFFFE0]  }
0x1ee: {  	s19 =	simm.s32 $0x15200;
	v4 =	vadd.f32 v4, v9;
	v9 =	vmul.f32 v11, v6  }
0x1ef: {  	v18 =	vld [tilespmem:s19+$0x100];
	v1 =	vadd.f32 v2, v1  }
0x1f0: {  	v19 =	vld [tilespmem:s19+$0xFFFFFE00];
	[tilespmem:s1+$0xFFFFFFC0] =	vst v4;
	v4 =	vsub.f32 v14, v13;
	v3 =	vadd.f32 v9, v3  }
0x1f1: {  	v2 =	vld [tilespmem:s10+$0xFFFFFE60]  }
0x1f2: {  	v20 =	vld [tilespmem:s19+$0xFFFFFE40];
	[tilespmem:s1+$0x40] =	vst v1;
	v1 =	vmul.f32 v4, v5;
	v3 =	vadd.f32 v3, v10  }
0x1f3: {  	v21 =	vld [tilespmem:s19+$0xFFFFFF00]  }
0x1f4: {  	v22 =	vld [tilespmem:s19+$0xFFFFFF40];
	v1 =	vadd.f32 v1, v13;
	[tilespmem:s1+$0xD0] =	vst v3  }
0x1f5: {  	v3 =	vld [tilespmem:s23+$0x1A0]  }
0x1f6: {  	s21 =	sadd.s32 $0x200, s10;
	v1 =	vadd.f32 v1, v2;
	v2 =	vld [tilespmem:s23+$0x1E0]  }
0x1f7: {  	v23 =	vld [tilespmem:s21+$0xFFFFFF90]  }
0x1f8: {  	s22 =	simm.s32 $0x8;
	v14 =	vld [tilespmem:s23+$0x90]  }
0x1f9: {  	s25 =	sand.u32 $0x30, s22;
	v15 =	vld [tilespmem:s23+$0xD0]  }
0x1fa: {  	[tilespmem:s1+$0xFFFFFF50] =	vst v1;
	v1 =	vld.idx.msk [tilespmem:v0+s25+$0x40 ss:$0x1], $0xffff  }
0x1fb: {  	v26 =	vld [tilespmem:s19+$0x0];
	v2 =	vsub.f32 v2, v3  }
0x1fc: {  	v4 =	vld [tilespmem:s10+$0xFFFFFFF0]  }
0x1fd: {  	v10 =	vld [tilespmem:s19+$0x140];
	v2 =	vmul.f32 v2, v6  }
0x1fe: {  	v11 =	vld [tilespmem:s23+$0xFFFFFF90]  }
0x1ff: {  	s18 =	simm.s32 $0xE;
	v9 =	vld [tilespmem:s23+$0xFFFFFFD0];
	v15 =	vsub.f32 v15, v14;
	v1 =	vand.u32 $0x1, v1;
	v2 =	vadd.f32 v2, v3  }
0x200: {  	s20 =	sand.u32 $0xE, s18;
	v16 =	vld [tilespmem:s10+$0xFFFFFF60];
	v3 =	vcvt.s32.f32 v1  }
0x201: {  	v27 =	vld [tilespmem:s19+$0x40];
	v15 =	vmul.f32 v15, v8;
	v1 =	vadd.f32 v2, v4;
	v2 =	vmov s20  }
0x202: {  	v39 =	vld [tilespmem:s21+$0xFFFFFE10];
	v4 =	vsub.f32 v10, v18;
	v2 =	vperm.xlane v3, v2  }
0x203: {  	v40 =	vld [tilespmem:s21+$0xFFFFFE90];
	s9 =	sand.u32 $0x8, s22;
	v14 =	vadd.f32 v15, v14  }
0x204: {  	v28 =	vld [tilespmem:s21+$0xFFFFFF10];
	v20 =	vsub.f32 v20, v19;
	v24 =	vmul.f32 v4, v2;
	v4 =	vmov s9  }
0x205: {  	v13 =	vld [tilespmem:s10+$0xFFFFFEE0];
	v14 =	vadd.f32 v14, v16;
	[tilespmem:s1+$0xE0] =	vst v1;
	v1 =	vsub.f32 v9, v11;
	v4 =	vperm.xlane v3, v4  }
0x206: {  	v12 =	vld [tilespmem:s23+$0xFFFFFEA0];
	v18 =	vadd.f32 v24, v18  }
0x207: {  	s24 =	simm.s32 $0xA;
	v17 =	vld [tilespmem:s23+$0xFFFFFEE0];
	[tilespmem:s1+$0x50] =	vst v14;
	v1 =	vmul.f32 v1, v7;
	v20 =	vmul.f32 v20, v4  }
0x208: {  	s22 =	sand.u32 $0xA, s24;
	v56 =	vld [tilespmem:s23+$0xA0];
	v18 =	vadd.f32 v18, v23  }
0x209: {  	s17 =	simm.s32 $0x1BF00;
	s24 =	simm.s32 $0xC;
	v25 =	vmov s22;
	v59 =	vld [tilespmem:s23+$0xE0];
	v11 =	vadd.f32 v1, v11;
	v19 =	vadd.f32 v20, v19  }
0x20a: {  	v22 =	vsub.f32 v22, v21;
	s31 =	sand.u32 $0xC, s24;
	v9 =	vld [tilespmem:s23+$0x1B0];
	v1 =	vperm.xlane v3, v25;
	[tilespmem:s17+$0x80] =	vst v18  }
0x20b: {  	v41 =	vadd.f32 v11, v13;
	v13 =	vmov s31;
	v44 =	vld [tilespmem:s19+$0x110];
	v19 =	vadd.f32 v19, v39  }
0x20c: {  	v43 =	vsub.f32 v27, v26;
	v42 =	vmul.f32 v22, v1;
	v13 =	vperm.xlane v3, v13;
	v45 =	vld [tilespmem:s19+$0x150]  }
0x20d: {  	v10 =	vld [tilespmem:s23+$0x1F0];
	[tilespmem:s17+$0xFFFFFF00] =	vst v19  }
0x20e: {  	v20 =	vadd.f32 v42, v21;
	v18 =	vmul.f32 v43, v13;
	v47 =	vld [tilespmem:s19+$0xFFFFFE10]  }
0x20f: {  	v48 =	vld [tilespmem:s19+$0xFFFFFE50]  }
0x210: {  	v11 =	vld [tilespmem:s10+$0x0];
	v20 =	vadd.f32 v20, v40;
	v18 =	vadd.f32 v18, v26  }
0x211: {  	v50 =	vld [tilespmem:s21+$0xFFFFFFA0];
	v21 =	vsub.f32 v45, v44  }
0x212: {  	v16 =	vld [tilespmem:s21+$0xFFFFFE20];
	[tilespmem:s17+$0xFFFFFF80] =	vst v20;
	v18 =	vadd.f32 v18, v28  }
0x213: {  	v49 =	vld [tilespmem:s19+$0xFFFFFF10];
	v52 =	vmul.f32 v21, v2  }
0x214: {  	v51 =	vld [tilespmem:s19+$0xFFFFFF50];
	[tilespmem:s17+$0x0] =	vst v18;
	v20 =	vsub.f32 v48, v47  }
0x215: {  	v15 =	vld [tilespmem:s19+$0x10];
	v18 =	vadd.f32 v52, v44  }
0x216: {  	[tilespmem:s1+$0xFFFFFFD0] =	vst v41;
	v53 =	vld [tilespmem:s19+$0x50];
	v20 =	vmul.f32 v20, v4  }
0x217: {  	v23 =	vld [tilespmem:s23+$0xFFFFFFA0];
	v18 =	vadd.f32 v18, v50  }
0x218: {  	v46 =	vld [tilespmem:s23+$0xFFFFFFE0];
	v20 =	vadd.f32 v20, v47  }
0x219: {  	v54 =	vld [tilespmem:s21+$0xFFFFFEA0];
	v55 =	vsub.f32 v51, v49;
	[tilespmem:s17+$0x90] =	vst v18  }
0x21a: {  	v57 =	vld [tilespmem:s19+$0x120];
	v16 =	vadd.f32 v20, v16  }
0x21b: {  	v26 =	vmul.f32 v55, v1;
	v21 =	vsub.f32 v53, v15;
	v58 =	vld [tilespmem:s19+$0x160]  }
0x21c: {  	v14 =	vld [tilespmem:s21+$0xFFFFFF20];
	[tilespmem:s17+$0xFFFFFF10] =	vst v16  }
0x21d: {  	v25 =	vadd.f32 v26, v49;
	v21 =	vmul.f32 v21, v13;
	v60 =	vld [tilespmem:s19+$0xFFFFFE20]  }
0x21e: {  	v17 =	vsub.f32 v17, v12;
	v61 =	vld [tilespmem:s19+$0xFFFFFE60]  }
0x21f: {  	v16 =	vld [tilespmem:s10+$0xFFFFFE70];
	v22 =	vadd.f32 v25, v54;
	v15 =	vadd.f32 v21, v15  }
0x220: {  	v62 =	vld [tilespmem:s21+$0xFFFFFE30];
	v20 =	vsub.f32 v58, v57  }
0x221: {  	v17 =	vmul.f32 v17, v5;
	[tilespmem:s17+$0xFFFFFF90] =	vst v22;
	v14 =	vadd.f32 v15, v14;
	v15 =	vld [tilespmem:s21+$0xFFFFFFB0]  }
0x222: {  	v22 =	vld [tilespmem:s19+$0xFFFFFF20];
	v20 =	vmul.f32 v20, v2  }
0x223: {  	v12 =	vadd.f32 v17, v12;
	[tilespmem:s17+$0x10] =	vst v14;
	v14 =	vld [tilespmem:s19+$0xFFFFFF60];
	v21 =	vsub.f32 v61, v60  }
0x224: {  	v63 =	vld [tilespmem:s19+$0x20];
	v20 =	vadd.f32 v20, v57  }
0x225: {  	v12 =	vadd.f32 v12, v16;
	v29 =	vld [tilespmem:s19+$0x60];
	v21 =	vmul.f32 v21, v4  }
0x226: {  	v30 =	vld [tilespmem:s21+$0xFFFFFEB0];
	v15 =	vadd.f32 v20, v15  }
0x227: {  	v17 =	vld [tilespmem:s21+$0xFFFFFF30];
	[tilespmem:s1+$0xFFFFFF60] =	vst v12;
	v21 =	vadd.f32 v21, v60  }
0x228: {  	v12 =	vld [tilespmem:s10+$0xFFFFFF70];
	v14 =	vsub.f32 v14, v22;
	[tilespmem:s17+$0xA0] =	vst v15  }
0x229: {  	v16 =	vld [tilespmem:s19+$0x130];
	v21 =	vadd.f32 v21, v62  }
0x22a: {  	v24 =	vsub.f32 v29, v63;
	v14 =	vmul.f32 v14, v1;
	v31 =	vld [tilespmem:s19+$0x170]  }
0x22b: {  	v33 =	vld [tilespmem:s23+$0xFFFFFEB0];
	[tilespmem:s17+$0xFFFFFF20] =	vst v21  }
0x22c: {  	v32 =	vmul.f32 v24, v13;
	v14 =	vadd.f32 v14, v22;
	v34 =	vld [tilespmem:s19+$0xFFFFFE30]  }
0x22d: {  	v35 =	vld [tilespmem:s19+$0xFFFFFE70]  }
0x22e: {  	v15 =	vld [tilespmem:s10+$0xFFFFFEF0];
	v21 =	vadd.f32 v32, v63;
	v14 =	vadd.f32 v14, v30  }
0x22f: {  	v37 =	vld [tilespmem:s21+$0xFFFFFFC0];
	v25 =	vsub.f32 v31, v16  }
0x230: {  	v36 =	vld [tilespmem:s21+$0xFFFFFE40];
	v17 =	vadd.f32 v21, v17;
	[tilespmem:s17+$0xFFFFFFA0] =	vst v14  }
0x231: {  	v14 =	vsub.f32 v46, v23;
	v2 =	vmul.f32 v25, v2;
	v38 =	vld [tilespmem:s19+$0xFFFFFF30]  }
0x232: {  	[tilespmem:s17+$0x20] =	vst v17;
	v17 =	vld [tilespmem:s19+$0xFFFFFF70];
	v20 =	vsub.f32 v35, v34  }
0x233: {  	v14 =	vmul.f32 v14, v7;
	v39 =	vld [tilespmem:s19+$0x70];
	v2 =	vadd.f32 v2, v16  }
0x234: {  	v16 =	vld [tilespmem:s19+$0x30];
	v4 =	vmul.f32 v20, v4  }
0x235: {  	v41 =	vld [tilespmem:s23+$0xFFFFFEF0];
	v14 =	vadd.f32 v14, v23;
	v2 =	vadd.f32 v2, v37  }
0x236: {  	v40 =	vld [tilespmem:s21+$0xFFFFFEC0];
	v4 =	vadd.f32 v4, v34  }
0x237: {  	v14 =	vadd.f32 v14, v15;
	v15 =	vld [tilespmem:s21+$0xFFFFFF40];
	v17 =	vsub.f32 v17, v38;
	[tilespmem:s17+$0xB0] =	vst v2  }
0x238: {  	v2 =	vld [tilespmem:s19+$0x180];
	v4 =	vadd.f32 v4, v36  }
0x239: {  	[tilespmem:s1+$0xFFFFFFE0] =	vst v14;
	v1 =	vmul.f32 v17, v1;
	v14 =	vsub.f32 v39, v16;
	v17 =	vld [tilespmem:s19+$0x1C0]  }
0x23a: {  	v42 =	vld [tilespmem:s23+$0xFFFFFFB0];
	[tilespmem:s17+$0xFFFFFF30] =	vst v4  }
0x23b: {  	v1 =	vadd.f32 v1, v38;
	v4 =	vmul.f32 v14, v13;
	v43 =	vld [tilespmem:s19+$0xFFFFFE80]  }
0x23c: {  	s20 =	sor.u32 $0x1, s20;
	v14 =	vsub.f32 v59, v56;
	v45 =	vld [tilespmem:s19+$0xFFFFFEC0]  }
0x23d: {  	v44 =	vmov s20;
	v13 =	vld [tilespmem:s23+$0xFFFFFFF0];
	v1 =	vadd.f32 v1, v40;
	v16 =	vadd.f32 v4, v16  }
0x23e: {  	v46 =	vld [tilespmem:s21+$0xFFFFFE50];
	v4 =	vperm.xlane v3, v44;
	v17 =	vsub.f32 v17, v2  }
0x23f: {  	s18 =	sor.u32 $0x1, s9;
	v14 =	vmul.f32 v14, v8;
	[tilespmem:s17+$0xFFFFFFB0] =	vst v1;
	v1 =	vadd.f32 v16, v15;
	v15 =	vld [tilespmem:s21+$0xFFFFFFD0]  }
0x240: {  	v47 =	vmov s18;
	v16 =	vld [tilespmem:s19+$0xFFFFFF80];
	v17 =	vmul.f32 v17, v4  }
0x241: {  	v14 =	vadd.f32 v14, v56;
	v48 =	vld [tilespmem:s19+$0xFFFFFFC0];
	[tilespmem:s17+$0x30] =	vst v1;
	v1 =	vperm.xlane v3, v47;
	v49 =	vsub.f32 v45, v43  }
0x242: {  	v50 =	vld [tilespmem:s19+$0x80];
	v2 =	vadd.f32 v17, v2  }
0x243: {  	v12 =	vadd.f32 v14, v12;
	v14 =	vld [tilespmem:s19+$0xC0];
	v17 =	vmul.f32 v49, v1  }
0x244: {  	s9 =	sor.u32 $0x1, s22;
	v51 =	vld [tilespmem:s21+$0xFFFFFED0];
	v15 =	vadd.f32 v2, v15  }
0x245: {  	[tilespmem:s1+$0x60] =	vst v12;
	v12 =	vld [tilespmem:s21+$0xFFFFFF50];
	v2 =	vmov s9;
	v17 =	vadd.f32 v17, v43  }
0x246: {  	s25 =	sor.u32 $0x1, s31;
	v55 =	vld [tilespmem:s23+$0xF0];
	v2 =	vperm.xlane v3, v2;
	v18 =	vsub.f32 v48, v16;
	[tilespmem:s17+$0xC0] =	vst v15  }
0x247: {  	v52 =	vmov s25;
	v53 =	vld [tilespmem:s19+$0x190];
	v17 =	vadd.f32 v17, v46  }
0x248: {  	v3 =	vperm.xlane v3, v52;
	v18 =	vmul.f32 v18, v2;
	v14 =	vsub.f32 v14, v50;
	v54 =	vld [tilespmem:s19+$0x1D0]  }
0x249: {  	v15 =	vld [tilespmem:s23+$0xB0];
	[tilespmem:s17+$0xFFFFFF40] =	vst v17  }
0x24a: {  	v16 =	vadd.f32 v18, v16;
	v14 =	vmul.f32 v14, v3;
	v56 =	vld [tilespmem:s19+$0xFFFFFE90]  }
0x24b: {  	v10 =	vsub.f32 v10, v9;
	v57 =	vld [tilespmem:s19+$0xFFFFFED0]  }
0x24c: {  	v17 =	vld [tilespmem:s10+$0xFFFFFE80];
	v16 =	vadd.f32 v16, v51;
	v14 =	vadd.f32 v14, v50  }
0x24d: {  	v6 =	vmul.f32 v10, v6;
	v58 =	vld [tilespmem:s21+$0xFFFFFE60];
	v10 =	vsub.f32 v54, v53  }
0x24e: {  	[tilespmem:s17+$0xFFFFFFC0] =	vst v16;
	v12 =	vadd.f32 v14, v12;
	v14 =	vld [tilespmem:s21+$0xFFFFFFE0]  }
0x24f: {  	v6 =	vadd.f32 v6, v9;
	v16 =	vsub.f32 v41, v33;
	v59 =	vld [tilespmem:s19+$0xFFFFFF90];
	v9 =	vmul.f32 v10, v4  }
0x250: {  	v60 =	vld [tilespmem:s19+$0xFFFFFFD0];
	[tilespmem:s17+$0x40] =	vst v12;
	v10 =	vsub.f32 v57, v56  }
0x251: {  	v5 =	vmul.f32 v16, v5;
	v12 =	vld [tilespmem:s19+$0x90];
	v9 =	vadd.f32 v9, v53  }
0x252: {  	v6 =	vadd.f32 v6, v11;
	v62 =	vsub.f32 v55, v15;
	v16 =	vld [tilespmem:s19+$0xD0];
	v61 =	vmul.f32 v10, v1  }
0x253: {  	v5 =	vadd.f32 v5, v33;
	v9 =	vadd.f32 v9, v14  }
0x254: {  	v13 =	vsub.f32 v13, v42;
	v11 =	vld [tilespmem:s21+$0xFFFFFEE0];
	v14 =	vadd.f32 v61, v56  }
0x255: {  	v63 =	vsub.f32 v60, v59;
	v5 =	vadd.f32 v5, v17;
	v17 =	vmul.f32 v62, v8;
	v8 =	vld [tilespmem:s10+$0xFFFFFF00];
	[tilespmem:s17+$0xD0] =	vst v9  }
0x256: {  	v7 =	vmul.f32 v13, v7;
	v9 =	vld [tilespmem:s19+$0x1A0]  }
0x257: {  	[tilespmem:s1+$0xF0] =	vst v6;
	v14 =	vadd.f32 v14, v58;
	v18 =	vmul.f32 v63, v2;
	v16 =	vsub.f32 v16, v12;
	v13 =	vld [tilespmem:s19+$0x1E0]  }
0x258: {  	s31 =	simm.s32 $0x4;
	s25 =	simm.s32 $0x15200;
	v6 =	vadd.f32 v7, v42;
	v7 =	vld [tilespmem:s10+$0xFFFFFF80];
	[tilespmem:s1+$0xFFFFFF70] =	vst v5  }
0x259: {  	s9 =	simm.s32 $0x10;
	s23 =	sor.u32 $0x1, s28;
	v10 =	vld [tilespmem:s21+$0xFFFFFF60];
	s10 =	smov.u32 s21;
	v5 =	vadd.f32 v17, v15;
	[tilespmem:s17+$0xFFFFFF50] =	vst v14;
	v14 =	vadd.f32 v18, v59;
	v15 =	vmul.f32 v16, v3  }
.LBB2_7:
0x25a: {  	s18 =	sand.u32 $0x30, s9;
	s20 =	sadd.s32 $0x2, s9;
	s22 =	sadd.s32 $0x4, s9;
	v16 =	vld [tilespmem:s19+$0xFFFFFEA0];
	v6 =	vadd.f32 v6, v8  }
0x25b: {  	v8 =	vld.idx.msk [tilespmem:v0+s18+$0x40 ss:$0x1], $0xffff;
	s18 =	sand.u32 $0x8, s9;
	s20 =	sand.u32 $0xA, s20;
	s22 =	sand.u32 $0xC, s22;
	v11 =	vadd.f32 v14, v11;
	v12 =	vadd.f32 v15, v12  }
0x25c: {  	s24 =	sor.u32 $0x1, s18;
	v14 =	vmov s20;
	s20 =	sor.u32 $0x1, s20;
	v15 =	vmov s22;
	s22 =	sor.u32 $0x1, s22;
	v17 =	vld [tilespmem:s19+$0xFFFFFEE0];
	v13 =	vsub.f32 v13, v9;
	[tilespmem:s1+$0xFFFFFFF0] =	vst v6  }
0x25d: {  	v18 =	vmov s18;
	s19 =	sadd.s32 $0x400, s19;
	v19 =	vmov s20;
	v20 =	vmov s22;
	v21 =	vld [tilespmem:s21+$0xFFFFFFF0]  }
0x25e: {  	v22 =	vmov s24;
	v6 =	vadd.f32 v12, v10;
	v23 =	vld [tilespmem:s19+$0x100];
	[tilespmem:s17+$0xFFFFFFD0] =	vst v11;
	v10 =	vmul.f32 v13, v4  }
0x25f: {  	v5 =	vadd.f32 v5, v7;
	v13 =	vld [tilespmem:s19+$0x140]  }
0x260: {  	v24 =	vld [tilespmem:s19+$0xFFFFFE00];
	[tilespmem:s17+$0x50] =	vst v6;
	v7 =	vadd.f32 v10, v9  }
0x261: {  	s31 =	sadd.s32 $0x4, s31;
	s18 =	sadd.s32 $0x6, s9;
	v6 =	vand.u32 $0x1, v8;
	v8 =	vld [tilespmem:s19+$0xFFFFFE40];
	v9 =	vsub.f32 v17, v16;
	[tilespmem:s1+$0x70] =	vst v5;
	s1 =	smov.u32 s17  }
0x262: {  	p2 =	slt.u32 s31, $0x1C;
	s18 =	sand.u32 $0xE, s18;
	v6 =	vcvt.s32.f32 v6;
	v17 =	vld [tilespmem:s19+$0xFFFFFF00];
	v5 =	vadd.f32 v7, v21  }
0x263: {  	s21 =	sadd.s32 $0x200, s21;
	v7 =	vmov s18;
	v21 =	vld [tilespmem:s19+$0xFFFFFF40];
	v25 =	vmul.f32 v9, v1  }
0x264: {  	v11 =	vperm.xlane v6, v18;
	v12 =	vperm.xlane v6, v7;
	v18 =	vld [tilespmem:s21+$0xFFFFFF90];
	v7 =	vsub.f32 v13, v23;
	[tilespmem:s17+$0xE0] =	vst v5  }
0x265: {  	v10 =	vperm.xlane v6, v14;
	v9 =	vperm.xlane v6, v15;
	v13 =	vadd.f32 v25, v16;
	v14 =	vld [tilespmem:s25+$0x1B0]  }
0x266: {  	v15 =	vsub.f32 v8, v24;
	v8 =	vperm.xlane v6, v22;
	v16 =	vmul.f32 v7, v12;
	v22 =	vld [tilespmem:s25+$0x1F0]  }
0x267: {  	v5 =	vperm.xlane v6, v20;
	v7 =	vperm.xlane v6, v19;
	v19 =	vld [tilespmem:s19+$0x0]  }
0x268: {  	v15 =	vmul.f32 v15, v11;
	v20 =	vsub.f32 v21, v17;
	v21 =	vld [tilespmem:s19+$0x40];
	v16 =	vadd.f32 v16, v23  }
0x269: {  	v23 =	vld [tilespmem:s21+$0xFFFFFE10]  }
0x26a: {  	v15 =	vadd.f32 v15, v24;
	v24 =	vld [tilespmem:s21+$0xFFFFFE90];
	v20 =	vmul.f32 v20, v10;
	v16 =	vadd.f32 v16, v18  }
0x26b: {  	s17 =	sadd.s32 $0x200, s17;
	v18 =	vld [tilespmem:s21+$0xFFFFFF10];
	v22 =	vsub.f32 v22, v14  }
0x26c: {  	v17 =	vadd.f32 v20, v17;
	[tilespmem:s17+$0x80] =	vst v16;
	v16 =	vld [tilespmem:s10+$0x0]  }
0x26d: {  	v20 =	vsub.f32 v21, v19;
	v21 =	vld [tilespmem:s19+$0x110];
	v4 =	vmul.f32 v22, v4  }
0x26e: {  	v15 =	vadd.f32 v15, v23;
	v22 =	vld [tilespmem:s19+$0x150]  }
0x26f: {  	v17 =	vadd.f32 v17, v24;
	v20 =	vmul.f32 v20, v9;
	v23 =	vld [tilespmem:s25+$0xFFFFFFA0];
	v4 =	vadd.f32 v4, v14  }
0x270: {  	[tilespmem:s17+$0xFFFFFF00] =	vst v15;
	v14 =	vld [tilespmem:s25+$0xFFFFFFE0]  }
0x271: {  	v15 =	vld [tilespmem:s19+$0xFFFFFE10];
	[tilespmem:s17+$0xFFFFFF80] =	vst v17;
	v17 =	vadd.f32 v20, v19;
	v4 =	vadd.f32 v4, v16  }
0x272: {  	v16 =	vld [tilespmem:s19+$0xFFFFFE50]  }
0x273: {  	v19 =	vld [tilespmem:s19+$0xFFFFFF10];
	v17 =	vadd.f32 v17, v18;
	v18 =	vsub.f32 v22, v21;
	[tilespmem:s1+$0xF0] =	vst v4  }
0x274: {  	v4 =	vld [tilespmem:s21+$0xFFFFFFA0]  }
0x275: {  	v20 =	vld [tilespmem:s19+$0xFFFFFF50];
	[tilespmem:s17+$0x0] =	vst v17;
	v17 =	vmul.f32 v18, v12;
	v14 =	vsub.f32 v14, v23  }
0x276: {  	v18 =	vld [tilespmem:s19+$0x10]  }
0x277: {  	v16 =	vsub.f32 v16, v15;
	v22 =	vld [tilespmem:s19+$0x50];
	v17 =	vadd.f32 v17, v21;
	v14 =	vmul.f32 v14, v2  }
0x278: {  	v21 =	vld [tilespmem:s21+$0xFFFFFE20]  }
0x279: {  	v16 =	vmul.f32 v16, v11;
	v24 =	vld [tilespmem:s21+$0xFFFFFEA0];
	v4 =	vadd.f32 v17, v4;
	v14 =	vadd.f32 v14, v23  }
0x27a: {  	v17 =	vsub.f32 v20, v19;
	v20 =	vld [tilespmem:s21+$0xFFFFFF20]  }
0x27b: {  	v15 =	vadd.f32 v16, v15;
	[tilespmem:s17+$0x90] =	vst v4;
	v4 =	vld [tilespmem:s25+$0xA0]  }
0x27c: {  	v16 =	vmul.f32 v17, v10;
	v17 =	vsub.f32 v22, v18;
	v22 =	vld [tilespmem:s19+$0x120]  }
0x27d: {  	v15 =	vadd.f32 v15, v21;
	v21 =	vld [tilespmem:s19+$0x160]  }
0x27e: {  	v16 =	vadd.f32 v16, v19;
	v17 =	vmul.f32 v17, v9;
	v19 =	vld [tilespmem:s25+$0xE0]  }
0x27f: {  	[tilespmem:s17+$0xFFFFFF10] =	vst v15;
	v15 =	vld [tilespmem:s10+$0xFFFFFE70]  }
0x280: {  	v23 =	vld [tilespmem:s19+$0xFFFFFE20];
	v16 =	vadd.f32 v16, v24;
	v17 =	vadd.f32 v17, v18  }
0x281: {  	v18 =	vld [tilespmem:s19+$0xFFFFFE60]  }
0x282: {  	v24 =	vld [tilespmem:s21+$0xFFFFFE30];
	[tilespmem:s17+$0xFFFFFF90] =	vst v16;
	v16 =	vadd.f32 v17, v20;
	v17 =	vsub.f32 v21, v22  }
0x283: {  	v20 =	vld [tilespmem:s21+$0xFFFFFFB0];
	v19 =	vsub.f32 v19, v4  }
0x284: {  	v21 =	vld [tilespmem:s19+$0xFFFFFF20];
	[tilespmem:s17+$0x10] =	vst v16;
	v16 =	vmul.f32 v17, v12;
	v13 =	vadd.f32 v13, v15  }
0x285: {  	v15 =	vld [tilespmem:s19+$0xFFFFFF60];
	v17 =	vmul.f32 v19, v3  }
0x286: {  	v18 =	vsub.f32 v18, v23;
	v19 =	vld [tilespmem:s19+$0x20];
	v16 =	vadd.f32 v16, v22;
	[tilespmem:s1+$0xFFFFFF60] =	vst v13  }
0x287: {  	v13 =	vld [tilespmem:s19+$0x60];
	v4 =	vadd.f32 v17, v4  }
0x288: {  	v17 =	vmul.f32 v18, v11;
	v18 =	vld [tilespmem:s21+$0xFFFFFEB0];
	v16 =	vadd.f32 v16, v20  }
0x289: {  	v20 =	vld [tilespmem:s21+$0xFFFFFF30]  }
0x28a: {  	v17 =	vadd.f32 v17, v23;
	v15 =	vsub.f32 v15, v21;
	[tilespmem:s17+$0xA0] =	vst v16;
	v16 =	vld [tilespmem:s10+$0xFFFFFEF0]  }
0x28b: {  	v22 =	vld [tilespmem:s19+$0x130]  }
0x28c: {  	v17 =	vadd.f32 v17, v24;
	v15 =	vmul.f32 v15, v10;
	v13 =	vsub.f32 v13, v19;
	v23 =	vld [tilespmem:s19+$0x170]  }
0x28d: {  	v24 =	vld [tilespmem:s10+$0xFFFFFF70]  }
0x28e: {  	[tilespmem:s17+$0xFFFFFF20] =	vst v17;
	v15 =	vadd.f32 v15, v21;
	v13 =	vmul.f32 v13, v9;
	v17 =	vld [tilespmem:s25+$0xFFFFFEB0]  }
0x28f: {  	v21 =	vld [tilespmem:s19+$0xFFFFFE30];
	v14 =	vadd.f32 v14, v16  }
0x290: {  	v16 =	vld [tilespmem:s19+$0xFFFFFE70];
	v15 =	vadd.f32 v15, v18;
	v13 =	vadd.f32 v13, v19  }
0x291: {  	v18 =	vld [tilespmem:s21+$0xFFFFFE40];
	v19 =	vsub.f32 v23, v22;
	[tilespmem:s1+$0xFFFFFFE0] =	vst v14  }
0x292: {  	[tilespmem:s17+$0xFFFFFFA0] =	vst v15;
	v13 =	vadd.f32 v13, v20;
	v14 =	vld [tilespmem:s21+$0xFFFFFFC0];
	v4 =	vadd.f32 v4, v24  }
0x293: {  	v15 =	vld [tilespmem:s19+$0xFFFFFF30];
	v12 =	vmul.f32 v19, v12  }
0x294: {  	v19 =	vld [tilespmem:s19+$0xFFFFFF70];
	[tilespmem:s17+$0x20] =	vst v13  }
0x295: {  	v13 =	vsub.f32 v16, v21;
	v16 =	vld [tilespmem:s19+$0x30];
	v12 =	vadd.f32 v12, v22;
	[tilespmem:s1+$0x60] =	vst v4  }
0x296: {  	v4 =	vld [tilespmem:s19+$0x70]  }
0x297: {  	v11 =	vmul.f32 v13, v11;
	v13 =	vld [tilespmem:s21+$0xFFFFFEC0];
	v12 =	vadd.f32 v12, v14  }
0x298: {  	v14 =	vld [tilespmem:s21+$0xFFFFFF40]  }
0x299: {  	v11 =	vadd.f32 v11, v21;
	v19 =	vsub.f32 v19, v15;
	[tilespmem:s17+$0xB0] =	vst v12;
	v12 =	vld [tilespmem:s25+$0xFFFFFEF0]  }
0x29a: {  	v20 =	vld [tilespmem:s19+$0x180]  }
0x29b: {  	v11 =	vadd.f32 v11, v18;
	v10 =	vmul.f32 v19, v10;
	v4 =	vsub.f32 v4, v16;
	v18 =	vld [tilespmem:s19+$0x1C0]  }
0x29c: {  	v19 =	vld [tilespmem:s25+$0xFFFFFFB0]  }
0x29d: {  	[tilespmem:s17+$0xFFFFFF30] =	vst v11;
	v10 =	vadd.f32 v10, v15;
	v4 =	vmul.f32 v4, v9;
	v9 =	vld [tilespmem:s25+$0xFFFFFFF0]  }
0x29e: {  	s18 =	sor.u32 $0x1, s18;
	v11 =	vld [tilespmem:s19+$0xFFFFFE80];
	v12 =	vsub.f32 v12, v17  }
0x29f: {  	v15 =	vld [tilespmem:s19+$0xFFFFFEC0];
	v10 =	vadd.f32 v10, v13;
	v13 =	vadd.f32 v4, v16;
	v4 =	vmov s18  }
0x2a0: {  	v16 =	vld [tilespmem:s21+$0xFFFFFE50];
	v4 =	vperm.xlane v6, v4;
	v6 =	vsub.f32 v18, v20;
	v12 =	vmul.f32 v12, v1;
	v1 =	vmovc v8  }
0x2a1: {  	[tilespmem:s17+$0xFFFFFFB0] =	vst v10;
	v8 =	vadd.f32 v13, v14;
	v10 =	vld [tilespmem:s21+$0xFFFFFFD0]  }
0x2a2: {  	v13 =	vld [tilespmem:s19+$0xFFFFFF80];
	v6 =	vmul.f32 v6, v4;
	v12 =	vadd.f32 v12, v17;
	v9 =	vsub.f32 v9, v19  }
0x2a3: {  	v14 =	vld [tilespmem:s19+$0xFFFFFFC0];
	[tilespmem:s17+$0x30] =	vst v8  }
0x2a4: {  	v8 =	vsub.f32 v15, v11;
	v15 =	vld [tilespmem:s19+$0x80];
	v6 =	vadd.f32 v6, v20;
	v9 =	vmul.f32 v9, v2;
	v2 =	vmovc v7  }
0x2a5: {  	v7 =	vld [tilespmem:s19+$0xC0]  }
0x2a6: {  	v8 =	vmul.f32 v8, v1;
	v17 =	vld [tilespmem:s21+$0xFFFFFED0];
	v10 =	vadd.f32 v6, v10;
	v6 =	vadd.f32 v9, v19  }
0x2a7: {  	v9 =	vld [tilespmem:s21+$0xFFFFFF50]  }
0x2a8: {  	v8 =	vadd.f32 v8, v11;
	v11 =	vsub.f32 v14, v13;
	[tilespmem:s17+$0xC0] =	vst v10;
	v10 =	vld [tilespmem:s25+$0xB0]  }
0x2a9: {  	v14 =	vld [tilespmem:s19+$0x190]  }
0x2aa: {  	v8 =	vadd.f32 v8, v16;
	v11 =	vmul.f32 v11, v2;
	v7 =	vsub.f32 v7, v15;
	v16 =	vld [tilespmem:s19+$0x1D0]  }
0x2ab: {  	v18 =	vld [tilespmem:s25+$0xF0];
	s25 =	smov.u32 s19  }
0x2ac: {  	[tilespmem:s17+$0xFFFFFF40] =	vst v8;
	v8 =	vadd.f32 v11, v13;
	v7 =	vmul.f32 v7, v5;
	v11 =	vld [tilespmem:s10+$0xFFFFFE80]  }
0x2ad: {  	v13 =	vld [tilespmem:s19+$0xFFFFFE90]  }
0x2ae: {  	v19 =	vld [tilespmem:s19+$0xFFFFFED0];
	v8 =	vadd.f32 v8, v17;
	v7 =	vadd.f32 v7, v15  }
0x2af: {  	v15 =	vld [tilespmem:s21+$0xFFFFFE60];
	v16 =	vsub.f32 v16, v14  }
0x2b0: {  	[tilespmem:s17+$0xFFFFFFC0] =	vst v8;
	v7 =	vadd.f32 v7, v9;
	v8 =	vld [tilespmem:s21+$0xFFFFFFE0];
	v9 =	vsub.f32 v18, v10  }
0x2b1: {  	v17 =	vld [tilespmem:s19+$0xFFFFFF90];
	v16 =	vmul.f32 v16, v4;
	v11 =	vadd.f32 v12, v11  }
0x2b2: {  	v18 =	vld [tilespmem:s19+$0xFFFFFFD0];
	[tilespmem:s17+$0x40] =	vst v7;
	v7 =	vmul.f32 v9, v3;
	v3 =	vmov v5  }
0x2b3: {  	v9 =	vsub.f32 v19, v13;
	v12 =	vld [tilespmem:s19+$0x90];
	v14 =	vadd.f32 v16, v14;
	[tilespmem:s1+$0xFFFFFF70] =	vst v11  }
0x2b4: {  	v16 =	vld [tilespmem:s19+$0xD0];
	v5 =	vadd.f32 v7, v10  }
0x2b5: {  	v7 =	vmul.f32 v9, v1;
	v11 =	vld [tilespmem:s21+$0xFFFFFEE0];
	v8 =	vadd.f32 v14, v8  }
0x2b6: {  	v10 =	vld [tilespmem:s21+$0xFFFFFF60]  }
.Ltmp4:
0x2b7: {  	v7 =	vadd.f32 v7, v13;
	v13 =	vsub.f32 v18, v17;
	[tilespmem:s17+$0xD0] =	vst v8;
	v8 =	vld [tilespmem:s10+$0xFFFFFF00];
	(pc) =	sbr.rel @p2 .LBB2_7-.Ltmp4, $4  }
0x2b8: {  	v9 =	vld [tilespmem:s19+$0x1A0]  }
0x2b9: {  	v14 =	vadd.f32 v7, v15;
	v15 =	vmul.f32 v13, v2;
	v16 =	vsub.f32 v16, v12;
	v13 =	vld [tilespmem:s19+$0x1E0]  }
0x2ba: {  	v7 =	vld [tilespmem:s10+$0xFFFFFF80];
	s10 =	smov.u32 s21  }
0x2bb: {  	s9 =	sadd.s32 $0x8, s9;
	[tilespmem:s17+$0xFFFFFF50] =	vst v14;
	v14 =	vadd.f32 v15, v17;
	v15 =	vmul.f32 v16, v3  }
0x2bc: {  	_ = 	snop  }
0x2bd: {  	v0 =	vld [tilespmem:s19+$0xFFFFFEA0];
	v11 =	vadd.f32 v14, v11;
	v12 =	vadd.f32 v15, v12  }
0x2be: {  	v14 =	vld [tilespmem:s19+$0xFFFFFEE0]  }
0x2bf: {  	v15 =	vld [tilespmem:s21+$0xFFFFFFF0];
	[tilespmem:s17+$0xFFFFFFD0] =	vst v11;
	v10 =	vadd.f32 v12, v10  }
0x2c0: {  	v11 =	vld [tilespmem:s25+$0xFFFFFFA0]  }
0x2c1: {  	v12 =	vsub.f32 v13, v9;
	[tilespmem:s17+$0x50] =	vst v10;
	v10 =	vld [tilespmem:s25+$0xFFFFFFE0]  }
0x2c2: {  	v13 =	vld [tilespmem:s25+$0xA0]  }
0x2c3: {  	v12 =	vmul.f32 v12, v4;
	v16 =	vld [tilespmem:s25+$0xE0]  }
0x2c4: {  	v14 =	vsub.f32 v14, v0  }
0x2c5: {  	v9 =	vadd.f32 v12, v9;
	v12 =	vld [tilespmem:s10+$0xFFFFFE70]  }
0x2c6: {  	v14 =	vmul.f32 v14, v1;
	v10 =	vsub.f32 v10, v11  }
0x2c7: {  	v9 =	vadd.f32 v9, v15;
	v15 =	vld [tilespmem:s10+$0xFFFFFEF0]  }
0x2c8: {  	v0 =	vadd.f32 v14, v0;
	v14 =	vsub.f32 v16, v13;
	v10 =	vmul.f32 v10, v2  }
0x2c9: {  	v16 =	vld [tilespmem:s10+$0xFFFFFF70]  }
0x2ca: {  	[tilespmem:s17+$0xE0] =	vst v9;
	v0 =	vadd.f32 v0, v12;
	v9 =	vadd.f32 v10, v11;
	v10 =	vmul.f32 v14, v3  }
0x2cb: {  	v12 =	vld [tilespmem:s25+$0x1F0]  }
0x2cc: {  	v11 =	vld [tilespmem:s25+$0x1B0];
	[tilespmem:s17+$0xFFFFFF60] =	vst v0;
	v0 =	vadd.f32 v10, v13;
	v9 =	vadd.f32 v9, v15  }
0x2cd: {  	v10 =	vld [tilespmem:s25+$0xFFFFFEB0]  }
0x2ce: {  	[tilespmem:s17+$0xFFFFFFE0] =	vst v9;
	v0 =	vadd.f32 v0, v16;
	v9 =	vld [tilespmem:s25+$0xFFFFFEF0]  }
0x2cf: {  	v13 =	vld [tilespmem:s25+$0xFFFFFFB0]  }
0x2d0: {  	[tilespmem:s17+$0x60] =	vst v0;
	v0 =	vld [tilespmem:s25+$0xFFFFFFF0]  }
0x2d1: {  	v14 =	vld [tilespmem:s25+$0xB0]  }
0x2d2: {  	v15 =	vld [tilespmem:s25+$0xF0];
	_ =	sdelay $0x1  }
0x2d3: {  	v12 =	vsub.f32 v12, v11  }
0x2d4: {  	v16 =	vld [tilespmem:s10+$0x0];
	v9 =	vsub.f32 v9, v10  }
0x2d5: {  	v4 =	vmul.f32 v12, v4;
	v12 =	vld [tilespmem:s10+$0xFFFFFE80];
	v0 =	vsub.f32 v0, v13  }
0x2d6: {  	v1 =	vmul.f32 v9, v1;
	v9 =	vsub.f32 v15, v14;
	v15 =	vld [tilespmem:s10+$0xFFFFFF00]  }
0x2d7: {  	v6 =	vadd.f32 v6, v8;
	v4 =	vadd.f32 v4, v11;
	v0 =	vmul.f32 v0, v2;
	v2 =	vld [tilespmem:s10+$0xFFFFFF80]  }
0x2d8: {  	v5 =	vadd.f32 v5, v7;
	v1 =	vadd.f32 v1, v10;
	v3 =	vmul.f32 v9, v3  }
0x2d9: {  	[tilespmem:s1+$0xFFFFFFF0] =	vst v6;
	v4 =	vadd.f32 v4, v16;
	v0 =	vadd.f32 v0, v13  }
0x2da: {  	[tilespmem:s1+$0x70] =	vst v5;
	v1 =	vadd.f32 v1, v12;
	v3 =	vadd.f32 v3, v14  }
0x2db: {  	[tilespmem:s17+$0xF0] =	vst v4;
	s10 =	sadd.s32 s7, s23;
	v0 =	vadd.f32 v0, v15  }
0x2dc: {  	s1 =	sshll.u32 s10, $0x9;
	[tilespmem:s17+$0xFFFFFF70] =	vst v1;
	v1 =	vadd.f32 v3, v2  }
0x2dd: {  	s1 =	sand.u32 $0x1FFFFA00, s1;
	[tilespmem:s17+$0xFFFFFFF0] =	vst v0  }
0x2de: {  	s9 =	simm.s32 $0x1BC00;
	s1 =	sadd.s32 s2, s1;
	[tilespmem:s17+$0x70] =	vst v1  }
0x2df: {  	[hbm4b:s1+s3] =	stream.linear.scatter [tilespmem:s9], [sflag:$0x6], $0x1000, $0x38;
	[tilespmem:$0x1EC00] =	vst v63  }
0x2e0: {  	s10 =	simm.s32 @!p1 $0x14C00;
	s1 =	sadd.s32 @!p1 $0x140, s30;
	s9 =	simm.s32 @!p1 $0x40  }
0x2e1: {  	[tilespmem:s10], [sflag:$0x2] =	stream.indirect.gather @!p1 [hbm4b:s4+s9], $0x80, s1, s9, $0xb8;
	[tilespmem:$0x1EC00] =	vst v63  }
0x2e2: {  	s10 =	sor.u32 $0x2, s28  }
0x2e3: {  	s18 =	sshll.u32 s10, $0x6  }
0x2e4: {  	s19 =	simm.s32 $0x3;
	s1 =	sand.u32 $0x3FFFFFC0, s18  }
0x2e5: {  	_ =	swait.ge [sflag:s19], $0x2000;
	s1 =	sadd.s32 $0x6400, s1  }
0x2e6: {  	[sflag:s19] =	ssyncset.done $0x0;
	v0 =	vmov s1  }
0x2e7: {  	[sflag:s19] =	ssyncadd.s32 $0xFFFFE000;
	s1 =	simm.s32 @!p0 $0x7  }
0x2e8: {  	_ =	swait.ge @!p0 [sflag:s1], $0x1000  }
0x2e9: {  	s20 =	simm.s32 $0x0;
	[sflag:s1] =	ssyncset.done @!p0 $0x0  }
0x2ea: {  	s21 =	sand.u32 $0x30, s20;
	[sflag:s1] =	ssyncadd.s32 @!p0 $0xFFFFF000  }
0x2eb: {  	v1 =	vld.idx.msk [tilespmem:v0+s21+$0x0 ss:$0x1], $0xffff  }
0x2ec: {  	s23 =	simm.s32 $0x16E00  }
0x2ed: {  	v2 =	vld [tilespmem:s23+$0x100]  }
0x2ee: {  	v3 =	vld [tilespmem:s23+$0x140];
	_ =	sdelay $0x1  }
0x2ef: {  	s22 =	simm.s32 $0x6;
	v1 =	vand.u32 $0x1, v1  }
0x2f0: {  	s24 =	sand.u32 $0xE, s22;
	v4 =	vld [tilespmem:s23+$0xFFFFFE00];
	v1 =	vcvt.s32.f32 v1  }
0x2f1: {  	v6 =	vmov s24;
	v5 =	vld [tilespmem:s23+$0xFFFFFE40]  }
0x2f2: {  	v3 =	vsub.f32 v3, v2;
	v6 =	vperm.xlane v1, v6  }
0x2f3: {  	v7 =	vld [tilespmem:s29+$0xFFFFFF90]  }
0x2f4: {  	s25 =	sand.u32 $0x8, s20;
	v3 =	vmul.f32 v3, v6  }
0x2f5: {  	v8 =	vmov s25;
	v9 =	vld [tilespmem:s23+$0xFFFFFF00]  }
0x2f6: {  	v10 =	vld [tilespmem:s23+$0xFFFFFF40];
	v5 =	vsub.f32 v5, v4;
	v8 =	vperm.xlane v1, v8;
	v2 =	vadd.f32 v3, v2  }
0x2f7: {  	v3 =	vld [tilespmem:s29+$0xFFFFFE10]  }
0x2f8: {  	s20 =	simm.s32 $0x2;
	v11 =	vld [tilespmem:s23+$0x0];
	v5 =	vmul.f32 v5, v8;
	v2 =	vadd.f32 v2, v7  }
0x2f9: {  	s9 =	sand.u32 $0xA, s20;
	s1 =	simm.s32 $0x1CD00;
	v7 =	vld [tilespmem:s23+$0x40]  }
0x2fa: {  	v12 =	vmov s9;
	v4 =	vadd.f32 v5, v4;
	v5 =	vld [tilespmem:s29+$0xFFFFFE90];
	[tilespmem:s1+$0x80] =	vst v2  }
0x2fb: {  	s18 =	simm.s32 $0x4;
	v10 =	vsub.f32 v10, v9;
	v2 =	vperm.xlane v1, v12;
	v12 =	vld [tilespmem:s23+$0x110]  }
0x2fc: {  	s18 =	sand.u32 $0xC, s18;
	v3 =	vadd.f32 v4, v3;
	v4 =	vld [tilespmem:s23+$0x150]  }
0x2fd: {  	v13 =	vmov s18;
	v10 =	vmul.f32 v10, v2  }
0x2fe: {  	v14 =	vld [tilespmem:s29+$0xFFFFFF10];
	v13 =	vperm.xlane v1, v13;
	v7 =	vsub.f32 v7, v11;
	[tilespmem:s1+$0xFFFFFF00] =	vst v3  }
0x2ff: {  	v3 =	vadd.f32 v10, v9;
	v9 =	vld [tilespmem:s23+$0xFFFFFE10]  }
0x300: {  	v10 =	vld [tilespmem:s23+$0xFFFFFE50];
	v7 =	vmul.f32 v7, v13  }
0x301: {  	v3 =	vadd.f32 v3, v5;
	v4 =	vsub.f32 v4, v12  }
0x302: {  	v5 =	vadd.f32 v7, v11;
	v7 =	vld [tilespmem:s29+$0xFFFFFFA0]  }
0x303: {  	[tilespmem:s1+$0xFFFFFF80] =	vst v3;
	v3 =	vmul.f32 v4, v6  }
0x304: {  	v4 =	vld [tilespmem:s23+$0xFFFFFF10];
	v5 =	vadd.f32 v5, v14  }
0x305: {  	v11 =	vld [tilespmem:s23+$0xFFFFFF50];
	v10 =	vsub.f32 v10, v9;
	v3 =	vadd.f32 v3, v12  }
0x306: {  	[tilespmem:s1+$0x0] =	vst v5;
	v5 =	vld [tilespmem:s29+$0xFFFFFE20]  }
0x307: {  	v10 =	vmul.f32 v10, v8;
	v12 =	vld [tilespmem:s23+$0x10];
	v3 =	vadd.f32 v3, v7  }
0x308: {  	v7 =	vld [tilespmem:s23+$0x50]  }
0x309: {  	v9 =	vadd.f32 v10, v9;
	[tilespmem:s1+$0x90] =	vst v3  }
0x30a: {  	v3 =	vld [tilespmem:s23+$0x120]  }
0x30b: {  	v10 =	vsub.f32 v11, v4;
	v5 =	vadd.f32 v9, v5;
	v9 =	vld [tilespmem:s23+$0x160]  }
0x30c: {  	v11 =	vld [tilespmem:s29+$0xFFFFFEA0]  }
0x30d: {  	v14 =	vld [tilespmem:s29+$0xFFFFFF20];
	v10 =	vmul.f32 v10, v2;
	v7 =	vsub.f32 v7, v12;
	[tilespmem:s1+$0xFFFFFF10] =	vst v5  }
0x30e: {  	v5 =	vld [tilespmem:s23+$0xFFFFFE20]  }
0x30f: {  	v4 =	vadd.f32 v10, v4;
	v7 =	vmul.f32 v7, v13;
	v10 =	vld [tilespmem:s23+$0xFFFFFE60]  }
0x310: {  	v9 =	vsub.f32 v9, v3  }
0x311: {  	v4 =	vadd.f32 v4, v11;
	v11 =	vld [tilespmem:s29+$0xFFFFFFB0];
	v7 =	vadd.f32 v7, v12  }
0x312: {  	v9 =	vmul.f32 v9, v6  }
0x313: {  	v12 =	vld [tilespmem:s29+$0xFFFFFE30];
	[tilespmem:s1+$0xFFFFFF90] =	vst v4;
	v4 =	vadd.f32 v7, v14  }
0x314: {  	v7 =	vld [tilespmem:s23+$0xFFFFFF20];
	v10 =	vsub.f32 v10, v5;
	v3 =	vadd.f32 v9, v3  }
0x315: {  	[tilespmem:s1+$0x10] =	vst v4;
	v4 =	vld [tilespmem:s23+$0xFFFFFF60]  }
0x316: {  	v9 =	vld [tilespmem:s23+$0x20];
	v10 =	vmul.f32 v10, v8;
	v3 =	vadd.f32 v3, v11  }
0x317: {  	v11 =	vld [tilespmem:s23+$0x60]  }
0x318: {  	v5 =	vadd.f32 v10, v5;
	[tilespmem:s1+$0xA0] =	vst v3  }
0x319: {  	v3 =	vld [tilespmem:s23+$0x130]  }
0x31a: {  	v4 =	vsub.f32 v4, v7;
	v5 =	vadd.f32 v5, v12;
	v10 =	vld [tilespmem:s23+$0x170]  }
0x31b: {  	v12 =	vld [tilespmem:s29+$0xFFFFFEB0]  }
0x31c: {  	v14 =	vld [tilespmem:s29+$0xFFFFFF30];
	v4 =	vmul.f32 v4, v2;
	v11 =	vsub.f32 v11, v9;
	[tilespmem:s1+$0xFFFFFF20] =	vst v5  }
0x31d: {  	v5 =	vld [tilespmem:s23+$0xFFFFFE30]  }
0x31e: {  	v4 =	vadd.f32 v4, v7;
	v7 =	vmul.f32 v11, v13;
	v11 =	vld [tilespmem:s23+$0xFFFFFE70]  }
0x31f: {  	v10 =	vsub.f32 v10, v3  }
0x320: {  	v4 =	vadd.f32 v4, v12;
	v7 =	vadd.f32 v7, v9;
	v9 =	vld [tilespmem:s29+$0xFFFFFFC0]  }
0x321: {  	v6 =	vmul.f32 v10, v6  }
0x322: {  	v10 =	vld [tilespmem:s29+$0xFFFFFE40];
	[tilespmem:s1+$0xFFFFFFA0] =	vst v4;
	v4 =	vadd.f32 v7, v14  }
0x323: {  	v7 =	vld [tilespmem:s23+$0xFFFFFF30];
	v11 =	vsub.f32 v11, v5;
	v3 =	vadd.f32 v6, v3  }
0x324: {  	v6 =	vld [tilespmem:s23+$0xFFFFFF70];
	[tilespmem:s1+$0x20] =	vst v4  }
0x325: {  	v4 =	vld [tilespmem:s23+$0x30];
	v8 =	vmul.f32 v11, v8;
	v3 =	vadd.f32 v3, v9  }
0x326: {  	v9 =	vld [tilespmem:s23+$0x70]  }
0x327: {  	v5 =	vadd.f32 v8, v5;
	[tilespmem:s1+$0xB0] =	vst v3  }
0x328: {  	v3 =	vld [tilespmem:s23+$0x180]  }
0x329: {  	v6 =	vsub.f32 v6, v7;
	v8 =	vld [tilespmem:s23+$0x1C0];
	v5 =	vadd.f32 v5, v10  }
0x32a: {  	v10 =	vld [tilespmem:s29+$0xFFFFFEC0]  }
0x32b: {  	v11 =	vld [tilespmem:s29+$0xFFFFFF40];
	v2 =	vmul.f32 v6, v2;
	v6 =	vsub.f32 v9, v4;
	[tilespmem:s1+$0xFFFFFF30] =	vst v5  }
0x32c: {  	s19 =	sor.u32 $0x1, s24;
	v9 =	vld [tilespmem:s23+$0xFFFFFE80]  }
0x32d: {  	v2 =	vadd.f32 v2, v7;
	v5 =	vmul.f32 v6, v13;
	v7 =	vld [tilespmem:s23+$0xFFFFFEC0];
	v6 =	vmov s19  }
0x32e: {  	v6 =	vperm.xlane v1, v6;
	v8 =	vsub.f32 v8, v3  }
0x32f: {  	v2 =	vadd.f32 v2, v10;
	v4 =	vadd.f32 v5, v4;
	v10 =	vld [tilespmem:s29+$0xFFFFFFD0]  }
0x330: {  	s17 =	sor.u32 $0x1, s25;
	v8 =	vmul.f32 v8, v6  }
0x331: {  	v12 =	vld [tilespmem:s29+$0xFFFFFE50];
	v5 =	vmov s17;
	[tilespmem:s1+$0xFFFFFFB0] =	vst v2;
	v2 =	vadd.f32 v4, v11  }
0x332: {  	v5 =	vperm.xlane v1, v5;
	v4 =	vld [tilespmem:s23+$0xFFFFFF80];
	v7 =	vsub.f32 v7, v9;
	v3 =	vadd.f32 v8, v3  }
0x333: {  	v8 =	vld [tilespmem:s23+$0xFFFFFFC0];
	[tilespmem:s1+$0x30] =	vst v2  }
0x334: {  	v2 =	vld [tilespmem:s23+$0x80];
	v7 =	vmul.f32 v7, v5;
	v3 =	vadd.f32 v3, v10  }
0x335: {  	v10 =	vld [tilespmem:s23+$0xC0]  }
0x336: {  	v7 =	vadd.f32 v7, v9;
	[tilespmem:s1+$0xC0] =	vst v3  }
0x337: {  	s9 =	sor.u32 $0x1, s9;
	v3 =	vld [tilespmem:s23+$0x190]  }
0x338: {  	s21 =	sor.u32 $0x1, s18;
	v9 =	vmov s9;
	v11 =	vadd.f32 v7, v12;
	v12 =	vld [tilespmem:s23+$0x1D0]  }
0x339: {  	v13 =	vmov s21;
	v14 =	vsub.f32 v8, v4;
	v7 =	vperm.xlane v1, v9;
	v9 =	vld [tilespmem:s29+$0xFFFFFED0]  }
0x33a: {  	v8 =	vperm.xlane v1, v13;
	v1 =	vld [tilespmem:s29+$0xFFFFFF50];
	v10 =	vsub.f32 v10, v2;
	[tilespmem:s1+$0xFFFFFF40] =	vst v11  }
0x33b: {  	v11 =	vmul.f32 v14, v7;
	v13 =	vld [tilespmem:s23+$0xFFFFFE90]  }
0x33c: {  	v10 =	vmul.f32 v10, v8;
	v14 =	vld [tilespmem:s23+$0xFFFFFED0]  }
0x33d: {  	v4 =	vadd.f32 v11, v4;
	v11 =	vsub.f32 v12, v3  }
0x33e: {  	v2 =	vadd.f32 v10, v2;
	v10 =	vld [tilespmem:s29+$0xFFFFFFE0]  }
0x33f: {  	s19 =	simm.s32 $0x17200;
	v4 =	vadd.f32 v4, v9;
	v9 =	vmul.f32 v11, v6  }
0x340: {  	v18 =	vld [tilespmem:s19+$0x100];
	v1 =	vadd.f32 v2, v1  }
0x341: {  	v19 =	vld [tilespmem:s19+$0xFFFFFE00];
	[tilespmem:s1+$0xFFFFFFC0] =	vst v4;
	v4 =	vsub.f32 v14, v13;
	v3 =	vadd.f32 v9, v3  }
0x342: {  	v2 =	vld [tilespmem:s29+$0xFFFFFE60]  }
0x343: {  	v20 =	vld [tilespmem:s19+$0xFFFFFE40];
	[tilespmem:s1+$0x40] =	vst v1;
	v1 =	vmul.f32 v4, v5;
	v3 =	vadd.f32 v3, v10  }
0x344: {  	v21 =	vld [tilespmem:s19+$0xFFFFFF00]  }
0x345: {  	v22 =	vld [tilespmem:s19+$0xFFFFFF40];
	v1 =	vadd.f32 v1, v13;
	[tilespmem:s1+$0xD0] =	vst v3  }
0x346: {  	v3 =	vld [tilespmem:s23+$0x1A0]  }
0x347: {  	s21 =	sadd.s32 $0x200, s29;
	v1 =	vadd.f32 v1, v2;
	v2 =	vld [tilespmem:s23+$0x1E0]  }
0x348: {  	v23 =	vld [tilespmem:s21+$0xFFFFFF90]  }
0x349: {  	s22 =	simm.s32 $0x8;
	v14 =	vld [tilespmem:s23+$0x90]  }
0x34a: {  	s25 =	sand.u32 $0x30, s22;
	v15 =	vld [tilespmem:s23+$0xD0]  }
0x34b: {  	[tilespmem:s1+$0xFFFFFF50] =	vst v1;
	v1 =	vld.idx.msk [tilespmem:v0+s25+$0x0 ss:$0x1], $0xffff  }
0x34c: {  	v26 =	vld [tilespmem:s19+$0x0];
	v2 =	vsub.f32 v2, v3  }
0x34d: {  	v4 =	vld [tilespmem:s29+$0xFFFFFFF0]  }
0x34e: {  	v10 =	vld [tilespmem:s19+$0x140];
	v2 =	vmul.f32 v2, v6  }
0x34f: {  	v11 =	vld [tilespmem:s23+$0xFFFFFF90]  }
0x350: {  	s18 =	simm.s32 $0xE;
	v9 =	vld [tilespmem:s23+$0xFFFFFFD0];
	v15 =	vsub.f32 v15, v14;
	v1 =	vand.u32 $0x1, v1;
	v2 =	vadd.f32 v2, v3  }
0x351: {  	s20 =	sand.u32 $0xE, s18;
	v16 =	vld [tilespmem:s29+$0xFFFFFF60];
	v3 =	vcvt.s32.f32 v1  }
0x352: {  	v27 =	vld [tilespmem:s19+$0x40];
	v15 =	vmul.f32 v15, v8;
	v1 =	vadd.f32 v2, v4;
	v2 =	vmov s20  }
0x353: {  	v39 =	vld [tilespmem:s21+$0xFFFFFE10];
	v4 =	vsub.f32 v10, v18;
	v2 =	vperm.xlane v3, v2  }
0x354: {  	v40 =	vld [tilespmem:s21+$0xFFFFFE90];
	s9 =	sand.u32 $0x8, s22;
	v14 =	vadd.f32 v15, v14  }
0x355: {  	v28 =	vld [tilespmem:s21+$0xFFFFFF10];
	v20 =	vsub.f32 v20, v19;
	v24 =	vmul.f32 v4, v2;
	v4 =	vmov s9  }
0x356: {  	v13 =	vld [tilespmem:s29+$0xFFFFFEE0];
	v14 =	vadd.f32 v14, v16;
	[tilespmem:s1+$0xE0] =	vst v1;
	v1 =	vsub.f32 v9, v11;
	v4 =	vperm.xlane v3, v4  }
0x357: {  	v12 =	vld [tilespmem:s23+$0xFFFFFEA0];
	v18 =	vadd.f32 v24, v18  }
0x358: {  	s24 =	simm.s32 $0xA;
	v17 =	vld [tilespmem:s23+$0xFFFFFEE0];
	[tilespmem:s1+$0x50] =	vst v14;
	v1 =	vmul.f32 v1, v7;
	v20 =	vmul.f32 v20, v4  }
0x359: {  	s22 =	sand.u32 $0xA, s24;
	v56 =	vld [tilespmem:s23+$0xA0];
	v18 =	vadd.f32 v18, v23  }
0x35a: {  	s17 =	simm.s32 $0x1CF00;
	s24 =	simm.s32 $0xC;
	v25 =	vmov s22;
	v59 =	vld [tilespmem:s23+$0xE0];
	v11 =	vadd.f32 v1, v11;
	v19 =	vadd.f32 v20, v19  }
0x35b: {  	v22 =	vsub.f32 v22, v21;
	s31 =	sand.u32 $0xC, s24;
	v9 =	vld [tilespmem:s23+$0x1B0];
	v1 =	vperm.xlane v3, v25;
	[tilespmem:s17+$0x80] =	vst v18  }
0x35c: {  	v41 =	vadd.f32 v11, v13;
	v13 =	vmov s31;
	v44 =	vld [tilespmem:s19+$0x110];
	v19 =	vadd.f32 v19, v39  }
0x35d: {  	v43 =	vsub.f32 v27, v26;
	v42 =	vmul.f32 v22, v1;
	v13 =	vperm.xlane v3, v13;
	v45 =	vld [tilespmem:s19+$0x150]  }
0x35e: {  	v10 =	vld [tilespmem:s23+$0x1F0];
	[tilespmem:s17+$0xFFFFFF00] =	vst v19  }
0x35f: {  	v20 =	vadd.f32 v42, v21;
	v18 =	vmul.f32 v43, v13;
	v47 =	vld [tilespmem:s19+$0xFFFFFE10]  }
0x360: {  	v48 =	vld [tilespmem:s19+$0xFFFFFE50]  }
0x361: {  	v11 =	vld [tilespmem:s29+$0x0];
	v20 =	vadd.f32 v20, v40;
	v18 =	vadd.f32 v18, v26  }
0x362: {  	v50 =	vld [tilespmem:s21+$0xFFFFFFA0];
	v21 =	vsub.f32 v45, v44  }
0x363: {  	v16 =	vld [tilespmem:s21+$0xFFFFFE20];
	[tilespmem:s17+$0xFFFFFF80] =	vst v20;
	v18 =	vadd.f32 v18, v28  }
0x364: {  	v49 =	vld [tilespmem:s19+$0xFFFFFF10];
	v52 =	vmul.f32 v21, v2  }
0x365: {  	v51 =	vld [tilespmem:s19+$0xFFFFFF50];
	[tilespmem:s17+$0x0] =	vst v18;
	v20 =	vsub.f32 v48, v47  }
0x366: {  	v15 =	vld [tilespmem:s19+$0x10];
	v18 =	vadd.f32 v52, v44  }
0x367: {  	[tilespmem:s1+$0xFFFFFFD0] =	vst v41;
	v53 =	vld [tilespmem:s19+$0x50];
	v20 =	vmul.f32 v20, v4  }
0x368: {  	v23 =	vld [tilespmem:s23+$0xFFFFFFA0];
	v18 =	vadd.f32 v18, v50  }
0x369: {  	v46 =	vld [tilespmem:s23+$0xFFFFFFE0];
	v20 =	vadd.f32 v20, v47  }
0x36a: {  	v54 =	vld [tilespmem:s21+$0xFFFFFEA0];
	v55 =	vsub.f32 v51, v49;
	[tilespmem:s17+$0x90] =	vst v18  }
0x36b: {  	v57 =	vld [tilespmem:s19+$0x120];
	v16 =	vadd.f32 v20, v16  }
0x36c: {  	v26 =	vmul.f32 v55, v1;
	v21 =	vsub.f32 v53, v15;
	v58 =	vld [tilespmem:s19+$0x160]  }
0x36d: {  	v14 =	vld [tilespmem:s21+$0xFFFFFF20];
	[tilespmem:s17+$0xFFFFFF10] =	vst v16  }
0x36e: {  	v25 =	vadd.f32 v26, v49;
	v21 =	vmul.f32 v21, v13;
	v60 =	vld [tilespmem:s19+$0xFFFFFE20]  }
0x36f: {  	v17 =	vsub.f32 v17, v12;
	v61 =	vld [tilespmem:s19+$0xFFFFFE60]  }
0x370: {  	v16 =	vld [tilespmem:s29+$0xFFFFFE70];
	v22 =	vadd.f32 v25, v54;
	v15 =	vadd.f32 v21, v15  }
0x371: {  	v62 =	vld [tilespmem:s21+$0xFFFFFE30];
	v20 =	vsub.f32 v58, v57  }
0x372: {  	v17 =	vmul.f32 v17, v5;
	[tilespmem:s17+$0xFFFFFF90] =	vst v22;
	v14 =	vadd.f32 v15, v14;
	v15 =	vld [tilespmem:s21+$0xFFFFFFB0]  }
0x373: {  	v22 =	vld [tilespmem:s19+$0xFFFFFF20];
	v20 =	vmul.f32 v20, v2  }
0x374: {  	v12 =	vadd.f32 v17, v12;
	[tilespmem:s17+$0x10] =	vst v14;
	v14 =	vld [tilespmem:s19+$0xFFFFFF60];
	v21 =	vsub.f32 v61, v60  }
0x375: {  	v63 =	vld [tilespmem:s19+$0x20];
	v20 =	vadd.f32 v20, v57  }
0x376: {  	v12 =	vadd.f32 v12, v16;
	v29 =	vld [tilespmem:s19+$0x60];
	v21 =	vmul.f32 v21, v4  }
0x377: {  	v30 =	vld [tilespmem:s21+$0xFFFFFEB0];
	v15 =	vadd.f32 v20, v15  }
0x378: {  	v17 =	vld [tilespmem:s21+$0xFFFFFF30];
	[tilespmem:s1+$0xFFFFFF60] =	vst v12;
	v21 =	vadd.f32 v21, v60  }
0x379: {  	v12 =	vld [tilespmem:s29+$0xFFFFFF70];
	v14 =	vsub.f32 v14, v22;
	[tilespmem:s17+$0xA0] =	vst v15  }
0x37a: {  	v16 =	vld [tilespmem:s19+$0x130];
	v21 =	vadd.f32 v21, v62  }
0x37b: {  	v24 =	vsub.f32 v29, v63;
	v14 =	vmul.f32 v14, v1;
	v31 =	vld [tilespmem:s19+$0x170]  }
0x37c: {  	v33 =	vld [tilespmem:s23+$0xFFFFFEB0];
	[tilespmem:s17+$0xFFFFFF20] =	vst v21  }
0x37d: {  	v32 =	vmul.f32 v24, v13;
	v14 =	vadd.f32 v14, v22;
	v34 =	vld [tilespmem:s19+$0xFFFFFE30]  }
0x37e: {  	v35 =	vld [tilespmem:s19+$0xFFFFFE70]  }
0x37f: {  	v15 =	vld [tilespmem:s29+$0xFFFFFEF0];
	v21 =	vadd.f32 v32, v63;
	v14 =	vadd.f32 v14, v30  }
0x380: {  	v37 =	vld [tilespmem:s21+$0xFFFFFFC0];
	v25 =	vsub.f32 v31, v16  }
0x381: {  	v36 =	vld [tilespmem:s21+$0xFFFFFE40];
	v17 =	vadd.f32 v21, v17;
	[tilespmem:s17+$0xFFFFFFA0] =	vst v14  }
0x382: {  	v14 =	vsub.f32 v46, v23;
	v2 =	vmul.f32 v25, v2;
	v38 =	vld [tilespmem:s19+$0xFFFFFF30]  }
0x383: {  	[tilespmem:s17+$0x20] =	vst v17;
	v17 =	vld [tilespmem:s19+$0xFFFFFF70];
	v20 =	vsub.f32 v35, v34  }
0x384: {  	v14 =	vmul.f32 v14, v7;
	v39 =	vld [tilespmem:s19+$0x70];
	v2 =	vadd.f32 v2, v16  }
0x385: {  	v16 =	vld [tilespmem:s19+$0x30];
	v4 =	vmul.f32 v20, v4  }
0x386: {  	v41 =	vld [tilespmem:s23+$0xFFFFFEF0];
	v14 =	vadd.f32 v14, v23;
	v2 =	vadd.f32 v2, v37  }
0x387: {  	v40 =	vld [tilespmem:s21+$0xFFFFFEC0];
	v4 =	vadd.f32 v4, v34  }
0x388: {  	v14 =	vadd.f32 v14, v15;
	v15 =	vld [tilespmem:s21+$0xFFFFFF40];
	v17 =	vsub.f32 v17, v38;
	[tilespmem:s17+$0xB0] =	vst v2  }
0x389: {  	v2 =	vld [tilespmem:s19+$0x180];
	v4 =	vadd.f32 v4, v36  }
0x38a: {  	[tilespmem:s1+$0xFFFFFFE0] =	vst v14;
	v1 =	vmul.f32 v17, v1;
	v14 =	vsub.f32 v39, v16;
	v17 =	vld [tilespmem:s19+$0x1C0]  }
0x38b: {  	v42 =	vld [tilespmem:s23+$0xFFFFFFB0];
	[tilespmem:s17+$0xFFFFFF30] =	vst v4  }
0x38c: {  	v1 =	vadd.f32 v1, v38;
	v4 =	vmul.f32 v14, v13;
	v43 =	vld [tilespmem:s19+$0xFFFFFE80]  }
0x38d: {  	s20 =	sor.u32 $0x1, s20;
	v14 =	vsub.f32 v59, v56;
	v45 =	vld [tilespmem:s19+$0xFFFFFEC0]  }
0x38e: {  	v44 =	vmov s20;
	v13 =	vld [tilespmem:s23+$0xFFFFFFF0];
	v1 =	vadd.f32 v1, v40;
	v16 =	vadd.f32 v4, v16  }
0x38f: {  	v46 =	vld [tilespmem:s21+$0xFFFFFE50];
	v4 =	vperm.xlane v3, v44;
	v17 =	vsub.f32 v17, v2  }
0x390: {  	s18 =	sor.u32 $0x1, s9;
	v14 =	vmul.f32 v14, v8;
	[tilespmem:s17+$0xFFFFFFB0] =	vst v1;
	v1 =	vadd.f32 v16, v15;
	v15 =	vld [tilespmem:s21+$0xFFFFFFD0]  }
0x391: {  	v47 =	vmov s18;
	v16 =	vld [tilespmem:s19+$0xFFFFFF80];
	v17 =	vmul.f32 v17, v4  }
0x392: {  	v14 =	vadd.f32 v14, v56;
	v48 =	vld [tilespmem:s19+$0xFFFFFFC0];
	[tilespmem:s17+$0x30] =	vst v1;
	v1 =	vperm.xlane v3, v47;
	v49 =	vsub.f32 v45, v43  }
0x393: {  	v50 =	vld [tilespmem:s19+$0x80];
	v2 =	vadd.f32 v17, v2  }
0x394: {  	v12 =	vadd.f32 v14, v12;
	v14 =	vld [tilespmem:s19+$0xC0];
	v17 =	vmul.f32 v49, v1  }
0x395: {  	s9 =	sor.u32 $0x1, s22;
	v51 =	vld [tilespmem:s21+$0xFFFFFED0];
	v15 =	vadd.f32 v2, v15  }
0x396: {  	[tilespmem:s1+$0x60] =	vst v12;
	v12 =	vld [tilespmem:s21+$0xFFFFFF50];
	v2 =	vmov s9;
	v17 =	vadd.f32 v17, v43  }
0x397: {  	s25 =	sor.u32 $0x1, s31;
	v55 =	vld [tilespmem:s23+$0xF0];
	v2 =	vperm.xlane v3, v2;
	v18 =	vsub.f32 v48, v16;
	[tilespmem:s17+$0xC0] =	vst v15  }
0x398: {  	v52 =	vmov s25;
	v53 =	vld [tilespmem:s19+$0x190];
	v17 =	vadd.f32 v17, v46  }
0x399: {  	v3 =	vperm.xlane v3, v52;
	v18 =	vmul.f32 v18, v2;
	v14 =	vsub.f32 v14, v50;
	v54 =	vld [tilespmem:s19+$0x1D0]  }
0x39a: {  	v15 =	vld [tilespmem:s23+$0xB0];
	[tilespmem:s17+$0xFFFFFF40] =	vst v17  }
0x39b: {  	v16 =	vadd.f32 v18, v16;
	v14 =	vmul.f32 v14, v3;
	v56 =	vld [tilespmem:s19+$0xFFFFFE90]  }
0x39c: {  	v10 =	vsub.f32 v10, v9;
	v57 =	vld [tilespmem:s19+$0xFFFFFED0]  }
0x39d: {  	v17 =	vld [tilespmem:s29+$0xFFFFFE80];
	v16 =	vadd.f32 v16, v51;
	v14 =	vadd.f32 v14, v50  }
0x39e: {  	v6 =	vmul.f32 v10, v6;
	v58 =	vld [tilespmem:s21+$0xFFFFFE60];
	v10 =	vsub.f32 v54, v53  }
0x39f: {  	[tilespmem:s17+$0xFFFFFFC0] =	vst v16;
	v12 =	vadd.f32 v14, v12;
	v14 =	vld [tilespmem:s21+$0xFFFFFFE0]  }
0x3a0: {  	v6 =	vadd.f32 v6, v9;
	v16 =	vsub.f32 v41, v33;
	v59 =	vld [tilespmem:s19+$0xFFFFFF90];
	v9 =	vmul.f32 v10, v4  }
0x3a1: {  	v60 =	vld [tilespmem:s19+$0xFFFFFFD0];
	[tilespmem:s17+$0x40] =	vst v12;
	v10 =	vsub.f32 v57, v56  }
0x3a2: {  	v5 =	vmul.f32 v16, v5;
	v12 =	vld [tilespmem:s19+$0x90];
	v9 =	vadd.f32 v9, v53  }
0x3a3: {  	v6 =	vadd.f32 v6, v11;
	v62 =	vsub.f32 v55, v15;
	v16 =	vld [tilespmem:s19+$0xD0];
	v61 =	vmul.f32 v10, v1  }
0x3a4: {  	v5 =	vadd.f32 v5, v33;
	v9 =	vadd.f32 v9, v14  }
0x3a5: {  	v13 =	vsub.f32 v13, v42;
	v11 =	vld [tilespmem:s21+$0xFFFFFEE0];
	v14 =	vadd.f32 v61, v56  }
0x3a6: {  	v63 =	vsub.f32 v60, v59;
	v5 =	vadd.f32 v5, v17;
	v17 =	vmul.f32 v62, v8;
	v8 =	vld [tilespmem:s29+$0xFFFFFF00];
	[tilespmem:s17+$0xD0] =	vst v9  }
0x3a7: {  	v7 =	vmul.f32 v13, v7;
	v9 =	vld [tilespmem:s19+$0x1A0]  }
0x3a8: {  	[tilespmem:s1+$0xF0] =	vst v6;
	v14 =	vadd.f32 v14, v58;
	v18 =	vmul.f32 v63, v2;
	v16 =	vsub.f32 v16, v12;
	v13 =	vld [tilespmem:s19+$0x1E0]  }
0x3a9: {  	s31 =	simm.s32 $0x4;
	v6 =	vadd.f32 v7, v42;
	v7 =	vld [tilespmem:s29+$0xFFFFFF80];
	[tilespmem:s1+$0xFFFFFF70] =	vst v5  }
0x3aa: {  	s25 =	simm.s32 $0x17200;
	s9 =	simm.s32 $0x10;
	s23 =	smov.u32 s21;
	v10 =	vld [tilespmem:s21+$0xFFFFFF60];
	v5 =	vadd.f32 v17, v15;
	[tilespmem:s17+$0xFFFFFF50] =	vst v14;
	v14 =	vadd.f32 v18, v59;
	v15 =	vmul.f32 v16, v3  }
.LBB2_9:
0x3ab: {  	s18 =	sand.u32 $0x30, s9;
	s20 =	sadd.s32 $0x2, s9;
	s22 =	sadd.s32 $0x4, s9;
	v16 =	vld [tilespmem:s19+$0xFFFFFEA0];
	v6 =	vadd.f32 v6, v8  }
0x3ac: {  	v8 =	vld.idx.msk [tilespmem:v0+s18+$0x0 ss:$0x1], $0xffff;
	s18 =	sand.u32 $0x8, s9;
	s20 =	sand.u32 $0xA, s20;
	s22 =	sand.u32 $0xC, s22;
	v11 =	vadd.f32 v14, v11;
	v12 =	vadd.f32 v15, v12  }
0x3ad: {  	s24 =	sor.u32 $0x1, s18;
	v14 =	vmov s20;
	s20 =	sor.u32 $0x1, s20;
	v15 =	vmov s22;
	s22 =	sor.u32 $0x1, s22;
	v17 =	vld [tilespmem:s19+$0xFFFFFEE0];
	v13 =	vsub.f32 v13, v9;
	[tilespmem:s1+$0xFFFFFFF0] =	vst v6  }
0x3ae: {  	v18 =	vmov s18;
	s19 =	sadd.s32 $0x400, s19;
	v19 =	vmov s20;
	v20 =	vmov s22;
	v21 =	vld [tilespmem:s21+$0xFFFFFFF0]  }
0x3af: {  	v22 =	vmov s24;
	v6 =	vadd.f32 v12, v10;
	v23 =	vld [tilespmem:s19+$0x100];
	[tilespmem:s17+$0xFFFFFFD0] =	vst v11;
	v10 =	vmul.f32 v13, v4  }
0x3b0: {  	v5 =	vadd.f32 v5, v7;
	v13 =	vld [tilespmem:s19+$0x140]  }
0x3b1: {  	v24 =	vld [tilespmem:s19+$0xFFFFFE00];
	[tilespmem:s17+$0x50] =	vst v6;
	v7 =	vadd.f32 v10, v9  }
0x3b2: {  	s31 =	sadd.s32 $0x4, s31;
	s18 =	sadd.s32 $0x6, s9;
	v6 =	vand.u32 $0x1, v8;
	v8 =	vld [tilespmem:s19+$0xFFFFFE40];
	v9 =	vsub.f32 v17, v16;
	[tilespmem:s1+$0x70] =	vst v5;
	s1 =	smov.u32 s17  }
0x3b3: {  	p2 =	slt.u32 s31, $0x1C;
	s18 =	sand.u32 $0xE, s18;
	v6 =	vcvt.s32.f32 v6;
	v17 =	vld [tilespmem:s19+$0xFFFFFF00];
	v5 =	vadd.f32 v7, v21  }
0x3b4: {  	s21 =	sadd.s32 $0x200, s21;
	v7 =	vmov s18;
	v21 =	vld [tilespmem:s19+$0xFFFFFF40];
	v25 =	vmul.f32 v9, v1  }
0x3b5: {  	v11 =	vperm.xlane v6, v18;
	v12 =	vperm.xlane v6, v7;
	v18 =	vld [tilespmem:s21+$0xFFFFFF90];
	v7 =	vsub.f32 v13, v23;
	[tilespmem:s17+$0xE0] =	vst v5  }
0x3b6: {  	v10 =	vperm.xlane v6, v14;
	v9 =	vperm.xlane v6, v15;
	v13 =	vadd.f32 v25, v16;
	v14 =	vld [tilespmem:s25+$0x1B0]  }
0x3b7: {  	v15 =	vsub.f32 v8, v24;
	v8 =	vperm.xlane v6, v22;
	v16 =	vmul.f32 v7, v12;
	v22 =	vld [tilespmem:s25+$0x1F0]  }
0x3b8: {  	v5 =	vperm.xlane v6, v20;
	v7 =	vperm.xlane v6, v19;
	v19 =	vld [tilespmem:s19+$0x0]  }
0x3b9: {  	v15 =	vmul.f32 v15, v11;
	v20 =	vsub.f32 v21, v17;
	v21 =	vld [tilespmem:s19+$0x40];
	v16 =	vadd.f32 v16, v23  }
0x3ba: {  	v23 =	vld [tilespmem:s21+$0xFFFFFE10]  }
0x3bb: {  	v15 =	vadd.f32 v15, v24;
	v24 =	vld [tilespmem:s21+$0xFFFFFE90];
	v20 =	vmul.f32 v20, v10;
	v16 =	vadd.f32 v16, v18  }
0x3bc: {  	s17 =	sadd.s32 $0x200, s17;
	v18 =	vld [tilespmem:s21+$0xFFFFFF10];
	v22 =	vsub.f32 v22, v14  }
0x3bd: {  	v17 =	vadd.f32 v20, v17;
	[tilespmem:s17+$0x80] =	vst v16;
	v16 =	vld [tilespmem:s23+$0x0]  }
0x3be: {  	v20 =	vsub.f32 v21, v19;
	v21 =	vld [tilespmem:s19+$0x110];
	v4 =	vmul.f32 v22, v4  }
0x3bf: {  	v15 =	vadd.f32 v15, v23;
	v22 =	vld [tilespmem:s19+$0x150]  }
0x3c0: {  	v17 =	vadd.f32 v17, v24;
	v20 =	vmul.f32 v20, v9;
	v23 =	vld [tilespmem:s25+$0xFFFFFFA0];
	v4 =	vadd.f32 v4, v14  }
0x3c1: {  	[tilespmem:s17+$0xFFFFFF00] =	vst v15;
	v14 =	vld [tilespmem:s25+$0xFFFFFFE0]  }
0x3c2: {  	v15 =	vld [tilespmem:s19+$0xFFFFFE10];
	[tilespmem:s17+$0xFFFFFF80] =	vst v17;
	v17 =	vadd.f32 v20, v19;
	v4 =	vadd.f32 v4, v16  }
0x3c3: {  	v16 =	vld [tilespmem:s19+$0xFFFFFE50]  }
0x3c4: {  	v19 =	vld [tilespmem:s19+$0xFFFFFF10];
	v17 =	vadd.f32 v17, v18;
	v18 =	vsub.f32 v22, v21;
	[tilespmem:s1+$0xF0] =	vst v4  }
0x3c5: {  	v4 =	vld [tilespmem:s21+$0xFFFFFFA0]  }
0x3c6: {  	v20 =	vld [tilespmem:s19+$0xFFFFFF50];
	[tilespmem:s17+$0x0] =	vst v17;
	v17 =	vmul.f32 v18, v12;
	v14 =	vsub.f32 v14, v23  }
0x3c7: {  	v18 =	vld [tilespmem:s19+$0x10]  }
0x3c8: {  	v16 =	vsub.f32 v16, v15;
	v22 =	vld [tilespmem:s19+$0x50];
	v17 =	vadd.f32 v17, v21;
	v14 =	vmul.f32 v14, v2  }
0x3c9: {  	v21 =	vld [tilespmem:s21+$0xFFFFFE20]  }
0x3ca: {  	v16 =	vmul.f32 v16, v11;
	v24 =	vld [tilespmem:s21+$0xFFFFFEA0];
	v4 =	vadd.f32 v17, v4;
	v14 =	vadd.f32 v14, v23  }
0x3cb: {  	v17 =	vsub.f32 v20, v19;
	v20 =	vld [tilespmem:s21+$0xFFFFFF20]  }
0x3cc: {  	v15 =	vadd.f32 v16, v15;
	[tilespmem:s17+$0x90] =	vst v4;
	v4 =	vld [tilespmem:s25+$0xA0]  }
0x3cd: {  	v16 =	vmul.f32 v17, v10;
	v17 =	vsub.f32 v22, v18;
	v22 =	vld [tilespmem:s19+$0x120]  }
0x3ce: {  	v15 =	vadd.f32 v15, v21;
	v21 =	vld [tilespmem:s19+$0x160]  }
0x3cf: {  	v16 =	vadd.f32 v16, v19;
	v17 =	vmul.f32 v17, v9;
	v19 =	vld [tilespmem:s25+$0xE0]  }
0x3d0: {  	[tilespmem:s17+$0xFFFFFF10] =	vst v15;
	v15 =	vld [tilespmem:s23+$0xFFFFFE70]  }
0x3d1: {  	v23 =	vld [tilespmem:s19+$0xFFFFFE20];
	v16 =	vadd.f32 v16, v24;
	v17 =	vadd.f32 v17, v18  }
0x3d2: {  	v18 =	vld [tilespmem:s19+$0xFFFFFE60]  }
0x3d3: {  	v24 =	vld [tilespmem:s21+$0xFFFFFE30];
	[tilespmem:s17+$0xFFFFFF90] =	vst v16;
	v16 =	vadd.f32 v17, v20;
	v17 =	vsub.f32 v21, v22  }
0x3d4: {  	v20 =	vld [tilespmem:s21+$0xFFFFFFB0];
	v19 =	vsub.f32 v19, v4  }
0x3d5: {  	v21 =	vld [tilespmem:s19+$0xFFFFFF20];
	[tilespmem:s17+$0x10] =	vst v16;
	v16 =	vmul.f32 v17, v12;
	v13 =	vadd.f32 v13, v15  }
0x3d6: {  	v15 =	vld [tilespmem:s19+$0xFFFFFF60];
	v17 =	vmul.f32 v19, v3  }
0x3d7: {  	v18 =	vsub.f32 v18, v23;
	v19 =	vld [tilespmem:s19+$0x20];
	v16 =	vadd.f32 v16, v22;
	[tilespmem:s1+$0xFFFFFF60] =	vst v13  }
0x3d8: {  	v13 =	vld [tilespmem:s19+$0x60];
	v4 =	vadd.f32 v17, v4  }
0x3d9: {  	v17 =	vmul.f32 v18, v11;
	v18 =	vld [tilespmem:s21+$0xFFFFFEB0];
	v16 =	vadd.f32 v16, v20  }
0x3da: {  	v20 =	vld [tilespmem:s21+$0xFFFFFF30]  }
0x3db: {  	v17 =	vadd.f32 v17, v23;
	v15 =	vsub.f32 v15, v21;
	[tilespmem:s17+$0xA0] =	vst v16;
	v16 =	vld [tilespmem:s23+$0xFFFFFEF0]  }
0x3dc: {  	v22 =	vld [tilespmem:s19+$0x130]  }
0x3dd: {  	v17 =	vadd.f32 v17, v24;
	v15 =	vmul.f32 v15, v10;
	v13 =	vsub.f32 v13, v19;
	v23 =	vld [tilespmem:s19+$0x170]  }
0x3de: {  	v24 =	vld [tilespmem:s23+$0xFFFFFF70]  }
0x3df: {  	[tilespmem:s17+$0xFFFFFF20] =	vst v17;
	v15 =	vadd.f32 v15, v21;
	v13 =	vmul.f32 v13, v9;
	v17 =	vld [tilespmem:s25+$0xFFFFFEB0]  }
0x3e0: {  	v21 =	vld [tilespmem:s19+$0xFFFFFE30];
	v14 =	vadd.f32 v14, v16  }
0x3e1: {  	v16 =	vld [tilespmem:s19+$0xFFFFFE70];
	v15 =	vadd.f32 v15, v18;
	v13 =	vadd.f32 v13, v19  }
0x3e2: {  	v18 =	vld [tilespmem:s21+$0xFFFFFE40];
	v19 =	vsub.f32 v23, v22;
	[tilespmem:s1+$0xFFFFFFE0] =	vst v14  }
0x3e3: {  	[tilespmem:s17+$0xFFFFFFA0] =	vst v15;
	v13 =	vadd.f32 v13, v20;
	v14 =	vld [tilespmem:s21+$0xFFFFFFC0];
	v4 =	vadd.f32 v4, v24  }
0x3e4: {  	v15 =	vld [tilespmem:s19+$0xFFFFFF30];
	v12 =	vmul.f32 v19, v12  }
0x3e5: {  	v19 =	vld [tilespmem:s19+$0xFFFFFF70];
	[tilespmem:s17+$0x20] =	vst v13  }
0x3e6: {  	v13 =	vsub.f32 v16, v21;
	v16 =	vld [tilespmem:s19+$0x30];
	v12 =	vadd.f32 v12, v22;
	[tilespmem:s1+$0x60] =	vst v4  }
0x3e7: {  	v4 =	vld [tilespmem:s19+$0x70]  }
0x3e8: {  	v11 =	vmul.f32 v13, v11;
	v13 =	vld [tilespmem:s21+$0xFFFFFEC0];
	v12 =	vadd.f32 v12, v14  }
0x3e9: {  	v14 =	vld [tilespmem:s21+$0xFFFFFF40]  }
0x3ea: {  	v11 =	vadd.f32 v11, v21;
	v19 =	vsub.f32 v19, v15;
	[tilespmem:s17+$0xB0] =	vst v12;
	v12 =	vld [tilespmem:s25+$0xFFFFFEF0]  }
0x3eb: {  	v20 =	vld [tilespmem:s19+$0x180]  }
0x3ec: {  	v11 =	vadd.f32 v11, v18;
	v10 =	vmul.f32 v19, v10;
	v4 =	vsub.f32 v4, v16;
	v18 =	vld [tilespmem:s19+$0x1C0]  }
0x3ed: {  	v19 =	vld [tilespmem:s25+$0xFFFFFFB0]  }
0x3ee: {  	[tilespmem:s17+$0xFFFFFF30] =	vst v11;
	v10 =	vadd.f32 v10, v15;
	v4 =	vmul.f32 v4, v9;
	v9 =	vld [tilespmem:s25+$0xFFFFFFF0]  }
0x3ef: {  	s18 =	sor.u32 $0x1, s18;
	v11 =	vld [tilespmem:s19+$0xFFFFFE80];
	v12 =	vsub.f32 v12, v17  }
0x3f0: {  	v15 =	vld [tilespmem:s19+$0xFFFFFEC0];
	v10 =	vadd.f32 v10, v13;
	v13 =	vadd.f32 v4, v16;
	v4 =	vmov s18  }
0x3f1: {  	v16 =	vld [tilespmem:s21+$0xFFFFFE50];
	v4 =	vperm.xlane v6, v4;
	v6 =	vsub.f32 v18, v20;
	v12 =	vmul.f32 v12, v1;
	v1 =	vmovc v8  }
0x3f2: {  	[tilespmem:s17+$0xFFFFFFB0] =	vst v10;
	v8 =	vadd.f32 v13, v14;
	v10 =	vld [tilespmem:s21+$0xFFFFFFD0]  }
0x3f3: {  	v13 =	vld [tilespmem:s19+$0xFFFFFF80];
	v6 =	vmul.f32 v6, v4;
	v12 =	vadd.f32 v12, v17;
	v9 =	vsub.f32 v9, v19  }
0x3f4: {  	v14 =	vld [tilespmem:s19+$0xFFFFFFC0];
	[tilespmem:s17+$0x30] =	vst v8  }
0x3f5: {  	v8 =	vsub.f32 v15, v11;
	v15 =	vld [tilespmem:s19+$0x80];
	v6 =	vadd.f32 v6, v20;
	v9 =	vmul.f32 v9, v2;
	v2 =	vmovc v7  }
0x3f6: {  	v7 =	vld [tilespmem:s19+$0xC0]  }
0x3f7: {  	v8 =	vmul.f32 v8, v1;
	v17 =	vld [tilespmem:s21+$0xFFFFFED0];
	v10 =	vadd.f32 v6, v10;
	v6 =	vadd.f32 v9, v19  }
0x3f8: {  	v9 =	vld [tilespmem:s21+$0xFFFFFF50]  }
0x3f9: {  	v8 =	vadd.f32 v8, v11;
	v11 =	vsub.f32 v14, v13;
	[tilespmem:s17+$0xC0] =	vst v10;
	v10 =	vld [tilespmem:s25+$0xB0]  }
0x3fa: {  	v14 =	vld [tilespmem:s19+$0x190]  }
0x3fb: {  	v8 =	vadd.f32 v8, v16;
	v11 =	vmul.f32 v11, v2;
	v7 =	vsub.f32 v7, v15;
	v16 =	vld [tilespmem:s19+$0x1D0]  }
0x3fc: {  	v18 =	vld [tilespmem:s25+$0xF0];
	s25 =	smov.u32 s19  }
0x3fd: {  	[tilespmem:s17+$0xFFFFFF40] =	vst v8;
	v8 =	vadd.f32 v11, v13;
	v7 =	vmul.f32 v7, v5;
	v11 =	vld [tilespmem:s23+$0xFFFFFE80]  }
0x3fe: {  	v13 =	vld [tilespmem:s19+$0xFFFFFE90]  }
0x3ff: {  	v19 =	vld [tilespmem:s19+$0xFFFFFED0];
	v8 =	vadd.f32 v8, v17;
	v7 =	vadd.f32 v7, v15  }
0x400: {  	v15 =	vld [tilespmem:s21+$0xFFFFFE60];
	v16 =	vsub.f32 v16, v14  }
0x401: {  	[tilespmem:s17+$0xFFFFFFC0] =	vst v8;
	v7 =	vadd.f32 v7, v9;
	v8 =	vld [tilespmem:s21+$0xFFFFFFE0];
	v9 =	vsub.f32 v18, v10  }
0x402: {  	v17 =	vld [tilespmem:s19+$0xFFFFFF90];
	v16 =	vmul.f32 v16, v4;
	v11 =	vadd.f32 v12, v11  }
0x403: {  	v18 =	vld [tilespmem:s19+$0xFFFFFFD0];
	[tilespmem:s17+$0x40] =	vst v7;
	v7 =	vmul.f32 v9, v3;
	v3 =	vmov v5  }
0x404: {  	v9 =	vsub.f32 v19, v13;
	v12 =	vld [tilespmem:s19+$0x90];
	v14 =	vadd.f32 v16, v14;
	[tilespmem:s1+$0xFFFFFF70] =	vst v11  }
0x405: {  	v16 =	vld [tilespmem:s19+$0xD0];
	v5 =	vadd.f32 v7, v10  }
0x406: {  	v7 =	vmul.f32 v9, v1;
	v11 =	vld [tilespmem:s21+$0xFFFFFEE0];
	v8 =	vadd.f32 v14, v8  }
0x407: {  	v10 =	vld [tilespmem:s21+$0xFFFFFF60]  }
.Ltmp5:
0x408: {  	v7 =	vadd.f32 v7, v13;
	v13 =	vsub.f32 v18, v17;
	[tilespmem:s17+$0xD0] =	vst v8;
	v8 =	vld [tilespmem:s23+$0xFFFFFF00];
	(pc) =	sbr.rel @p2 .LBB2_9-.Ltmp5, $4  }
0x409: {  	v9 =	vld [tilespmem:s19+$0x1A0]  }
0x40a: {  	v14 =	vadd.f32 v7, v15;
	v15 =	vmul.f32 v13, v2;
	v16 =	vsub.f32 v16, v12;
	v13 =	vld [tilespmem:s19+$0x1E0]  }
0x40b: {  	v7 =	vld [tilespmem:s23+$0xFFFFFF80];
	s23 =	smov.u32 s21  }
0x40c: {  	s9 =	sadd.s32 $0x8, s9;
	[tilespmem:s17+$0xFFFFFF50] =	vst v14;
	v14 =	vadd.f32 v15, v17;
	v15 =	vmul.f32 v16, v3  }
0x40d: {  	_ = 	snop  }
0x40e: {  	v0 =	vld [tilespmem:s19+$0xFFFFFEA0];
	v11 =	vadd.f32 v14, v11;
	v12 =	vadd.f32 v15, v12  }
0x40f: {  	v14 =	vld [tilespmem:s19+$0xFFFFFEE0]  }
0x410: {  	v15 =	vld [tilespmem:s21+$0xFFFFFFF0];
	[tilespmem:s17+$0xFFFFFFD0] =	vst v11;
	v10 =	vadd.f32 v12, v10  }
0x411: {  	v11 =	vld [tilespmem:s25+$0xFFFFFFA0]  }
0x412: {  	v12 =	vsub.f32 v13, v9;
	[tilespmem:s17+$0x50] =	vst v10;
	v10 =	vld [tilespmem:s25+$0xFFFFFFE0]  }
0x413: {  	v13 =	vld [tilespmem:s25+$0xA0]  }
0x414: {  	v12 =	vmul.f32 v12, v4;
	v16 =	vld [tilespmem:s25+$0xE0]  }
0x415: {  	v14 =	vsub.f32 v14, v0  }
0x416: {  	v9 =	vadd.f32 v12, v9;
	v12 =	vld [tilespmem:s23+$0xFFFFFE70]  }
0x417: {  	v14 =	vmul.f32 v14, v1;
	v10 =	vsub.f32 v10, v11  }
0x418: {  	v9 =	vadd.f32 v9, v15;
	v15 =	vld [tilespmem:s23+$0xFFFFFEF0]  }
0x419: {  	v0 =	vadd.f32 v14, v0;
	v14 =	vsub.f32 v16, v13;
	v10 =	vmul.f32 v10, v2  }
0x41a: {  	v16 =	vld [tilespmem:s23+$0xFFFFFF70]  }
0x41b: {  	[tilespmem:s17+$0xE0] =	vst v9;
	v0 =	vadd.f32 v0, v12;
	v9 =	vadd.f32 v10, v11;
	v10 =	vmul.f32 v14, v3  }
0x41c: {  	v12 =	vld [tilespmem:s25+$0x1F0]  }
0x41d: {  	v11 =	vld [tilespmem:s25+$0x1B0];
	[tilespmem:s17+$0xFFFFFF60] =	vst v0;
	v0 =	vadd.f32 v10, v13;
	v9 =	vadd.f32 v9, v15  }
0x41e: {  	v10 =	vld [tilespmem:s25+$0xFFFFFEB0]  }
0x41f: {  	[tilespmem:s17+$0xFFFFFFE0] =	vst v9;
	v0 =	vadd.f32 v0, v16;
	v9 =	vld [tilespmem:s25+$0xFFFFFEF0]  }
0x420: {  	v13 =	vld [tilespmem:s25+$0xFFFFFFB0]  }
0x421: {  	[tilespmem:s17+$0x60] =	vst v0;
	v0 =	vld [tilespmem:s25+$0xFFFFFFF0]  }
0x422: {  	v14 =	vld [tilespmem:s25+$0xB0]  }
0x423: {  	v15 =	vld [tilespmem:s25+$0xF0];
	_ =	sdelay $0x1  }
0x424: {  	v12 =	vsub.f32 v12, v11  }
0x425: {  	v16 =	vld [tilespmem:s23+$0x0];
	v9 =	vsub.f32 v9, v10  }
0x426: {  	v4 =	vmul.f32 v12, v4;
	v12 =	vld [tilespmem:s23+$0xFFFFFE80];
	v0 =	vsub.f32 v0, v13  }
0x427: {  	v1 =	vmul.f32 v9, v1;
	v9 =	vsub.f32 v15, v14;
	v15 =	vld [tilespmem:s23+$0xFFFFFF00]  }
0x428: {  	v6 =	vadd.f32 v6, v8;
	v4 =	vadd.f32 v4, v11;
	v0 =	vmul.f32 v0, v2;
	v2 =	vld [tilespmem:s23+$0xFFFFFF80]  }
0x429: {  	v5 =	vadd.f32 v5, v7;
	v1 =	vadd.f32 v1, v10;
	v3 =	vmul.f32 v9, v3  }
0x42a: {  	[tilespmem:s1+$0xFFFFFFF0] =	vst v6;
	v4 =	vadd.f32 v4, v16;
	v0 =	vadd.f32 v0, v13  }
0x42b: {  	[tilespmem:s1+$0x70] =	vst v5;
	v1 =	vadd.f32 v1, v12;
	v3 =	vadd.f32 v3, v14  }
0x42c: {  	s10 =	sadd.s32 s7, s10;
	[tilespmem:s17+$0xF0] =	vst v4;
	v0 =	vadd.f32 v0, v15  }
0x42d: {  	s1 =	sshll.u32 s10, $0x9;
	[tilespmem:s17+$0xFFFFFF70] =	vst v1;
	v1 =	vadd.f32 v3, v2  }
0x42e: {  	s1 =	sand.u32 $0x1FFFFC00, s1;
	[tilespmem:s17+$0xFFFFFFF0] =	vst v0  }
0x42f: {  	s9 =	simm.s32 $0x1CC00;
	s1 =	sadd.s32 s2, s1;
	[tilespmem:s17+$0x70] =	vst v1  }
0x430: {  	[hbm4b:s1+s3] =	stream.linear.scatter [tilespmem:s9], [sflag:$0x7], $0x1000, $0x38;
	[tilespmem:$0x1EC00] =	vst v63  }
0x431: {  	s10 =	simm.s32 @!p1 $0x16C00;
	s1 =	sadd.s32 @!p1 $0x180, s30;
	s9 =	simm.s32 @!p1 $0x40  }
0x432: {  	[tilespmem:s10], [sflag:$0x3] =	stream.indirect.gather @!p1 [hbm4b:s4+s9], $0x80, s1, s9, $0xb8;
	[tilespmem:$0x1EC00] =	vst v63  }
0x433: {  	s10 =	sor.u32 $0x3, s28  }
0x434: {  	s17 =	sshll.u32 s10, $0x6  }
0x435: {  	s18 =	simm.s32 $0x4;
	s1 =	sand.u32 $0x7F80, s17  }
0x436: {  	_ =	swait.ge [sflag:s18], $0x2000;
	s1 =	sadd.s32 $0x6400, s1  }
0x437: {  	[sflag:s18] =	ssyncset.done $0x0;
	v0 =	vmov s1  }
0x438: {  	[sflag:s18] =	ssyncadd.s32 $0xFFFFE000;
	s1 =	simm.s32 @!p0 $0x8  }
0x439: {  	_ =	swait.ge @!p0 [sflag:s1], $0x1000  }
0x43a: {  	s19 =	simm.s32 $0x0;
	[sflag:s1] =	ssyncset.done @!p0 $0x0  }
0x43b: {  	s20 =	sand.u32 $0x30, s19;
	[sflag:s1] =	ssyncadd.s32 @!p0 $0xFFFFF000  }
0x43c: {  	v1 =	vld.idx.msk [tilespmem:v0+s20+$0x40 ss:$0x1], $0xffff  }
0x43d: {  	s23 =	simm.s32 $0x18E00  }
0x43e: {  	v2 =	vld [tilespmem:s23+$0x100]  }
0x43f: {  	v3 =	vld [tilespmem:s23+$0x140];
	_ =	sdelay $0x1  }
0x440: {  	s21 =	simm.s32 $0x6;
	v1 =	vand.u32 $0x1, v1  }
0x441: {  	s22 =	sand.u32 $0xE, s21;
	v4 =	vld [tilespmem:s23+$0xFFFFFE00];
	v1 =	vcvt.s32.f32 v1  }
0x442: {  	v6 =	vmov s22;
	v5 =	vld [tilespmem:s23+$0xFFFFFE40]  }
0x443: {  	v3 =	vsub.f32 v3, v2;
	v6 =	vperm.xlane v1, v6  }
0x444: {  	v7 =	vld [tilespmem:s26+$0xFFFFFF90]  }
0x445: {  	s24 =	sand.u32 $0x8, s19;
	v3 =	vmul.f32 v3, v6  }
0x446: {  	v8 =	vmov s24;
	v9 =	vld [tilespmem:s23+$0xFFFFFF00]  }
0x447: {  	v10 =	vld [tilespmem:s23+$0xFFFFFF40];
	v5 =	vsub.f32 v5, v4;
	v8 =	vperm.xlane v1, v8;
	v2 =	vadd.f32 v3, v2  }
0x448: {  	v3 =	vld [tilespmem:s26+$0xFFFFFE10]  }
0x449: {  	s25 =	simm.s32 $0x2;
	v11 =	vld [tilespmem:s23+$0x0];
	v5 =	vmul.f32 v5, v8;
	v2 =	vadd.f32 v2, v7  }
0x44a: {  	s9 =	sand.u32 $0xA, s25;
	s1 =	simm.s32 $0x1DD00;
	v7 =	vld [tilespmem:s23+$0x40]  }
0x44b: {  	v12 =	vmov s9;
	v4 =	vadd.f32 v5, v4;
	v5 =	vld [tilespmem:s26+$0xFFFFFE90];
	[tilespmem:s1+$0x80] =	vst v2  }
0x44c: {  	s18 =	simm.s32 $0x4;
	v10 =	vsub.f32 v10, v9;
	v2 =	vperm.xlane v1, v12;
	v12 =	vld [tilespmem:s23+$0x110]  }
0x44d: {  	s18 =	sand.u32 $0xC, s18;
	v3 =	vadd.f32 v4, v3;
	v4 =	vld [tilespmem:s23+$0x150]  }
0x44e: {  	v13 =	vmov s18;
	v10 =	vmul.f32 v10, v2  }
0x44f: {  	v14 =	vld [tilespmem:s26+$0xFFFFFF10];
	v13 =	vperm.xlane v1, v13;
	v7 =	vsub.f32 v7, v11;
	[tilespmem:s1+$0xFFFFFF00] =	vst v3  }
0x450: {  	v3 =	vadd.f32 v10, v9;
	v9 =	vld [tilespmem:s23+$0xFFFFFE10]  }
0x451: {  	v10 =	vld [tilespmem:s23+$0xFFFFFE50];
	v7 =	vmul.f32 v7, v13  }
0x452: {  	v3 =	vadd.f32 v3, v5;
	v4 =	vsub.f32 v4, v12  }
0x453: {  	v5 =	vadd.f32 v7, v11;
	v7 =	vld [tilespmem:s26+$0xFFFFFFA0]  }
0x454: {  	[tilespmem:s1+$0xFFFFFF80] =	vst v3;
	v3 =	vmul.f32 v4, v6  }
0x455: {  	v4 =	vld [tilespmem:s23+$0xFFFFFF10];
	v5 =	vadd.f32 v5, v14  }
0x456: {  	v11 =	vld [tilespmem:s23+$0xFFFFFF50];
	v10 =	vsub.f32 v10, v9;
	v3 =	vadd.f32 v3, v12  }
0x457: {  	[tilespmem:s1+$0x0] =	vst v5;
	v5 =	vld [tilespmem:s26+$0xFFFFFE20]  }
0x458: {  	v10 =	vmul.f32 v10, v8;
	v12 =	vld [tilespmem:s23+$0x10];
	v3 =	vadd.f32 v3, v7  }
0x459: {  	v7 =	vld [tilespmem:s23+$0x50]  }
0x45a: {  	v9 =	vadd.f32 v10, v9;
	[tilespmem:s1+$0x90] =	vst v3  }
0x45b: {  	v3 =	vld [tilespmem:s23+$0x120]  }
0x45c: {  	v10 =	vsub.f32 v11, v4;
	v5 =	vadd.f32 v9, v5;
	v9 =	vld [tilespmem:s23+$0x160]  }
0x45d: {  	v11 =	vld [tilespmem:s26+$0xFFFFFEA0]  }
0x45e: {  	v14 =	vld [tilespmem:s26+$0xFFFFFF20];
	v10 =	vmul.f32 v10, v2;
	v7 =	vsub.f32 v7, v12;
	[tilespmem:s1+$0xFFFFFF10] =	vst v5  }
0x45f: {  	v5 =	vld [tilespmem:s23+$0xFFFFFE20]  }
0x460: {  	v4 =	vadd.f32 v10, v4;
	v7 =	vmul.f32 v7, v13;
	v10 =	vld [tilespmem:s23+$0xFFFFFE60]  }
0x461: {  	v9 =	vsub.f32 v9, v3  }
0x462: {  	v4 =	vadd.f32 v4, v11;
	v11 =	vld [tilespmem:s26+$0xFFFFFFB0];
	v7 =	vadd.f32 v7, v12  }
0x463: {  	v9 =	vmul.f32 v9, v6  }
0x464: {  	v12 =	vld [tilespmem:s26+$0xFFFFFE30];
	[tilespmem:s1+$0xFFFFFF90] =	vst v4;
	v4 =	vadd.f32 v7, v14  }
0x465: {  	v7 =	vld [tilespmem:s23+$0xFFFFFF20];
	v10 =	vsub.f32 v10, v5;
	v3 =	vadd.f32 v9, v3  }
0x466: {  	[tilespmem:s1+$0x10] =	vst v4;
	v4 =	vld [tilespmem:s23+$0xFFFFFF60]  }
0x467: {  	v9 =	vld [tilespmem:s23+$0x20];
	v10 =	vmul.f32 v10, v8;
	v3 =	vadd.f32 v3, v11  }
0x468: {  	v11 =	vld [tilespmem:s23+$0x60]  }
0x469: {  	v5 =	vadd.f32 v10, v5;
	[tilespmem:s1+$0xA0] =	vst v3  }
0x46a: {  	v3 =	vld [tilespmem:s23+$0x130]  }
0x46b: {  	v4 =	vsub.f32 v4, v7;
	v5 =	vadd.f32 v5, v12;
	v10 =	vld [tilespmem:s23+$0x170]  }
0x46c: {  	v12 =	vld [tilespmem:s26+$0xFFFFFEB0]  }
0x46d: {  	v14 =	vld [tilespmem:s26+$0xFFFFFF30];
	v4 =	vmul.f32 v4, v2;
	v11 =	vsub.f32 v11, v9;
	[tilespmem:s1+$0xFFFFFF20] =	vst v5  }
0x46e: {  	v5 =	vld [tilespmem:s23+$0xFFFFFE30]  }
0x46f: {  	v4 =	vadd.f32 v4, v7;
	v7 =	vmul.f32 v11, v13;
	v11 =	vld [tilespmem:s23+$0xFFFFFE70]  }
0x470: {  	v10 =	vsub.f32 v10, v3  }
0x471: {  	v4 =	vadd.f32 v4, v12;
	v7 =	vadd.f32 v7, v9;
	v9 =	vld [tilespmem:s26+$0xFFFFFFC0]  }
0x472: {  	v6 =	vmul.f32 v10, v6  }
0x473: {  	v10 =	vld [tilespmem:s26+$0xFFFFFE40];
	[tilespmem:s1+$0xFFFFFFA0] =	vst v4;
	v4 =	vadd.f32 v7, v14  }
0x474: {  	v7 =	vld [tilespmem:s23+$0xFFFFFF30];
	v11 =	vsub.f32 v11, v5;
	v3 =	vadd.f32 v6, v3  }
0x475: {  	v6 =	vld [tilespmem:s23+$0xFFFFFF70];
	[tilespmem:s1+$0x20] =	vst v4  }
0x476: {  	v4 =	vld [tilespmem:s23+$0x30];
	v8 =	vmul.f32 v11, v8;
	v3 =	vadd.f32 v3, v9  }
0x477: {  	v9 =	vld [tilespmem:s23+$0x70]  }
0x478: {  	v5 =	vadd.f32 v8, v5;
	[tilespmem:s1+$0xB0] =	vst v3  }
0x479: {  	v3 =	vld [tilespmem:s23+$0x180]  }
0x47a: {  	v6 =	vsub.f32 v6, v7;
	v8 =	vld [tilespmem:s23+$0x1C0];
	v5 =	vadd.f32 v5, v10  }
0x47b: {  	v10 =	vld [tilespmem:s26+$0xFFFFFEC0]  }
0x47c: {  	v11 =	vld [tilespmem:s26+$0xFFFFFF40];
	v2 =	vmul.f32 v6, v2;
	v6 =	vsub.f32 v9, v4;
	[tilespmem:s1+$0xFFFFFF30] =	vst v5  }
0x47d: {  	s19 =	sor.u32 $0x1, s22;
	v9 =	vld [tilespmem:s23+$0xFFFFFE80]  }
0x47e: {  	v2 =	vadd.f32 v2, v7;
	v5 =	vmul.f32 v6, v13;
	v7 =	vld [tilespmem:s23+$0xFFFFFEC0];
	v6 =	vmov s19  }
0x47f: {  	v6 =	vperm.xlane v1, v6;
	v8 =	vsub.f32 v8, v3  }
0x480: {  	v2 =	vadd.f32 v2, v10;
	v4 =	vadd.f32 v5, v4;
	v10 =	vld [tilespmem:s26+$0xFFFFFFD0]  }
0x481: {  	s17 =	sor.u32 $0x1, s24;
	v8 =	vmul.f32 v8, v6  }
0x482: {  	v12 =	vld [tilespmem:s26+$0xFFFFFE50];
	v5 =	vmov s17;
	[tilespmem:s1+$0xFFFFFFB0] =	vst v2;
	v2 =	vadd.f32 v4, v11  }
0x483: {  	v5 =	vperm.xlane v1, v5;
	v4 =	vld [tilespmem:s23+$0xFFFFFF80];
	v7 =	vsub.f32 v7, v9;
	v3 =	vadd.f32 v8, v3  }
0x484: {  	v8 =	vld [tilespmem:s23+$0xFFFFFFC0];
	[tilespmem:s1+$0x30] =	vst v2  }
0x485: {  	v2 =	vld [tilespmem:s23+$0x80];
	v7 =	vmul.f32 v7, v5;
	v3 =	vadd.f32 v3, v10  }
0x486: {  	v10 =	vld [tilespmem:s23+$0xC0]  }
0x487: {  	v7 =	vadd.f32 v7, v9;
	[tilespmem:s1+$0xC0] =	vst v3  }
0x488: {  	s9 =	sor.u32 $0x1, s9;
	v3 =	vld [tilespmem:s23+$0x190]  }
0x489: {  	s29 =	sor.u32 $0x1, s18;
	v9 =	vmov s9;
	v11 =	vadd.f32 v7, v12;
	v12 =	vld [tilespmem:s23+$0x1D0]  }
0x48a: {  	v13 =	vmov s29;
	v14 =	vsub.f32 v8, v4;
	v7 =	vperm.xlane v1, v9;
	v9 =	vld [tilespmem:s26+$0xFFFFFED0]  }
0x48b: {  	v8 =	vperm.xlane v1, v13;
	v1 =	vld [tilespmem:s26+$0xFFFFFF50];
	v10 =	vsub.f32 v10, v2;
	[tilespmem:s1+$0xFFFFFF40] =	vst v11  }
0x48c: {  	v11 =	vmul.f32 v14, v7;
	v13 =	vld [tilespmem:s23+$0xFFFFFE90]  }
0x48d: {  	v10 =	vmul.f32 v10, v8;
	v14 =	vld [tilespmem:s23+$0xFFFFFED0]  }
0x48e: {  	v4 =	vadd.f32 v11, v4;
	v11 =	vsub.f32 v12, v3  }
0x48f: {  	v2 =	vadd.f32 v10, v2;
	v10 =	vld [tilespmem:s26+$0xFFFFFFE0]  }
0x490: {  	s21 =	sadd.s32 $0x200, s26;
	v4 =	vadd.f32 v4, v9;
	v9 =	vmul.f32 v11, v6  }
0x491: {  	v23 =	vld [tilespmem:s21+$0xFFFFFF90];
	v1 =	vadd.f32 v2, v1  }
0x492: {  	v39 =	vld [tilespmem:s21+$0xFFFFFE10];
	[tilespmem:s1+$0xFFFFFFC0] =	vst v4;
	v4 =	vsub.f32 v14, v13;
	v3 =	vadd.f32 v9, v3  }
0x493: {  	v2 =	vld [tilespmem:s26+$0xFFFFFE60]  }
0x494: {  	v40 =	vld [tilespmem:s21+$0xFFFFFE90];
	[tilespmem:s1+$0x40] =	vst v1;
	v1 =	vmul.f32 v4, v5;
	v3 =	vadd.f32 v3, v10  }
0x495: {  	v28 =	vld [tilespmem:s21+$0xFFFFFF10];
	s19 =	simm.s32 $0x19200  }
0x496: {  	v18 =	vld [tilespmem:s19+$0x100];
	v1 =	vadd.f32 v1, v13;
	[tilespmem:s1+$0xD0] =	vst v3  }
0x497: {  	v3 =	vld [tilespmem:s23+$0x1A0]  }
0x498: {  	v1 =	vadd.f32 v1, v2;
	v2 =	vld [tilespmem:s23+$0x1E0]  }
0x499: {  	v19 =	vld [tilespmem:s19+$0xFFFFFE00]  }
0x49a: {  	s30 =	simm.s32 $0x8;
	v14 =	vld [tilespmem:s23+$0x90]  }
0x49b: {  	s31 =	sand.u32 $0x30, s30;
	v15 =	vld [tilespmem:s23+$0xD0]  }
0x49c: {  	[tilespmem:s1+$0xFFFFFF50] =	vst v1;
	v1 =	vld.idx.msk [tilespmem:v0+s31+$0x40 ss:$0x1], $0xffff  }
0x49d: {  	v20 =	vld [tilespmem:s19+$0xFFFFFE40];
	v2 =	vsub.f32 v2, v3  }
0x49e: {  	v4 =	vld [tilespmem:s26+$0xFFFFFFF0]  }
0x49f: {  	v10 =	vld [tilespmem:s19+$0x140];
	v2 =	vmul.f32 v2, v6  }
0x4a0: {  	v11 =	vld [tilespmem:s23+$0xFFFFFF90]  }
0x4a1: {  	s18 =	simm.s32 $0xE;
	v9 =	vld [tilespmem:s23+$0xFFFFFFD0];
	v15 =	vsub.f32 v15, v14;
	v1 =	vand.u32 $0x1, v1;
	v2 =	vadd.f32 v2, v3  }
0x4a2: {  	s20 =	sand.u32 $0xE, s18;
	v16 =	vld [tilespmem:s26+$0xFFFFFF60];
	v3 =	vcvt.s32.f32 v1  }
0x4a3: {  	v21 =	vld [tilespmem:s19+$0xFFFFFF00];
	v15 =	vmul.f32 v15, v8;
	v1 =	vadd.f32 v2, v4;
	v2 =	vmov s20  }
0x4a4: {  	v22 =	vld [tilespmem:s19+$0xFFFFFF40];
	v4 =	vsub.f32 v10, v18;
	v2 =	vperm.xlane v3, v2  }
0x4a5: {  	s24 =	sand.u32 $0x8, s30;
	v26 =	vld [tilespmem:s19+$0x0];
	v14 =	vadd.f32 v15, v14  }
0x4a6: {  	v27 =	vld [tilespmem:s19+$0x40];
	v20 =	vsub.f32 v20, v19;
	v24 =	vmul.f32 v4, v2;
	v4 =	vmov s24  }
0x4a7: {  	v13 =	vld [tilespmem:s26+$0xFFFFFEE0];
	v14 =	vadd.f32 v14, v16;
	[tilespmem:s1+$0xE0] =	vst v1;
	v1 =	vsub.f32 v9, v11;
	v4 =	vperm.xlane v3, v4  }
0x4a8: {  	v12 =	vld [tilespmem:s23+$0xFFFFFEA0];
	v18 =	vadd.f32 v24, v18  }
0x4a9: {  	s22 =	simm.s32 $0xA;
	v17 =	vld [tilespmem:s23+$0xFFFFFEE0];
	[tilespmem:s1+$0x50] =	vst v14;
	v1 =	vmul.f32 v1, v7;
	v20 =	vmul.f32 v20, v4  }
0x4aa: {  	s29 =	sand.u32 $0xA, s22;
	v56 =	vld [tilespmem:s23+$0xA0];
	v18 =	vadd.f32 v18, v23  }
0x4ab: {  	s30 =	simm.s32 $0xC;
	v25 =	vmov s29;
	s17 =	simm.s32 $0x1DF00;
	v59 =	vld [tilespmem:s23+$0xE0];
	v11 =	vadd.f32 v1, v11;
	v19 =	vadd.f32 v20, v19  }
0x4ac: {  	s28 =	sand.u32 $0xC, s30;
	v22 =	vsub.f32 v22, v21;
	v9 =	vld [tilespmem:s23+$0x1B0];
	v1 =	vperm.xlane v3, v25;
	[tilespmem:s17+$0x80] =	vst v18  }
0x4ad: {  	v41 =	vadd.f32 v11, v13;
	v13 =	vmov s28;
	v44 =	vld [tilespmem:s19+$0x110];
	v19 =	vadd.f32 v19, v39  }
0x4ae: {  	v43 =	vsub.f32 v27, v26;
	v42 =	vmul.f32 v22, v1;
	v13 =	vperm.xlane v3, v13;
	v45 =	vld [tilespmem:s19+$0x150]  }
0x4af: {  	v10 =	vld [tilespmem:s23+$0x1F0];
	[tilespmem:s17+$0xFFFFFF00] =	vst v19  }
0x4b0: {  	v20 =	vadd.f32 v42, v21;
	v18 =	vmul.f32 v43, v13;
	v47 =	vld [tilespmem:s19+$0xFFFFFE10]  }
0x4b1: {  	v48 =	vld [tilespmem:s19+$0xFFFFFE50]  }
0x4b2: {  	v11 =	vld [tilespmem:s26+$0x0];
	v20 =	vadd.f32 v20, v40;
	v18 =	vadd.f32 v18, v26  }
0x4b3: {  	v50 =	vld [tilespmem:s21+$0xFFFFFFA0];
	v21 =	vsub.f32 v45, v44  }
0x4b4: {  	v16 =	vld [tilespmem:s21+$0xFFFFFE20];
	[tilespmem:s17+$0xFFFFFF80] =	vst v20;
	v18 =	vadd.f32 v18, v28  }
0x4b5: {  	v49 =	vld [tilespmem:s19+$0xFFFFFF10];
	v52 =	vmul.f32 v21, v2  }
0x4b6: {  	v51 =	vld [tilespmem:s19+$0xFFFFFF50];
	[tilespmem:s17+$0x0] =	vst v18;
	v20 =	vsub.f32 v48, v47  }
0x4b7: {  	v15 =	vld [tilespmem:s19+$0x10];
	v18 =	vadd.f32 v52, v44  }
0x4b8: {  	[tilespmem:s1+$0xFFFFFFD0] =	vst v41;
	v53 =	vld [tilespmem:s19+$0x50];
	v20 =	vmul.f32 v20, v4  }
0x4b9: {  	v23 =	vld [tilespmem:s23+$0xFFFFFFA0];
	v18 =	vadd.f32 v18, v50  }
0x4ba: {  	v46 =	vld [tilespmem:s23+$0xFFFFFFE0];
	v20 =	vadd.f32 v20, v47  }
0x4bb: {  	v54 =	vld [tilespmem:s21+$0xFFFFFEA0];
	v55 =	vsub.f32 v51, v49;
	[tilespmem:s17+$0x90] =	vst v18  }
0x4bc: {  	v57 =	vld [tilespmem:s19+$0x120];
	v16 =	vadd.f32 v20, v16  }
0x4bd: {  	v26 =	vmul.f32 v55, v1;
	v21 =	vsub.f32 v53, v15;
	v58 =	vld [tilespmem:s19+$0x160]  }
0x4be: {  	v14 =	vld [tilespmem:s21+$0xFFFFFF20];
	[tilespmem:s17+$0xFFFFFF10] =	vst v16  }
0x4bf: {  	v25 =	vadd.f32 v26, v49;
	v21 =	vmul.f32 v21, v13;
	v60 =	vld [tilespmem:s19+$0xFFFFFE20]  }
0x4c0: {  	v17 =	vsub.f32 v17, v12;
	v61 =	vld [tilespmem:s19+$0xFFFFFE60]  }
0x4c1: {  	v16 =	vld [tilespmem:s26+$0xFFFFFE70];
	v22 =	vadd.f32 v25, v54;
	v15 =	vadd.f32 v21, v15  }
0x4c2: {  	v62 =	vld [tilespmem:s21+$0xFFFFFE30];
	v20 =	vsub.f32 v58, v57  }
0x4c3: {  	v17 =	vmul.f32 v17, v5;
	[tilespmem:s17+$0xFFFFFF90] =	vst v22;
	v14 =	vadd.f32 v15, v14;
	v15 =	vld [tilespmem:s21+$0xFFFFFFB0]  }
0x4c4: {  	v22 =	vld [tilespmem:s19+$0xFFFFFF20];
	v20 =	vmul.f32 v20, v2  }
0x4c5: {  	v12 =	vadd.f32 v17, v12;
	[tilespmem:s17+$0x10] =	vst v14;
	v14 =	vld [tilespmem:s19+$0xFFFFFF60];
	v21 =	vsub.f32 v61, v60  }
0x4c6: {  	v63 =	vld [tilespmem:s19+$0x20];
	v20 =	vadd.f32 v20, v57  }
0x4c7: {  	v12 =	vadd.f32 v12, v16;
	v29 =	vld [tilespmem:s19+$0x60];
	v21 =	vmul.f32 v21, v4  }
0x4c8: {  	v30 =	vld [tilespmem:s21+$0xFFFFFEB0];
	v15 =	vadd.f32 v20, v15  }
0x4c9: {  	v17 =	vld [tilespmem:s21+$0xFFFFFF30];
	[tilespmem:s1+$0xFFFFFF60] =	vst v12;
	v21 =	vadd.f32 v21, v60  }
0x4ca: {  	v12 =	vld [tilespmem:s26+$0xFFFFFF70];
	v14 =	vsub.f32 v14, v22;
	[tilespmem:s17+$0xA0] =	vst v15  }
0x4cb: {  	v16 =	vld [tilespmem:s19+$0x130];
	v21 =	vadd.f32 v21, v62  }
0x4cc: {  	v24 =	vsub.f32 v29, v63;
	v14 =	vmul.f32 v14, v1;
	v31 =	vld [tilespmem:s19+$0x170]  }
0x4cd: {  	v33 =	vld [tilespmem:s23+$0xFFFFFEB0];
	[tilespmem:s17+$0xFFFFFF20] =	vst v21  }
0x4ce: {  	v32 =	vmul.f32 v24, v13;
	v14 =	vadd.f32 v14, v22;
	v34 =	vld [tilespmem:s19+$0xFFFFFE30]  }
0x4cf: {  	v35 =	vld [tilespmem:s19+$0xFFFFFE70]  }
0x4d0: {  	v15 =	vld [tilespmem:s26+$0xFFFFFEF0];
	v21 =	vadd.f32 v32, v63;
	v14 =	vadd.f32 v14, v30  }
0x4d1: {  	v37 =	vld [tilespmem:s21+$0xFFFFFFC0];
	v25 =	vsub.f32 v31, v16  }
0x4d2: {  	v36 =	vld [tilespmem:s21+$0xFFFFFE40];
	v17 =	vadd.f32 v21, v17;
	[tilespmem:s17+$0xFFFFFFA0] =	vst v14  }
0x4d3: {  	v14 =	vsub.f32 v46, v23;
	v2 =	vmul.f32 v25, v2;
	v38 =	vld [tilespmem:s19+$0xFFFFFF30]  }
0x4d4: {  	[tilespmem:s17+$0x20] =	vst v17;
	v17 =	vld [tilespmem:s19+$0xFFFFFF70];
	v20 =	vsub.f32 v35, v34  }
0x4d5: {  	v14 =	vmul.f32 v14, v7;
	v39 =	vld [tilespmem:s19+$0x70];
	v2 =	vadd.f32 v2, v16  }
0x4d6: {  	v16 =	vld [tilespmem:s19+$0x30];
	v4 =	vmul.f32 v20, v4  }
0x4d7: {  	v41 =	vld [tilespmem:s23+$0xFFFFFEF0];
	v14 =	vadd.f32 v14, v23;
	v2 =	vadd.f32 v2, v37  }
0x4d8: {  	v40 =	vld [tilespmem:s21+$0xFFFFFEC0];
	v4 =	vadd.f32 v4, v34  }
0x4d9: {  	v14 =	vadd.f32 v14, v15;
	v15 =	vld [tilespmem:s21+$0xFFFFFF40];
	v17 =	vsub.f32 v17, v38;
	[tilespmem:s17+$0xB0] =	vst v2  }
0x4da: {  	v2 =	vld [tilespmem:s19+$0x180];
	v4 =	vadd.f32 v4, v36  }
0x4db: {  	[tilespmem:s1+$0xFFFFFFE0] =	vst v14;
	v1 =	vmul.f32 v17, v1;
	v14 =	vsub.f32 v39, v16;
	v17 =	vld [tilespmem:s19+$0x1C0]  }
0x4dc: {  	v42 =	vld [tilespmem:s23+$0xFFFFFFB0];
	[tilespmem:s17+$0xFFFFFF30] =	vst v4  }
0x4dd: {  	v1 =	vadd.f32 v1, v38;
	v4 =	vmul.f32 v14, v13;
	v43 =	vld [tilespmem:s19+$0xFFFFFE80]  }
0x4de: {  	s20 =	sor.u32 $0x1, s20;
	v14 =	vsub.f32 v59, v56;
	v45 =	vld [tilespmem:s19+$0xFFFFFEC0]  }
0x4df: {  	v44 =	vmov s20;
	v13 =	vld [tilespmem:s23+$0xFFFFFFF0];
	v1 =	vadd.f32 v1, v40;
	v16 =	vadd.f32 v4, v16  }
0x4e0: {  	v46 =	vld [tilespmem:s21+$0xFFFFFE50];
	v4 =	vperm.xlane v3, v44;
	v17 =	vsub.f32 v17, v2  }
0x4e1: {  	s18 =	sor.u32 $0x1, s24;
	v14 =	vmul.f32 v14, v8;
	[tilespmem:s17+$0xFFFFFFB0] =	vst v1;
	v1 =	vadd.f32 v16, v15;
	v15 =	vld [tilespmem:s21+$0xFFFFFFD0]  }
0x4e2: {  	v47 =	vmov s18;
	v16 =	vld [tilespmem:s19+$0xFFFFFF80];
	v17 =	vmul.f32 v17, v4  }
0x4e3: {  	v14 =	vadd.f32 v14, v56;
	v48 =	vld [tilespmem:s19+$0xFFFFFFC0];
	[tilespmem:s17+$0x30] =	vst v1;
	v1 =	vperm.xlane v3, v47;
	v49 =	vsub.f32 v45, v43  }
0x4e4: {  	v50 =	vld [tilespmem:s19+$0x80];
	v2 =	vadd.f32 v17, v2  }
0x4e5: {  	v12 =	vadd.f32 v14, v12;
	v14 =	vld [tilespmem:s19+$0xC0];
	v17 =	vmul.f32 v49, v1  }
0x4e6: {  	s9 =	sor.u32 $0x1, s29;
	v51 =	vld [tilespmem:s21+$0xFFFFFED0];
	v15 =	vadd.f32 v2, v15  }
0x4e7: {  	[tilespmem:s1+$0x60] =	vst v12;
	v12 =	vld [tilespmem:s21+$0xFFFFFF50];
	v2 =	vmov s9;
	v17 =	vadd.f32 v17, v43  }
0x4e8: {  	s31 =	sor.u32 $0x1, s28;
	v55 =	vld [tilespmem:s23+$0xF0];
	v2 =	vperm.xlane v3, v2;
	v18 =	vsub.f32 v48, v16;
	[tilespmem:s17+$0xC0] =	vst v15  }
0x4e9: {  	v52 =	vmov s31;
	v53 =	vld [tilespmem:s19+$0x190];
	v17 =	vadd.f32 v17, v46  }
0x4ea: {  	v3 =	vperm.xlane v3, v52;
	v18 =	vmul.f32 v18, v2;
	v14 =	vsub.f32 v14, v50;
	v54 =	vld [tilespmem:s19+$0x1D0]  }
0x4eb: {  	v15 =	vld [tilespmem:s23+$0xB0];
	[tilespmem:s17+$0xFFFFFF40] =	vst v17  }
0x4ec: {  	v16 =	vadd.f32 v18, v16;
	v14 =	vmul.f32 v14, v3;
	v56 =	vld [tilespmem:s19+$0xFFFFFE90]  }
0x4ed: {  	v10 =	vsub.f32 v10, v9;
	v57 =	vld [tilespmem:s19+$0xFFFFFED0]  }
0x4ee: {  	v17 =	vld [tilespmem:s26+$0xFFFFFE80];
	v16 =	vadd.f32 v16, v51;
	v14 =	vadd.f32 v14, v50  }
0x4ef: {  	v6 =	vmul.f32 v10, v6;
	v58 =	vld [tilespmem:s21+$0xFFFFFE60];
	v10 =	vsub.f32 v54, v53  }
0x4f0: {  	[tilespmem:s17+$0xFFFFFFC0] =	vst v16;
	v12 =	vadd.f32 v14, v12;
	v14 =	vld [tilespmem:s21+$0xFFFFFFE0]  }
0x4f1: {  	v6 =	vadd.f32 v6, v9;
	v16 =	vsub.f32 v41, v33;
	v59 =	vld [tilespmem:s19+$0xFFFFFF90];
	v9 =	vmul.f32 v10, v4  }
0x4f2: {  	v60 =	vld [tilespmem:s19+$0xFFFFFFD0];
	[tilespmem:s17+$0x40] =	vst v12;
	v10 =	vsub.f32 v57, v56  }
0x4f3: {  	v5 =	vmul.f32 v16, v5;
	v12 =	vld [tilespmem:s19+$0x90];
	v9 =	vadd.f32 v9, v53  }
0x4f4: {  	v6 =	vadd.f32 v6, v11;
	v62 =	vsub.f32 v55, v15;
	v16 =	vld [tilespmem:s19+$0xD0];
	v61 =	vmul.f32 v10, v1  }
0x4f5: {  	v5 =	vadd.f32 v5, v33;
	v9 =	vadd.f32 v9, v14  }
0x4f6: {  	v13 =	vsub.f32 v13, v42;
	v11 =	vld [tilespmem:s21+$0xFFFFFEE0];
	v14 =	vadd.f32 v61, v56  }
0x4f7: {  	v63 =	vsub.f32 v60, v59;
	v5 =	vadd.f32 v5, v17;
	v17 =	vmul.f32 v62, v8;
	v8 =	vld [tilespmem:s26+$0xFFFFFF00];
	[tilespmem:s17+$0xD0] =	vst v9  }
0x4f8: {  	v7 =	vmul.f32 v13, v7;
	v9 =	vld [tilespmem:s19+$0x1A0]  }
0x4f9: {  	[tilespmem:s1+$0xF0] =	vst v6;
	v14 =	vadd.f32 v14, v58;
	v18 =	vmul.f32 v63, v2;
	v16 =	vsub.f32 v16, v12;
	v13 =	vld [tilespmem:s19+$0x1E0]  }
0x4fa: {  	s25 =	simm.s32 $0x19200;
	v6 =	vadd.f32 v7, v42;
	v7 =	vld [tilespmem:s26+$0xFFFFFF80];
	[tilespmem:s1+$0xFFFFFF70] =	vst v5  }
0x4fb: {  	s28 =	simm.s32 $0x4;
	s9 =	simm.s32 $0x10;
	s23 =	smov.u32 s21;
	v10 =	vld [tilespmem:s21+$0xFFFFFF60];
	v5 =	vadd.f32 v17, v15;
	[tilespmem:s17+$0xFFFFFF50] =	vst v14;
	v14 =	vadd.f32 v18, v59;
	v15 =	vmul.f32 v16, v3  }
.LBB2_11:
0x4fc: {  	s18 =	sand.u32 $0x30, s9;
	s20 =	sadd.s32 $0x2, s9;
	s22 =	sadd.s32 $0x4, s9;
	v16 =	vld [tilespmem:s19+$0xFFFFFEA0];
	v6 =	vadd.f32 v6, v8  }
0x4fd: {  	v8 =	vld.idx.msk [tilespmem:v0+s18+$0x40 ss:$0x1], $0xffff;
	s18 =	sand.u32 $0x8, s9;
	s20 =	sand.u32 $0xA, s20;
	s22 =	sand.u32 $0xC, s22;
	v11 =	vadd.f32 v14, v11;
	v12 =	vadd.f32 v15, v12  }
0x4fe: {  	s24 =	sor.u32 $0x1, s18;
	v14 =	vmov s20;
	s20 =	sor.u32 $0x1, s20;
	v15 =	vmov s22;
	s22 =	sor.u32 $0x1, s22;
	v17 =	vld [tilespmem:s19+$0xFFFFFEE0];
	v13 =	vsub.f32 v13, v9;
	[tilespmem:s1+$0xFFFFFFF0] =	vst v6  }
0x4ff: {  	v18 =	vmov s18;
	s19 =	sadd.s32 $0x400, s19;
	v19 =	vmov s20;
	v20 =	vmov s22;
	v21 =	vld [tilespmem:s21+$0xFFFFFFF0]  }
0x500: {  	v22 =	vmov s24;
	v6 =	vadd.f32 v12, v10;
	v23 =	vld [tilespmem:s19+$0x100];
	[tilespmem:s17+$0xFFFFFFD0] =	vst v11;
	v10 =	vmul.f32 v13, v4  }
0x501: {  	v5 =	vadd.f32 v5, v7;
	v13 =	vld [tilespmem:s19+$0x140]  }
0x502: {  	v24 =	vld [tilespmem:s19+$0xFFFFFE00];
	[tilespmem:s17+$0x50] =	vst v6;
	v7 =	vadd.f32 v10, v9  }
0x503: {  	s28 =	sadd.s32 $0x4, s28;
	s18 =	sadd.s32 $0x6, s9;
	v6 =	vand.u32 $0x1, v8;
	v8 =	vld [tilespmem:s19+$0xFFFFFE40];
	v9 =	vsub.f32 v17, v16;
	[tilespmem:s1+$0x70] =	vst v5;
	s1 =	smov.u32 s17  }
0x504: {  	p0 =	slt.u32 s28, $0x1C;
	s18 =	sand.u32 $0xE, s18;
	v6 =	vcvt.s32.f32 v6;
	v17 =	vld [tilespmem:s19+$0xFFFFFF00];
	v5 =	vadd.f32 v7, v21  }
0x505: {  	s21 =	sadd.s32 $0x200, s21;
	v7 =	vmov s18;
	v21 =	vld [tilespmem:s19+$0xFFFFFF40];
	v25 =	vmul.f32 v9, v1  }
0x506: {  	v11 =	vperm.xlane v6, v18;
	v12 =	vperm.xlane v6, v7;
	v18 =	vld [tilespmem:s21+$0xFFFFFF90];
	v7 =	vsub.f32 v13, v23;
	[tilespmem:s17+$0xE0] =	vst v5  }
0x507: {  	v10 =	vperm.xlane v6, v14;
	v9 =	vperm.xlane v6, v15;
	v13 =	vadd.f32 v25, v16;
	v14 =	vld [tilespmem:s25+$0x1B0]  }
0x508: {  	v15 =	vsub.f32 v8, v24;
	v8 =	vperm.xlane v6, v22;
	v16 =	vmul.f32 v7, v12;
	v22 =	vld [tilespmem:s25+$0x1F0]  }
0x509: {  	v5 =	vperm.xlane v6, v20;
	v7 =	vperm.xlane v6, v19;
	v19 =	vld [tilespmem:s19+$0x0]  }
0x50a: {  	v15 =	vmul.f32 v15, v11;
	v20 =	vsub.f32 v21, v17;
	v21 =	vld [tilespmem:s19+$0x40];
	v16 =	vadd.f32 v16, v23  }
0x50b: {  	v23 =	vld [tilespmem:s21+$0xFFFFFE10]  }
0x50c: {  	v15 =	vadd.f32 v15, v24;
	v24 =	vld [tilespmem:s21+$0xFFFFFE90];
	v20 =	vmul.f32 v20, v10;
	v16 =	vadd.f32 v16, v18  }
0x50d: {  	s17 =	sadd.s32 $0x200, s17;
	v18 =	vld [tilespmem:s21+$0xFFFFFF10];
	v22 =	vsub.f32 v22, v14  }
0x50e: {  	v17 =	vadd.f32 v20, v17;
	[tilespmem:s17+$0x80] =	vst v16;
	v16 =	vld [tilespmem:s23+$0x0]  }
0x50f: {  	v20 =	vsub.f32 v21, v19;
	v21 =	vld [tilespmem:s19+$0x110];
	v4 =	vmul.f32 v22, v4  }
0x510: {  	v15 =	vadd.f32 v15, v23;
	v22 =	vld [tilespmem:s19+$0x150]  }
0x511: {  	v17 =	vadd.f32 v17, v24;
	v20 =	vmul.f32 v20, v9;
	v23 =	vld [tilespmem:s25+$0xFFFFFFA0];
	v4 =	vadd.f32 v4, v14  }
0x512: {  	[tilespmem:s17+$0xFFFFFF00] =	vst v15;
	v14 =	vld [tilespmem:s25+$0xFFFFFFE0]  }
0x513: {  	v15 =	vld [tilespmem:s19+$0xFFFFFE10];
	[tilespmem:s17+$0xFFFFFF80] =	vst v17;
	v17 =	vadd.f32 v20, v19;
	v4 =	vadd.f32 v4, v16  }
0x514: {  	v16 =	vld [tilespmem:s19+$0xFFFFFE50]  }
0x515: {  	v19 =	vld [tilespmem:s19+$0xFFFFFF10];
	v17 =	vadd.f32 v17, v18;
	v18 =	vsub.f32 v22, v21;
	[tilespmem:s1+$0xF0] =	vst v4  }
0x516: {  	v4 =	vld [tilespmem:s21+$0xFFFFFFA0]  }
0x517: {  	v20 =	vld [tilespmem:s19+$0xFFFFFF50];
	[tilespmem:s17+$0x0] =	vst v17;
	v17 =	vmul.f32 v18, v12;
	v14 =	vsub.f32 v14, v23  }
0x518: {  	v18 =	vld [tilespmem:s19+$0x10]  }
0x519: {  	v16 =	vsub.f32 v16, v15;
	v22 =	vld [tilespmem:s19+$0x50];
	v17 =	vadd.f32 v17, v21;
	v14 =	vmul.f32 v14, v2  }
0x51a: {  	v21 =	vld [tilespmem:s21+$0xFFFFFE20]  }
0x51b: {  	v16 =	vmul.f32 v16, v11;
	v24 =	vld [tilespmem:s21+$0xFFFFFEA0];
	v4 =	vadd.f32 v17, v4;
	v14 =	vadd.f32 v14, v23  }
0x51c: {  	v17 =	vsub.f32 v20, v19;
	v20 =	vld [tilespmem:s21+$0xFFFFFF20]  }
0x51d: {  	v15 =	vadd.f32 v16, v15;
	[tilespmem:s17+$0x90] =	vst v4;
	v4 =	vld [tilespmem:s25+$0xA0]  }
0x51e: {  	v16 =	vmul.f32 v17, v10;
	v17 =	vsub.f32 v22, v18;
	v22 =	vld [tilespmem:s19+$0x120]  }
0x51f: {  	v15 =	vadd.f32 v15, v21;
	v21 =	vld [tilespmem:s19+$0x160]  }
0x520: {  	v16 =	vadd.f32 v16, v19;
	v17 =	vmul.f32 v17, v9;
	v19 =	vld [tilespmem:s25+$0xE0]  }
0x521: {  	[tilespmem:s17+$0xFFFFFF10] =	vst v15;
	v15 =	vld [tilespmem:s23+$0xFFFFFE70]  }
0x522: {  	v23 =	vld [tilespmem:s19+$0xFFFFFE20];
	v16 =	vadd.f32 v16, v24;
	v17 =	vadd.f32 v17, v18  }
0x523: {  	v18 =	vld [tilespmem:s19+$0xFFFFFE60]  }
0x524: {  	v24 =	vld [tilespmem:s21+$0xFFFFFE30];
	[tilespmem:s17+$0xFFFFFF90] =	vst v16;
	v16 =	vadd.f32 v17, v20;
	v17 =	vsub.f32 v21, v22  }
0x525: {  	v20 =	vld [tilespmem:s21+$0xFFFFFFB0];
	v19 =	vsub.f32 v19, v4  }
0x526: {  	v21 =	vld [tilespmem:s19+$0xFFFFFF20];
	[tilespmem:s17+$0x10] =	vst v16;
	v16 =	vmul.f32 v17, v12;
	v13 =	vadd.f32 v13, v15  }
0x527: {  	v15 =	vld [tilespmem:s19+$0xFFFFFF60];
	v17 =	vmul.f32 v19, v3  }
0x528: {  	v18 =	vsub.f32 v18, v23;
	v19 =	vld [tilespmem:s19+$0x20];
	v16 =	vadd.f32 v16, v22;
	[tilespmem:s1+$0xFFFFFF60] =	vst v13  }
0x529: {  	v13 =	vld [tilespmem:s19+$0x60];
	v4 =	vadd.f32 v17, v4  }
0x52a: {  	v17 =	vmul.f32 v18, v11;
	v18 =	vld [tilespmem:s21+$0xFFFFFEB0];
	v16 =	vadd.f32 v16, v20  }
0x52b: {  	v20 =	vld [tilespmem:s21+$0xFFFFFF30]  }
0x52c: {  	v17 =	vadd.f32 v17, v23;
	v15 =	vsub.f32 v15, v21;
	[tilespmem:s17+$0xA0] =	vst v16;
	v16 =	vld [tilespmem:s23+$0xFFFFFEF0]  }
0x52d: {  	v22 =	vld [tilespmem:s19+$0x130]  }
0x52e: {  	v17 =	vadd.f32 v17, v24;
	v15 =	vmul.f32 v15, v10;
	v13 =	vsub.f32 v13, v19;
	v23 =	vld [tilespmem:s19+$0x170]  }
0x52f: {  	v24 =	vld [tilespmem:s23+$0xFFFFFF70]  }
0x530: {  	[tilespmem:s17+$0xFFFFFF20] =	vst v17;
	v15 =	vadd.f32 v15, v21;
	v13 =	vmul.f32 v13, v9;
	v17 =	vld [tilespmem:s25+$0xFFFFFEB0]  }
0x531: {  	v21 =	vld [tilespmem:s19+$0xFFFFFE30];
	v14 =	vadd.f32 v14, v16  }
0x532: {  	v16 =	vld [tilespmem:s19+$0xFFFFFE70];
	v15 =	vadd.f32 v15, v18;
	v13 =	vadd.f32 v13, v19  }
0x533: {  	v18 =	vld [tilespmem:s21+$0xFFFFFE40];
	v19 =	vsub.f32 v23, v22;
	[tilespmem:s1+$0xFFFFFFE0] =	vst v14  }
0x534: {  	[tilespmem:s17+$0xFFFFFFA0] =	vst v15;
	v13 =	vadd.f32 v13, v20;
	v14 =	vld [tilespmem:s21+$0xFFFFFFC0];
	v4 =	vadd.f32 v4, v24  }
0x535: {  	v15 =	vld [tilespmem:s19+$0xFFFFFF30];
	v12 =	vmul.f32 v19, v12  }
0x536: {  	v19 =	vld [tilespmem:s19+$0xFFFFFF70];
	[tilespmem:s17+$0x20] =	vst v13  }
0x537: {  	v13 =	vsub.f32 v16, v21;
	v16 =	vld [tilespmem:s19+$0x30];
	v12 =	vadd.f32 v12, v22;
	[tilespmem:s1+$0x60] =	vst v4  }
0x538: {  	v4 =	vld [tilespmem:s19+$0x70]  }
0x539: {  	v11 =	vmul.f32 v13, v11;
	v13 =	vld [tilespmem:s21+$0xFFFFFEC0];
	v12 =	vadd.f32 v12, v14  }
0x53a: {  	v14 =	vld [tilespmem:s21+$0xFFFFFF40]  }
0x53b: {  	v11 =	vadd.f32 v11, v21;
	v19 =	vsub.f32 v19, v15;
	[tilespmem:s17+$0xB0] =	vst v12;
	v12 =	vld [tilespmem:s25+$0xFFFFFEF0]  }
0x53c: {  	v20 =	vld [tilespmem:s19+$0x180]  }
0x53d: {  	v11 =	vadd.f32 v11, v18;
	v10 =	vmul.f32 v19, v10;
	v4 =	vsub.f32 v4, v16;
	v18 =	vld [tilespmem:s19+$0x1C0]  }
0x53e: {  	v19 =	vld [tilespmem:s25+$0xFFFFFFB0]  }
0x53f: {  	[tilespmem:s17+$0xFFFFFF30] =	vst v11;
	v10 =	vadd.f32 v10, v15;
	v4 =	vmul.f32 v4, v9;
	v9 =	vld [tilespmem:s25+$0xFFFFFFF0]  }
0x540: {  	s18 =	sor.u32 $0x1, s18;
	v11 =	vld [tilespmem:s19+$0xFFFFFE80];
	v12 =	vsub.f32 v12, v17  }
0x541: {  	v15 =	vld [tilespmem:s19+$0xFFFFFEC0];
	v10 =	vadd.f32 v10, v13;
	v13 =	vadd.f32 v4, v16;
	v4 =	vmov s18  }
0x542: {  	v16 =	vld [tilespmem:s21+$0xFFFFFE50];
	v4 =	vperm.xlane v6, v4;
	v6 =	vsub.f32 v18, v20;
	v12 =	vmul.f32 v12, v1;
	v1 =	vmovc v8  }
0x543: {  	[tilespmem:s17+$0xFFFFFFB0] =	vst v10;
	v8 =	vadd.f32 v13, v14;
	v10 =	vld [tilespmem:s21+$0xFFFFFFD0]  }
0x544: {  	v13 =	vld [tilespmem:s19+$0xFFFFFF80];
	v6 =	vmul.f32 v6, v4;
	v12 =	vadd.f32 v12, v17;
	v9 =	vsub.f32 v9, v19  }
0x545: {  	v14 =	vld [tilespmem:s19+$0xFFFFFFC0];
	[tilespmem:s17+$0x30] =	vst v8  }
0x546: {  	v8 =	vsub.f32 v15, v11;
	v15 =	vld [tilespmem:s19+$0x80];
	v6 =	vadd.f32 v6, v20;
	v9 =	vmul.f32 v9, v2;
	v2 =	vmovc v7  }
0x547: {  	v7 =	vld [tilespmem:s19+$0xC0]  }
0x548: {  	v8 =	vmul.f32 v8, v1;
	v17 =	vld [tilespmem:s21+$0xFFFFFED0];
	v10 =	vadd.f32 v6, v10;
	v6 =	vadd.f32 v9, v19  }
0x549: {  	v9 =	vld [tilespmem:s21+$0xFFFFFF50]  }
0x54a: {  	v8 =	vadd.f32 v8, v11;
	v11 =	vsub.f32 v14, v13;
	[tilespmem:s17+$0xC0] =	vst v10;
	v10 =	vld [tilespmem:s25+$0xB0]  }
0x54b: {  	v14 =	vld [tilespmem:s19+$0x190]  }
0x54c: {  	v8 =	vadd.f32 v8, v16;
	v11 =	vmul.f32 v11, v2;
	v7 =	vsub.f32 v7, v15;
	v16 =	vld [tilespmem:s19+$0x1D0]  }
0x54d: {  	v18 =	vld [tilespmem:s25+$0xF0];
	s25 =	smov.u32 s19  }
0x54e: {  	[tilespmem:s17+$0xFFFFFF40] =	vst v8;
	v8 =	vadd.f32 v11, v13;
	v7 =	vmul.f32 v7, v5;
	v11 =	vld [tilespmem:s23+$0xFFFFFE80]  }
0x54f: {  	v13 =	vld [tilespmem:s19+$0xFFFFFE90]  }
0x550: {  	v19 =	vld [tilespmem:s19+$0xFFFFFED0];
	v8 =	vadd.f32 v8, v17;
	v7 =	vadd.f32 v7, v15  }
0x551: {  	v15 =	vld [tilespmem:s21+$0xFFFFFE60];
	v16 =	vsub.f32 v16, v14  }
0x552: {  	[tilespmem:s17+$0xFFFFFFC0] =	vst v8;
	v7 =	vadd.f32 v7, v9;
	v8 =	vld [tilespmem:s21+$0xFFFFFFE0];
	v9 =	vsub.f32 v18, v10  }
0x553: {  	v17 =	vld [tilespmem:s19+$0xFFFFFF90];
	v16 =	vmul.f32 v16, v4;
	v11 =	vadd.f32 v12, v11  }
0x554: {  	v18 =	vld [tilespmem:s19+$0xFFFFFFD0];
	[tilespmem:s17+$0x40] =	vst v7;
	v7 =	vmul.f32 v9, v3;
	v3 =	vmov v5  }
0x555: {  	v9 =	vsub.f32 v19, v13;
	v12 =	vld [tilespmem:s19+$0x90];
	v14 =	vadd.f32 v16, v14;
	[tilespmem:s1+$0xFFFFFF70] =	vst v11  }
0x556: {  	v16 =	vld [tilespmem:s19+$0xD0];
	v5 =	vadd.f32 v7, v10  }
0x557: {  	v7 =	vmul.f32 v9, v1;
	v11 =	vld [tilespmem:s21+$0xFFFFFEE0];
	v8 =	vadd.f32 v14, v8  }
0x558: {  	v10 =	vld [tilespmem:s21+$0xFFFFFF60]  }
.Ltmp6:
0x559: {  	v7 =	vadd.f32 v7, v13;
	v13 =	vsub.f32 v18, v17;
	[tilespmem:s17+$0xD0] =	vst v8;
	v8 =	vld [tilespmem:s23+$0xFFFFFF00];
	(pc) =	sbr.rel @p0 .LBB2_11-.Ltmp6, $4  }
0x55a: {  	v9 =	vld [tilespmem:s19+$0x1A0]  }
0x55b: {  	v14 =	vadd.f32 v7, v15;
	v15 =	vmul.f32 v13, v2;
	v16 =	vsub.f32 v16, v12;
	v13 =	vld [tilespmem:s19+$0x1E0]  }
0x55c: {  	v7 =	vld [tilespmem:s23+$0xFFFFFF80];
	s23 =	smov.u32 s21  }
0x55d: {  	s9 =	sadd.s32 $0x8, s9;
	[tilespmem:s17+$0xFFFFFF50] =	vst v14;
	v14 =	vadd.f32 v15, v17;
	v15 =	vmul.f32 v16, v3  }
0x55e: {  	_ = 	snop  }
0x55f: {  	v0 =	vld [tilespmem:s19+$0xFFFFFEA0];
	v11 =	vadd.f32 v14, v11;
	v12 =	vadd.f32 v15, v12  }
0x560: {  	v34 =	vld [tilespmem:s19+$0xFFFFFEE0]  }
0x561: {  	v35 =	vld [tilespmem:s21+$0xFFFFFFF0];
	[tilespmem:s17+$0xFFFFFFD0] =	vst v11;
	v10 =	vadd.f32 v12, v10  }
0x562: {  	v11 =	vld [tilespmem:s25+$0xFFFFFFA0]  }
0x563: {  	v36 =	vsub.f32 v13, v9;
	v37 =	vld [tilespmem:s25+$0xFFFFFFE0];
	[tilespmem:s17+$0x50] =	vst v10  }
0x564: {  	v38 =	vld [tilespmem:s25+$0xA0]  }
0x565: {  	v12 =	vmul.f32 v36, v4;
	v16 =	vld [tilespmem:s25+$0xE0]  }
0x566: {  	v14 =	vsub.f32 v34, v0  }
0x567: {  	v40 =	vld [tilespmem:s23+$0xFFFFFE70];
	v39 =	vadd.f32 v12, v9  }
0x568: {  	v14 =	vmul.f32 v14, v1;
	v10 =	vsub.f32 v37, v11  }
0x569: {  	v41 =	vld [tilespmem:s23+$0xFFFFFEF0];
	v9 =	vadd.f32 v39, v35  }
0x56a: {  	v0 =	vadd.f32 v14, v0;
	v10 =	vmul.f32 v10, v2;
	v42 =	vsub.f32 v16, v38  }
0x56b: {  	v43 =	vld [tilespmem:s23+$0xFFFFFF70]  }
0x56c: {  	[tilespmem:s17+$0xE0] =	vst v9;
	v0 =	vadd.f32 v0, v40;
	v44 =	vadd.f32 v10, v11;
	v45 =	vmul.f32 v42, v3  }
0x56d: {  	v46 =	vld [tilespmem:s25+$0x1B0]  }
0x56e: {  	v47 =	vld [tilespmem:s25+$0x1F0];
	[tilespmem:s17+$0xFFFFFF60] =	vst v0;
	v48 =	vadd.f32 v45, v38;
	v9 =	vadd.f32 v44, v41  }
0x56f: {  	v49 =	vld [tilespmem:s25+$0xFFFFFEB0]  }
0x570: {  	v50 =	vld [tilespmem:s25+$0xFFFFFEF0];
	[tilespmem:s17+$0xFFFFFFE0] =	vst v9;
	v0 =	vadd.f32 v48, v43  }
0x571: {  	v51 =	vld [tilespmem:s25+$0xFFFFFFB0]  }
0x572: {  	v52 =	vld [tilespmem:s25+$0xFFFFFFF0];
	[tilespmem:s17+$0x60] =	vst v0  }
0x573: {  	v53 =	vld [tilespmem:s25+$0xB0]  }
0x574: {  	v54 =	vld [tilespmem:s25+$0xF0];
	_ =	sdelay $0x1  }
0x575: {  	v12 =	vsub.f32 v47, v46  }
0x576: {  	v55 =	vld [tilespmem:s23+$0x0];
	v9 =	vsub.f32 v50, v49  }
0x577: {  	v57 =	vld [tilespmem:s23+$0xFFFFFE80];
	v56 =	vmul.f32 v12, v4;
	v0 =	vsub.f32 v52, v51  }
0x578: {  	v60 =	vld [tilespmem:s23+$0xFFFFFF00];
	v58 =	vmul.f32 v9, v1;
	v59 =	vsub.f32 v54, v53  }
0x579: {  	v6 =	vadd.f32 v6, v8;
	v4 =	vadd.f32 v56, v46;
	v61 =	vld [tilespmem:s23+$0xFFFFFF80];
	v0 =	vmul.f32 v0, v2  }
0x57a: {  	v5 =	vadd.f32 v5, v7;
	v1 =	vadd.f32 v58, v49;
	v62 =	vmul.f32 v59, v3  }
0x57b: {  	[tilespmem:s1+$0xFFFFFFF0] =	vst v6;
	v4 =	vadd.f32 v4, v55;
	v0 =	vadd.f32 v0, v51  }
0x57c: {  	[tilespmem:s1+$0x70] =	vst v5;
	v1 =	vadd.f32 v1, v57;
	v3 =	vadd.f32 v62, v53  }
.Ltmp7:
0x57d: {  	s31 =	sadd.s32 s7, s10;
	[tilespmem:s17+$0xF0] =	vst v4;
	v0 =	vadd.f32 v0, v60;
	(pc) =	sbr.rel @p1 .LBB2_14-.Ltmp7, $4  }
0x57e: {  	s1 =	sshll.u32 s31, $0x9;
	[tilespmem:s17+$0xFFFFFF70] =	vst v1;
	v63 =	vadd.f32 v3, v61  }
0x57f: {  	s1 =	sand.u32 $0x1FFFFE00, s1;
	[tilespmem:s17+$0xFFFFFFF0] =	vst v0  }
0x580: {  	s9 =	simm.s32 $0x1DC00;
	s1 =	sadd.s32 s2, s1;
	[tilespmem:s17+$0x70] =	vst v63  }
0x581: {  	[hbm4b:s1+s3] =	stream.linear.scatter [tilespmem:s9], [sflag:$0x8], $0x1000, $0x38;
	[tilespmem:$0x1EC00] =	vst v63  }
0x582: {  	s1 =	sadd.s32 $0x1C0, s8  }
.Ltmp8:
0x583: {  	s31 =	simm.s32 $0x18C00;
	s9 =	simm.s32 $0x40;
	(pc) =	sbr.rel .LBB2_4-.Ltmp8, $4  }
0x584: {  	s6 =	sadd.s32 $0x1, s6;
	s11 =	sadd.s32 $0x4000, s11;
	s5 =	sadd.s32 $0x80, s5  }
0x585: {  	s12 =	sadd.s32 $0x4000, s12;
	s13 =	sadd.s32 $0x80, s13;
	s14 =	sadd.s32 $0x4000, s14  }
0x586: {  	s0 =	sadd.s32 $0x80, s0;
	s15 =	sadd.s32 $0x4000, s15;
	s16 =	sadd.s32 $0x80, s16  }
0x587: {  	[tilespmem:s31], [sflag:$0x4] =	stream.indirect.gather [hbm4b:s4+s9], $0x80, s1, s9, $0xb8;
	[tilespmem:$0x1EC00] =	vst v63  }
.LBB2_15:
0x588: {  	_ =	sfence.sel $0x180000  }
0x589: {  	[bflag:$0x0] =	sbarrier.arrive $0xFFFF  }
0x58a: {  	_ =	strace $0x90000047  }
0x58b: {  	s0 =	stileid.u32;
	[bflag:$0x2] =	sbarrier.arrive $0xFFFF  }
0x58c: {  	p0 =	sne.s32 s0, $0x0;
	s0 =	rddreg [dreg:$0x2]  }
0x58d: {  	s0 =	sadd.s32 @!p0 $0x100000, s0  }
0x58e: {  	[sflag:s0] =	ssyncadd.tile.s32 @!p0 $0x1;
	_ =	shalt  }
.Lfunc_end2:
_tile_overlayer_lowered:
.L_overlay_start_2:
0x58f: {  	(tag) =	ssettag $0x2  }
0x590: {  	s0 =	rddreg [dreg:$0x0];
	s2 =	stileid.u32  }
0x591: {  	s1 =	rddreg [dreg:$0x1];
	p0 =	sne.s32 s2, $0x0  }
0x592: {  	s3 =	rddreg [dreg:$0x2];
	[bflag:$0x3] =	sbarrier.arrive $0xFFFF;
	s2 =	simm.s32 @!p0 $0x1C09  }
0x593: {  	[timem:s3], [sflag:s2] =	dma.local @!p0 [hbm:s0], s1  }
0x594: {  	s0 =	simm.s32 @!p0 $0x9  }
0x595: {  	_ =	swait.ge @!p0 [sflag:s0], s1  }
0x596: {  	s1 =	ssub.s32 @!p0 $0x0, s1;
	[sflag:s0] =	ssyncset.done @!p0 $0x0  }
0x597: {  	[sflag:s0] =	ssyncadd.s32 @!p0 s1  }
0x598: {  	[bflag:$0x3] =	sbarrier.arrive $0xFFFF  }
0x599: {  	_ =	shalt  }

</sc_bundles>
